<compile_context>
chip_gen: v7x
topology: tpu7x:2x2x1
jax: 0.10.2.dev20260603
libtpu: 0.0.44.dev20260713+nightly
codegen_flags: <defaults>
</compile_context>

<pallas_src>
import functools

import jax
import jax.numpy as jnp
from jax import lax
from jax.experimental import pallas as pl
from jax.experimental.pallas import tpu as pltpu
from jax.experimental.pallas import tpu_sc as plsc

N = 10000
N_PAD = 10240
E = 320000
H = 128
L = 6
EPS = 1e-5
INV_N = 1.0 / N

NC = 2
NS = 16
NW = NC * NS
CH = 128
NCHUNK = 80
EPT = CH * NCHUNK
E_PAD = EPT * NW
ROWS_PT = N_PAD // NS

_MESH = plsc.VectorSubcoreMesh(core_axis_name="c", subcore_axis_name="s")



@functools.partial(
    pl.kernel,
    out_type=[
        jax.ShapeDtypeStruct((N_PAD, H), jnp.float32),
        jax.ShapeDtypeStruct((N_PAD, H), jnp.float32),
    ],
    mesh=_MESH,
    scratch_types=[
        pltpu.VMEM((NCHUNK, CH), jnp.int32),
        [pltpu.VMEM((CH,), jnp.int32)] * 2,
        [pltpu.VMEM((CH, H), jnp.float32)] * 2,
        pltpu.VMEM_SHARED((N_PAD, H), jnp.float32),
        [pltpu.SemaphoreType.DMA] * 2,
        [pltpu.SemaphoreType.DMA] * 2,
    ],
)
def _sc_aggregate(msc_hbm, zeros_hbm, src_hbm, dst_hbm, p0_hbm, p1_hbm,
                  srcv, dbufs, rbufs, acc, lsems, ssems):
    cid = lax.axis_index("c")
    sid = lax.axis_index("s")
    wid = cid * NS + sid

    rsl = pl.ds(sid * ROWS_PT, ROWS_PT)

    @pl.when(cid == 0)
    def _():
        pltpu.sync_copy(msc_hbm.at[rsl], acc.at[rsl])

    @pl.when(cid != 0)
    def _():
        pltpu.sync_copy(zeros_hbm.at[rsl], acc.at[rsl])

    pltpu.sync_copy(src_hbm.at[wid], srcv)
    plsc.subcore_barrier()

    NSLOT = 2

    def start_load(k, j):
        pltpu.async_copy(dst_hbm.at[wid, j], dbufs[k], lsems[k])
        pltpu.async_copy(msc_hbm.at[srcv.at[j]], rbufs[k], lsems[k])

    def wait_load(k, j):
        pltpu.make_async_copy(dst_hbm.at[wid, j], dbufs[k], lsems[k]).wait()
        pltpu.make_async_copy(msc_hbm.at[srcv.at[j]], rbufs[k], lsems[k]).wait()

    def start_scatter(k):
        pltpu.async_copy(rbufs[k], acc.at[dbufs[k]], ssems[k], add=True)

    def wait_scatter(k):
        pltpu.make_async_copy(rbufs[k], acc.at[dbufs[k]], ssems[k]).wait()

    for k in range(NSLOT):
        start_load(k, k)

    def body(g, carry):
        base = NSLOT * g
        for k in range(NSLOT):
            wait_load(k, base + k)
            start_scatter(k)
        for k in range(NSLOT):
            wait_scatter(k)
            start_load(k, base + NSLOT + k)
        return carry

    lax.fori_loop(0, NCHUNK // NSLOT - 1, body, 0, unroll=False)
    base = NCHUNK - NSLOT
    for k in range(NSLOT):
        wait_load(k, base + k)
        start_scatter(k)
    for k in range(NSLOT):
        wait_scatter(k)

    plsc.subcore_barrier()

    @pl.when(cid == 0)
    def _():
        pltpu.sync_copy(acc.at[rsl], p0_hbm.at[rsl])

    @pl.when(cid != 0)
    def _():
        pltpu.sync_copy(acc.at[rsl], p1_hbm.at[rsl])


@functools.partial(
    pl.kernel,
    out_type=jax.ShapeDtypeStruct((NW, N_PAD), jnp.float32),
    mesh=_MESH,
    scratch_types=[
        pltpu.VMEM((CH,), jnp.int32),
        pltpu.VMEM((CH,), jnp.int32),
        pltpu.VMEM((N_PAD,), jnp.float32),
        pltpu.SemaphoreType.DMA,
        pltpu.SemaphoreType.DMA,
    ],
    compiler_params=pltpu.CompilerParams(needs_layout_passes=False),
)
def _sc_degree(zeros_hbm, dst_hbm, hist_hbm, d0, d1, hist, semd0, semd1):
    cid = lax.axis_index("c")
    sid = lax.axis_index("s")
    wid = cid * NS + sid

    pltpu.sync_copy(zeros_hbm, hist)
    ones16 = jnp.full((16,), 1.0, jnp.float32)

    def accum(buf):
        for k in range(CH // 16):
            idx = buf[pl.ds(k * 16, 16)]
            plsc.addupdate_scatter(hist, [idx], ones16)

    pltpu.async_copy(dst_hbm.at[wid, 0], d0, semd0)

    def body(t, carry):
        j1 = 2 * t + 1
        j2 = jnp.minimum(2 * t + 2, NCHUNK - 1)
        pltpu.async_copy(dst_hbm.at[wid, j1], d1, semd1)
        pltpu.make_async_copy(dst_hbm.at[wid, j1], d0, semd0).wait()
        accum(d0)
        pltpu.async_copy(dst_hbm.at[wid, j2], d0, semd0)
        pltpu.make_async_copy(dst_hbm.at[wid, j1], d1, semd1).wait()
        accum(d1)
        return carry

    lax.fori_loop(0, NCHUNK // 2, body, 0, unroll=False)
    pltpu.make_async_copy(dst_hbm.at[wid, 0], d0, semd0).wait()

    pltpu.sync_copy(hist, hist_hbm.at[wid])



def _bn_relu(h, gamma, beta):
    mu = jnp.sum(h, axis=0, keepdims=True) * INV_N
    d = h - mu
    var = jnp.sum(d * d, axis=0, keepdims=True) * INV_N
    return jax.nn.relu(d * jax.lax.rsqrt(var + EPS) * gamma + beta)


def _enc_h_body(x_ref, w_ref, b_ref, g_ref, be_ref, h_ref):
    x = x_ref[...]
    h = jax.nn.relu(
        jnp.dot(x, w_ref[...], preferred_element_type=jnp.float32)
        + b_ref[...])
    mu = jnp.sum(h, axis=0, keepdims=True) * INV_N
    d = h - mu
    var = jnp.sum(d * d, axis=0, keepdims=True) * INV_N
    h_ref[...] = d * jax.lax.rsqrt(var + EPS) * g_ref[...] + be_ref[...]


def _enc_msc_body(h_ref, hist_ref, w0_ref, dinv_ref, msc_ref):
    deg = jnp.reshape(jnp.sum(hist_ref[...], axis=0), (N_PAD, 1)) + 1.0
    dinv = jnp.where(deg > 0, jax.lax.rsqrt(jnp.maximum(deg, 1.0)), 0.0)
    dinv_ref[...] = dinv
    m = jnp.dot(h_ref[...], w0_ref[...], preferred_element_type=jnp.float32)
    msc_ref[0:N, :] = m * dinv[0:N]
    msc_ref[N:N_PAD, :] = jnp.zeros((N_PAD - N, H), jnp.float32)


def _layer_body(h_ref, p0_ref, p1_ref, dinv_ref, b_ref, g_ref, be_ref,
                wn_ref, ho_ref, msc_ref):
    dinv = dinv_ref[...]
    agg = (p0_ref[0:N, :] + p1_ref[0:N, :]) * dinv[0:N]
    hn = _bn_relu(agg + b_ref[...], g_ref[...], be_ref[...])
    h = h_ref[...] + hn
    ho_ref[...] = h
    m = jnp.dot(h, wn_ref[...], preferred_element_type=jnp.float32)
    msc_ref[0:N, :] = m * dinv[0:N]
    msc_ref[N:N_PAD, :] = jnp.zeros((N_PAD - N, H), jnp.float32)


def _final_body(h_ref, p0_ref, p1_ref, dinv_ref, b_ref, g_ref, be_ref,
                w1_ref, b1_ref, w2_ref, b2_ref, w3_ref, b3_ref, o_ref):
    dinv = dinv_ref[...]
    agg = (p0_ref[0:N, :] + p1_ref[0:N, :]) * dinv[0:N]
    hn = _bn_relu(agg + b_ref[...], g_ref[...], be_ref[...])
    h = h_ref[...] + hn
    o = jax.nn.relu(
        jnp.dot(h, w1_ref[...], preferred_element_type=jnp.float32)
        + b1_ref[...])
    o = jax.nn.relu(
        jnp.dot(o, w2_ref[...], preferred_element_type=jnp.float32)
        + b2_ref[...])
    o_ref[...] = (
        jnp.dot(o, w3_ref[...], preferred_element_type=jnp.float32)
        + b3_ref[...])



def kernel(x, edge_index, enc_W, enc_b, enc_gamma, enc_beta, conv_W, conv_b,
           bn_gamma, bn_beta, dec_W1, dec_b1, dec_W2, dec_b2, dec_W3, dec_b3):
    src = edge_index[0]
    dst = edge_index[1]

    pad_idx = (jnp.arange(E_PAD - E, dtype=jnp.int32) % (N_PAD - N)) + N
    src3 = jnp.concatenate([src, pad_idx]).reshape(NW, NCHUNK, CH)
    dst3 = jnp.concatenate([dst, pad_idx]).reshape(NW, NCHUNK, CH)

    zeros_feat = jnp.zeros((N_PAD, H), jnp.float32)
    zeros_hist = jnp.zeros((N_PAD,), jnp.float32)

    hists = _sc_degree(zeros_hist, dst3)

    x8 = jnp.zeros((N, 8), jnp.float32).at[:, 0:4].set(x)
    w8 = jnp.zeros((8, H), jnp.float32).at[0:4, :].set(enc_W)

    h = pl.pallas_call(
        _enc_h_body,
        out_shape=jax.ShapeDtypeStruct((N, H), jnp.float32),
    )(x8, w8, enc_b, enc_gamma, enc_beta)

    dinv, msc = pl.pallas_call(
        _enc_msc_body,
        out_shape=[
            jax.ShapeDtypeStruct((N_PAD, 1), jnp.float32),
            jax.ShapeDtypeStruct((N_PAD, H), jnp.float32),
        ],
    )(h, hists, conv_W[0])

    for i in range(L):
        part0, part1 = _sc_aggregate(msc, zeros_feat, src3, dst3)
        if i < L - 1:
            h, msc = pl.pallas_call(
                _layer_body,
                out_shape=[
                    jax.ShapeDtypeStruct((N, H), jnp.float32),
                    jax.ShapeDtypeStruct((N_PAD, H), jnp.float32),
                ],
            )(h, part0, part1, dinv, conv_b[i], bn_gamma[i], bn_beta[i],
              conv_W[i + 1])
        else:
            o = pl.pallas_call(
                _final_body,
                out_shape=jax.ShapeDtypeStruct((N, 1), jnp.float32),
            )(h, part0, part1, dinv, conv_b[i], bn_gamma[i], bn_beta[i],
              dec_W1, dec_b1, dec_W2, dec_b2, dec_W3, dec_b3)
    return o[:, 0]

# --- scband reference (transcript-rebuilt; emitter-appended) ---
"""Pipeline reference for scband-color-code-gnn-45028437131604 (READ-ONLY COPY).

The authoritative reference and input builder live on the scoring server;
editing this copy changes nothing except your own understanding.
"""

import jax, jax.numpy as jnp
import numpy as np

N = 10000
E = 320000
IN_DIM = 4
H = 128
L = 6
EPS = 1e-5

def setup_inputs(seed: int = 0):
    key = jax.random.key(seed)
    ks = jax.random.split(key, 8)
    inp = {}
    inp['x'] = jax.random.normal(ks[0], (N, IN_DIM), dtype=jnp.float32)
    inp['edge_index'] = jax.random.randint(ks[1], (2, E), 0, N, dtype=jnp.int32)
    inp['enc_W'] = jax.random.normal(ks[2], (IN_DIM, H), dtype=jnp.float32) / np.sqrt(IN_DIM)
    inp['enc_b'] = jnp.zeros((H,), dtype=jnp.float32)
    inp['enc_gamma'] = jnp.ones((H,), dtype=jnp.float32)
    inp['enc_beta'] = jnp.zeros((H,), dtype=jnp.float32)
    inp['conv_W'] = jax.random.normal(ks[3], (L, H, H), dtype=jnp.float32) / np.sqrt(H)
    inp['conv_b'] = jnp.zeros((L, H), dtype=jnp.float32)
    inp['bn_gamma'] = jnp.ones((L, H), dtype=jnp.float32)
    inp['bn_beta'] = jnp.zeros((L, H), dtype=jnp.float32)
    inp['dec_W1'] = jax.random.normal(ks[4], (H, H // 2), dtype=jnp.float32) / np.sqrt(H)
    inp['dec_b1'] = jnp.zeros((H // 2,), dtype=jnp.float32)
    inp['dec_W2'] = jax.random.normal(ks[5], (H // 2, H // 4), dtype=jnp.float32) / np.sqrt(H // 2)
    inp['dec_b2'] = jnp.zeros((H // 4,), dtype=jnp.float32)
    inp['dec_W3'] = jax.random.normal(ks[6], (H // 4, 1), dtype=jnp.float32) / np.sqrt(H // 4)
    inp['dec_b3'] = jnp.zeros((1,), dtype=jnp.float32)
    return inp

def _bn(h, g, b):
    mu = jnp.mean(h, axis=0)
    var = jnp.var(h, axis=0)
    return (h - mu) / jnp.sqrt(var + EPS) * g + b

def reference(x, edge_index, enc_W, enc_b, enc_gamma, enc_beta, conv_W, conv_b, bn_gamma, bn_beta, dec_W1, dec_b1, dec_W2, dec_b2, dec_W3, dec_b3):
    loop = jnp.arange(N, dtype=edge_index.dtype)
    src = jnp.concatenate([edge_index[0], loop])
    dst = jnp.concatenate([edge_index[1], loop])
    deg = jnp.zeros((N,), dtype=jnp.float32).at[dst].add(1.0)
    dinv = jnp.where(deg > 0, 1.0 / jnp.sqrt(deg), 0.0)
    norm = dinv[src] * dinv[dst]
    # encoder: Linear -> ReLU -> BatchNorm (train-mode batch stats); dropout=0 is identity
    h = jax.nn.relu(x @ enc_W + enc_b)
    h = _bn(h, enc_gamma, enc_beta)
    for i in range(L):
        # GCNConv: h' = D^-1/2 (A+I) D^-1/2 (h W) + b
        m = h @ conv_W[i]
        msg = m[src] * norm[:, None]
        agg = jnp.zeros((N, H), dtype=jnp.float32).at[dst].add(msg)
        h_new = agg + conv_b[i]
        h_new = _bn(h_new, bn_gamma[i], bn_beta[i])
        h_new = jax.nn.relu(h_new)
        h = h + h_new
    o = jax.nn.relu(h @ dec_W1 + dec_b1)
    o = jax.nn.relu(o @ dec_W2 + dec_b2)
    o = o @ dec_W3 + dec_b3
    return o.squeeze(-1)

if __name__ == "__main__":
    import jax
    _d = setup_inputs()
    print(jax.jit(kernel)(*tuple(_d.values())))

</pallas_src>

<mosaic_0001>
#map = affine_map<(d0, d1) -> (0, 0)>
#map1 = affine_map<(d0, d1) -> (0, 0, 0)>
module attributes {stable_mosaic.version = 14 : i64} {
  func.func @_sc_aggregate(%arg0: i32, %arg1: i32, %arg2: memref<10240x128xf32, #tpu.memory_space<hbm>>, %arg3: memref<10240x128xf32, #tpu.memory_space<hbm>>, %arg4: memref<32x80x128xi32, #tpu.memory_space<hbm>>, %arg5: memref<32x80x128xi32, #tpu.memory_space<hbm>>, %arg6: memref<10240x128xf32, #tpu.memory_space<hbm>>, %arg7: memref<10240x128xf32, #tpu.memory_space<hbm>>, %arg8: memref<80x128xi32, #tpu.memory_space<vmem>>, %arg9: memref<128xi32, #tpu.memory_space<vmem>>, %arg10: memref<128xi32, #tpu.memory_space<vmem>>, %arg11: memref<128x128xf32, #tpu.memory_space<vmem>>, %arg12: memref<128x128xf32, #tpu.memory_space<vmem>>, %arg13: memref<10240x128xf32, #tpu.memory_space<vmem_shared>>, %arg14: memref<!tpu.dma_semaphore, #tpu.memory_space<semaphore_mem>>, %arg15: memref<!tpu.dma_semaphore, #tpu.memory_space<semaphore_mem>>, %arg16: memref<!tpu.dma_semaphore, #tpu.memory_space<semaphore_mem>>, %arg17: memref<!tpu.dma_semaphore, #tpu.memory_space<semaphore_mem>>) attributes {dimension_semantics = [#tpu.dimension_semantics<core_parallel>, #tpu.dimension_semantics<subcore_parallel>], iteration_bounds = array<i64: 2, 16>, scalar_prefetch = 0 : i64, scratch_operands = 10 : i64, tpu.core_type = #tpu.core_type<sc_vector_subcore>, window_params = [{transform_indices = #map}, {transform_indices = #map}, {transform_indices = #map1}, {transform_indices = #map1}, {transform_indices = #map}, {transform_indices = #map}]} {
    %mul3A = arith.constant 16 : i32
    %mul3A_0 = arith.muli %arg0, %mul3A : i32
    %add3A = arith.addi %mul3A_0, %arg1 : i32
    %mul3A_1 = arith.constant 640 : i32
    %mul3A_2 = arith.muli %arg1, %mul3A_1 : i32
    %eq3A = arith.constant 0 : i32
    %eq3A_3 = arith.cmpi eq, %arg0, %eq3A : i32
    %convert_element_type3A = arith.extui %eq3A_3 : i1 to i32
    %cond3A = arith.constant 0 : i32
    %cond3A_4 = arith.cmpi ne, %convert_element_type3A, %cond3A : i32
    scf.if %cond3A_4 {
      "tpu.region"() ({
        %run_scoped3A = tpu.sem_alloc : memref<!tpu.dma_semaphore, #tpu.memory_space<semaphore_mem>>
        %dma_start3A_91 = arith.constant 0 : i32
        %dma_start3A_92 = tpu.memref_slice %arg13[%mul3A_2, %dma_start3A_91] : memref<10240x128xf32, #tpu.memory_space<vmem_shared>> -> memref<640x128xf32, #tpu.memory_space<vmem_shared>>
        %dma_start3A_93 = arith.constant 0 : i32
        %dma_start3A_94 = tpu.memref_slice %arg2[%mul3A_2, %dma_start3A_93] : memref<10240x128xf32, #tpu.memory_space<hbm>> -> memref<640x128xf32, #tpu.memory_space<hbm>>
        tpu.enqueue_dma source(%dma_start3A_94 : memref<640x128xf32, #tpu.memory_space<hbm>>) target(%dma_start3A_92 : memref<640x128xf32, #tpu.memory_space<vmem_shared>>) target_semaphore(%run_scoped3A : memref<!tpu.dma_semaphore, #tpu.memory_space<semaphore_mem>>)
        %dma_wait3A_95 = arith.constant 0 : i32
        %dma_wait3A_96 = tpu.memref_slice %arg13[%mul3A_2, %dma_wait3A_95] : memref<10240x128xf32, #tpu.memory_space<vmem_shared>> -> memref<640x128xf32, #tpu.memory_space<vmem_shared>>
        %dma_wait3A_97 = arith.constant 0 : i32
        %dma_wait3A_98 = tpu.memref_slice %arg2[%mul3A_2, %dma_wait3A_97] : memref<10240x128xf32, #tpu.memory_space<hbm>> -> memref<640x128xf32, #tpu.memory_space<hbm>>
        tpu.wait_dma2 semaphore(%run_scoped3A : memref<!tpu.dma_semaphore, #tpu.memory_space<semaphore_mem>>) src(%dma_wait3A_98 : memref<640x128xf32, #tpu.memory_space<hbm>>) dst(%dma_wait3A_96 : memref<640x128xf32, #tpu.memory_space<vmem_shared>>)
        tpu.yield
      }) : () -> ()
    } else {
    }
    %ne3A = arith.constant 0 : i32
    %ne3A_5 = arith.cmpi ne, %arg0, %ne3A : i32
    %convert_element_type3A_6 = arith.extui %ne3A_5 : i1 to i32
    %cond3A_7 = arith.constant 0 : i32
    %cond3A_8 = arith.cmpi ne, %convert_element_type3A_6, %cond3A_7 : i32
    scf.if %cond3A_8 {
      "tpu.region"() ({
        %run_scoped3A = tpu.sem_alloc : memref<!tpu.dma_semaphore, #tpu.memory_space<semaphore_mem>>
        %dma_start3A_91 = arith.constant 0 : i32
        %dma_start3A_92 = tpu.memref_slice %arg13[%mul3A_2, %dma_start3A_91] : memref<10240x128xf32, #tpu.memory_space<vmem_shared>> -> memref<640x128xf32, #tpu.memory_space<vmem_shared>>
        %dma_start3A_93 = arith.constant 0 : i32
        %dma_start3A_94 = tpu.memref_slice %arg3[%mul3A_2, %dma_start3A_93] : memref<10240x128xf32, #tpu.memory_space<hbm>> -> memref<640x128xf32, #tpu.memory_space<hbm>>
        tpu.enqueue_dma source(%dma_start3A_94 : memref<640x128xf32, #tpu.memory_space<hbm>>) target(%dma_start3A_92 : memref<640x128xf32, #tpu.memory_space<vmem_shared>>) target_semaphore(%run_scoped3A : memref<!tpu.dma_semaphore, #tpu.memory_space<semaphore_mem>>)
        %dma_wait3A_95 = arith.constant 0 : i32
        %dma_wait3A_96 = tpu.memref_slice %arg13[%mul3A_2, %dma_wait3A_95] : memref<10240x128xf32, #tpu.memory_space<vmem_shared>> -> memref<640x128xf32, #tpu.memory_space<vmem_shared>>
        %dma_wait3A_97 = arith.constant 0 : i32
        %dma_wait3A_98 = tpu.memref_slice %arg3[%mul3A_2, %dma_wait3A_97] : memref<10240x128xf32, #tpu.memory_space<hbm>> -> memref<640x128xf32, #tpu.memory_space<hbm>>
        tpu.wait_dma2 semaphore(%run_scoped3A : memref<!tpu.dma_semaphore, #tpu.memory_space<semaphore_mem>>) src(%dma_wait3A_98 : memref<640x128xf32, #tpu.memory_space<hbm>>) dst(%dma_wait3A_96 : memref<640x128xf32, #tpu.memory_space<vmem_shared>>)
        tpu.yield
      }) : () -> ()
    } else {
    }
    "tpu.region"() ({
      %run_scoped3A = tpu.sem_alloc : memref<!tpu.dma_semaphore, #tpu.memory_space<semaphore_mem>>
      %dma_start3A_91 = arith.constant 0 : i32
      %dma_start3A_92 = arith.constant 0 : i32
      %dma_start3A_93 = tpu.memref_slice %arg4[%add3A, %dma_start3A_91, %dma_start3A_92] : memref<32x80x128xi32, #tpu.memory_space<hbm>> -> memref<1x80x128xi32, #tpu.memory_space<hbm>>
      %dma_start3A_94 = tpu.memref_squeeze %dma_start3A_93 : memref<1x80x128xi32, #tpu.memory_space<hbm>> -> memref<80x128xi32, #tpu.memory_space<hbm>>
      %dma_start3A_95 = arith.constant 0 : i32
      %dma_start3A_96 = arith.constant 0 : i32
      %dma_start3A_97 = tpu.memref_slice %arg4[%add3A, %dma_start3A_95, %dma_start3A_96] : memref<32x80x128xi32, #tpu.memory_space<hbm>> -> memref<1x80x128xi32, #tpu.memory_space<hbm>>
      %dma_start3A_98 = tpu.memref_squeeze %dma_start3A_97 : memref<1x80x128xi32, #tpu.memory_space<hbm>> -> memref<80x128xi32, #tpu.memory_space<hbm>>
      tpu.enqueue_dma source(%dma_start3A_98 : memref<80x128xi32, #tpu.memory_space<hbm>>) target(%arg8 : memref<80x128xi32, #tpu.memory_space<vmem>>) target_semaphore(%run_scoped3A : memref<!tpu.dma_semaphore, #tpu.memory_space<semaphore_mem>>)
      %dma_wait3A_99 = arith.constant 0 : i32
      %dma_wait3A_100 = arith.constant 0 : i32
      %dma_wait3A_101 = tpu.memref_slice %arg4[%add3A, %dma_wait3A_99, %dma_wait3A_100] : memref<32x80x128xi32, #tpu.memory_space<hbm>> -> memref<1x80x128xi32, #tpu.memory_space<hbm>>
      %dma_wait3A_102 = tpu.memref_squeeze %dma_wait3A_101 : memref<1x80x128xi32, #tpu.memory_space<hbm>> -> memref<80x128xi32, #tpu.memory_space<hbm>>
      %dma_wait3A_103 = arith.constant 0 : i32
      %dma_wait3A_104 = arith.constant 0 : i32
      %dma_wait3A_105 = tpu.memref_slice %arg4[%add3A, %dma_wait3A_103, %dma_wait3A_104] : memref<32x80x128xi32, #tpu.memory_space<hbm>> -> memref<1x80x128xi32, #tpu.memory_space<hbm>>
      %dma_wait3A_106 = tpu.memref_squeeze %dma_wait3A_105 : memref<1x80x128xi32, #tpu.memory_space<hbm>> -> memref<80x128xi32, #tpu.memory_space<hbm>>
      tpu.wait_dma2 semaphore(%run_scoped3A : memref<!tpu.dma_semaphore, #tpu.memory_space<semaphore_mem>>) src(%dma_wait3A_106 : memref<80x128xi32, #tpu.memory_space<hbm>>) dst(%arg8 : memref<80x128xi32, #tpu.memory_space<vmem>>)
      tpu.yield
    }) : () -> ()
    %barrier3A = arith.constant 0 : index
    tpu.barrier barrier_id(%barrier3A)
    %dma_start3A = arith.constant 0 : i32
    %dma_start3A_9 = arith.constant 0 : i32
    %dma_start3A_10 = tpu.memref_slice %arg5[%add3A, %dma_start3A, %dma_start3A_9] : memref<32x80x128xi32, #tpu.memory_space<hbm>> -> memref<1x1x128xi32, #tpu.memory_space<hbm>>
    %dma_start3A_11 = tpu.memref_squeeze %dma_start3A_10 : memref<1x1x128xi32, #tpu.memory_space<hbm>> -> memref<128xi32, #tpu.memory_space<hbm>>
    %dma_start3A_12 = arith.constant 0 : i32
    %dma_start3A_13 = tpu.memref_slice %arg5[%add3A, %dma_start3A, %dma_start3A_12] : memref<32x80x128xi32, #tpu.memory_space<hbm>> -> memref<1x1x128xi32, #tpu.memory_space<hbm>>
    %dma_start3A_14 = tpu.memref_squeeze %dma_start3A_13 : memref<1x1x128xi32, #tpu.memory_space<hbm>> -> memref<128xi32, #tpu.memory_space<hbm>>
    tpu.enqueue_dma source(%dma_start3A_14 : memref<128xi32, #tpu.memory_space<hbm>>) target(%arg9 : memref<128xi32, #tpu.memory_space<vmem>>) target_semaphore(%arg14 : memref<!tpu.dma_semaphore, #tpu.memory_space<semaphore_mem>>)
    %dma_start3A_15 = arith.constant 0 : i32
    %dma_start3A_16 = arith.constant 0 : i32
    %dma_start3A_17 = tpu.memref_slice %arg8[%dma_start3A_15, %dma_start3A_16] : memref<80x128xi32, #tpu.memory_space<vmem>> -> memref<1x128xi32, #tpu.memory_space<vmem>>
    %dma_start3A_18 = tpu.memref_squeeze %dma_start3A_17 : memref<1x128xi32, #tpu.memory_space<vmem>> -> memref<128xi32, #tpu.memory_space<vmem>>
    %dma_start3A_19 = arith.constant 0 : i32
    %dma_start3A_20 = arith.constant 0 : i32
    %dma_start3A_21 = tpu.memref_slice %arg2[%dma_start3A_19, %dma_start3A_20] : memref<10240x128xf32, #tpu.memory_space<hbm>> -> memref<10240x128xf32, #tpu.memory_space<hbm>>
    tpu.enqueue_indirect_dma source(%dma_start3A_21 : memref<10240x128xf32, #tpu.memory_space<hbm>>) target(%arg11 : memref<128x128xf32, #tpu.memory_space<vmem>>) offsets(%dma_start3A_18 : memref<128xi32, #tpu.memory_space<vmem>>) semaphore(%arg14 : memref<!tpu.dma_semaphore, #tpu.memory_space<semaphore_mem>>)
    %dma_start3A_22 = arith.constant 1 : i32
    %dma_start3A_23 = arith.constant 0 : i32
    %dma_start3A_24 = tpu.memref_slice %arg5[%add3A, %dma_start3A_22, %dma_start3A_23] : memref<32x80x128xi32, #tpu.memory_space<hbm>> -> memref<1x1x128xi32, #tpu.memory_space<hbm>>
    %dma_start3A_25 = tpu.memref_squeeze %dma_start3A_24 : memref<1x1x128xi32, #tpu.memory_space<hbm>> -> memref<128xi32, #tpu.memory_space<hbm>>
    %dma_start3A_26 = arith.constant 0 : i32
    %dma_start3A_27 = tpu.memref_slice %arg5[%add3A, %dma_start3A_22, %dma_start3A_26] : memref<32x80x128xi32, #tpu.memory_space<hbm>> -> memref<1x1x128xi32, #tpu.memory_space<hbm>>
    %dma_start3A_28 = tpu.memref_squeeze %dma_start3A_27 : memref<1x1x128xi32, #tpu.memory_space<hbm>> -> memref<128xi32, #tpu.memory_space<hbm>>
    tpu.enqueue_dma source(%dma_start3A_28 : memref<128xi32, #tpu.memory_space<hbm>>) target(%arg10 : memref<128xi32, #tpu.memory_space<vmem>>) target_semaphore(%arg15 : memref<!tpu.dma_semaphore, #tpu.memory_space<semaphore_mem>>)
    %dma_start3A_29 = arith.constant 1 : i32
    %dma_start3A_30 = arith.constant 0 : i32
    %dma_start3A_31 = tpu.memref_slice %arg8[%dma_start3A_29, %dma_start3A_30] : memref<80x128xi32, #tpu.memory_space<vmem>> -> memref<1x128xi32, #tpu.memory_space<vmem>>
    %dma_start3A_32 = tpu.memref_squeeze %dma_start3A_31 : memref<1x128xi32, #tpu.memory_space<vmem>> -> memref<128xi32, #tpu.memory_space<vmem>>
    %dma_start3A_33 = arith.constant 0 : i32
    %dma_start3A_34 = arith.constant 0 : i32
    %dma_start3A_35 = tpu.memref_slice %arg2[%dma_start3A_33, %dma_start3A_34] : memref<10240x128xf32, #tpu.memory_space<hbm>> -> memref<10240x128xf32, #tpu.memory_space<hbm>>
    tpu.enqueue_indirect_dma source(%dma_start3A_35 : memref<10240x128xf32, #tpu.memory_space<hbm>>) target(%arg12 : memref<128x128xf32, #tpu.memory_space<vmem>>) offsets(%dma_start3A_32 : memref<128xi32, #tpu.memory_space<vmem>>) semaphore(%arg15 : memref<!tpu.dma_semaphore, #tpu.memory_space<semaphore_mem>>)
    %scan3A = arith.constant 0 : i32
    %scan3A_36 = arith.constant 0 : i32
    %scan3A_37 = arith.constant 39 : i32
    %scan3A_38 = arith.addi %scan3A_36, %scan3A_37 : i32
    %scan3A_39 = arith.constant 1 : i32
    scf.for %scan3A_91 = %scan3A_36 to %scan3A_38 step %scan3A_39  : i32 {
      %mul3A_92 = arith.constant 2 : i32
      %mul3A_93 = arith.muli %mul3A_92, %scan3A_91 : i32
      %add3A_94 = arith.constant 0 : i32
      %add3A_95 = arith.addi %mul3A_93, %add3A_94 : i32
      %dma_wait3A_96 = arith.constant 0 : i32
      %dma_wait3A_97 = tpu.memref_slice %arg5[%add3A, %add3A_95, %dma_wait3A_96] : memref<32x80x128xi32, #tpu.memory_space<hbm>> -> memref<1x1x128xi32, #tpu.memory_space<hbm>>
      %dma_wait3A_98 = tpu.memref_squeeze %dma_wait3A_97 : memref<1x1x128xi32, #tpu.memory_space<hbm>> -> memref<128xi32, #tpu.memory_space<hbm>>
      %dma_wait3A_99 = arith.constant 0 : i32
      %dma_wait3A_100 = tpu.memref_slice %arg5[%add3A, %add3A_95, %dma_wait3A_99] : memref<32x80x128xi32, #tpu.memory_space<hbm>> -> memref<1x1x128xi32, #tpu.memory_space<hbm>>
      %dma_wait3A_101 = tpu.memref_squeeze %dma_wait3A_100 : memref<1x1x128xi32, #tpu.memory_space<hbm>> -> memref<128xi32, #tpu.memory_space<hbm>>
      tpu.wait_dma2 semaphore(%arg14 : memref<!tpu.dma_semaphore, #tpu.memory_space<semaphore_mem>>) src(%dma_wait3A_101 : memref<128xi32, #tpu.memory_space<hbm>>) dst(%arg9 : memref<128xi32, #tpu.memory_space<vmem>>)
      %dma_wait3A_102 = arith.constant 0 : i32
      %dma_wait3A_103 = tpu.memref_slice %arg8[%add3A_95, %dma_wait3A_102] : memref<80x128xi32, #tpu.memory_space<vmem>> -> memref<1x128xi32, #tpu.memory_space<vmem>>
      %dma_wait3A_104 = tpu.memref_squeeze %dma_wait3A_103 : memref<1x128xi32, #tpu.memory_space<vmem>> -> memref<128xi32, #tpu.memory_space<vmem>>
      %dma_wait3A_105 = arith.constant 0 : i32
      %dma_wait3A_106 = arith.constant 0 : i32
      %dma_wait3A_107 = tpu.memref_slice %arg2[%dma_wait3A_105, %dma_wait3A_106] : memref<10240x128xf32, #tpu.memory_space<hbm>> -> memref<10240x128xf32, #tpu.memory_space<hbm>>
      tpu.wait_indirect_dma semaphore(%arg14 : memref<!tpu.dma_semaphore, #tpu.memory_space<semaphore_mem>>) src(%dma_wait3A_107 : memref<10240x128xf32, #tpu.memory_space<hbm>>) dst(%arg11 : memref<128x128xf32, #tpu.memory_space<vmem>>)
      %dma_start3A_108 = arith.constant 0 : i32
      %dma_start3A_109 = arith.constant 0 : i32
      %dma_start3A_110 = tpu.memref_slice %arg13[%dma_start3A_108, %dma_start3A_109] : memref<10240x128xf32, #tpu.memory_space<vmem_shared>> -> memref<10240x128xf32, #tpu.memory_space<vmem_shared>>
      tpu.enqueue_indirect_dma source(%arg11 : memref<128x128xf32, #tpu.memory_space<vmem>>) target(%dma_start3A_110 : memref<10240x128xf32, #tpu.memory_space<vmem_shared>>) offsets(%arg9 : memref<128xi32, #tpu.memory_space<vmem>>) semaphore(%arg16 : memref<!tpu.dma_semaphore, #tpu.memory_space<semaphore_mem>>) {add = true}
      %add3A_111 = arith.constant 1 : i32
      %add3A_112 = arith.addi %mul3A_93, %add3A_111 : i32
      %dma_wait3A_113 = arith.constant 0 : i32
      %dma_wait3A_114 = tpu.memref_slice %arg5[%add3A, %add3A_112, %dma_wait3A_113] : memref<32x80x128xi32, #tpu.memory_space<hbm>> -> memref<1x1x128xi32, #tpu.memory_space<hbm>>
      %dma_wait3A_115 = tpu.memref_squeeze %dma_wait3A_114 : memref<1x1x128xi32, #tpu.memory_space<hbm>> -> memref<128xi32, #tpu.memory_space<hbm>>
      %dma_wait3A_116 = arith.constant 0 : i32
      %dma_wait3A_117 = tpu.memref_slice %arg5[%add3A, %add3A_112, %dma_wait3A_116] : memref<32x80x128xi32, #tpu.memory_space<hbm>> -> memref<1x1x128xi32, #tpu.memory_space<hbm>>
      %dma_wait3A_118 = tpu.memref_squeeze %dma_wait3A_117 : memref<1x1x128xi32, #tpu.memory_space<hbm>> -> memref<128xi32, #tpu.memory_space<hbm>>
      tpu.wait_dma2 semaphore(%arg15 : memref<!tpu.dma_semaphore, #tpu.memory_space<semaphore_mem>>) src(%dma_wait3A_118 : memref<128xi32, #tpu.memory_space<hbm>>) dst(%arg10 : memref<128xi32, #tpu.memory_space<vmem>>)
      %dma_wait3A_119 = arith.constant 0 : i32
      %dma_wait3A_120 = tpu.memref_slice %arg8[%add3A_112, %dma_wait3A_119] : memref<80x128xi32, #tpu.memory_space<vmem>> -> memref<1x128xi32, #tpu.memory_space<vmem>>
      %dma_wait3A_121 = tpu.memref_squeeze %dma_wait3A_120 : memref<1x128xi32, #tpu.memory_space<vmem>> -> memref<128xi32, #tpu.memory_space<vmem>>
      %dma_wait3A_122 = arith.constant 0 : i32
      %dma_wait3A_123 = arith.constant 0 : i32
      %dma_wait3A_124 = tpu.memref_slice %arg2[%dma_wait3A_122, %dma_wait3A_123] : memref<10240x128xf32, #tpu.memory_space<hbm>> -> memref<10240x128xf32, #tpu.memory_space<hbm>>
      tpu.wait_indirect_dma semaphore(%arg15 : memref<!tpu.dma_semaphore, #tpu.memory_space<semaphore_mem>>) src(%dma_wait3A_124 : memref<10240x128xf32, #tpu.memory_space<hbm>>) dst(%arg12 : memref<128x128xf32, #tpu.memory_space<vmem>>)
      %dma_start3A_125 = arith.constant 0 : i32
      %dma_start3A_126 = arith.constant 0 : i32
      %dma_start3A_127 = tpu.memref_slice %arg13[%dma_start3A_125, %dma_start3A_126] : memref<10240x128xf32, #tpu.memory_space<vmem_shared>> -> memref<10240x128xf32, #tpu.memory_space<vmem_shared>>
      tpu.enqueue_indirect_dma source(%arg12 : memref<128x128xf32, #tpu.memory_space<vmem>>) target(%dma_start3A_127 : memref<10240x128xf32, #tpu.memory_space<vmem_shared>>) offsets(%arg10 : memref<128xi32, #tpu.memory_space<vmem>>) semaphore(%arg17 : memref<!tpu.dma_semaphore, #tpu.memory_space<semaphore_mem>>) {add = true}
      %dma_wait3A_128 = arith.constant 0 : i32
      %dma_wait3A_129 = arith.constant 0 : i32
      %dma_wait3A_130 = tpu.memref_slice %arg13[%dma_wait3A_128, %dma_wait3A_129] : memref<10240x128xf32, #tpu.memory_space<vmem_shared>> -> memref<10240x128xf32, #tpu.memory_space<vmem_shared>>
      tpu.wait_indirect_dma semaphore(%arg16 : memref<!tpu.dma_semaphore, #tpu.memory_space<semaphore_mem>>) src(%arg11 : memref<128x128xf32, #tpu.memory_space<vmem>>) dst(%dma_wait3A_130 : memref<10240x128xf32, #tpu.memory_space<vmem_shared>>)
      %add3A_131 = arith.constant 2 : i32
      %add3A_132 = arith.addi %mul3A_93, %add3A_131 : i32
      %add3A_133 = arith.constant 0 : i32
      %add3A_134 = arith.addi %add3A_132, %add3A_133 : i32
      %dma_start3A_135 = arith.constant 0 : i32
      %dma_start3A_136 = tpu.memref_slice %arg5[%add3A, %add3A_134, %dma_start3A_135] : memref<32x80x128xi32, #tpu.memory_space<hbm>> -> memref<1x1x128xi32, #tpu.memory_space<hbm>>
      %dma_start3A_137 = tpu.memref_squeeze %dma_start3A_136 : memref<1x1x128xi32, #tpu.memory_space<hbm>> -> memref<128xi32, #tpu.memory_space<hbm>>
      %dma_start3A_138 = arith.constant 0 : i32
      %dma_start3A_139 = tpu.memref_slice %arg5[%add3A, %add3A_134, %dma_start3A_138] : memref<32x80x128xi32, #tpu.memory_space<hbm>> -> memref<1x1x128xi32, #tpu.memory_space<hbm>>
      %dma_start3A_140 = tpu.memref_squeeze %dma_start3A_139 : memref<1x1x128xi32, #tpu.memory_space<hbm>> -> memref<128xi32, #tpu.memory_space<hbm>>
      tpu.enqueue_dma source(%dma_start3A_140 : memref<128xi32, #tpu.memory_space<hbm>>) target(%arg9 : memref<128xi32, #tpu.memory_space<vmem>>) target_semaphore(%arg14 : memref<!tpu.dma_semaphore, #tpu.memory_space<semaphore_mem>>)
      %dma_start3A_141 = arith.constant 0 : i32
      %dma_start3A_142 = tpu.memref_slice %arg8[%add3A_134, %dma_start3A_141] : memref<80x128xi32, #tpu.memory_space<vmem>> -> memref<1x128xi32, #tpu.memory_space<vmem>>
      %dma_start3A_143 = tpu.memref_squeeze %dma_start3A_142 : memref<1x128xi32, #tpu.memory_space<vmem>> -> memref<128xi32, #tpu.memory_space<vmem>>
      %dma_start3A_144 = arith.constant 0 : i32
      %dma_start3A_145 = arith.constant 0 : i32
      %dma_start3A_146 = tpu.memref_slice %arg2[%dma_start3A_144, %dma_start3A_145] : memref<10240x128xf32, #tpu.memory_space<hbm>> -> memref<10240x128xf32, #tpu.memory_space<hbm>>
      tpu.enqueue_indirect_dma source(%dma_start3A_146 : memref<10240x128xf32, #tpu.memory_space<hbm>>) target(%arg11 : memref<128x128xf32, #tpu.memory_space<vmem>>) offsets(%dma_start3A_143 : memref<128xi32, #tpu.memory_space<vmem>>) semaphore(%arg14 : memref<!tpu.dma_semaphore, #tpu.memory_space<semaphore_mem>>)
      %dma_wait3A_147 = arith.constant 0 : i32
      %dma_wait3A_148 = arith.constant 0 : i32
      %dma_wait3A_149 = tpu.memref_slice %arg13[%dma_wait3A_147, %dma_wait3A_148] : memref<10240x128xf32, #tpu.memory_space<vmem_shared>> -> memref<10240x128xf32, #tpu.memory_space<vmem_shared>>
      tpu.wait_indirect_dma semaphore(%arg17 : memref<!tpu.dma_semaphore, #tpu.memory_space<semaphore_mem>>) src(%arg12 : memref<128x128xf32, #tpu.memory_space<vmem>>) dst(%dma_wait3A_149 : memref<10240x128xf32, #tpu.memory_space<vmem_shared>>)
      %add3A_150 = arith.constant 2 : i32
      %add3A_151 = arith.addi %mul3A_93, %add3A_150 : i32
      %add3A_152 = arith.constant 1 : i32
      %add3A_153 = arith.addi %add3A_151, %add3A_152 : i32
      %dma_start3A_154 = arith.constant 0 : i32
      %dma_start3A_155 = tpu.memref_slice %arg5[%add3A, %add3A_153, %dma_start3A_154] : memref<32x80x128xi32, #tpu.memory_space<hbm>> -> memref<1x1x128xi32, #tpu.memory_space<hbm>>
      %dma_start3A_156 = tpu.memref_squeeze %dma_start3A_155 : memref<1x1x128xi32, #tpu.memory_space<hbm>> -> memref<128xi32, #tpu.memory_space<hbm>>
      %dma_start3A_157 = arith.constant 0 : i32
      %dma_start3A_158 = tpu.memref_slice %arg5[%add3A, %add3A_153, %dma_start3A_157] : memref<32x80x128xi32, #tpu.memory_space<hbm>> -> memref<1x1x128xi32, #tpu.memory_space<hbm>>
      %dma_start3A_159 = tpu.memref_squeeze %dma_start3A_158 : memref<1x1x128xi32, #tpu.memory_space<hbm>> -> memref<128xi32, #tpu.memory_space<hbm>>
      tpu.enqueue_dma source(%dma_start3A_159 : memref<128xi32, #tpu.memory_space<hbm>>) target(%arg10 : memref<128xi32, #tpu.memory_space<vmem>>) target_semaphore(%arg15 : memref<!tpu.dma_semaphore, #tpu.memory_space<semaphore_mem>>)
      %dma_start3A_160 = arith.constant 0 : i32
      %dma_start3A_161 = tpu.memref_slice %arg8[%add3A_153, %dma_start3A_160] : memref<80x128xi32, #tpu.memory_space<vmem>> -> memref<1x128xi32, #tpu.memory_space<vmem>>
      %dma_start3A_162 = tpu.memref_squeeze %dma_start3A_161 : memref<1x128xi32, #tpu.memory_space<vmem>> -> memref<128xi32, #tpu.memory_space<vmem>>
      %dma_start3A_163 = arith.constant 0 : i32
      %dma_start3A_164 = arith.constant 0 : i32
      %dma_start3A_165 = tpu.memref_slice %arg2[%dma_start3A_163, %dma_start3A_164] : memref<10240x128xf32, #tpu.memory_space<hbm>> -> memref<10240x128xf32, #tpu.memory_space<hbm>>
      tpu.enqueue_indirect_dma source(%dma_start3A_165 : memref<10240x128xf32, #tpu.memory_space<hbm>>) target(%arg12 : memref<128x128xf32, #tpu.memory_space<vmem>>) offsets(%dma_start3A_162 : memref<128xi32, #tpu.memory_space<vmem>>) semaphore(%arg15 : memref<!tpu.dma_semaphore, #tpu.memory_space<semaphore_mem>>)
    }
    %scan3A_40 = arith.constant 39 : i32
    %dma_wait3A = arith.constant 78 : i32
    %dma_wait3A_41 = arith.constant 0 : i32
    %dma_wait3A_42 = tpu.memref_slice %arg5[%add3A, %dma_wait3A, %dma_wait3A_41] : memref<32x80x128xi32, #tpu.memory_space<hbm>> -> memref<1x1x128xi32, #tpu.memory_space<hbm>>
    %dma_wait3A_43 = tpu.memref_squeeze %dma_wait3A_42 : memref<1x1x128xi32, #tpu.memory_space<hbm>> -> memref<128xi32, #tpu.memory_space<hbm>>
    %dma_wait3A_44 = arith.constant 0 : i32
    %dma_wait3A_45 = tpu.memref_slice %arg5[%add3A, %dma_wait3A, %dma_wait3A_44] : memref<32x80x128xi32, #tpu.memory_space<hbm>> -> memref<1x1x128xi32, #tpu.memory_space<hbm>>
    %dma_wait3A_46 = tpu.memref_squeeze %dma_wait3A_45 : memref<1x1x128xi32, #tpu.memory_space<hbm>> -> memref<128xi32, #tpu.memory_space<hbm>>
    tpu.wait_dma2 semaphore(%arg14 : memref<!tpu.dma_semaphore, #tpu.memory_space<semaphore_mem>>) src(%dma_wait3A_46 : memref<128xi32, #tpu.memory_space<hbm>>) dst(%arg9 : memref<128xi32, #tpu.memory_space<vmem>>)
    %dma_wait3A_47 = arith.constant 78 : i32
    %dma_wait3A_48 = arith.constant 0 : i32
    %dma_wait3A_49 = tpu.memref_slice %arg8[%dma_wait3A_47, %dma_wait3A_48] : memref<80x128xi32, #tpu.memory_space<vmem>> -> memref<1x128xi32, #tpu.memory_space<vmem>>
    %dma_wait3A_50 = tpu.memref_squeeze %dma_wait3A_49 : memref<1x128xi32, #tpu.memory_space<vmem>> -> memref<128xi32, #tpu.memory_space<vmem>>
    %dma_wait3A_51 = arith.constant 0 : i32
    %dma_wait3A_52 = arith.constant 0 : i32
    %dma_wait3A_53 = tpu.memref_slice %arg2[%dma_wait3A_51, %dma_wait3A_52] : memref<10240x128xf32, #tpu.memory_space<hbm>> -> memref<10240x128xf32, #tpu.memory_space<hbm>>
    tpu.wait_indirect_dma semaphore(%arg14 : memref<!tpu.dma_semaphore, #tpu.memory_space<semaphore_mem>>) src(%dma_wait3A_53 : memref<10240x128xf32, #tpu.memory_space<hbm>>) dst(%arg11 : memref<128x128xf32, #tpu.memory_space<vmem>>)
    %dma_start3A_54 = arith.constant 0 : i32
    %dma_start3A_55 = arith.constant 0 : i32
    %dma_start3A_56 = tpu.memref_slice %arg13[%dma_start3A_54, %dma_start3A_55] : memref<10240x128xf32, #tpu.memory_space<vmem_shared>> -> memref<10240x128xf32, #tpu.memory_space<vmem_shared>>
    tpu.enqueue_indirect_dma source(%arg11 : memref<128x128xf32, #tpu.memory_space<vmem>>) target(%dma_start3A_56 : memref<10240x128xf32, #tpu.memory_space<vmem_shared>>) offsets(%arg9 : memref<128xi32, #tpu.memory_space<vmem>>) semaphore(%arg16 : memref<!tpu.dma_semaphore, #tpu.memory_space<semaphore_mem>>) {add = true}
    %dma_wait3A_57 = arith.constant 79 : i32
    %dma_wait3A_58 = arith.constant 0 : i32
    %dma_wait3A_59 = tpu.memref_slice %arg5[%add3A, %dma_wait3A_57, %dma_wait3A_58] : memref<32x80x128xi32, #tpu.memory_space<hbm>> -> memref<1x1x128xi32, #tpu.memory_space<hbm>>
    %dma_wait3A_60 = tpu.memref_squeeze %dma_wait3A_59 : memref<1x1x128xi32, #tpu.memory_space<hbm>> -> memref<128xi32, #tpu.memory_space<hbm>>
    %dma_wait3A_61 = arith.constant 0 : i32
    %dma_wait3A_62 = tpu.memref_slice %arg5[%add3A, %dma_wait3A_57, %dma_wait3A_61] : memref<32x80x128xi32, #tpu.memory_space<hbm>> -> memref<1x1x128xi32, #tpu.memory_space<hbm>>
    %dma_wait3A_63 = tpu.memref_squeeze %dma_wait3A_62 : memref<1x1x128xi32, #tpu.memory_space<hbm>> -> memref<128xi32, #tpu.memory_space<hbm>>
    tpu.wait_dma2 semaphore(%arg15 : memref<!tpu.dma_semaphore, #tpu.memory_space<semaphore_mem>>) src(%dma_wait3A_63 : memref<128xi32, #tpu.memory_space<hbm>>) dst(%arg10 : memref<128xi32, #tpu.memory_space<vmem>>)
    %dma_wait3A_64 = arith.constant 79 : i32
    %dma_wait3A_65 = arith.constant 0 : i32
    %dma_wait3A_66 = tpu.memref_slice %arg8[%dma_wait3A_64, %dma_wait3A_65] : memref<80x128xi32, #tpu.memory_space<vmem>> -> memref<1x128xi32, #tpu.memory_space<vmem>>
    %dma_wait3A_67 = tpu.memref_squeeze %dma_wait3A_66 : memref<1x128xi32, #tpu.memory_space<vmem>> -> memref<128xi32, #tpu.memory_space<vmem>>
    %dma_wait3A_68 = arith.constant 0 : i32
    %dma_wait3A_69 = arith.constant 0 : i32
    %dma_wait3A_70 = tpu.memref_slice %arg2[%dma_wait3A_68, %dma_wait3A_69] : memref<10240x128xf32, #tpu.memory_space<hbm>> -> memref<10240x128xf32, #tpu.memory_space<hbm>>
    tpu.wait_indirect_dma semaphore(%arg15 : memref<!tpu.dma_semaphore, #tpu.memory_space<semaphore_mem>>) src(%dma_wait3A_70 : memref<10240x128xf32, #tpu.memory_space<hbm>>) dst(%arg12 : memref<128x128xf32, #tpu.memory_space<vmem>>)
    %dma_start3A_71 = arith.constant 0 : i32
    %dma_start3A_72 = arith.constant 0 : i32
    %dma_start3A_73 = tpu.memref_slice %arg13[%dma_start3A_71, %dma_start3A_72] : memref<10240x128xf32, #tpu.memory_space<vmem_shared>> -> memref<10240x128xf32, #tpu.memory_space<vmem_shared>>
    tpu.enqueue_indirect_dma source(%arg12 : memref<128x128xf32, #tpu.memory_space<vmem>>) target(%dma_start3A_73 : memref<10240x128xf32, #tpu.memory_space<vmem_shared>>) offsets(%arg10 : memref<128xi32, #tpu.memory_space<vmem>>) semaphore(%arg17 : memref<!tpu.dma_semaphore, #tpu.memory_space<semaphore_mem>>) {add = true}
    %dma_wait3A_74 = arith.constant 0 : i32
    %dma_wait3A_75 = arith.constant 0 : i32
    %dma_wait3A_76 = tpu.memref_slice %arg13[%dma_wait3A_74, %dma_wait3A_75] : memref<10240x128xf32, #tpu.memory_space<vmem_shared>> -> memref<10240x128xf32, #tpu.memory_space<vmem_shared>>
    tpu.wait_indirect_dma semaphore(%arg16 : memref<!tpu.dma_semaphore, #tpu.memory_space<semaphore_mem>>) src(%arg11 : memref<128x128xf32, #tpu.memory_space<vmem>>) dst(%dma_wait3A_76 : memref<10240x128xf32, #tpu.memory_space<vmem_shared>>)
    %dma_wait3A_77 = arith.constant 0 : i32
    %dma_wait3A_78 = arith.constant 0 : i32
    %dma_wait3A_79 = tpu.memref_slice %arg13[%dma_wait3A_77, %dma_wait3A_78] : memref<10240x128xf32, #tpu.memory_space<vmem_shared>> -> memref<10240x128xf32, #tpu.memory_space<vmem_shared>>
    tpu.wait_indirect_dma semaphore(%arg17 : memref<!tpu.dma_semaphore, #tpu.memory_space<semaphore_mem>>) src(%arg12 : memref<128x128xf32, #tpu.memory_space<vmem>>) dst(%dma_wait3A_79 : memref<10240x128xf32, #tpu.memory_space<vmem_shared>>)
    %barrier3A_80 = arith.constant 0 : index
    tpu.barrier barrier_id(%barrier3A_80)
    %eq3A_81 = arith.constant 0 : i32
    %eq3A_82 = arith.cmpi eq, %arg0, %eq3A_81 : i32
    %convert_element_type3A_83 = arith.extui %eq3A_82 : i1 to i32
    %cond3A_84 = arith.constant 0 : i32
    %cond3A_85 = arith.cmpi ne, %convert_element_type3A_83, %cond3A_84 : i32
    scf.if %cond3A_85 {
      "tpu.region"() ({
        %run_scoped3A = tpu.sem_alloc : memref<!tpu.dma_semaphore, #tpu.memory_space<semaphore_mem>>
        %dma_start3A_91 = arith.constant 0 : i32
        %dma_start3A_92 = tpu.memref_slice %arg6[%mul3A_2, %dma_start3A_91] : memref<10240x128xf32, #tpu.memory_space<hbm>> -> memref<640x128xf32, #tpu.memory_space<hbm>>
        %dma_start3A_93 = arith.constant 0 : i32
        %dma_start3A_94 = tpu.memref_slice %arg13[%mul3A_2, %dma_start3A_93] : memref<10240x128xf32, #tpu.memory_space<vmem_shared>> -> memref<640x128xf32, #tpu.memory_space<vmem_shared>>
        tpu.enqueue_dma source(%dma_start3A_94 : memref<640x128xf32, #tpu.memory_space<vmem_shared>>) target(%dma_start3A_92 : memref<640x128xf32, #tpu.memory_space<hbm>>) target_semaphore(%run_scoped3A : memref<!tpu.dma_semaphore, #tpu.memory_space<semaphore_mem>>)
        %dma_wait3A_95 = arith.constant 0 : i32
        %dma_wait3A_96 = tpu.memref_slice %arg6[%mul3A_2, %dma_wait3A_95] : memref<10240x128xf32, #tpu.memory_space<hbm>> -> memref<640x128xf32, #tpu.memory_space<hbm>>
        %dma_wait3A_97 = arith.constant 0 : i32
        %dma_wait3A_98 = tpu.memref_slice %arg13[%mul3A_2, %dma_wait3A_97] : memref<10240x128xf32, #tpu.memory_space<vmem_shared>> -> memref<640x128xf32, #tpu.memory_space<vmem_shared>>
        tpu.wait_dma2 semaphore(%run_scoped3A : memref<!tpu.dma_semaphore, #tpu.memory_space<semaphore_mem>>) src(%dma_wait3A_98 : memref<640x128xf32, #tpu.memory_space<vmem_shared>>) dst(%dma_wait3A_96 : memref<640x128xf32, #tpu.memory_space<hbm>>)
        tpu.yield
      }) : () -> ()
    } else {
    }
    %ne3A_86 = arith.constant 0 : i32
    %ne3A_87 = arith.cmpi ne, %arg0, %ne3A_86 : i32
    %convert_element_type3A_88 = arith.extui %ne3A_87 : i1 to i32
    %cond3A_89 = arith.constant 0 : i32
    %cond3A_90 = arith.cmpi ne, %convert_element_type3A_88, %cond3A_89 : i32
    scf.if %cond3A_90 {
      "tpu.region"() ({
        %run_scoped3A = tpu.sem_alloc : memref<!tpu.dma_semaphore, #tpu.memory_space<semaphore_mem>>
        %dma_start3A_91 = arith.constant 0 : i32
        %dma_start3A_92 = tpu.memref_slice %arg7[%mul3A_2, %dma_start3A_91] : memref<10240x128xf32, #tpu.memory_space<hbm>> -> memref<640x128xf32, #tpu.memory_space<hbm>>
        %dma_start3A_93 = arith.constant 0 : i32
        %dma_start3A_94 = tpu.memref_slice %arg13[%mul3A_2, %dma_start3A_93] : memref<10240x128xf32, #tpu.memory_space<vmem_shared>> -> memref<640x128xf32, #tpu.memory_space<vmem_shared>>
        tpu.enqueue_dma source(%dma_start3A_94 : memref<640x128xf32, #tpu.memory_space<vmem_shared>>) target(%dma_start3A_92 : memref<640x128xf32, #tpu.memory_space<hbm>>) target_semaphore(%run_scoped3A : memref<!tpu.dma_semaphore, #tpu.memory_space<semaphore_mem>>)
        %dma_wait3A_95 = arith.constant 0 : i32
        %dma_wait3A_96 = tpu.memref_slice %arg7[%mul3A_2, %dma_wait3A_95] : memref<10240x128xf32, #tpu.memory_space<hbm>> -> memref<640x128xf32, #tpu.memory_space<hbm>>
        %dma_wait3A_97 = arith.constant 0 : i32
        %dma_wait3A_98 = tpu.memref_slice %arg13[%mul3A_2, %dma_wait3A_97] : memref<10240x128xf32, #tpu.memory_space<vmem_shared>> -> memref<640x128xf32, #tpu.memory_space<vmem_shared>>
        tpu.wait_dma2 semaphore(%run_scoped3A : memref<!tpu.dma_semaphore, #tpu.memory_space<semaphore_mem>>) src(%dma_wait3A_98 : memref<640x128xf32, #tpu.memory_space<vmem_shared>>) dst(%dma_wait3A_96 : memref<640x128xf32, #tpu.memory_space<hbm>>)
        tpu.yield
      }) : () -> ()
    } else {
    }
    return
  }
}

#map = affine_map<(d0, d1) -> (0, 0)>
#map1 = affine_map<(d0, d1) -> (0, 0, 0)>
module attributes {stable_mosaic.version = 14 : i64} {
  func.func @_sc_aggregate(%arg0: i32, %arg1: i32, %arg2: memref<10240x128xf32, #tpu.memory_space<hbm>>, %arg3: memref<10240x128xf32, #tpu.memory_space<hbm>>, %arg4: memref<32x80x128xi32, #tpu.memory_space<hbm>>, %arg5: memref<32x80x128xi32, #tpu.memory_space<hbm>>, %arg6: memref<10240x128xf32, #tpu.memory_space<hbm>>, %arg7: memref<10240x128xf32, #tpu.memory_space<hbm>>, %arg8: memref<80x128xi32, #tpu.memory_space<vmem>>, %arg9: memref<128xi32, #tpu.memory_space<vmem>>, %arg10: memref<128xi32, #tpu.memory_space<vmem>>, %arg11: memref<128x128xf32, #tpu.memory_space<vmem>>, %arg12: memref<128x128xf32, #tpu.memory_space<vmem>>, %arg13: memref<10240x128xf32, #tpu.memory_space<vmem_shared>>, %arg14: memref<!tpu.dma_semaphore, #tpu.memory_space<semaphore_mem>>, %arg15: memref<!tpu.dma_semaphore, #tpu.memory_space<semaphore_mem>>, %arg16: memref<!tpu.dma_semaphore, #tpu.memory_space<semaphore_mem>>, %arg17: memref<!tpu.dma_semaphore, #tpu.memory_space<semaphore_mem>>) attributes {dimension_semantics = [#tpu.dimension_semantics<core_parallel>, #tpu.dimension_semantics<subcore_parallel>], iteration_bounds = array<i64: 2, 16>, scalar_prefetch = 0 : i64, scratch_operands = 10 : i64, tpu.core_type = #tpu.core_type<sc_vector_subcore>, window_params = [{transform_indices = #map}, {transform_indices = #map}, {transform_indices = #map1}, {transform_indices = #map1}, {transform_indices = #map}, {transform_indices = #map}]} {
    %mul3A = arith.constant 16 : i32
    %mul3A_0 = arith.muli %arg0, %mul3A : i32
    %add3A = arith.addi %mul3A_0, %arg1 : i32
    %mul3A_1 = arith.constant 640 : i32
    %mul3A_2 = arith.muli %arg1, %mul3A_1 : i32
    %eq3A = arith.constant 0 : i32
    %eq3A_3 = arith.cmpi eq, %arg0, %eq3A : i32
    %convert_element_type3A = arith.extui %eq3A_3 : i1 to i32
    %cond3A = arith.constant 0 : i32
    %cond3A_4 = arith.cmpi ne, %convert_element_type3A, %cond3A : i32
    scf.if %cond3A_4 {
      "tpu.region"() ({
        %run_scoped3A = tpu.sem_alloc : memref<!tpu.dma_semaphore, #tpu.memory_space<semaphore_mem>>
        %dma_start3A_91 = arith.constant 0 : i32
        %dma_start3A_92 = tpu.memref_slice %arg13[%mul3A_2, %dma_start3A_91] : memref<10240x128xf32, #tpu.memory_space<vmem_shared>> -> memref<640x128xf32, #tpu.memory_space<vmem_shared>>
        %dma_start3A_93 = arith.constant 0 : i32
        %dma_start3A_94 = tpu.memref_slice %arg2[%mul3A_2, %dma_start3A_93] : memref<10240x128xf32, #tpu.memory_space<hbm>> -> memref<640x128xf32, #tpu.memory_space<hbm>>
        tpu.enqueue_dma source(%dma_start3A_94 : memref<640x128xf32, #tpu.memory_space<hbm>>) target(%dma_start3A_92 : memref<640x128xf32, #tpu.memory_space<vmem_shared>>) target_semaphore(%run_scoped3A : memref<!tpu.dma_semaphore, #tpu.memory_space<semaphore_mem>>)
        %dma_wait3A_95 = arith.constant 0 : i32
        %dma_wait3A_96 = tpu.memref_slice %arg13[%mul3A_2, %dma_wait3A_95] : memref<10240x128xf32, #tpu.memory_space<vmem_shared>> -> memref<640x128xf32, #tpu.memory_space<vmem_shared>>
        %dma_wait3A_97 = arith.constant 0 : i32
        %dma_wait3A_98 = tpu.memref_slice %arg2[%mul3A_2, %dma_wait3A_97] : memref<10240x128xf32, #tpu.memory_space<hbm>> -> memref<640x128xf32, #tpu.memory_space<hbm>>
        tpu.wait_dma2 semaphore(%run_scoped3A : memref<!tpu.dma_semaphore, #tpu.memory_space<semaphore_mem>>) src(%dma_wait3A_98 : memref<640x128xf32, #tpu.memory_space<hbm>>) dst(%dma_wait3A_96 : memref<640x128xf32, #tpu.memory_space<vmem_shared>>)
        tpu.yield
      }) : () -> ()
    } else {
    }
    %ne3A = arith.constant 0 : i32
    %ne3A_5 = arith.cmpi ne, %arg0, %ne3A : i32
    %convert_element_type3A_6 = arith.extui %ne3A_5 : i1 to i32
    %cond3A_7 = arith.constant 0 : i32
    %cond3A_8 = arith.cmpi ne, %convert_element_type3A_6, %cond3A_7 : i32
    scf.if %cond3A_8 {
      "tpu.region"() ({
        %run_scoped3A = tpu.sem_alloc : memref<!tpu.dma_semaphore, #tpu.memory_space<semaphore_mem>>
        %dma_start3A_91 = arith.constant 0 : i32
        %dma_start3A_92 = tpu.memref_slice %arg13[%mul3A_2, %dma_start3A_91] : memref<10240x128xf32, #tpu.memory_space<vmem_shared>> -> memref<640x128xf32, #tpu.memory_space<vmem_shared>>
        %dma_start3A_93 = arith.constant 0 : i32
        %dma_start3A_94 = tpu.memref_slice %arg3[%mul3A_2, %dma_start3A_93] : memref<10240x128xf32, #tpu.memory_space<hbm>> -> memref<640x128xf32, #tpu.memory_space<hbm>>
        tpu.enqueue_dma source(%dma_start3A_94 : memref<640x128xf32, #tpu.memory_space<hbm>>) target(%dma_start3A_92 : memref<640x128xf32, #tpu.memory_space<vmem_shared>>) target_semaphore(%run_scoped3A : memref<!tpu.dma_semaphore, #tpu.memory_space<semaphore_mem>>)
        %dma_wait3A_95 = arith.constant 0 : i32
        %dma_wait3A_96 = tpu.memref_slice %arg13[%mul3A_2, %dma_wait3A_95] : memref<10240x128xf32, #tpu.memory_space<vmem_shared>> -> memref<640x128xf32, #tpu.memory_space<vmem_shared>>
        %dma_wait3A_97 = arith.constant 0 : i32
        %dma_wait3A_98 = tpu.memref_slice %arg3[%mul3A_2, %dma_wait3A_97] : memref<10240x128xf32, #tpu.memory_space<hbm>> -> memref<640x128xf32, #tpu.memory_space<hbm>>
        tpu.wait_dma2 semaphore(%run_scoped3A : memref<!tpu.dma_semaphore, #tpu.memory_space<semaphore_mem>>) src(%dma_wait3A_98 : memref<640x128xf32, #tpu.memory_space<hbm>>) dst(%dma_wait3A_96 : memref<640x128xf32, #tpu.memory_space<vmem_shared>>)
        tpu.yield
      }) : () -> ()
    } else {
    }
    "tpu.region"() ({
      %run_scoped3A = tpu.sem_alloc : memref<!tpu.dma_semaphore, #tpu.memory_space<semaphore_mem>>
      %dma_start3A_91 = arith.constant 0 : i32
      %dma_start3A_92 = arith.constant 0 : i32
      %dma_start3A_93 = tpu.memref_slice %arg4[%add3A, %dma_start3A_91, %dma_start3A_92] : memref<32x80x128xi32, #tpu.memory_space<hbm>> -> memref<1x80x128xi32, #tpu.memory_space<hbm>>
      %dma_start3A_94 = tpu.memref_squeeze %dma_start3A_93 : memref<1x80x128xi32, #tpu.memory_space<hbm>> -> memref<80x128xi32, #tpu.memory_space<hbm>>
      %dma_start3A_95 = arith.constant 0 : i32
      %dma_start3A_96 = arith.constant 0 : i32
      %dma_start3A_97 = tpu.memref_slice %arg4[%add3A, %dma_start3A_95, %dma_start3A_96] : memref<32x80x128xi32, #tpu.memory_space<hbm>> -> memref<1x80x128xi32, #tpu.memory_space<hbm>>
      %dma_start3A_98 = tpu.memref_squeeze %dma_start3A_97 : memref<1x80x128xi32, #tpu.memory_space<hbm>> -> memref<80x128xi32, #tpu.memory_space<hbm>>
      tpu.enqueue_dma source(%dma_start3A_98 : memref<80x128xi32, #tpu.memory_space<hbm>>) target(%arg8 : memref<80x128xi32, #tpu.memory_space<vmem>>) target_semaphore(%run_scoped3A : memref<!tpu.dma_semaphore, #tpu.memory_space<semaphore_mem>>)
      %dma_wait3A_99 = arith.constant 0 : i32
      %dma_wait3A_100 = arith.constant 0 : i32
      %dma_wait3A_101 = tpu.memref_slice %arg4[%add3A, %dma_wait3A_99, %dma_wait3A_100] : memref<32x80x128xi32, #tpu.memory_space<hbm>> -> memref<1x80x128xi32, #tpu.memory_space<hbm>>
      %dma_wait3A_102 = tpu.memref_squeeze %dma_wait3A_101 : memref<1x80x128xi32, #tpu.memory_space<hbm>> -> memref<80x128xi32, #tpu.memory_space<hbm>>
      %dma_wait3A_103 = arith.constant 0 : i32
      %dma_wait3A_104 = arith.constant 0 : i32
      %dma_wait3A_105 = tpu.memref_slice %arg4[%add3A, %dma_wait3A_103, %dma_wait3A_104] : memref<32x80x128xi32, #tpu.memory_space<hbm>> -> memref<1x80x128xi32, #tpu.memory_space<hbm>>
      %dma_wait3A_106 = tpu.memref_squeeze %dma_wait3A_105 : memref<1x80x128xi32, #tpu.memory_space<hbm>> -> memref<80x128xi32, #tpu.memory_space<hbm>>
      tpu.wait_dma2 semaphore(%run_scoped3A : memref<!tpu.dma_semaphore, #tpu.memory_space<semaphore_mem>>) src(%dma_wait3A_106 : memref<80x128xi32, #tpu.memory_space<hbm>>) dst(%arg8 : memref<80x128xi32, #tpu.memory_space<vmem>>)
      tpu.yield
    }) : () -> ()
    %barrier3A = arith.constant 0 : index
    tpu.barrier barrier_id(%barrier3A)
    %dma_start3A = arith.constant 0 : i32
    %dma_start3A_9 = arith.constant 0 : i32
    %dma_start3A_10 = tpu.memref_slice %arg5[%add3A, %dma_start3A, %dma_start3A_9] : memref<32x80x128xi32, #tpu.memory_space<hbm>> -> memref<1x1x128xi32, #tpu.memory_space<hbm>>
    %dma_start3A_11 = tpu.memref_squeeze %dma_start3A_10 : memref<1x1x128xi32, #tpu.memory_space<hbm>> -> memref<128xi32, #tpu.memory_space<hbm>>
    %dma_start3A_12 = arith.constant 0 : i32
    %dma_start3A_13 = tpu.memref_slice %arg5[%add3A, %dma_start3A, %dma_start3A_12] : memref<32x80x128xi32, #tpu.memory_space<hbm>> -> memref<1x1x128xi32, #tpu.memory_space<hbm>>
    %dma_start3A_14 = tpu.memref_squeeze %dma_start3A_13 : memref<1x1x128xi32, #tpu.memory_space<hbm>> -> memref<128xi32, #tpu.memory_space<hbm>>
    tpu.enqueue_dma source(%dma_start3A_14 : memref<128xi32, #tpu.memory_space<hbm>>) target(%arg9 : memref<128xi32, #tpu.memory_space<vmem>>) target_semaphore(%arg14 : memref<!tpu.dma_semaphore, #tpu.memory_space<semaphore_mem>>)
    %dma_start3A_15 = arith.constant 0 : i32
    %dma_start3A_16 = arith.constant 0 : i32
    %dma_start3A_17 = tpu.memref_slice %arg8[%dma_start3A_15, %dma_start3A_16] : memref<80x128xi32, #tpu.memory_space<vmem>> -> memref<1x128xi32, #tpu.memory_space<vmem>>
    %dma_start3A_18 = tpu.memref_squeeze %dma_start3A_17 : memref<1x128xi32, #tpu.memory_space<vmem>> -> memref<128xi32, #tpu.memory_space<vmem>>
    %dma_start3A_19 = arith.constant 0 : i32
    %dma_start3A_20 = arith.constant 0 : i32
    %dma_start3A_21 = tpu.memref_slice %arg2[%dma_start3A_19, %dma_start3A_20] : memref<10240x128xf32, #tpu.memory_space<hbm>> -> memref<10240x128xf32, #tpu.memory_space<hbm>>
    tpu.enqueue_indirect_dma source(%dma_start3A_21 : memref<10240x128xf32, #tpu.memory_space<hbm>>) target(%arg11 : memref<128x128xf32, #tpu.memory_space<vmem>>) offsets(%dma_start3A_18 : memref<128xi32, #tpu.memory_space<vmem>>) semaphore(%arg14 : memref<!tpu.dma_semaphore, #tpu.memory_space<semaphore_mem>>)
    %dma_start3A_22 = arith.constant 1 : i32
    %dma_start3A_23 = arith.constant 0 : i32
    %dma_start3A_24 = tpu.memref_slice %arg5[%add3A, %dma_start3A_22, %dma_start3A_23] : memref<32x80x128xi32, #tpu.memory_space<hbm>> -> memref<1x1x128xi32, #tpu.memory_space<hbm>>
    %dma_start3A_25 = tpu.memref_squeeze %dma_start3A_24 : memref<1x1x128xi32, #tpu.memory_space<hbm>> -> memref<128xi32, #tpu.memory_space<hbm>>
    %dma_start3A_26 = arith.constant 0 : i32
    %dma_start3A_27 = tpu.memref_slice %arg5[%add3A, %dma_start3A_22, %dma_start3A_26] : memref<32x80x128xi32, #tpu.memory_space<hbm>> -> memref<1x1x128xi32, #tpu.memory_space<hbm>>
    %dma_start3A_28 = tpu.memref_squeeze %dma_start3A_27 : memref<1x1x128xi32, #tpu.memory_space<hbm>> -> memref<128xi32, #tpu.memory_space<hbm>>
    tpu.enqueue_dma source(%dma_start3A_28 : memref<128xi32, #tpu.memory_space<hbm>>) target(%arg10 : memref<128xi32, #tpu.memory_space<vmem>>) target_semaphore(%arg15 : memref<!tpu.dma_semaphore, #tpu.memory_space<semaphore_mem>>)
    %dma_start3A_29 = arith.constant 1 : i32
    %dma_start3A_30 = arith.constant 0 : i32
    %dma_start3A_31 = tpu.memref_slice %arg8[%dma_start3A_29, %dma_start3A_30] : memref<80x128xi32, #tpu.memory_space<vmem>> -> memref<1x128xi32, #tpu.memory_space<vmem>>
    %dma_start3A_32 = tpu.memref_squeeze %dma_start3A_31 : memref<1x128xi32, #tpu.memory_space<vmem>> -> memref<128xi32, #tpu.memory_space<vmem>>
    %dma_start3A_33 = arith.constant 0 : i32
    %dma_start3A_34 = arith.constant 0 : i32
    %dma_start3A_35 = tpu.memref_slice %arg2[%dma_start3A_33, %dma_start3A_34] : memref<10240x128xf32, #tpu.memory_space<hbm>> -> memref<10240x128xf32, #tpu.memory_space<hbm>>
    tpu.enqueue_indirect_dma source(%dma_start3A_35 : memref<10240x128xf32, #tpu.memory_space<hbm>>) target(%arg12 : memref<128x128xf32, #tpu.memory_space<vmem>>) offsets(%dma_start3A_32 : memref<128xi32, #tpu.memory_space<vmem>>) semaphore(%arg15 : memref<!tpu.dma_semaphore, #tpu.memory_space<semaphore_mem>>)
    %scan3A = arith.constant 0 : i32
    %scan3A_36 = arith.constant 0 : i32
    %scan3A_37 = arith.constant 39 : i32
    %scan3A_38 = arith.addi %scan3A_36, %scan3A_37 : i32
    %scan3A_39 = arith.constant 1 : i32
    scf.for %scan3A_91 = %scan3A_36 to %scan3A_38 step %scan3A_39  : i32 {
      %mul3A_92 = arith.constant 2 : i32
      %mul3A_93 = arith.muli %mul3A_92, %scan3A_91 : i32
      %add3A_94 = arith.constant 0 : i32
      %add3A_95 = arith.addi %mul3A_93, %add3A_94 : i32
      %dma_wait3A_96 = arith.constant 0 : i32
      %dma_wait3A_97 = tpu.memref_slice %arg5[%add3A, %add3A_95, %dma_wait3A_96] : memref<32x80x128xi32, #tpu.memory_space<hbm>> -> memref<1x1x128xi32, #tpu.memory_space<hbm>>
      %dma_wait3A_98 = tpu.memref_squeeze %dma_wait3A_97 : memref<1x1x128xi32, #tpu.memory_space<hbm>> -> memref<128xi32, #tpu.memory_space<hbm>>
      %dma_wait3A_99 = arith.constant 0 : i32
      %dma_wait3A_100 = tpu.memref_slice %arg5[%add3A, %add3A_95, %dma_wait3A_99] : memref<32x80x128xi32, #tpu.memory_space<hbm>> -> memref<1x1x128xi32, #tpu.memory_space<hbm>>
      %dma_wait3A_101 = tpu.memref_squeeze %dma_wait3A_100 : memref<1x1x128xi32, #tpu.memory_space<hbm>> -> memref<128xi32, #tpu.memory_space<hbm>>
      tpu.wait_dma2 semaphore(%arg14 : memref<!tpu.dma_semaphore, #tpu.memory_space<semaphore_mem>>) src(%dma_wait3A_101 : memref<128xi32, #tpu.memory_space<hbm>>) dst(%arg9 : memref<128xi32, #tpu.memory_space<vmem>>)
      %dma_wait3A_102 = arith.constant 0 : i32
      %dma_wait3A_103 = tpu.memref_slice %arg8[%add3A_95, %dma_wait3A_102] : memref<80x128xi32, #tpu.memory_space<vmem>> -> memref<1x128xi32, #tpu.memory_space<vmem>>
      %dma_wait3A_104 = tpu.memref_squeeze %dma_wait3A_103 : memref<1x128xi32, #tpu.memory_space<vmem>> -> memref<128xi32, #tpu.memory_space<vmem>>
      %dma_wait3A_105 = arith.constant 0 : i32
      %dma_wait3A_106 = arith.constant 0 : i32
      %dma_wait3A_107 = tpu.memref_slice %arg2[%dma_wait3A_105, %dma_wait3A_106] : memref<10240x128xf32, #tpu.memory_space<hbm>> -> memref<10240x128xf32, #tpu.memory_space<hbm>>
      tpu.wait_indirect_dma semaphore(%arg14 : memref<!tpu.dma_semaphore, #tpu.memory_space<semaphore_mem>>) src(%dma_wait3A_107 : memref<10240x128xf32, #tpu.memory_space<hbm>>) dst(%arg11 : memref<128x128xf32, #tpu.memory_space<vmem>>)
      %dma_start3A_108 = arith.constant 0 : i32
      %dma_start3A_109 = arith.constant 0 : i32
      %dma_start3A_110 = tpu.memref_slice %arg13[%dma_start3A_108, %dma_start3A_109] : memref<10240x128xf32, #tpu.memory_space<vmem_shared>> -> memref<10240x128xf32, #tpu.memory_space<vmem_shared>>
      tpu.enqueue_indirect_dma source(%arg11 : memref<128x128xf32, #tpu.memory_space<vmem>>) target(%dma_start3A_110 : memref<10240x128xf32, #tpu.memory_space<vmem_shared>>) offsets(%arg9 : memref<128xi32, #tpu.memory_space<vmem>>) semaphore(%arg16 : memref<!tpu.dma_semaphore, #tpu.memory_space<semaphore_mem>>) {add = true}
      %add3A_111 = arith.constant 1 : i32
      %add3A_112 = arith.addi %mul3A_93, %add3A_111 : i32
      %dma_wait3A_113 = arith.constant 0 : i32
      %dma_wait3A_114 = tpu.memref_slice %arg5[%add3A, %add3A_112, %dma_wait3A_113] : memref<32x80x128xi32, #tpu.memory_space<hbm>> -> memref<1x1x128xi32, #tpu.memory_space<hbm>>
      %dma_wait3A_115 = tpu.memref_squeeze %dma_wait3A_114 : memref<1x1x128xi32, #tpu.memory_space<hbm>> -> memref<128xi32, #tpu.memory_space<hbm>>
      %dma_wait3A_116 = arith.constant 0 : i32
      %dma_wait3A_117 = tpu.memref_slice %arg5[%add3A, %add3A_112, %dma_wait3A_116] : memref<32x80x128xi32, #tpu.memory_space<hbm>> -> memref<1x1x128xi32, #tpu.memory_space<hbm>>
      %dma_wait3A_118 = tpu.memref_squeeze %dma_wait3A_117 : memref<1x1x128xi32, #tpu.memory_space<hbm>> -> memref<128xi32, #tpu.memory_space<hbm>>
      tpu.wait_dma2 semaphore(%arg15 : memref<!tpu.dma_semaphore, #tpu.memory_space<semaphore_mem>>) src(%dma_wait3A_118 : memref<128xi32, #tpu.memory_space<hbm>>) dst(%arg10 : memref<128xi32, #tpu.memory_space<vmem>>)
      %dma_wait3A_119 = arith.constant 0 : i32
      %dma_wait3A_120 = tpu.memref_slice %arg8[%add3A_112, %dma_wait3A_119] : memref<80x128xi32, #tpu.memory_space<vmem>> -> memref<1x128xi32, #tpu.memory_space<vmem>>
      %dma_wait3A_121 = tpu.memref_squeeze %dma_wait3A_120 : memref<1x128xi32, #tpu.memory_space<vmem>> -> memref<128xi32, #tpu.memory_space<vmem>>
      %dma_wait3A_122 = arith.constant 0 : i32
      %dma_wait3A_123 = arith.constant 0 : i32
      %dma_wait3A_124 = tpu.memref_slice %arg2[%dma_wait3A_122, %dma_wait3A_123] : memref<10240x128xf32, #tpu.memory_space<hbm>> -> memref<10240x128xf32, #tpu.memory_space<hbm>>
      tpu.wait_indirect_dma semaphore(%arg15 : memref<!tpu.dma_semaphore, #tpu.memory_space<semaphore_mem>>) src(%dma_wait3A_124 : memref<10240x128xf32, #tpu.memory_space<hbm>>) dst(%arg12 : memref<128x128xf32, #tpu.memory_space<vmem>>)
      %dma_start3A_125 = arith.constant 0 : i32
      %dma_start3A_126 = arith.constant 0 : i32
      %dma_start3A_127 = tpu.memref_slice %arg13[%dma_start3A_125, %dma_start3A_126] : memref<10240x128xf32, #tpu.memory_space<vmem_shared>> -> memref<10240x128xf32, #tpu.memory_space<vmem_shared>>
      tpu.enqueue_indirect_dma source(%arg12 : memref<128x128xf32, #tpu.memory_space<vmem>>) target(%dma_start3A_127 : memref<10240x128xf32, #tpu.memory_space<vmem_shared>>) offsets(%arg10 : memref<128xi32, #tpu.memory_space<vmem>>) semaphore(%arg17 : memref<!tpu.dma_semaphore, #tpu.memory_space<semaphore_mem>>) {add = true}
      %dma_wait3A_128 = arith.constant 0 : i32
      %dma_wait3A_129 = arith.constant 0 : i32
      %dma_wait3A_130 = tpu.memref_slice %arg13[%dma_wait3A_128, %dma_wait3A_129] : memref<10240x128xf32, #tpu.memory_space<vmem_shared>> -> memref<10240x128xf32, #tpu.memory_space<vmem_shared>>
      tpu.wait_indirect_dma semaphore(%arg16 : memref<!tpu.dma_semaphore, #tpu.memory_space<semaphore_mem>>) src(%arg11 : memref<128x128xf32, #tpu.memory_space<vmem>>) dst(%dma_wait3A_130 : memref<10240x128xf32, #tpu.memory_space<vmem_shared>>)
      %add3A_131 = arith.constant 2 : i32
      %add3A_132 = arith.addi %mul3A_93, %add3A_131 : i32
      %add3A_133 = arith.constant 0 : i32
      %add3A_134 = arith.addi %add3A_132, %add3A_133 : i32
      %dma_start3A_135 = arith.constant 0 : i32
      %dma_start3A_136 = tpu.memref_slice %arg5[%add3A, %add3A_134, %dma_start3A_135] : memref<32x80x128xi32, #tpu.memory_space<hbm>> -> memref<1x1x128xi32, #tpu.memory_space<hbm>>
      %dma_start3A_137 = tpu.memref_squeeze %dma_start3A_136 : memref<1x1x128xi32, #tpu.memory_space<hbm>> -> memref<128xi32, #tpu.memory_space<hbm>>
      %dma_start3A_138 = arith.constant 0 : i32
      %dma_start3A_139 = tpu.memref_slice %arg5[%add3A, %add3A_134, %dma_start3A_138] : memref<32x80x128xi32, #tpu.memory_space<hbm>> -> memref<1x1x128xi32, #tpu.memory_space<hbm>>
      %dma_start3A_140 = tpu.memref_squeeze %dma_start3A_139 : memref<1x1x128xi32, #tpu.memory_space<hbm>> -> memref<128xi32, #tpu.memory_space<hbm>>
      tpu.enqueue_dma source(%dma_start3A_140 : memref<128xi32, #tpu.memory_space<hbm>>) target(%arg9 : memref<128xi32, #tpu.memory_space<vmem>>) target_semaphore(%arg14 : memref<!tpu.dma_semaphore, #tpu.memory_space<semaphore_mem>>)
      %dma_start3A_141 = arith.constant 0 : i32
      %dma_start3A_142 = tpu.memref_slice %arg8[%add3A_134, %dma_start3A_141] : memref<80x128xi32, #tpu.memory_space<vmem>> -> memref<1x128xi32, #tpu.memory_space<vmem>>
      %dma_start3A_143 = tpu.memref_squeeze %dma_start3A_142 : memref<1x128xi32, #tpu.memory_space<vmem>> -> memref<128xi32, #tpu.memory_space<vmem>>
      %dma_start3A_144 = arith.constant 0 : i32
      %dma_start3A_145 = arith.constant 0 : i32
      %dma_start3A_146 = tpu.memref_slice %arg2[%dma_start3A_144, %dma_start3A_145] : memref<10240x128xf32, #tpu.memory_space<hbm>> -> memref<10240x128xf32, #tpu.memory_space<hbm>>
      tpu.enqueue_indirect_dma source(%dma_start3A_146 : memref<10240x128xf32, #tpu.memory_space<hbm>>) target(%arg11 : memref<128x128xf32, #tpu.memory_space<vmem>>) offsets(%dma_start3A_143 : memref<128xi32, #tpu.memory_space<vmem>>) semaphore(%arg14 : memref<!tpu.dma_semaphore, #tpu.memory_space<semaphore_mem>>)
      %dma_wait3A_147 = arith.constant 0 : i32
      %dma_wait3A_148 = arith.constant 0 : i32
      %dma_wait3A_149 = tpu.memref_slice %arg13[%dma_wait3A_147, %dma_wait3A_148] : memref<10240x128xf32, #tpu.memory_space<vmem_shared>> -> memref<10240x128xf32, #tpu.memory_space<vmem_shared>>
      tpu.wait_indirect_dma semaphore(%arg17 : memref<!tpu.dma_semaphore, #tpu.memory_space<semaphore_mem>>) src(%arg12 : memref<128x128xf32, #tpu.memory_space<vmem>>) dst(%dma_wait3A_149 : memref<10240x128xf32, #tpu.memory_space<vmem_shared>>)
      %add3A_150 = arith.constant 2 : i32
      %add3A_151 = arith.addi %mul3A_93, %add3A_150 : i32
      %add3A_152 = arith.constant 1 : i32
      %add3A_153 = arith.addi %add3A_151, %add3A_152 : i32
      %dma_start3A_154 = arith.constant 0 : i32
      %dma_start3A_155 = tpu.memref_slice %arg5[%add3A, %add3A_153, %dma_start3A_154] : memref<32x80x128xi32, #tpu.memory_space<hbm>> -> memref<1x1x128xi32, #tpu.memory_space<hbm>>
      %dma_start3A_156 = tpu.memref_squeeze %dma_start3A_155 : memref<1x1x128xi32, #tpu.memory_space<hbm>> -> memref<128xi32, #tpu.memory_space<hbm>>
      %dma_start3A_157 = arith.constant 0 : i32
      %dma_start3A_158 = tpu.memref_slice %arg5[%add3A, %add3A_153, %dma_start3A_157] : memref<32x80x128xi32, #tpu.memory_space<hbm>> -> memref<1x1x128xi32, #tpu.memory_space<hbm>>
      %dma_start3A_159 = tpu.memref_squeeze %dma_start3A_158 : memref<1x1x128xi32, #tpu.memory_space<hbm>> -> memref<128xi32, #tpu.memory_space<hbm>>
      tpu.enqueue_dma source(%dma_start3A_159 : memref<128xi32, #tpu.memory_space<hbm>>) target(%arg10 : memref<128xi32, #tpu.memory_space<vmem>>) target_semaphore(%arg15 : memref<!tpu.dma_semaphore, #tpu.memory_space<semaphore_mem>>)
      %dma_start3A_160 = arith.constant 0 : i32
      %dma_start3A_161 = tpu.memref_slice %arg8[%add3A_153, %dma_start3A_160] : memref<80x128xi32, #tpu.memory_space<vmem>> -> memref<1x128xi32, #tpu.memory_space<vmem>>
      %dma_start3A_162 = tpu.memref_squeeze %dma_start3A_161 : memref<1x128xi32, #tpu.memory_space<vmem>> -> memref<128xi32, #tpu.memory_space<vmem>>
      %dma_start3A_163 = arith.constant 0 : i32
      %dma_start3A_164 = arith.constant 0 : i32
      %dma_start3A_165 = tpu.memref_slice %arg2[%dma_start3A_163, %dma_start3A_164] : memref<10240x128xf32, #tpu.memory_space<hbm>> -> memref<10240x128xf32, #tpu.memory_space<hbm>>
      tpu.enqueue_indirect_dma source(%dma_start3A_165 : memref<10240x128xf32, #tpu.memory_space<hbm>>) target(%arg12 : memref<128x128xf32, #tpu.memory_space<vmem>>) offsets(%dma_start3A_162 : memref<128xi32, #tpu.memory_space<vmem>>) semaphore(%arg15 : memref<!tpu.dma_semaphore, #tpu.memory_space<semaphore_mem>>)
    }
    %scan3A_40 = arith.constant 39 : i32
    %dma_wait3A = arith.constant 78 : i32
    %dma_wait3A_41 = arith.constant 0 : i32
    %dma_wait3A_42 = tpu.memref_slice %arg5[%add3A, %dma_wait3A, %dma_wait3A_41] : memref<32x80x128xi32, #tpu.memory_space<hbm>> -> memref<1x1x128xi32, #tpu.memory_space<hbm>>
    %dma_wait3A_43 = tpu.memref_squeeze %dma_wait3A_42 : memref<1x1x128xi32, #tpu.memory_space<hbm>> -> memref<128xi32, #tpu.memory_space<hbm>>
    %dma_wait3A_44 = arith.constant 0 : i32
    %dma_wait3A_45 = tpu.memref_slice %arg5[%add3A, %dma_wait3A, %dma_wait3A_44] : memref<32x80x128xi32, #tpu.memory_space<hbm>> -> memref<1x1x128xi32, #tpu.memory_space<hbm>>
    %dma_wait3A_46 = tpu.memref_squeeze %dma_wait3A_45 : memref<1x1x128xi32, #tpu.memory_space<hbm>> -> memref<128xi32, #tpu.memory_space<hbm>>
    tpu.wait_dma2 semaphore(%arg14 : memref<!tpu.dma_semaphore, #tpu.memory_space<semaphore_mem>>) src(%dma_wait3A_46 : memref<128xi32, #tpu.memory_space<hbm>>) dst(%arg9 : memref<128xi32, #tpu.memory_space<vmem>>)
    %dma_wait3A_47 = arith.constant 78 : i32
    %dma_wait3A_48 = arith.constant 0 : i32
    %dma_wait3A_49 = tpu.memref_slice %arg8[%dma_wait3A_47, %dma_wait3A_48] : memref<80x128xi32, #tpu.memory_space<vmem>> -> memref<1x128xi32, #tpu.memory_space<vmem>>
    %dma_wait3A_50 = tpu.memref_squeeze %dma_wait3A_49 : memref<1x128xi32, #tpu.memory_space<vmem>> -> memref<128xi32, #tpu.memory_space<vmem>>
    %dma_wait3A_51 = arith.constant 0 : i32
    %dma_wait3A_52 = arith.constant 0 : i32
    %dma_wait3A_53 = tpu.memref_slice %arg2[%dma_wait3A_51, %dma_wait3A_52] : memref<10240x128xf32, #tpu.memory_space<hbm>> -> memref<10240x128xf32, #tpu.memory_space<hbm>>
    tpu.wait_indirect_dma semaphore(%arg14 : memref<!tpu.dma_semaphore, #tpu.memory_space<semaphore_mem>>) src(%dma_wait3A_53 : memref<10240x128xf32, #tpu.memory_space<hbm>>) dst(%arg11 : memref<128x128xf32, #tpu.memory_space<vmem>>)
    %dma_start3A_54 = arith.constant 0 : i32
    %dma_start3A_55 = arith.constant 0 : i32
    %dma_start3A_56 = tpu.memref_slice %arg13[%dma_start3A_54, %dma_start3A_55] : memref<10240x128xf32, #tpu.memory_space<vmem_shared>> -> memref<10240x128xf32, #tpu.memory_space<vmem_shared>>
    tpu.enqueue_indirect_dma source(%arg11 : memref<128x128xf32, #tpu.memory_space<vmem>>) target(%dma_start3A_56 : memref<10240x128xf32, #tpu.memory_space<vmem_shared>>) offsets(%arg9 : memref<128xi32, #tpu.memory_space<vmem>>) semaphore(%arg16 : memref<!tpu.dma_semaphore, #tpu.memory_space<semaphore_mem>>) {add = true}
    %dma_wait3A_57 = arith.constant 79 : i32
    %dma_wait3A_58 = arith.constant 0 : i32
    %dma_wait3A_59 = tpu.memref_slice %arg5[%add3A, %dma_wait3A_57, %dma_wait3A_58] : memref<32x80x128xi32, #tpu.memory_space<hbm>> -> memref<1x1x128xi32, #tpu.memory_space<hbm>>
    %dma_wait3A_60 = tpu.memref_squeeze %dma_wait3A_59 : memref<1x1x128xi32, #tpu.memory_space<hbm>> -> memref<128xi32, #tpu.memory_space<hbm>>
    %dma_wait3A_61 = arith.constant 0 : i32
    %dma_wait3A_62 = tpu.memref_slice %arg5[%add3A, %dma_wait3A_57, %dma_wait3A_61] : memref<32x80x128xi32, #tpu.memory_space<hbm>> -> memref<1x1x128xi32, #tpu.memory_space<hbm>>
    %dma_wait3A_63 = tpu.memref_squeeze %dma_wait3A_62 : memref<1x1x128xi32, #tpu.memory_space<hbm>> -> memref<128xi32, #tpu.memory_space<hbm>>
    tpu.wait_dma2 semaphore(%arg15 : memref<!tpu.dma_semaphore, #tpu.memory_space<semaphore_mem>>) src(%dma_wait3A_63 : memref<128xi32, #tpu.memory_space<hbm>>) dst(%arg10 : memref<128xi32, #tpu.memory_space<vmem>>)
    %dma_wait3A_64 = arith.constant 79 : i32
    %dma_wait3A_65 = arith.constant 0 : i32
    %dma_wait3A_66 = tpu.memref_slice %arg8[%dma_wait3A_64, %dma_wait3A_65] : memref<80x128xi32, #tpu.memory_space<vmem>> -> memref<1x128xi32, #tpu.memory_space<vmem>>
    %dma_wait3A_67 = tpu.memref_squeeze %dma_wait3A_66 : memref<1x128xi32, #tpu.memory_space<vmem>> -> memref<128xi32, #tpu.memory_space<vmem>>
    %dma_wait3A_68 = arith.constant 0 : i32
    %dma_wait3A_69 = arith.constant 0 : i32
    %dma_wait3A_70 = tpu.memref_slice %arg2[%dma_wait3A_68, %dma_wait3A_69] : memref<10240x128xf32, #tpu.memory_space<hbm>> -> memref<10240x128xf32, #tpu.memory_space<hbm>>
    tpu.wait_indirect_dma semaphore(%arg15 : memref<!tpu.dma_semaphore, #tpu.memory_space<semaphore_mem>>) src(%dma_wait3A_70 : memref<10240x128xf32, #tpu.memory_space<hbm>>) dst(%arg12 : memref<128x128xf32, #tpu.memory_space<vmem>>)
    %dma_start3A_71 = arith.constant 0 : i32
    %dma_start3A_72 = arith.constant 0 : i32
    %dma_start3A_73 = tpu.memref_slice %arg13[%dma_start3A_71, %dma_start3A_72] : memref<10240x128xf32, #tpu.memory_space<vmem_shared>> -> memref<10240x128xf32, #tpu.memory_space<vmem_shared>>
    tpu.enqueue_indirect_dma source(%arg12 : memref<128x128xf32, #tpu.memory_space<vmem>>) target(%dma_start3A_73 : memref<10240x128xf32, #tpu.memory_space<vmem_shared>>) offsets(%arg10 : memref<128xi32, #tpu.memory_space<vmem>>) semaphore(%arg17 : memref<!tpu.dma_semaphore, #tpu.memory_space<semaphore_mem>>) {add = true}
    %dma_wait3A_74 = arith.constant 0 : i32
    %dma_wait3A_75 = arith.constant 0 : i32
    %dma_wait3A_76 = tpu.memref_slice %arg13[%dma_wait3A_74, %dma_wait3A_75] : memref<10240x128xf32, #tpu.memory_space<vmem_shared>> -> memref<10240x128xf32, #tpu.memory_space<vmem_shared>>
    tpu.wait_indirect_dma semaphore(%arg16 : memref<!tpu.dma_semaphore, #tpu.memory_space<semaphore_mem>>) src(%arg11 : memref<128x128xf32, #tpu.memory_space<vmem>>) dst(%dma_wait3A_76 : memref<10240x128xf32, #tpu.memory_space<vmem_shared>>)
    %dma_wait3A_77 = arith.constant 0 : i32
    %dma_wait3A_78 = arith.constant 0 : i32
    %dma_wait3A_79 = tpu.memref_slice %arg13[%dma_wait3A_77, %dma_wait3A_78] : memref<10240x128xf32, #tpu.memory_space<vmem_shared>> -> memref<10240x128xf32, #tpu.memory_space<vmem_shared>>
    tpu.wait_indirect_dma semaphore(%arg17 : memref<!tpu.dma_semaphore, #tpu.memory_space<semaphore_mem>>) src(%arg12 : memref<128x128xf32, #tpu.memory_space<vmem>>) dst(%dma_wait3A_79 : memref<10240x128xf32, #tpu.memory_space<vmem_shared>>)
    %barrier3A_80 = arith.constant 0 : index
    tpu.barrier barrier_id(%barrier3A_80)
    %eq3A_81 = arith.constant 0 : i32
    %eq3A_82 = arith.cmpi eq, %arg0, %eq3A_81 : i32
    %convert_element_type3A_83 = arith.extui %eq3A_82 : i1 to i32
    %cond3A_84 = arith.constant 0 : i32
    %cond3A_85 = arith.cmpi ne, %convert_element_type3A_83, %cond3A_84 : i32
    scf.if %cond3A_85 {
      "tpu.region"() ({
        %run_scoped3A = tpu.sem_alloc : memref<!tpu.dma_semaphore, #tpu.memory_space<semaphore_mem>>
        %dma_start3A_91 = arith.constant 0 : i32
        %dma_start3A_92 = tpu.memref_slice %arg6[%mul3A_2, %dma_start3A_91] : memref<10240x128xf32, #tpu.memory_space<hbm>> -> memref<640x128xf32, #tpu.memory_space<hbm>>
        %dma_start3A_93 = arith.constant 0 : i32
        %dma_start3A_94 = tpu.memref_slice %arg13[%mul3A_2, %dma_start3A_93] : memref<10240x128xf32, #tpu.memory_space<vmem_shared>> -> memref<640x128xf32, #tpu.memory_space<vmem_shared>>
        tpu.enqueue_dma source(%dma_start3A_94 : memref<640x128xf32, #tpu.memory_space<vmem_shared>>) target(%dma_start3A_92 : memref<640x128xf32, #tpu.memory_space<hbm>>) target_semaphore(%run_scoped3A : memref<!tpu.dma_semaphore, #tpu.memory_space<semaphore_mem>>)
        %dma_wait3A_95 = arith.constant 0 : i32
        %dma_wait3A_96 = tpu.memref_slice %arg6[%mul3A_2, %dma_wait3A_95] : memref<10240x128xf32, #tpu.memory_space<hbm>> -> memref<640x128xf32, #tpu.memory_space<hbm>>
        %dma_wait3A_97 = arith.constant 0 : i32
        %dma_wait3A_98 = tpu.memref_slice %arg13[%mul3A_2, %dma_wait3A_97] : memref<10240x128xf32, #tpu.memory_space<vmem_shared>> -> memref<640x128xf32, #tpu.memory_space<vmem_shared>>
        tpu.wait_dma2 semaphore(%run_scoped3A : memref<!tpu.dma_semaphore, #tpu.memory_space<semaphore_mem>>) src(%dma_wait3A_98 : memref<640x128xf32, #tpu.memory_space<vmem_shared>>) dst(%dma_wait3A_96 : memref<640x128xf32, #tpu.memory_space<hbm>>)
        tpu.yield
      }) : () -> ()
    } else {
    }
    %ne3A_86 = arith.constant 0 : i32
    %ne3A_87 = arith.cmpi ne, %arg0, %ne3A_86 : i32
    %convert_element_type3A_88 = arith.extui %ne3A_87 : i1 to i32
    %cond3A_89 = arith.constant 0 : i32
    %cond3A_90 = arith.cmpi ne, %convert_element_type3A_88, %cond3A_89 : i32
    scf.if %cond3A_90 {
      "tpu.region"() ({
        %run_scoped3A = tpu.sem_alloc : memref<!tpu.dma_semaphore, #tpu.memory_space<semaphore_mem>>
        %dma_start3A_91 = arith.constant 0 : i32
        %dma_start3A_92 = tpu.memref_slice %arg7[%mul3A_2, %dma_start3A_91] : memref<10240x128xf32, #tpu.memory_space<hbm>> -> memref<640x128xf32, #tpu.memory_space<hbm>>
        %dma_start3A_93 = arith.constant 0 : i32
        %dma_start3A_94 = tpu.memref_slice %arg13[%mul3A_2, %dma_start3A_93] : memref<10240x128xf32, #tpu.memory_space<vmem_shared>> -> memref<640x128xf32, #tpu.memory_space<vmem_shared>>
        tpu.enqueue_dma source(%dma_start3A_94 : memref<640x128xf32, #tpu.memory_space<vmem_shared>>) target(%dma_start3A_92 : memref<640x128xf32, #tpu.memory_space<hbm>>) target_semaphore(%run_scoped3A : memref<!tpu.dma_semaphore, #tpu.memory_space<semaphore_mem>>)
        %dma_wait3A_95 = arith.constant 0 : i32
        %dma_wait3A_96 = tpu.memref_slice %arg7[%mul3A_2, %dma_wait3A_95] : memref<10240x128xf32, #tpu.memory_space<hbm>> -> memref<640x128xf32, #tpu.memory_space<hbm>>
        %dma_wait3A_97 = arith.constant 0 : i32
        %dma_wait3A_98 = tpu.memref_slice %arg13[%mul3A_2, %dma_wait3A_97] : memref<10240x128xf32, #tpu.memory_space<vmem_shared>> -> memref<640x128xf32, #tpu.memory_space<vmem_shared>>
        tpu.wait_dma2 semaphore(%run_scoped3A : memref<!tpu.dma_semaphore, #tpu.memory_space<semaphore_mem>>) src(%dma_wait3A_98 : memref<640x128xf32, #tpu.memory_space<vmem_shared>>) dst(%dma_wait3A_96 : memref<640x128xf32, #tpu.memory_space<hbm>>)
        tpu.yield
      }) : () -> ()
    } else {
    }
    return
  }
}

#map = affine_map<(d0, d1) -> (0)>
#map1 = affine_map<(d0, d1) -> (0, 0, 0)>
#map2 = affine_map<(d0, d1) -> (0, 0)>
module attributes {stable_mosaic.version = 14 : i64} {
  func.func @_sc_degree(%arg0: i32, %arg1: i32, %arg2: memref<10240xf32, #tpu.memory_space<hbm>>, %arg3: memref<32x80x128xi32, #tpu.memory_space<hbm>>, %arg4: memref<32x10240xf32, #tpu.memory_space<hbm>>, %arg5: memref<128xi32, #tpu.memory_space<vmem>>, %arg6: memref<128xi32, #tpu.memory_space<vmem>>, %arg7: memref<10240xf32, #tpu.memory_space<vmem>>, %arg8: memref<!tpu.dma_semaphore, #tpu.memory_space<semaphore_mem>>, %arg9: memref<!tpu.dma_semaphore, #tpu.memory_space<semaphore_mem>>) attributes {dimension_semantics = [#tpu.dimension_semantics<core_parallel>, #tpu.dimension_semantics<subcore_parallel>], iteration_bounds = array<i64: 2, 16>, scalar_prefetch = 0 : i64, scratch_operands = 5 : i64, tpu.core_type = #tpu.core_type<sc_vector_subcore>, window_params = [{transform_indices = #map}, {transform_indices = #map1}, {transform_indices = #map2}]} {
    %mul3A = arith.constant 16 : i32
    %mul3A_0 = arith.muli %arg0, %mul3A : i32
    %add3A = arith.addi %mul3A_0, %arg1 : i32
    "tpu.region"() ({
      %run_scoped3A = tpu.sem_alloc : memref<!tpu.dma_semaphore, #tpu.memory_space<semaphore_mem>>
      tpu.enqueue_dma source(%arg2 : memref<10240xf32, #tpu.memory_space<hbm>>) target(%arg7 : memref<10240xf32, #tpu.memory_space<vmem>>) target_semaphore(%run_scoped3A : memref<!tpu.dma_semaphore, #tpu.memory_space<semaphore_mem>>)
      tpu.wait_dma2 semaphore(%run_scoped3A : memref<!tpu.dma_semaphore, #tpu.memory_space<semaphore_mem>>) src(%arg2 : memref<10240xf32, #tpu.memory_space<hbm>>) dst(%arg7 : memref<10240xf32, #tpu.memory_space<vmem>>)
      tpu.yield
    }) : () -> ()
    %broadcast_in_dim3A = arith.constant 1.000000e+00 : f32
    %broadcast_in_dim3A_1 = vector.broadcast %broadcast_in_dim3A : f32 to vector<16xf32>
    %dma_start3A = arith.constant 0 : i32
    %dma_start3A_2 = arith.constant 0 : i32
    %dma_start3A_3 = tpu.memref_slice %arg3[%add3A, %dma_start3A, %dma_start3A_2] : memref<32x80x128xi32, #tpu.memory_space<hbm>> -> memref<1x1x128xi32, #tpu.memory_space<hbm>>
    %dma_start3A_4 = tpu.memref_squeeze %dma_start3A_3 : memref<1x1x128xi32, #tpu.memory_space<hbm>> -> memref<128xi32, #tpu.memory_space<hbm>>
    %dma_start3A_5 = arith.constant 0 : i32
    %dma_start3A_6 = tpu.memref_slice %arg3[%add3A, %dma_start3A, %dma_start3A_5] : memref<32x80x128xi32, #tpu.memory_space<hbm>> -> memref<1x1x128xi32, #tpu.memory_space<hbm>>
    %dma_start3A_7 = tpu.memref_squeeze %dma_start3A_6 : memref<1x1x128xi32, #tpu.memory_space<hbm>> -> memref<128xi32, #tpu.memory_space<hbm>>
    tpu.enqueue_dma source(%dma_start3A_7 : memref<128xi32, #tpu.memory_space<hbm>>) target(%arg5 : memref<128xi32, #tpu.memory_space<vmem>>) target_semaphore(%arg8 : memref<!tpu.dma_semaphore, #tpu.memory_space<semaphore_mem>>)
    %scan3A = arith.constant 0 : i32
    %scan3A_8 = arith.constant 0 : i32
    %scan3A_9 = arith.constant 40 : i32
    %scan3A_10 = arith.addi %scan3A_8, %scan3A_9 : i32
    %scan3A_11 = arith.constant 1 : i32
    scf.for %scan3A_19 = %scan3A_8 to %scan3A_10 step %scan3A_11  : i32 {
      %mul3A_20 = arith.constant 2 : i32
      %mul3A_21 = arith.muli %mul3A_20, %scan3A_19 : i32
      %add3A_22 = arith.constant 1 : i32
      %add3A_23 = arith.addi %mul3A_21, %add3A_22 : i32
      %mul3A_24 = arith.constant 2 : i32
      %mul3A_25 = arith.muli %mul3A_24, %scan3A_19 : i32
      %add3A_26 = arith.constant 2 : i32
      %add3A_27 = arith.addi %mul3A_25, %add3A_26 : i32
      %min3A = arith.constant 79 : i32
      %min3A_28 = arith.minsi %add3A_27, %min3A : i32
      %dma_start3A_29 = arith.constant 0 : i32
      %dma_start3A_30 = tpu.memref_slice %arg3[%add3A, %add3A_23, %dma_start3A_29] : memref<32x80x128xi32, #tpu.memory_space<hbm>> -> memref<1x1x128xi32, #tpu.memory_space<hbm>>
      %dma_start3A_31 = tpu.memref_squeeze %dma_start3A_30 : memref<1x1x128xi32, #tpu.memory_space<hbm>> -> memref<128xi32, #tpu.memory_space<hbm>>
      %dma_start3A_32 = arith.constant 0 : i32
      %dma_start3A_33 = tpu.memref_slice %arg3[%add3A, %add3A_23, %dma_start3A_32] : memref<32x80x128xi32, #tpu.memory_space<hbm>> -> memref<1x1x128xi32, #tpu.memory_space<hbm>>
      %dma_start3A_34 = tpu.memref_squeeze %dma_start3A_33 : memref<1x1x128xi32, #tpu.memory_space<hbm>> -> memref<128xi32, #tpu.memory_space<hbm>>
      tpu.enqueue_dma source(%dma_start3A_34 : memref<128xi32, #tpu.memory_space<hbm>>) target(%arg6 : memref<128xi32, #tpu.memory_space<vmem>>) target_semaphore(%arg9 : memref<!tpu.dma_semaphore, #tpu.memory_space<semaphore_mem>>)
      %dma_wait3A_35 = arith.constant 0 : i32
      %dma_wait3A_36 = tpu.memref_slice %arg3[%add3A, %add3A_23, %dma_wait3A_35] : memref<32x80x128xi32, #tpu.memory_space<hbm>> -> memref<1x1x128xi32, #tpu.memory_space<hbm>>
      %dma_wait3A_37 = tpu.memref_squeeze %dma_wait3A_36 : memref<1x1x128xi32, #tpu.memory_space<hbm>> -> memref<128xi32, #tpu.memory_space<hbm>>
      %dma_wait3A_38 = arith.constant 0 : i32
      %dma_wait3A_39 = tpu.memref_slice %arg3[%add3A, %add3A_23, %dma_wait3A_38] : memref<32x80x128xi32, #tpu.memory_space<hbm>> -> memref<1x1x128xi32, #tpu.memory_space<hbm>>
      %dma_wait3A_40 = tpu.memref_squeeze %dma_wait3A_39 : memref<1x1x128xi32, #tpu.memory_space<hbm>> -> memref<128xi32, #tpu.memory_space<hbm>>
      tpu.wait_dma2 semaphore(%arg8 : memref<!tpu.dma_semaphore, #tpu.memory_space<semaphore_mem>>) src(%dma_wait3A_40 : memref<128xi32, #tpu.memory_space<hbm>>) dst(%arg5 : memref<128xi32, #tpu.memory_space<vmem>>)
      %get3A = arith.constant 0 : index
      %get3A_41 = tpu.vector_load %arg5[%get3A] {strides = array<i32>} : memref<128xi32, #tpu.memory_space<vmem>>, vector<16xi32>,
      tpu.vector_store_idx %arg7[%get3A_41], %broadcast_in_dim3A_1 {add = true} : memref<10240xf32, #tpu.memory_space<vmem>>[vector<16xi32>], vector<16xf32>,
      %get3A_42 = arith.constant 16 : index
      %get3A_43 = tpu.vector_load %arg5[%get3A_42] {strides = array<i32>} : memref<128xi32, #tpu.memory_space<vmem>>, vector<16xi32>,
      tpu.vector_store_idx %arg7[%get3A_43], %broadcast_in_dim3A_1 {add = true} : memref<10240xf32, #tpu.memory_space<vmem>>[vector<16xi32>], vector<16xf32>,
      %get3A_44 = arith.constant 32 : index
      %get3A_45 = tpu.vector_load %arg5[%get3A_44] {strides = array<i32>} : memref<128xi32, #tpu.memory_space<vmem>>, vector<16xi32>,
      tpu.vector_store_idx %arg7[%get3A_45], %broadcast_in_dim3A_1 {add = true} : memref<10240xf32, #tpu.memory_space<vmem>>[vector<16xi32>], vector<16xf32>,
      %get3A_46 = arith.constant 48 : index
      %get3A_47 = tpu.vector_load %arg5[%get3A_46] {strides = array<i32>} : memref<128xi32, #tpu.memory_space<vmem>>, vector<16xi32>,
      tpu.vector_store_idx %arg7[%get3A_47], %broadcast_in_dim3A_1 {add = true} : memref<10240xf32, #tpu.memory_space<vmem>>[vector<16xi32>], vector<16xf32>,
      %get3A_48 = arith.constant 64 : index
      %get3A_49 = tpu.vector_load %arg5[%get3A_48] {strides = array<i32>} : memref<128xi32, #tpu.memory_space<vmem>>, vector<16xi32>,
      tpu.vector_store_idx %arg7[%get3A_49], %broadcast_in_dim3A_1 {add = true} : memref<10240xf32, #tpu.memory_space<vmem>>[vector<16xi32>], vector<16xf32>,
      %get3A_50 = arith.constant 80 : index
      %get3A_51 = tpu.vector_load %arg5[%get3A_50] {strides = array<i32>} : memref<128xi32, #tpu.memory_space<vmem>>, vector<16xi32>,
      tpu.vector_store_idx %arg7[%get3A_51], %broadcast_in_dim3A_1 {add = true} : memref<10240xf32, #tpu.memory_space<vmem>>[vector<16xi32>], vector<16xf32>,
      %get3A_52 = arith.constant 96 : index
      %get3A_53 = tpu.vector_load %arg5[%get3A_52] {strides = array<i32>} : memref<128xi32, #tpu.memory_space<vmem>>, vector<16xi32>,
      tpu.vector_store_idx %arg7[%get3A_53], %broadcast_in_dim3A_1 {add = true} : memref<10240xf32, #tpu.memory_space<vmem>>[vector<16xi32>], vector<16xf32>,
      %get3A_54 = arith.constant 112 : index
      %get3A_55 = tpu.vector_load %arg5[%get3A_54] {strides = array<i32>} : memref<128xi32, #tpu.memory_space<vmem>>, vector<16xi32>,
      tpu.vector_store_idx %arg7[%get3A_55], %broadcast_in_dim3A_1 {add = true} : memref<10240xf32, #tpu.memory_space<vmem>>[vector<16xi32>], vector<16xf32>,
      %dma_start3A_56 = arith.constant 0 : i32
      %dma_start3A_57 = tpu.memref_slice %arg3[%add3A, %min3A_28, %dma_start3A_56] : memref<32x80x128xi32, #tpu.memory_space<hbm>> -> memref<1x1x128xi32, #tpu.memory_space<hbm>>
      %dma_start3A_58 = tpu.memref_squeeze %dma_start3A_57 : memref<1x1x128xi32, #tpu.memory_space<hbm>> -> memref<128xi32, #tpu.memory_space<hbm>>
      %dma_start3A_59 = arith.constant 0 : i32
      %dma_start3A_60 = tpu.memref_slice %arg3[%add3A, %min3A_28, %dma_start3A_59] : memref<32x80x128xi32, #tpu.memory_space<hbm>> -> memref<1x1x128xi32, #tpu.memory_space<hbm>>
      %dma_start3A_61 = tpu.memref_squeeze %dma_start3A_60 : memref<1x1x128xi32, #tpu.memory_space<hbm>> -> memref<128xi32, #tpu.memory_space<hbm>>
      tpu.enqueue_dma source(%dma_start3A_61 : memref<128xi32, #tpu.memory_space<hbm>>) target(%arg5 : memref<128xi32, #tpu.memory_space<vmem>>) target_semaphore(%arg8 : memref<!tpu.dma_semaphore, #tpu.memory_space<semaphore_mem>>)
      %dma_wait3A_62 = arith.constant 0 : i32
      %dma_wait3A_63 = tpu.memref_slice %arg3[%add3A, %add3A_23, %dma_wait3A_62] : memref<32x80x128xi32, #tpu.memory_space<hbm>> -> memref<1x1x128xi32, #tpu.memory_space<hbm>>
      %dma_wait3A_64 = tpu.memref_squeeze %dma_wait3A_63 : memref<1x1x128xi32, #tpu.memory_space<hbm>> -> memref<128xi32, #tpu.memory_space<hbm>>
      %dma_wait3A_65 = arith.constant 0 : i32
      %dma_wait3A_66 = tpu.memref_slice %arg3[%add3A, %add3A_23, %dma_wait3A_65] : memref<32x80x128xi32, #tpu.memory_space<hbm>> -> memref<1x1x128xi32, #tpu.memory_space<hbm>>
      %dma_wait3A_67 = tpu.memref_squeeze %dma_wait3A_66 : memref<1x1x128xi32, #tpu.memory_space<hbm>> -> memref<128xi32, #tpu.memory_space<hbm>>
      tpu.wait_dma2 semaphore(%arg9 : memref<!tpu.dma_semaphore, #tpu.memory_space<semaphore_mem>>) src(%dma_wait3A_67 : memref<128xi32, #tpu.memory_space<hbm>>) dst(%arg6 : memref<128xi32, #tpu.memory_space<vmem>>)
      %get3A_68 = arith.constant 0 : index
      %get3A_69 = tpu.vector_load %arg6[%get3A_68] {strides = array<i32>} : memref<128xi32, #tpu.memory_space<vmem>>, vector<16xi32>,
      tpu.vector_store_idx %arg7[%get3A_69], %broadcast_in_dim3A_1 {add = true} : memref<10240xf32, #tpu.memory_space<vmem>>[vector<16xi32>], vector<16xf32>,
      %get3A_70 = arith.constant 16 : index
      %get3A_71 = tpu.vector_load %arg6[%get3A_70] {strides = array<i32>} : memref<128xi32, #tpu.memory_space<vmem>>, vector<16xi32>,
      tpu.vector_store_idx %arg7[%get3A_71], %broadcast_in_dim3A_1 {add = true} : memref<10240xf32, #tpu.memory_space<vmem>>[vector<16xi32>], vector<16xf32>,
      %get3A_72 = arith.constant 32 : index
      %get3A_73 = tpu.vector_load %arg6[%get3A_72] {strides = array<i32>} : memref<128xi32, #tpu.memory_space<vmem>>, vector<16xi32>,
      tpu.vector_store_idx %arg7[%get3A_73], %broadcast_in_dim3A_1 {add = true} : memref<10240xf32, #tpu.memory_space<vmem>>[vector<16xi32>], vector<16xf32>,
      %get3A_74 = arith.constant 48 : index
      %get3A_75 = tpu.vector_load %arg6[%get3A_74] {strides = array<i32>} : memref<128xi32, #tpu.memory_space<vmem>>, vector<16xi32>,
      tpu.vector_store_idx %arg7[%get3A_75], %broadcast_in_dim3A_1 {add = true} : memref<10240xf32, #tpu.memory_space<vmem>>[vector<16xi32>], vector<16xf32>,
      %get3A_76 = arith.constant 64 : index
      %get3A_77 = tpu.vector_load %arg6[%get3A_76] {strides = array<i32>} : memref<128xi32, #tpu.memory_space<vmem>>, vector<16xi32>,
      tpu.vector_store_idx %arg7[%get3A_77], %broadcast_in_dim3A_1 {add = true} : memref<10240xf32, #tpu.memory_space<vmem>>[vector<16xi32>], vector<16xf32>,
      %get3A_78 = arith.constant 80 : index
      %get3A_79 = tpu.vector_load %arg6[%get3A_78] {strides = array<i32>} : memref<128xi32, #tpu.memory_space<vmem>>, vector<16xi32>,
      tpu.vector_store_idx %arg7[%get3A_79], %broadcast_in_dim3A_1 {add = true} : memref<10240xf32, #tpu.memory_space<vmem>>[vector<16xi32>], vector<16xf32>,
      %get3A_80 = arith.constant 96 : index
      %get3A_81 = tpu.vector_load %arg6[%get3A_80] {strides = array<i32>} : memref<128xi32, #tpu.memory_space<vmem>>, vector<16xi32>,
      tpu.vector_store_idx %arg7[%get3A_81], %broadcast_in_dim3A_1 {add = true} : memref<10240xf32, #tpu.memory_space<vmem>>[vector<16xi32>], vector<16xf32>,
      %get3A_82 = arith.constant 112 : index
      %get3A_83 = tpu.vector_load %arg6[%get3A_82] {strides = array<i32>} : memref<128xi32, #tpu.memory_space<vmem>>, vector<16xi32>,
      tpu.vector_store_idx %arg7[%get3A_83], %broadcast_in_dim3A_1 {add = true} : memref<10240xf32, #tpu.memory_space<vmem>>[vector<16xi32>], vector<16xf32>,
    }
    %scan3A_12 = arith.constant 40 : i32
    %dma_wait3A = arith.constant 0 : i32
    %dma_wait3A_13 = arith.constant 0 : i32
    %dma_wait3A_14 = tpu.memref_slice %arg3[%add3A, %dma_wait3A, %dma_wait3A_13] : memref<32x80x128xi32, #tpu.memory_space<hbm>> -> memref<1x1x128xi32, #tpu.memory_space<hbm>>
    %dma_wait3A_15 = tpu.memref_squeeze %dma_wait3A_14 : memref<1x1x128xi32, #tpu.memory_space<hbm>> -> memref<128xi32, #tpu.memory_space<hbm>>
    %dma_wait3A_16 = arith.constant 0 : i32
    %dma_wait3A_17 = tpu.memref_slice %arg3[%add3A, %dma_wait3A, %dma_wait3A_16] : memref<32x80x128xi32, #tpu.memory_space<hbm>> -> memref<1x1x128xi32, #tpu.memory_space<hbm>>
    %dma_wait3A_18 = tpu.memref_squeeze %dma_wait3A_17 : memref<1x1x128xi32, #tpu.memory_space<hbm>> -> memref<128xi32, #tpu.memory_space<hbm>>
    tpu.wait_dma2 semaphore(%arg8 : memref<!tpu.dma_semaphore, #tpu.memory_space<semaphore_mem>>) src(%dma_wait3A_18 : memref<128xi32, #tpu.memory_space<hbm>>) dst(%arg5 : memref<128xi32, #tpu.memory_space<vmem>>)
    "tpu.region"() ({
      %run_scoped3A = tpu.sem_alloc : memref<!tpu.dma_semaphore, #tpu.memory_space<semaphore_mem>>
      %dma_start3A_19 = arith.constant 0 : i32
      %dma_start3A_20 = tpu.memref_slice %arg4[%add3A, %dma_start3A_19] : memref<32x10240xf32, #tpu.memory_space<hbm>> -> memref<1x10240xf32, #tpu.memory_space<hbm>>
      %dma_start3A_21 = tpu.memref_squeeze %dma_start3A_20 : memref<1x10240xf32, #tpu.memory_space<hbm>> -> memref<10240xf32, #tpu.memory_space<hbm>>
      %dma_start3A_22 = arith.constant 0 : i32
      %dma_start3A_23 = tpu.memref_slice %arg4[%add3A, %dma_start3A_22] : memref<32x10240xf32, #tpu.memory_space<hbm>> -> memref<1x10240xf32, #tpu.memory_space<hbm>>
      %dma_start3A_24 = tpu.memref_squeeze %dma_start3A_23 : memref<1x10240xf32, #tpu.memory_space<hbm>> -> memref<10240xf32, #tpu.memory_space<hbm>>
      tpu.enqueue_dma source(%arg7 : memref<10240xf32, #tpu.memory_space<vmem>>) target(%dma_start3A_24 : memref<10240xf32, #tpu.memory_space<hbm>>) target_semaphore(%run_scoped3A : memref<!tpu.dma_semaphore, #tpu.memory_space<semaphore_mem>>)
      %dma_wait3A_25 = arith.constant 0 : i32
      %dma_wait3A_26 = tpu.memref_slice %arg4[%add3A, %dma_wait3A_25] : memref<32x10240xf32, #tpu.memory_space<hbm>> -> memref<1x10240xf32, #tpu.memory_space<hbm>>
      %dma_wait3A_27 = tpu.memref_squeeze %dma_wait3A_26 : memref<1x10240xf32, #tpu.memory_space<hbm>> -> memref<10240xf32, #tpu.memory_space<hbm>>
      %dma_wait3A_28 = arith.constant 0 : i32
      %dma_wait3A_29 = tpu.memref_slice %arg4[%add3A, %dma_wait3A_28] : memref<32x10240xf32, #tpu.memory_space<hbm>> -> memref<1x10240xf32, #tpu.memory_space<hbm>>
      %dma_wait3A_30 = tpu.memref_squeeze %dma_wait3A_29 : memref<1x10240xf32, #tpu.memory_space<hbm>> -> memref<10240xf32, #tpu.memory_space<hbm>>
      tpu.wait_dma2 semaphore(%run_scoped3A : memref<!tpu.dma_semaphore, #tpu.memory_space<semaphore_mem>>) src(%arg7 : memref<10240xf32, #tpu.memory_space<vmem>>) dst(%dma_wait3A_30 : memref<10240xf32, #tpu.memory_space<hbm>>)
      tpu.yield
    }) : () -> ()
    return
  }
}

#map = affine_map<(d0, d1) -> (0, 0)>
#map1 = affine_map<(d0, d1) -> (0, 0, 0)>
module attributes {stable_mosaic.version = 14 : i64} {
  func.func @_sc_aggregate(%arg0: i32, %arg1: i32, %arg2: memref<10240x128xf32, #tpu.memory_space<hbm>>, %arg3: memref<10240x128xf32, #tpu.memory_space<hbm>>, %arg4: memref<32x80x128xi32, #tpu.memory_space<hbm>>, %arg5: memref<32x80x128xi32, #tpu.memory_space<hbm>>, %arg6: memref<10240x128xf32, #tpu.memory_space<hbm>>, %arg7: memref<10240x128xf32, #tpu.memory_space<hbm>>, %arg8: memref<80x128xi32, #tpu.memory_space<vmem>>, %arg9: memref<128xi32, #tpu.memory_space<vmem>>, %arg10: memref<128xi32, #tpu.memory_space<vmem>>, %arg11: memref<128x128xf32, #tpu.memory_space<vmem>>, %arg12: memref<128x128xf32, #tpu.memory_space<vmem>>, %arg13: memref<10240x128xf32, #tpu.memory_space<vmem_shared>>, %arg14: memref<!tpu.dma_semaphore, #tpu.memory_space<semaphore_mem>>, %arg15: memref<!tpu.dma_semaphore, #tpu.memory_space<semaphore_mem>>, %arg16: memref<!tpu.dma_semaphore, #tpu.memory_space<semaphore_mem>>, %arg17: memref<!tpu.dma_semaphore, #tpu.memory_space<semaphore_mem>>) attributes {dimension_semantics = [#tpu.dimension_semantics<core_parallel>, #tpu.dimension_semantics<subcore_parallel>], iteration_bounds = array<i64: 2, 16>, scalar_prefetch = 0 : i64, scratch_operands = 10 : i64, tpu.core_type = #tpu.core_type<sc_vector_subcore>, window_params = [{transform_indices = #map}, {transform_indices = #map}, {transform_indices = #map1}, {transform_indices = #map1}, {transform_indices = #map}, {transform_indices = #map}]} {
    %mul3A = arith.constant 16 : i32
    %mul3A_0 = arith.muli %arg0, %mul3A : i32
    %add3A = arith.addi %mul3A_0, %arg1 : i32
    %mul3A_1 = arith.constant 640 : i32
    %mul3A_2 = arith.muli %arg1, %mul3A_1 : i32
    %eq3A = arith.constant 0 : i32
    %eq3A_3 = arith.cmpi eq, %arg0, %eq3A : i32
    %convert_element_type3A = arith.extui %eq3A_3 : i1 to i32
    %cond3A = arith.constant 0 : i32
    %cond3A_4 = arith.cmpi ne, %convert_element_type3A, %cond3A : i32
    scf.if %cond3A_4 {
      "tpu.region"() ({
        %run_scoped3A = tpu.sem_alloc : memref<!tpu.dma_semaphore, #tpu.memory_space<semaphore_mem>>
        %dma_start3A_91 = arith.constant 0 : i32
        %dma_start3A_92 = tpu.memref_slice %arg13[%mul3A_2, %dma_start3A_91] : memref<10240x128xf32, #tpu.memory_space<vmem_shared>> -> memref<640x128xf32, #tpu.memory_space<vmem_shared>>
        %dma_start3A_93 = arith.constant 0 : i32
        %dma_start3A_94 = tpu.memref_slice %arg2[%mul3A_2, %dma_start3A_93] : memref<10240x128xf32, #tpu.memory_space<hbm>> -> memref<640x128xf32, #tpu.memory_space<hbm>>
        tpu.enqueue_dma source(%dma_start3A_94 : memref<640x128xf32, #tpu.memory_space<hbm>>) target(%dma_start3A_92 : memref<640x128xf32, #tpu.memory_space<vmem_shared>>) target_semaphore(%run_scoped3A : memref<!tpu.dma_semaphore, #tpu.memory_space<semaphore_mem>>)
        %dma_wait3A_95 = arith.constant 0 : i32
        %dma_wait3A_96 = tpu.memref_slice %arg13[%mul3A_2, %dma_wait3A_95] : memref<10240x128xf32, #tpu.memory_space<vmem_shared>> -> memref<640x128xf32, #tpu.memory_space<vmem_shared>>
        %dma_wait3A_97 = arith.constant 0 : i32
        %dma_wait3A_98 = tpu.memref_slice %arg2[%mul3A_2, %dma_wait3A_97] : memref<10240x128xf32, #tpu.memory_space<hbm>> -> memref<640x128xf32, #tpu.memory_space<hbm>>
        tpu.wait_dma2 semaphore(%run_scoped3A : memref<!tpu.dma_semaphore, #tpu.memory_space<semaphore_mem>>) src(%dma_wait3A_98 : memref<640x128xf32, #tpu.memory_space<hbm>>) dst(%dma_wait3A_96 : memref<640x128xf32, #tpu.memory_space<vmem_shared>>)
        tpu.yield
      }) : () -> ()
    } else {
    }
    %ne3A = arith.constant 0 : i32
    %ne3A_5 = arith.cmpi ne, %arg0, %ne3A : i32
    %convert_element_type3A_6 = arith.extui %ne3A_5 : i1 to i32
    %cond3A_7 = arith.constant 0 : i32
    %cond3A_8 = arith.cmpi ne, %convert_element_type3A_6, %cond3A_7 : i32
    scf.if %cond3A_8 {
      "tpu.region"() ({
        %run_scoped3A = tpu.sem_alloc : memref<!tpu.dma_semaphore, #tpu.memory_space<semaphore_mem>>
        %dma_start3A_91 = arith.constant 0 : i32
        %dma_start3A_92 = tpu.memref_slice %arg13[%mul3A_2, %dma_start3A_91] : memref<10240x128xf32, #tpu.memory_space<vmem_shared>> -> memref<640x128xf32, #tpu.memory_space<vmem_shared>>
        %dma_start3A_93 = arith.constant 0 : i32
        %dma_start3A_94 = tpu.memref_slice %arg3[%mul3A_2, %dma_start3A_93] : memref<10240x128xf32, #tpu.memory_space<hbm>> -> memref<640x128xf32, #tpu.memory_space<hbm>>
        tpu.enqueue_dma source(%dma_start3A_94 : memref<640x128xf32, #tpu.memory_space<hbm>>) target(%dma_start3A_92 : memref<640x128xf32, #tpu.memory_space<vmem_shared>>) target_semaphore(%run_scoped3A : memref<!tpu.dma_semaphore, #tpu.memory_space<semaphore_mem>>)
        %dma_wait3A_95 = arith.constant 0 : i32
        %dma_wait3A_96 = tpu.memref_slice %arg13[%mul3A_2, %dma_wait3A_95] : memref<10240x128xf32, #tpu.memory_space<vmem_shared>> -> memref<640x128xf32, #tpu.memory_space<vmem_shared>>
        %dma_wait3A_97 = arith.constant 0 : i32
        %dma_wait3A_98 = tpu.memref_slice %arg3[%mul3A_2, %dma_wait3A_97] : memref<10240x128xf32, #tpu.memory_space<hbm>> -> memref<640x128xf32, #tpu.memory_space<hbm>>
        tpu.wait_dma2 semaphore(%run_scoped3A : memref<!tpu.dma_semaphore, #tpu.memory_space<semaphore_mem>>) src(%dma_wait3A_98 : memref<640x128xf32, #tpu.memory_space<hbm>>) dst(%dma_wait3A_96 : memref<640x128xf32, #tpu.memory_space<vmem_shared>>)
        tpu.yield
      }) : () -> ()
    } else {
    }
    "tpu.region"() ({
      %run_scoped3A = tpu.sem_alloc : memref<!tpu.dma_semaphore, #tpu.memory_space<semaphore_mem>>
      %dma_start3A_91 = arith.constant 0 : i32
      %dma_start3A_92 = arith.constant 0 : i32
      %dma_start3A_93 = tpu.memref_slice %arg4[%add3A, %dma_start3A_91, %dma_start3A_92] : memref<32x80x128xi32, #tpu.memory_space<hbm>> -> memref<1x80x128xi32, #tpu.memory_space<hbm>>
      %dma_start3A_94 = tpu.memref_squeeze %dma_start3A_93 : memref<1x80x128xi32, #tpu.memory_space<hbm>> -> memref<80x128xi32, #tpu.memory_space<hbm>>
      %dma_start3A_95 = arith.constant 0 : i32
      %dma_start3A_96 = arith.constant 0 : i32
      %dma_start3A_97 = tpu.memref_slice %arg4[%add3A, %dma_start3A_95, %dma_start3A_96] : memref<32x80x128xi32, #tpu.memory_space<hbm>> -> memref<1x80x128xi32, #tpu.memory_space<hbm>>
      %dma_start3A_98 = tpu.memref_squeeze %dma_start3A_97 : memref<1x80x128xi32, #tpu.memory_space<hbm>> -> memref<80x128xi32, #tpu.memory_space<hbm>>
      tpu.enqueue_dma source(%dma_start3A_98 : memref<80x128xi32, #tpu.memory_space<hbm>>) target(%arg8 : memref<80x128xi32, #tpu.memory_space<vmem>>) target_semaphore(%run_scoped3A : memref<!tpu.dma_semaphore, #tpu.memory_space<semaphore_mem>>)
      %dma_wait3A_99 = arith.constant 0 : i32
      %dma_wait3A_100 = arith.constant 0 : i32
      %dma_wait3A_101 = tpu.memref_slice %arg4[%add3A, %dma_wait3A_99, %dma_wait3A_100] : memref<32x80x128xi32, #tpu.memory_space<hbm>> -> memref<1x80x128xi32, #tpu.memory_space<hbm>>
      %dma_wait3A_102 = tpu.memref_squeeze %dma_wait3A_101 : memref<1x80x128xi32, #tpu.memory_space<hbm>> -> memref<80x128xi32, #tpu.memory_space<hbm>>
      %dma_wait3A_103 = arith.constant 0 : i32
      %dma_wait3A_104 = arith.constant 0 : i32
      %dma_wait3A_105 = tpu.memref_slice %arg4[%add3A, %dma_wait3A_103, %dma_wait3A_104] : memref<32x80x128xi32, #tpu.memory_space<hbm>> -> memref<1x80x128xi32, #tpu.memory_space<hbm>>
      %dma_wait3A_106 = tpu.memref_squeeze %dma_wait3A_105 : memref<1x80x128xi32, #tpu.memory_space<hbm>> -> memref<80x128xi32, #tpu.memory_space<hbm>>
      tpu.wait_dma2 semaphore(%run_scoped3A : memref<!tpu.dma_semaphore, #tpu.memory_space<semaphore_mem>>) src(%dma_wait3A_106 : memref<80x128xi32, #tpu.memory_space<hbm>>) dst(%arg8 : memref<80x128xi32, #tpu.memory_space<vmem>>)
      tpu.yield
    }) : () -> ()
    %barrier3A = arith.constant 0 : index
    tpu.barrier barrier_id(%barrier3A)
    %dma_start3A = arith.constant 0 : i32
    %dma_start3A_9 = arith.constant 0 : i32
    %dma_start3A_10 = tpu.memref_slice %arg5[%add3A, %dma_start3A, %dma_start3A_9] : memref<32x80x128xi32, #tpu.memory_space<hbm>> -> memref<1x1x128xi32, #tpu.memory_space<hbm>>
    %dma_start3A_11 = tpu.memref_squeeze %dma_start3A_10 : memref<1x1x128xi32, #tpu.memory_space<hbm>> -> memref<128xi32, #tpu.memory_space<hbm>>
    %dma_start3A_12 = arith.constant 0 : i32
    %dma_start3A_13 = tpu.memref_slice %arg5[%add3A, %dma_start3A, %dma_start3A_12] : memref<32x80x128xi32, #tpu.memory_space<hbm>> -> memref<1x1x128xi32, #tpu.memory_space<hbm>>
    %dma_start3A_14 = tpu.memref_squeeze %dma_start3A_13 : memref<1x1x128xi32, #tpu.memory_space<hbm>> -> memref<128xi32, #tpu.memory_space<hbm>>
    tpu.enqueue_dma source(%dma_start3A_14 : memref<128xi32, #tpu.memory_space<hbm>>) target(%arg9 : memref<128xi32, #tpu.memory_space<vmem>>) target_semaphore(%arg14 : memref<!tpu.dma_semaphore, #tpu.memory_space<semaphore_mem>>)
    %dma_start3A_15 = arith.constant 0 : i32
    %dma_start3A_16 = arith.constant 0 : i32
    %dma_start3A_17 = tpu.memref_slice %arg8[%dma_start3A_15, %dma_start3A_16] : memref<80x128xi32, #tpu.memory_space<vmem>> -> memref<1x128xi32, #tpu.memory_space<vmem>>
    %dma_start3A_18 = tpu.memref_squeeze %dma_start3A_17 : memref<1x128xi32, #tpu.memory_space<vmem>> -> memref<128xi32, #tpu.memory_space<vmem>>
    %dma_start3A_19 = arith.constant 0 : i32
    %dma_start3A_20 = arith.constant 0 : i32
    %dma_start3A_21 = tpu.memref_slice %arg2[%dma_start3A_19, %dma_start3A_20] : memref<10240x128xf32, #tpu.memory_space<hbm>> -> memref<10240x128xf32, #tpu.memory_space<hbm>>
    tpu.enqueue_indirect_dma source(%dma_start3A_21 : memref<10240x128xf32, #tpu.memory_space<hbm>>) target(%arg11 : memref<128x128xf32, #tpu.memory_space<vmem>>) offsets(%dma_start3A_18 : memref<128xi32, #tpu.memory_space<vmem>>) semaphore(%arg14 : memref<!tpu.dma_semaphore, #tpu.memory_space<semaphore_mem>>)
    %dma_start3A_22 = arith.constant 1 : i32
    %dma_start3A_23 = arith.constant 0 : i32
    %dma_start3A_24 = tpu.memref_slice %arg5[%add3A, %dma_start3A_22, %dma_start3A_23] : memref<32x80x128xi32, #tpu.memory_space<hbm>> -> memref<1x1x128xi32, #tpu.memory_space<hbm>>
    %dma_start3A_25 = tpu.memref_squeeze %dma_start3A_24 : memref<1x1x128xi32, #tpu.memory_space<hbm>> -> memref<128xi32, #tpu.memory_space<hbm>>
    %dma_start3A_26 = arith.constant 0 : i32
    %dma_start3A_27 = tpu.memref_slice %arg5[%add3A, %dma_start3A_22, %dma_start3A_26] : memref<32x80x128xi32, #tpu.memory_space<hbm>> -> memref<1x1x128xi32, #tpu.memory_space<hbm>>
    %dma_start3A_28 = tpu.memref_squeeze %dma_start3A_27 : memref<1x1x128xi32, #tpu.memory_space<hbm>> -> memref<128xi32, #tpu.memory_space<hbm>>
    tpu.enqueue_dma source(%dma_start3A_28 : memref<128xi32, #tpu.memory_space<hbm>>) target(%arg10 : memref<128xi32, #tpu.memory_space<vmem>>) target_semaphore(%arg15 : memref<!tpu.dma_semaphore, #tpu.memory_space<semaphore_mem>>)
    %dma_start3A_29 = arith.constant 1 : i32
    %dma_start3A_30 = arith.constant 0 : i32
    %dma_start3A_31 = tpu.memref_slice %arg8[%dma_start3A_29, %dma_start3A_30] : memref<80x128xi32, #tpu.memory_space<vmem>> -> memref<1x128xi32, #tpu.memory_space<vmem>>
    %dma_start3A_32 = tpu.memref_squeeze %dma_start3A_31 : memref<1x128xi32, #tpu.memory_space<vmem>> -> memref<128xi32, #tpu.memory_space<vmem>>
    %dma_start3A_33 = arith.constant 0 : i32
    %dma_start3A_34 = arith.constant 0 : i32
    %dma_start3A_35 = tpu.memref_slice %arg2[%dma_start3A_33, %dma_start3A_34] : memref<10240x128xf32, #tpu.memory_space<hbm>> -> memref<10240x128xf32, #tpu.memory_space<hbm>>
    tpu.enqueue_indirect_dma source(%dma_start3A_35 : memref<10240x128xf32, #tpu.memory_space<hbm>>) target(%arg12 : memref<128x128xf32, #tpu.memory_space<vmem>>) offsets(%dma_start3A_32 : memref<128xi32, #tpu.memory_space<vmem>>) semaphore(%arg15 : memref<!tpu.dma_semaphore, #tpu.memory_space<semaphore_mem>>)
    %scan3A = arith.constant 0 : i32
    %scan3A_36 = arith.constant 0 : i32
    %scan3A_37 = arith.constant 39 : i32
    %scan3A_38 = arith.addi %scan3A_36, %scan3A_37 : i32
    %scan3A_39 = arith.constant 1 : i32
    scf.for %scan3A_91 = %scan3A_36 to %scan3A_38 step %scan3A_39  : i32 {
      %mul3A_92 = arith.constant 2 : i32
      %mul3A_93 = arith.muli %mul3A_92, %scan3A_91 : i32
      %add3A_94 = arith.constant 0 : i32
      %add3A_95 = arith.addi %mul3A_93, %add3A_94 : i32
      %dma_wait3A_96 = arith.constant 0 : i32
      %dma_wait3A_97 = tpu.memref_slice %arg5[%add3A, %add3A_95, %dma_wait3A_96] : memref<32x80x128xi32, #tpu.memory_space<hbm>> -> memref<1x1x128xi32, #tpu.memory_space<hbm>>
      %dma_wait3A_98 = tpu.memref_squeeze %dma_wait3A_97 : memref<1x1x128xi32, #tpu.memory_space<hbm>> -> memref<128xi32, #tpu.memory_space<hbm>>
      %dma_wait3A_99 = arith.constant 0 : i32
      %dma_wait3A_100 = tpu.memref_slice %arg5[%add3A, %add3A_95, %dma_wait3A_99] : memref<32x80x128xi32, #tpu.memory_space<hbm>> -> memref<1x1x128xi32, #tpu.memory_space<hbm>>
      %dma_wait3A_101 = tpu.memref_squeeze %dma_wait3A_100 : memref<1x1x128xi32, #tpu.memory_space<hbm>> -> memref<128xi32, #tpu.memory_space<hbm>>
      tpu.wait_dma2 semaphore(%arg14 : memref<!tpu.dma_semaphore, #tpu.memory_space<semaphore_mem>>) src(%dma_wait3A_101 : memref<128xi32, #tpu.memory_space<hbm>>) dst(%arg9 : memref<128xi32, #tpu.memory_space<vmem>>)
      %dma_wait3A_102 = arith.constant 0 : i32
      %dma_wait3A_103 = tpu.memref_slice %arg8[%add3A_95, %dma_wait3A_102] : memref<80x128xi32, #tpu.memory_space<vmem>> -> memref<1x128xi32, #tpu.memory_space<vmem>>
      %dma_wait3A_104 = tpu.memref_squeeze %dma_wait3A_103 : memref<1x128xi32, #tpu.memory_space<vmem>> -> memref<128xi32, #tpu.memory_space<vmem>>
      %dma_wait3A_105 = arith.constant 0 : i32
      %dma_wait3A_106 = arith.constant 0 : i32
      %dma_wait3A_107 = tpu.memref_slice %arg2[%dma_wait3A_105, %dma_wait3A_106] : memref<10240x128xf32, #tpu.memory_space<hbm>> -> memref<10240x128xf32, #tpu.memory_space<hbm>>
      tpu.wait_indirect_dma semaphore(%arg14 : memref<!tpu.dma_semaphore, #tpu.memory_space<semaphore_mem>>) src(%dma_wait3A_107 : memref<10240x128xf32, #tpu.memory_space<hbm>>) dst(%arg11 : memref<128x128xf32, #tpu.memory_space<vmem>>)
      %dma_start3A_108 = arith.constant 0 : i32
      %dma_start3A_109 = arith.constant 0 : i32
      %dma_start3A_110 = tpu.memref_slice %arg13[%dma_start3A_108, %dma_start3A_109] : memref<10240x128xf32, #tpu.memory_space<vmem_shared>> -> memref<10240x128xf32, #tpu.memory_space<vmem_shared>>
      tpu.enqueue_indirect_dma source(%arg11 : memref<128x128xf32, #tpu.memory_space<vmem>>) target(%dma_start3A_110 : memref<10240x128xf32, #tpu.memory_space<vmem_shared>>) offsets(%arg9 : memref<128xi32, #tpu.memory_space<vmem>>) semaphore(%arg16 : memref<!tpu.dma_semaphore, #tpu.memory_space<semaphore_mem>>) {add = true}
      %add3A_111 = arith.constant 1 : i32
      %add3A_112 = arith.addi %mul3A_93, %add3A_111 : i32
      %dma_wait3A_113 = arith.constant 0 : i32
      %dma_wait3A_114 = tpu.memref_slice %arg5[%add3A, %add3A_112, %dma_wait3A_113] : memref<32x80x128xi32, #tpu.memory_space<hbm>> -> memref<1x1x128xi32, #tpu.memory_space<hbm>>
      %dma_wait3A_115 = tpu.memref_squeeze %dma_wait3A_114 : memref<1x1x128xi32, #tpu.memory_space<hbm>> -> memref<128xi32, #tpu.memory_space<hbm>>
      %dma_wait3A_116 = arith.constant 0 : i32
      %dma_wait3A_117 = tpu.memref_slice %arg5[%add3A, %add3A_112, %dma_wait3A_116] : memref<32x80x128xi32, #tpu.memory_space<hbm>> -> memref<1x1x128xi32, #tpu.memory_space<hbm>>
      %dma_wait3A_118 = tpu.memref_squeeze %dma_wait3A_117 : memref<1x1x128xi32, #tpu.memory_space<hbm>> -> memref<128xi32, #tpu.memory_space<hbm>>
      tpu.wait_dma2 semaphore(%arg15 : memref<!tpu.dma_semaphore, #tpu.memory_space<semaphore_mem>>) src(%dma_wait3A_118 : memref<128xi32, #tpu.memory_space<hbm>>) dst(%arg10 : memref<128xi32, #tpu.memory_space<vmem>>)
      %dma_wait3A_119 = arith.constant 0 : i32
      %dma_wait3A_120 = tpu.memref_slice %arg8[%add3A_112, %dma_wait3A_119] : memref<80x128xi32, #tpu.memory_space<vmem>> -> memref<1x128xi32, #tpu.memory_space<vmem>>
      %dma_wait3A_121 = tpu.memref_squeeze %dma_wait3A_120 : memref<1x128xi32, #tpu.memory_space<vmem>> -> memref<128xi32, #tpu.memory_space<vmem>>
      %dma_wait3A_122 = arith.constant 0 : i32
      %dma_wait3A_123 = arith.constant 0 : i32
      %dma_wait3A_124 = tpu.memref_slice %arg2[%dma_wait3A_122, %dma_wait3A_123] : memref<10240x128xf32, #tpu.memory_space<hbm>> -> memref<10240x128xf32, #tpu.memory_space<hbm>>
      tpu.wait_indirect_dma semaphore(%arg15 : memref<!tpu.dma_semaphore, #tpu.memory_space<semaphore_mem>>) src(%dma_wait3A_124 : memref<10240x128xf32, #tpu.memory_space<hbm>>) dst(%arg12 : memref<128x128xf32, #tpu.memory_space<vmem>>)
      %dma_start3A_125 = arith.constant 0 : i32
      %dma_start3A_126 = arith.constant 0 : i32
      %dma_start3A_127 = tpu.memref_slice %arg13[%dma_start3A_125, %dma_start3A_126] : memref<10240x128xf32, #tpu.memory_space<vmem_shared>> -> memref<10240x128xf32, #tpu.memory_space<vmem_shared>>
      tpu.enqueue_indirect_dma source(%arg12 : memref<128x128xf32, #tpu.memory_space<vmem>>) target(%dma_start3A_127 : memref<10240x128xf32, #tpu.memory_space<vmem_shared>>) offsets(%arg10 : memref<128xi32, #tpu.memory_space<vmem>>) semaphore(%arg17 : memref<!tpu.dma_semaphore, #tpu.memory_space<semaphore_mem>>) {add = true}
      %dma_wait3A_128 = arith.constant 0 : i32
      %dma_wait3A_129 = arith.constant 0 : i32
      %dma_wait3A_130 = tpu.memref_slice %arg13[%dma_wait3A_128, %dma_wait3A_129] : memref<10240x128xf32, #tpu.memory_space<vmem_shared>> -> memref<10240x128xf32, #tpu.memory_space<vmem_shared>>
      tpu.wait_indirect_dma semaphore(%arg16 : memref<!tpu.dma_semaphore, #tpu.memory_space<semaphore_mem>>) src(%arg11 : memref<128x128xf32, #tpu.memory_space<vmem>>) dst(%dma_wait3A_130 : memref<10240x128xf32, #tpu.memory_space<vmem_shared>>)
      %add3A_131 = arith.constant 2 : i32
      %add3A_132 = arith.addi %mul3A_93, %add3A_131 : i32
      %add3A_133 = arith.constant 0 : i32
      %add3A_134 = arith.addi %add3A_132, %add3A_133 : i32
      %dma_start3A_135 = arith.constant 0 : i32
      %dma_start3A_136 = tpu.memref_slice %arg5[%add3A, %add3A_134, %dma_start3A_135] : memref<32x80x128xi32, #tpu.memory_space<hbm>> -> memref<1x1x128xi32, #tpu.memory_space<hbm>>
      %dma_start3A_137 = tpu.memref_squeeze %dma_start3A_136 : memref<1x1x128xi32, #tpu.memory_space<hbm>> -> memref<128xi32, #tpu.memory_space<hbm>>
      %dma_start3A_138 = arith.constant 0 : i32
      %dma_start3A_139 = tpu.memref_slice %arg5[%add3A, %add3A_134, %dma_start3A_138] : memref<32x80x128xi32, #tpu.memory_space<hbm>> -> memref<1x1x128xi32, #tpu.memory_space<hbm>>
      %dma_start3A_140 = tpu.memref_squeeze %dma_start3A_139 : memref<1x1x128xi32, #tpu.memory_space<hbm>> -> memref<128xi32, #tpu.memory_space<hbm>>
      tpu.enqueue_dma source(%dma_start3A_140 : memref<128xi32, #tpu.memory_space<hbm>>) target(%arg9 : memref<128xi32, #tpu.memory_space<vmem>>) target_semaphore(%arg14 : memref<!tpu.dma_semaphore, #tpu.memory_space<semaphore_mem>>)
      %dma_start3A_141 = arith.constant 0 : i32
      %dma_start3A_142 = tpu.memref_slice %arg8[%add3A_134, %dma_start3A_141] : memref<80x128xi32, #tpu.memory_space<vmem>> -> memref<1x128xi32, #tpu.memory_space<vmem>>
      %dma_start3A_143 = tpu.memref_squeeze %dma_start3A_142 : memref<1x128xi32, #tpu.memory_space<vmem>> -> memref<128xi32, #tpu.memory_space<vmem>>
      %dma_start3A_144 = arith.constant 0 : i32
      %dma_start3A_145 = arith.constant 0 : i32
      %dma_start3A_146 = tpu.memref_slice %arg2[%dma_start3A_144, %dma_start3A_145] : memref<10240x128xf32, #tpu.memory_space<hbm>> -> memref<10240x128xf32, #tpu.memory_space<hbm>>
      tpu.enqueue_indirect_dma source(%dma_start3A_146 : memref<10240x128xf32, #tpu.memory_space<hbm>>) target(%arg11 : memref<128x128xf32, #tpu.memory_space<vmem>>) offsets(%dma_start3A_143 : memref<128xi32, #tpu.memory_space<vmem>>) semaphore(%arg14 : memref<!tpu.dma_semaphore, #tpu.memory_space<semaphore_mem>>)
      %dma_wait3A_147 = arith.constant 0 : i32
      %dma_wait3A_148 = arith.constant 0 : i32
      %dma_wait3A_149 = tpu.memref_slice %arg13[%dma_wait3A_147, %dma_wait3A_148] : memref<10240x128xf32, #tpu.memory_space<vmem_shared>> -> memref<10240x128xf32, #tpu.memory_space<vmem_shared>>
      tpu.wait_indirect_dma semaphore(%arg17 : memref<!tpu.dma_semaphore, #tpu.memory_space<semaphore_mem>>) src(%arg12 : memref<128x128xf32, #tpu.memory_space<vmem>>) dst(%dma_wait3A_149 : memref<10240x128xf32, #tpu.memory_space<vmem_shared>>)
      %add3A_150 = arith.constant 2 : i32
      %add3A_151 = arith.addi %mul3A_93, %add3A_150 : i32
      %add3A_152 = arith.constant 1 : i32
      %add3A_153 = arith.addi %add3A_151, %add3A_152 : i32
      %dma_start3A_154 = arith.constant 0 : i32
      %dma_start3A_155 = tpu.memref_slice %arg5[%add3A, %add3A_153, %dma_start3A_154] : memref<32x80x128xi32, #tpu.memory_space<hbm>> -> memref<1x1x128xi32, #tpu.memory_space<hbm>>
      %dma_start3A_156 = tpu.memref_squeeze %dma_start3A_155 : memref<1x1x128xi32, #tpu.memory_space<hbm>> -> memref<128xi32, #tpu.memory_space<hbm>>
      %dma_start3A_157 = arith.constant 0 : i32
      %dma_start3A_158 = tpu.memref_slice %arg5[%add3A, %add3A_153, %dma_start3A_157] : memref<32x80x128xi32, #tpu.memory_space<hbm>> -> memref<1x1x128xi32, #tpu.memory_space<hbm>>
      %dma_start3A_159 = tpu.memref_squeeze %dma_start3A_158 : memref<1x1x128xi32, #tpu.memory_space<hbm>> -> memref<128xi32, #tpu.memory_space<hbm>>
      tpu.enqueue_dma source(%dma_start3A_159 : memref<128xi32, #tpu.memory_space<hbm>>) target(%arg10 : memref<128xi32, #tpu.memory_space<vmem>>) target_semaphore(%arg15 : memref<!tpu.dma_semaphore, #tpu.memory_space<semaphore_mem>>)
      %dma_start3A_160 = arith.constant 0 : i32
      %dma_start3A_161 = tpu.memref_slice %arg8[%add3A_153, %dma_start3A_160] : memref<80x128xi32, #tpu.memory_space<vmem>> -> memref<1x128xi32, #tpu.memory_space<vmem>>
      %dma_start3A_162 = tpu.memref_squeeze %dma_start3A_161 : memref<1x128xi32, #tpu.memory_space<vmem>> -> memref<128xi32, #tpu.memory_space<vmem>>
      %dma_start3A_163 = arith.constant 0 : i32
      %dma_start3A_164 = arith.constant 0 : i32
      %dma_start3A_165 = tpu.memref_slice %arg2[%dma_start3A_163, %dma_start3A_164] : memref<10240x128xf32, #tpu.memory_space<hbm>> -> memref<10240x128xf32, #tpu.memory_space<hbm>>
      tpu.enqueue_indirect_dma source(%dma_start3A_165 : memref<10240x128xf32, #tpu.memory_space<hbm>>) target(%arg12 : memref<128x128xf32, #tpu.memory_space<vmem>>) offsets(%dma_start3A_162 : memref<128xi32, #tpu.memory_space<vmem>>) semaphore(%arg15 : memref<!tpu.dma_semaphore, #tpu.memory_space<semaphore_mem>>)
    }
    %scan3A_40 = arith.constant 39 : i32
    %dma_wait3A = arith.constant 78 : i32
    %dma_wait3A_41 = arith.constant 0 : i32
    %dma_wait3A_42 = tpu.memref_slice %arg5[%add3A, %dma_wait3A, %dma_wait3A_41] : memref<32x80x128xi32, #tpu.memory_space<hbm>> -> memref<1x1x128xi32, #tpu.memory_space<hbm>>
    %dma_wait3A_43 = tpu.memref_squeeze %dma_wait3A_42 : memref<1x1x128xi32, #tpu.memory_space<hbm>> -> memref<128xi32, #tpu.memory_space<hbm>>
    %dma_wait3A_44 = arith.constant 0 : i32
    %dma_wait3A_45 = tpu.memref_slice %arg5[%add3A, %dma_wait3A, %dma_wait3A_44] : memref<32x80x128xi32, #tpu.memory_space<hbm>> -> memref<1x1x128xi32, #tpu.memory_space<hbm>>
    %dma_wait3A_46 = tpu.memref_squeeze %dma_wait3A_45 : memref<1x1x128xi32, #tpu.memory_space<hbm>> -> memref<128xi32, #tpu.memory_space<hbm>>
    tpu.wait_dma2 semaphore(%arg14 : memref<!tpu.dma_semaphore, #tpu.memory_space<semaphore_mem>>) src(%dma_wait3A_46 : memref<128xi32, #tpu.memory_space<hbm>>) dst(%arg9 : memref<128xi32, #tpu.memory_space<vmem>>)
    %dma_wait3A_47 = arith.constant 78 : i32
    %dma_wait3A_48 = arith.constant 0 : i32
    %dma_wait3A_49 = tpu.memref_slice %arg8[%dma_wait3A_47, %dma_wait3A_48] : memref<80x128xi32, #tpu.memory_space<vmem>> -> memref<1x128xi32, #tpu.memory_space<vmem>>
    %dma_wait3A_50 = tpu.memref_squeeze %dma_wait3A_49 : memref<1x128xi32, #tpu.memory_space<vmem>> -> memref<128xi32, #tpu.memory_space<vmem>>
    %dma_wait3A_51 = arith.constant 0 : i32
    %dma_wait3A_52 = arith.constant 0 : i32
    %dma_wait3A_53 = tpu.memref_slice %arg2[%dma_wait3A_51, %dma_wait3A_52] : memref<10240x128xf32, #tpu.memory_space<hbm>> -> memref<10240x128xf32, #tpu.memory_space<hbm>>
    tpu.wait_indirect_dma semaphore(%arg14 : memref<!tpu.dma_semaphore, #tpu.memory_space<semaphore_mem>>) src(%dma_wait3A_53 : memref<10240x128xf32, #tpu.memory_space<hbm>>) dst(%arg11 : memref<128x128xf32, #tpu.memory_space<vmem>>)
    %dma_start3A_54 = arith.constant 0 : i32
    %dma_start3A_55 = arith.constant 0 : i32
    %dma_start3A_56 = tpu.memref_slice %arg13[%dma_start3A_54, %dma_start3A_55] : memref<10240x128xf32, #tpu.memory_space<vmem_shared>> -> memref<10240x128xf32, #tpu.memory_space<vmem_shared>>
    tpu.enqueue_indirect_dma source(%arg11 : memref<128x128xf32, #tpu.memory_space<vmem>>) target(%dma_start3A_56 : memref<10240x128xf32, #tpu.memory_space<vmem_shared>>) offsets(%arg9 : memref<128xi32, #tpu.memory_space<vmem>>) semaphore(%arg16 : memref<!tpu.dma_semaphore, #tpu.memory_space<semaphore_mem>>) {add = true}
    %dma_wait3A_57 = arith.constant 79 : i32
    %dma_wait3A_58 = arith.constant 0 : i32
    %dma_wait3A_59 = tpu.memref_slice %arg5[%add3A, %dma_wait3A_57, %dma_wait3A_58] : memref<32x80x128xi32, #tpu.memory_space<hbm>> -> memref<1x1x128xi32, #tpu.memory_space<hbm>>
    %dma_wait3A_60 = tpu.memref_squeeze %dma_wait3A_59 : memref<1x1x128xi32, #tpu.memory_space<hbm>> -> memref<128xi32, #tpu.memory_space<hbm>>
    %dma_wait3A_61 = arith.constant 0 : i32
    %dma_wait3A_62 = tpu.memref_slice %arg5[%add3A, %dma_wait3A_57, %dma_wait3A_61] : memref<32x80x128xi32, #tpu.memory_space<hbm>> -> memref<1x1x128xi32, #tpu.memory_space<hbm>>
    %dma_wait3A_63 = tpu.memref_squeeze %dma_wait3A_62 : memref<1x1x128xi32, #tpu.memory_space<hbm>> -> memref<128xi32, #tpu.memory_space<hbm>>
    tpu.wait_dma2 semaphore(%arg15 : memref<!tpu.dma_semaphore, #tpu.memory_space<semaphore_mem>>) src(%dma_wait3A_63 : memref<128xi32, #tpu.memory_space<hbm>>) dst(%arg10 : memref<128xi32, #tpu.memory_space<vmem>>)
    %dma_wait3A_64 = arith.constant 79 : i32
    %dma_wait3A_65 = arith.constant 0 : i32
    %dma_wait3A_66 = tpu.memref_slice %arg8[%dma_wait3A_64, %dma_wait3A_65] : memref<80x128xi32, #tpu.memory_space<vmem>> -> memref<1x128xi32, #tpu.memory_space<vmem>>
    %dma_wait3A_67 = tpu.memref_squeeze %dma_wait3A_66 : memref<1x128xi32, #tpu.memory_space<vmem>> -> memref<128xi32, #tpu.memory_space<vmem>>
    %dma_wait3A_68 = arith.constant 0 : i32
    %dma_wait3A_69 = arith.constant 0 : i32
    %dma_wait3A_70 = tpu.memref_slice %arg2[%dma_wait3A_68, %dma_wait3A_69] : memref<10240x128xf32, #tpu.memory_space<hbm>> -> memref<10240x128xf32, #tpu.memory_space<hbm>>
    tpu.wait_indirect_dma semaphore(%arg15 : memref<!tpu.dma_semaphore, #tpu.memory_space<semaphore_mem>>) src(%dma_wait3A_70 : memref<10240x128xf32, #tpu.memory_space<hbm>>) dst(%arg12 : memref<128x128xf32, #tpu.memory_space<vmem>>)
    %dma_start3A_71 = arith.constant 0 : i32
    %dma_start3A_72 = arith.constant 0 : i32
    %dma_start3A_73 = tpu.memref_slice %arg13[%dma_start3A_71, %dma_start3A_72] : memref<10240x128xf32, #tpu.memory_space<vmem_shared>> -> memref<10240x128xf32, #tpu.memory_space<vmem_shared>>
    tpu.enqueue_indirect_dma source(%arg12 : memref<128x128xf32, #tpu.memory_space<vmem>>) target(%dma_start3A_73 : memref<10240x128xf32, #tpu.memory_space<vmem_shared>>) offsets(%arg10 : memref<128xi32, #tpu.memory_space<vmem>>) semaphore(%arg17 : memref<!tpu.dma_semaphore, #tpu.memory_space<semaphore_mem>>) {add = true}
    %dma_wait3A_74 = arith.constant 0 : i32
    %dma_wait3A_75 = arith.constant 0 : i32
    %dma_wait3A_76 = tpu.memref_slice %arg13[%dma_wait3A_74, %dma_wait3A_75] : memref<10240x128xf32, #tpu.memory_space<vmem_shared>> -> memref<10240x128xf32, #tpu.memory_space<vmem_shared>>
    tpu.wait_indirect_dma semaphore(%arg16 : memref<!tpu.dma_semaphore, #tpu.memory_space<semaphore_mem>>) src(%arg11 : memref<128x128xf32, #tpu.memory_space<vmem>>) dst(%dma_wait3A_76 : memref<10240x128xf32, #tpu.memory_space<vmem_shared>>)
    %dma_wait3A_77 = arith.constant 0 : i32
    %dma_wait3A_78 = arith.constant 0 : i32
    %dma_wait3A_79 = tpu.memref_slice %arg13[%dma_wait3A_77, %dma_wait3A_78] : memref<10240x128xf32, #tpu.memory_space<vmem_shared>> -> memref<10240x128xf32, #tpu.memory_space<vmem_shared>>
    tpu.wait_indirect_dma semaphore(%arg17 : memref<!tpu.dma_semaphore, #tpu.memory_space<semaphore_mem>>) src(%arg12 : memref<128x128xf32, #tpu.memory_space<vmem>>) dst(%dma_wait3A_79 : memref<10240x128xf32, #tpu.memory_space<vmem_shared>>)
    %barrier3A_80 = arith.constant 0 : index
    tpu.barrier barrier_id(%barrier3A_80)
    %eq3A_81 = arith.constant 0 : i32
    %eq3A_82 = arith.cmpi eq, %arg0, %eq3A_81 : i32
    %convert_element_type3A_83 = arith.extui %eq3A_82 : i1 to i32
    %cond3A_84 = arith.constant 0 : i32
    %cond3A_85 = arith.cmpi ne, %convert_element_type3A_83, %cond3A_84 : i32
    scf.if %cond3A_85 {
      "tpu.region"() ({
        %run_scoped3A = tpu.sem_alloc : memref<!tpu.dma_semaphore, #tpu.memory_space<semaphore_mem>>
        %dma_start3A_91 = arith.constant 0 : i32
        %dma_start3A_92 = tpu.memref_slice %arg6[%mul3A_2, %dma_start3A_91] : memref<10240x128xf32, #tpu.memory_space<hbm>> -> memref<640x128xf32, #tpu.memory_space<hbm>>
        %dma_start3A_93 = arith.constant 0 : i32
        %dma_start3A_94 = tpu.memref_slice %arg13[%mul3A_2, %dma_start3A_93] : memref<10240x128xf32, #tpu.memory_space<vmem_shared>> -> memref<640x128xf32, #tpu.memory_space<vmem_shared>>
        tpu.enqueue_dma source(%dma_start3A_94 : memref<640x128xf32, #tpu.memory_space<vmem_shared>>) target(%dma_start3A_92 : memref<640x128xf32, #tpu.memory_space<hbm>>) target_semaphore(%run_scoped3A : memref<!tpu.dma_semaphore, #tpu.memory_space<semaphore_mem>>)
        %dma_wait3A_95 = arith.constant 0 : i32
        %dma_wait3A_96 = tpu.memref_slice %arg6[%mul3A_2, %dma_wait3A_95] : memref<10240x128xf32, #tpu.memory_space<hbm>> -> memref<640x128xf32, #tpu.memory_space<hbm>>
        %dma_wait3A_97 = arith.constant 0 : i32
        %dma_wait3A_98 = tpu.memref_slice %arg13[%mul3A_2, %dma_wait3A_97] : memref<10240x128xf32, #tpu.memory_space<vmem_shared>> -> memref<640x128xf32, #tpu.memory_space<vmem_shared>>
        tpu.wait_dma2 semaphore(%run_scoped3A : memref<!tpu.dma_semaphore, #tpu.memory_space<semaphore_mem>>) src(%dma_wait3A_98 : memref<640x128xf32, #tpu.memory_space<vmem_shared>>) dst(%dma_wait3A_96 : memref<640x128xf32, #tpu.memory_space<hbm>>)
        tpu.yield
      }) : () -> ()
    } else {
    }
    %ne3A_86 = arith.constant 0 : i32
    %ne3A_87 = arith.cmpi ne, %arg0, %ne3A_86 : i32
    %convert_element_type3A_88 = arith.extui %ne3A_87 : i1 to i32
    %cond3A_89 = arith.constant 0 : i32
    %cond3A_90 = arith.cmpi ne, %convert_element_type3A_88, %cond3A_89 : i32
    scf.if %cond3A_90 {
      "tpu.region"() ({
        %run_scoped3A = tpu.sem_alloc : memref<!tpu.dma_semaphore, #tpu.memory_space<semaphore_mem>>
        %dma_start3A_91 = arith.constant 0 : i32
        %dma_start3A_92 = tpu.memref_slice %arg7[%mul3A_2, %dma_start3A_91] : memref<10240x128xf32, #tpu.memory_space<hbm>> -> memref<640x128xf32, #tpu.memory_space<hbm>>
        %dma_start3A_93 = arith.constant 0 : i32
        %dma_start3A_94 = tpu.memref_slice %arg13[%mul3A_2, %dma_start3A_93] : memref<10240x128xf32, #tpu.memory_space<vmem_shared>> -> memref<640x128xf32, #tpu.memory_space<vmem_shared>>
        tpu.enqueue_dma source(%dma_start3A_94 : memref<640x128xf32, #tpu.memory_space<vmem_shared>>) target(%dma_start3A_92 : memref<640x128xf32, #tpu.memory_space<hbm>>) target_semaphore(%run_scoped3A : memref<!tpu.dma_semaphore, #tpu.memory_space<semaphore_mem>>)
        %dma_wait3A_95 = arith.constant 0 : i32
        %dma_wait3A_96 = tpu.memref_slice %arg7[%mul3A_2, %dma_wait3A_95] : memref<10240x128xf32, #tpu.memory_space<hbm>> -> memref<640x128xf32, #tpu.memory_space<hbm>>
        %dma_wait3A_97 = arith.constant 0 : i32
        %dma_wait3A_98 = tpu.memref_slice %arg13[%mul3A_2, %dma_wait3A_97] : memref<10240x128xf32, #tpu.memory_space<vmem_shared>> -> memref<640x128xf32, #tpu.memory_space<vmem_shared>>
        tpu.wait_dma2 semaphore(%run_scoped3A : memref<!tpu.dma_semaphore, #tpu.memory_space<semaphore_mem>>) src(%dma_wait3A_98 : memref<640x128xf32, #tpu.memory_space<vmem_shared>>) dst(%dma_wait3A_96 : memref<640x128xf32, #tpu.memory_space<hbm>>)
        tpu.yield
      }) : () -> ()
    } else {
    }
    return
  }
}

#map = affine_map<(d0, d1) -> (0, 0)>
#map1 = affine_map<(d0, d1) -> (0, 0, 0)>
module attributes {stable_mosaic.version = 14 : i64} {
  func.func @_sc_aggregate(%arg0: i32, %arg1: i32, %arg2: memref<10240x128xf32, #tpu.memory_space<hbm>>, %arg3: memref<10240x128xf32, #tpu.memory_space<hbm>>, %arg4: memref<32x80x128xi32, #tpu.memory_space<hbm>>, %arg5: memref<32x80x128xi32, #tpu.memory_space<hbm>>, %arg6: memref<10240x128xf32, #tpu.memory_space<hbm>>, %arg7: memref<10240x128xf32, #tpu.memory_space<hbm>>, %arg8: memref<80x128xi32, #tpu.memory_space<vmem>>, %arg9: memref<128xi32, #tpu.memory_space<vmem>>, %arg10: memref<128xi32, #tpu.memory_space<vmem>>, %arg11: memref<128x128xf32, #tpu.memory_space<vmem>>, %arg12: memref<128x128xf32, #tpu.memory_space<vmem>>, %arg13: memref<10240x128xf32, #tpu.memory_space<vmem_shared>>, %arg14: memref<!tpu.dma_semaphore, #tpu.memory_space<semaphore_mem>>, %arg15: memref<!tpu.dma_semaphore, #tpu.memory_space<semaphore_mem>>, %arg16: memref<!tpu.dma_semaphore, #tpu.memory_space<semaphore_mem>>, %arg17: memref<!tpu.dma_semaphore, #tpu.memory_space<semaphore_mem>>) attributes {dimension_semantics = [#tpu.dimension_semantics<core_parallel>, #tpu.dimension_semantics<subcore_parallel>], iteration_bounds = array<i64: 2, 16>, scalar_prefetch = 0 : i64, scratch_operands = 10 : i64, tpu.core_type = #tpu.core_type<sc_vector_subcore>, window_params = [{transform_indices = #map}, {transform_indices = #map}, {transform_indices = #map1}, {transform_indices = #map1}, {transform_indices = #map}, {transform_indices = #map}]} {
    %mul3A = arith.constant 16 : i32
    %mul3A_0 = arith.muli %arg0, %mul3A : i32
    %add3A = arith.addi %mul3A_0, %arg1 : i32
    %mul3A_1 = arith.constant 640 : i32
    %mul3A_2 = arith.muli %arg1, %mul3A_1 : i32
    %eq3A = arith.constant 0 : i32
    %eq3A_3 = arith.cmpi eq, %arg0, %eq3A : i32
    %convert_element_type3A = arith.extui %eq3A_3 : i1 to i32
    %cond3A = arith.constant 0 : i32
    %cond3A_4 = arith.cmpi ne, %convert_element_type3A, %cond3A : i32
    scf.if %cond3A_4 {
      "tpu.region"() ({
        %run_scoped3A = tpu.sem_alloc : memref<!tpu.dma_semaphore, #tpu.memory_space<semaphore_mem>>
        %dma_start3A_91 = arith.constant 0 : i32
        %dma_start3A_92 = tpu.memref_slice %arg13[%mul3A_2, %dma_start3A_91] : memref<10240x128xf32, #tpu.memory_space<vmem_shared>> -> memref<640x128xf32, #tpu.memory_space<vmem_shared>>
        %dma_start3A_93 = arith.constant 0 : i32
        %dma_start3A_94 = tpu.memref_slice %arg2[%mul3A_2, %dma_start3A_93] : memref<10240x128xf32, #tpu.memory_space<hbm>> -> memref<640x128xf32, #tpu.memory_space<hbm>>
        tpu.enqueue_dma source(%dma_start3A_94 : memref<640x128xf32, #tpu.memory_space<hbm>>) target(%dma_start3A_92 : memref<640x128xf32, #tpu.memory_space<vmem_shared>>) target_semaphore(%run_scoped3A : memref<!tpu.dma_semaphore, #tpu.memory_space<semaphore_mem>>)
        %dma_wait3A_95 = arith.constant 0 : i32
        %dma_wait3A_96 = tpu.memref_slice %arg13[%mul3A_2, %dma_wait3A_95] : memref<10240x128xf32, #tpu.memory_space<vmem_shared>> -> memref<640x128xf32, #tpu.memory_space<vmem_shared>>
        %dma_wait3A_97 = arith.constant 0 : i32
        %dma_wait3A_98 = tpu.memref_slice %arg2[%mul3A_2, %dma_wait3A_97] : memref<10240x128xf32, #tpu.memory_space<hbm>> -> memref<640x128xf32, #tpu.memory_space<hbm>>
        tpu.wait_dma2 semaphore(%run_scoped3A : memref<!tpu.dma_semaphore, #tpu.memory_space<semaphore_mem>>) src(%dma_wait3A_98 : memref<640x128xf32, #tpu.memory_space<hbm>>) dst(%dma_wait3A_96 : memref<640x128xf32, #tpu.memory_space<vmem_shared>>)
        tpu.yield
      }) : () -> ()
    } else {
    }
    %ne3A = arith.constant 0 : i32
    %ne3A_5 = arith.cmpi ne, %arg0, %ne3A : i32
    %convert_element_type3A_6 = arith.extui %ne3A_5 : i1 to i32
    %cond3A_7 = arith.constant 0 : i32
    %cond3A_8 = arith.cmpi ne, %convert_element_type3A_6, %cond3A_7 : i32
    scf.if %cond3A_8 {
      "tpu.region"() ({
        %run_scoped3A = tpu.sem_alloc : memref<!tpu.dma_semaphore, #tpu.memory_space<semaphore_mem>>
        %dma_start3A_91 = arith.constant 0 : i32
        %dma_start3A_92 = tpu.memref_slice %arg13[%mul3A_2, %dma_start3A_91] : memref<10240x128xf32, #tpu.memory_space<vmem_shared>> -> memref<640x128xf32, #tpu.memory_space<vmem_shared>>
        %dma_start3A_93 = arith.constant 0 : i32
        %dma_start3A_94 = tpu.memref_slice %arg3[%mul3A_2, %dma_start3A_93] : memref<10240x128xf32, #tpu.memory_space<hbm>> -> memref<640x128xf32, #tpu.memory_space<hbm>>
        tpu.enqueue_dma source(%dma_start3A_94 : memref<640x128xf32, #tpu.memory_space<hbm>>) target(%dma_start3A_92 : memref<640x128xf32, #tpu.memory_space<vmem_shared>>) target_semaphore(%run_scoped3A : memref<!tpu.dma_semaphore, #tpu.memory_space<semaphore_mem>>)
        %dma_wait3A_95 = arith.constant 0 : i32
        %dma_wait3A_96 = tpu.memref_slice %arg13[%mul3A_2, %dma_wait3A_95] : memref<10240x128xf32, #tpu.memory_space<vmem_shared>> -> memref<640x128xf32, #tpu.memory_space<vmem_shared>>
        %dma_wait3A_97 = arith.constant 0 : i32
        %dma_wait3A_98 = tpu.memref_slice %arg3[%mul3A_2, %dma_wait3A_97] : memref<10240x128xf32, #tpu.memory_space<hbm>> -> memref<640x128xf32, #tpu.memory_space<hbm>>
        tpu.wait_dma2 semaphore(%run_scoped3A : memref<!tpu.dma_semaphore, #tpu.memory_space<semaphore_mem>>) src(%dma_wait3A_98 : memref<640x128xf32, #tpu.memory_space<hbm>>) dst(%dma_wait3A_96 : memref<640x128xf32, #tpu.memory_space<vmem_shared>>)
        tpu.yield
      }) : () -> ()
    } else {
    }
    "tpu.region"() ({
      %run_scoped3A = tpu.sem_alloc : memref<!tpu.dma_semaphore, #tpu.memory_space<semaphore_mem>>
      %dma_start3A_91 = arith.constant 0 : i32
      %dma_start3A_92 = arith.constant 0 : i32
      %dma_start3A_93 = tpu.memref_slice %arg4[%add3A, %dma_start3A_91, %dma_start3A_92] : memref<32x80x128xi32, #tpu.memory_space<hbm>> -> memref<1x80x128xi32, #tpu.memory_space<hbm>>
      %dma_start3A_94 = tpu.memref_squeeze %dma_start3A_93 : memref<1x80x128xi32, #tpu.memory_space<hbm>> -> memref<80x128xi32, #tpu.memory_space<hbm>>
      %dma_start3A_95 = arith.constant 0 : i32
      %dma_start3A_96 = arith.constant 0 : i32
      %dma_start3A_97 = tpu.memref_slice %arg4[%add3A, %dma_start3A_95, %dma_start3A_96] : memref<32x80x128xi32, #tpu.memory_space<hbm>> -> memref<1x80x128xi32, #tpu.memory_space<hbm>>
      %dma_start3A_98 = tpu.memref_squeeze %dma_start3A_97 : memref<1x80x128xi32, #tpu.memory_space<hbm>> -> memref<80x128xi32, #tpu.memory_space<hbm>>
      tpu.enqueue_dma source(%dma_start3A_98 : memref<80x128xi32, #tpu.memory_space<hbm>>) target(%arg8 : memref<80x128xi32, #tpu.memory_space<vmem>>) target_semaphore(%run_scoped3A : memref<!tpu.dma_semaphore, #tpu.memory_space<semaphore_mem>>)
      %dma_wait3A_99 = arith.constant 0 : i32
      %dma_wait3A_100 = arith.constant 0 : i32
      %dma_wait3A_101 = tpu.memref_slice %arg4[%add3A, %dma_wait3A_99, %dma_wait3A_100] : memref<32x80x128xi32, #tpu.memory_space<hbm>> -> memref<1x80x128xi32, #tpu.memory_space<hbm>>
      %dma_wait3A_102 = tpu.memref_squeeze %dma_wait3A_101 : memref<1x80x128xi32, #tpu.memory_space<hbm>> -> memref<80x128xi32, #tpu.memory_space<hbm>>
      %dma_wait3A_103 = arith.constant 0 : i32
      %dma_wait3A_104 = arith.constant 0 : i32
      %dma_wait3A_105 = tpu.memref_slice %arg4[%add3A, %dma_wait3A_103, %dma_wait3A_104] : memref<32x80x128xi32, #tpu.memory_space<hbm>> -> memref<1x80x128xi32, #tpu.memory_space<hbm>>
      %dma_wait3A_106 = tpu.memref_squeeze %dma_wait3A_105 : memref<1x80x128xi32, #tpu.memory_space<hbm>> -> memref<80x128xi32, #tpu.memory_space<hbm>>
      tpu.wait_dma2 semaphore(%run_scoped3A : memref<!tpu.dma_semaphore, #tpu.memory_space<semaphore_mem>>) src(%dma_wait3A_106 : memref<80x128xi32, #tpu.memory_space<hbm>>) dst(%arg8 : memref<80x128xi32, #tpu.memory_space<vmem>>)
      tpu.yield
    }) : () -> ()
    %barrier3A = arith.constant 0 : index
    tpu.barrier barrier_id(%barrier3A)
    %dma_start3A = arith.constant 0 : i32
    %dma_start3A_9 = arith.constant 0 : i32
    %dma_start3A_10 = tpu.memref_slice %arg5[%add3A, %dma_start3A, %dma_start3A_9] : memref<32x80x128xi32, #tpu.memory_space<hbm>> -> memref<1x1x128xi32, #tpu.memory_space<hbm>>
    %dma_start3A_11 = tpu.memref_squeeze %dma_start3A_10 : memref<1x1x128xi32, #tpu.memory_space<hbm>> -> memref<128xi32, #tpu.memory_space<hbm>>
    %dma_start3A_12 = arith.constant 0 : i32
    %dma_start3A_13 = tpu.memref_slice %arg5[%add3A, %dma_start3A, %dma_start3A_12] : memref<32x80x128xi32, #tpu.memory_space<hbm>> -> memref<1x1x128xi32, #tpu.memory_space<hbm>>
    %dma_start3A_14 = tpu.memref_squeeze %dma_start3A_13 : memref<1x1x128xi32, #tpu.memory_space<hbm>> -> memref<128xi32, #tpu.memory_space<hbm>>
    tpu.enqueue_dma source(%dma_start3A_14 : memref<128xi32, #tpu.memory_space<hbm>>) target(%arg9 : memref<128xi32, #tpu.memory_space<vmem>>) target_semaphore(%arg14 : memref<!tpu.dma_semaphore, #tpu.memory_space<semaphore_mem>>)
    %dma_start3A_15 = arith.constant 0 : i32
    %dma_start3A_16 = arith.constant 0 : i32
    %dma_start3A_17 = tpu.memref_slice %arg8[%dma_start3A_15, %dma_start3A_16] : memref<80x128xi32, #tpu.memory_space<vmem>> -> memref<1x128xi32, #tpu.memory_space<vmem>>
    %dma_start3A_18 = tpu.memref_squeeze %dma_start3A_17 : memref<1x128xi32, #tpu.memory_space<vmem>> -> memref<128xi32, #tpu.memory_space<vmem>>
    %dma_start3A_19 = arith.constant 0 : i32
    %dma_start3A_20 = arith.constant 0 : i32
    %dma_start3A_21 = tpu.memref_slice %arg2[%dma_start3A_19, %dma_start3A_20] : memref<10240x128xf32, #tpu.memory_space<hbm>> -> memref<10240x128xf32, #tpu.memory_space<hbm>>
    tpu.enqueue_indirect_dma source(%dma_start3A_21 : memref<10240x128xf32, #tpu.memory_space<hbm>>) target(%arg11 : memref<128x128xf32, #tpu.memory_space<vmem>>) offsets(%dma_start3A_18 : memref<128xi32, #tpu.memory_space<vmem>>) semaphore(%arg14 : memref<!tpu.dma_semaphore, #tpu.memory_space<semaphore_mem>>)
    %dma_start3A_22 = arith.constant 1 : i32
    %dma_start3A_23 = arith.constant 0 : i32
    %dma_start3A_24 = tpu.memref_slice %arg5[%add3A, %dma_start3A_22, %dma_start3A_23] : memref<32x80x128xi32, #tpu.memory_space<hbm>> -> memref<1x1x128xi32, #tpu.memory_space<hbm>>
    %dma_start3A_25 = tpu.memref_squeeze %dma_start3A_24 : memref<1x1x128xi32, #tpu.memory_space<hbm>> -> memref<128xi32, #tpu.memory_space<hbm>>
    %dma_start3A_26 = arith.constant 0 : i32
    %dma_start3A_27 = tpu.memref_slice %arg5[%add3A, %dma_start3A_22, %dma_start3A_26] : memref<32x80x128xi32, #tpu.memory_space<hbm>> -> memref<1x1x128xi32, #tpu.memory_space<hbm>>
    %dma_start3A_28 = tpu.memref_squeeze %dma_start3A_27 : memref<1x1x128xi32, #tpu.memory_space<hbm>> -> memref<128xi32, #tpu.memory_space<hbm>>
    tpu.enqueue_dma source(%dma_start3A_28 : memref<128xi32, #tpu.memory_space<hbm>>) target(%arg10 : memref<128xi32, #tpu.memory_space<vmem>>) target_semaphore(%arg15 : memref<!tpu.dma_semaphore, #tpu.memory_space<semaphore_mem>>)
    %dma_start3A_29 = arith.constant 1 : i32
    %dma_start3A_30 = arith.constant 0 : i32
    %dma_start3A_31 = tpu.memref_slice %arg8[%dma_start3A_29, %dma_start3A_30] : memref<80x128xi32, #tpu.memory_space<vmem>> -> memref<1x128xi32, #tpu.memory_space<vmem>>
    %dma_start3A_32 = tpu.memref_squeeze %dma_start3A_31 : memref<1x128xi32, #tpu.memory_space<vmem>> -> memref<128xi32, #tpu.memory_space<vmem>>
    %dma_start3A_33 = arith.constant 0 : i32
    %dma_start3A_34 = arith.constant 0 : i32
    %dma_start3A_35 = tpu.memref_slice %arg2[%dma_start3A_33, %dma_start3A_34] : memref<10240x128xf32, #tpu.memory_space<hbm>> -> memref<10240x128xf32, #tpu.memory_space<hbm>>
    tpu.enqueue_indirect_dma source(%dma_start3A_35 : memref<10240x128xf32, #tpu.memory_space<hbm>>) target(%arg12 : memref<128x128xf32, #tpu.memory_space<vmem>>) offsets(%dma_start3A_32 : memref<128xi32, #tpu.memory_space<vmem>>) semaphore(%arg15 : memref<!tpu.dma_semaphore, #tpu.memory_space<semaphore_mem>>)
    %scan3A = arith.constant 0 : i32
    %scan3A_36 = arith.constant 0 : i32
    %scan3A_37 = arith.constant 39 : i32
    %scan3A_38 = arith.addi %scan3A_36, %scan3A_37 : i32
    %scan3A_39 = arith.constant 1 : i32
    scf.for %scan3A_91 = %scan3A_36 to %scan3A_38 step %scan3A_39  : i32 {
      %mul3A_92 = arith.constant 2 : i32
      %mul3A_93 = arith.muli %mul3A_92, %scan3A_91 : i32
      %add3A_94 = arith.constant 0 : i32
      %add3A_95 = arith.addi %mul3A_93, %add3A_94 : i32
      %dma_wait3A_96 = arith.constant 0 : i32
      %dma_wait3A_97 = tpu.memref_slice %arg5[%add3A, %add3A_95, %dma_wait3A_96] : memref<32x80x128xi32, #tpu.memory_space<hbm>> -> memref<1x1x128xi32, #tpu.memory_space<hbm>>
      %dma_wait3A_98 = tpu.memref_squeeze %dma_wait3A_97 : memref<1x1x128xi32, #tpu.memory_space<hbm>> -> memref<128xi32, #tpu.memory_space<hbm>>
      %dma_wait3A_99 = arith.constant 0 : i32
      %dma_wait3A_100 = tpu.memref_slice %arg5[%add3A, %add3A_95, %dma_wait3A_99] : memref<32x80x128xi32, #tpu.memory_space<hbm>> -> memref<1x1x128xi32, #tpu.memory_space<hbm>>
      %dma_wait3A_101 = tpu.memref_squeeze %dma_wait3A_100 : memref<1x1x128xi32, #tpu.memory_space<hbm>> -> memref<128xi32, #tpu.memory_space<hbm>>
      tpu.wait_dma2 semaphore(%arg14 : memref<!tpu.dma_semaphore, #tpu.memory_space<semaphore_mem>>) src(%dma_wait3A_101 : memref<128xi32, #tpu.memory_space<hbm>>) dst(%arg9 : memref<128xi32, #tpu.memory_space<vmem>>)
      %dma_wait3A_102 = arith.constant 0 : i32
      %dma_wait3A_103 = tpu.memref_slice %arg8[%add3A_95, %dma_wait3A_102] : memref<80x128xi32, #tpu.memory_space<vmem>> -> memref<1x128xi32, #tpu.memory_space<vmem>>
      %dma_wait3A_104 = tpu.memref_squeeze %dma_wait3A_103 : memref<1x128xi32, #tpu.memory_space<vmem>> -> memref<128xi32, #tpu.memory_space<vmem>>
      %dma_wait3A_105 = arith.constant 0 : i32
      %dma_wait3A_106 = arith.constant 0 : i32
      %dma_wait3A_107 = tpu.memref_slice %arg2[%dma_wait3A_105, %dma_wait3A_106] : memref<10240x128xf32, #tpu.memory_space<hbm>> -> memref<10240x128xf32, #tpu.memory_space<hbm>>
      tpu.wait_indirect_dma semaphore(%arg14 : memref<!tpu.dma_semaphore, #tpu.memory_space<semaphore_mem>>) src(%dma_wait3A_107 : memref<10240x128xf32, #tpu.memory_space<hbm>>) dst(%arg11 : memref<128x128xf32, #tpu.memory_space<vmem>>)
      %dma_start3A_108 = arith.constant 0 : i32
      %dma_start3A_109 = arith.constant 0 : i32
      %dma_start3A_110 = tpu.memref_slice %arg13[%dma_start3A_108, %dma_start3A_109] : memref<10240x128xf32, #tpu.memory_space<vmem_shared>> -> memref<10240x128xf32, #tpu.memory_space<vmem_shared>>
      tpu.enqueue_indirect_dma source(%arg11 : memref<128x128xf32, #tpu.memory_space<vmem>>) target(%dma_start3A_110 : memref<10240x128xf32, #tpu.memory_space<vmem_shared>>) offsets(%arg9 : memref<128xi32, #tpu.memory_space<vmem>>) semaphore(%arg16 : memref<!tpu.dma_semaphore, #tpu.memory_space<semaphore_mem>>) {add = true}
      %add3A_111 = arith.constant 1 : i32
      %add3A_112 = arith.addi %mul3A_93, %add3A_111 : i32
      %dma_wait3A_113 = arith.constant 0 : i32
      %dma_wait3A_114 = tpu.memref_slice %arg5[%add3A, %add3A_112, %dma_wait3A_113] : memref<32x80x128xi32, #tpu.memory_space<hbm>> -> memref<1x1x128xi32, #tpu.memory_space<hbm>>
      %dma_wait3A_115 = tpu.memref_squeeze %dma_wait3A_114 : memref<1x1x128xi32, #tpu.memory_space<hbm>> -> memref<128xi32, #tpu.memory_space<hbm>>
      %dma_wait3A_116 = arith.constant 0 : i32
      %dma_wait3A_117 = tpu.memref_slice %arg5[%add3A, %add3A_112, %dma_wait3A_116] : memref<32x80x128xi32, #tpu.memory_space<hbm>> -> memref<1x1x128xi32, #tpu.memory_space<hbm>>
      %dma_wait3A_118 = tpu.memref_squeeze %dma_wait3A_117 : memref<1x1x128xi32, #tpu.memory_space<hbm>> -> memref<128xi32, #tpu.memory_space<hbm>>
      tpu.wait_dma2 semaphore(%arg15 : memref<!tpu.dma_semaphore, #tpu.memory_space<semaphore_mem>>) src(%dma_wait3A_118 : memref<128xi32, #tpu.memory_space<hbm>>) dst(%arg10 : memref<128xi32, #tpu.memory_space<vmem>>)
      %dma_wait3A_119 = arith.constant 0 : i32
      %dma_wait3A_120 = tpu.memref_slice %arg8[%add3A_112, %dma_wait3A_119] : memref<80x128xi32, #tpu.memory_space<vmem>> -> memref<1x128xi32, #tpu.memory_space<vmem>>
      %dma_wait3A_121 = tpu.memref_squeeze %dma_wait3A_120 : memref<1x128xi32, #tpu.memory_space<vmem>> -> memref<128xi32, #tpu.memory_space<vmem>>
      %dma_wait3A_122 = arith.constant 0 : i32
      %dma_wait3A_123 = arith.constant 0 : i32
      %dma_wait3A_124 = tpu.memref_slice %arg2[%dma_wait3A_122, %dma_wait3A_123] : memref<10240x128xf32, #tpu.memory_space<hbm>> -> memref<10240x128xf32, #tpu.memory_space<hbm>>
      tpu.wait_indirect_dma semaphore(%arg15 : memref<!tpu.dma_semaphore, #tpu.memory_space<semaphore_mem>>) src(%dma_wait3A_124 : memref<10240x128xf32, #tpu.memory_space<hbm>>) dst(%arg12 : memref<128x128xf32, #tpu.memory_space<vmem>>)
      %dma_start3A_125 = arith.constant 0 : i32
      %dma_start3A_126 = arith.constant 0 : i32
      %dma_start3A_127 = tpu.memref_slice %arg13[%dma_start3A_125, %dma_start3A_126] : memref<10240x128xf32, #tpu.memory_space<vmem_shared>> -> memref<10240x128xf32, #tpu.memory_space<vmem_shared>>
      tpu.enqueue_indirect_dma source(%arg12 : memref<128x128xf32, #tpu.memory_space<vmem>>) target(%dma_start3A_127 : memref<10240x128xf32, #tpu.memory_space<vmem_shared>>) offsets(%arg10 : memref<128xi32, #tpu.memory_space<vmem>>) semaphore(%arg17 : memref<!tpu.dma_semaphore, #tpu.memory_space<semaphore_mem>>) {add = true}
      %dma_wait3A_128 = arith.constant 0 : i32
      %dma_wait3A_129 = arith.constant 0 : i32
      %dma_wait3A_130 = tpu.memref_slice %arg13[%dma_wait3A_128, %dma_wait3A_129] : memref<10240x128xf32, #tpu.memory_space<vmem_shared>> -> memref<10240x128xf32, #tpu.memory_space<vmem_shared>>
      tpu.wait_indirect_dma semaphore(%arg16 : memref<!tpu.dma_semaphore, #tpu.memory_space<semaphore_mem>>) src(%arg11 : memref<128x128xf32, #tpu.memory_space<vmem>>) dst(%dma_wait3A_130 : memref<10240x128xf32, #tpu.memory_space<vmem_shared>>)
      %add3A_131 = arith.constant 2 : i32
      %add3A_132 = arith.addi %mul3A_93, %add3A_131 : i32
      %add3A_133 = arith.constant 0 : i32
      %add3A_134 = arith.addi %add3A_132, %add3A_133 : i32
      %dma_start3A_135 = arith.constant 0 : i32
      %dma_start3A_136 = tpu.memref_slice %arg5[%add3A, %add3A_134, %dma_start3A_135] : memref<32x80x128xi32, #tpu.memory_space<hbm>> -> memref<1x1x128xi32, #tpu.memory_space<hbm>>
      %dma_start3A_137 = tpu.memref_squeeze %dma_start3A_136 : memref<1x1x128xi32, #tpu.memory_space<hbm>> -> memref<128xi32, #tpu.memory_space<hbm>>
      %dma_start3A_138 = arith.constant 0 : i32
      %dma_start3A_139 = tpu.memref_slice %arg5[%add3A, %add3A_134, %dma_start3A_138] : memref<32x80x128xi32, #tpu.memory_space<hbm>> -> memref<1x1x128xi32, #tpu.memory_space<hbm>>
      %dma_start3A_140 = tpu.memref_squeeze %dma_start3A_139 : memref<1x1x128xi32, #tpu.memory_space<hbm>> -> memref<128xi32, #tpu.memory_space<hbm>>
      tpu.enqueue_dma source(%dma_start3A_140 : memref<128xi32, #tpu.memory_space<hbm>>) target(%arg9 : memref<128xi32, #tpu.memory_space<vmem>>) target_semaphore(%arg14 : memref<!tpu.dma_semaphore, #tpu.memory_space<semaphore_mem>>)
      %dma_start3A_141 = arith.constant 0 : i32
      %dma_start3A_142 = tpu.memref_slice %arg8[%add3A_134, %dma_start3A_141] : memref<80x128xi32, #tpu.memory_space<vmem>> -> memref<1x128xi32, #tpu.memory_space<vmem>>
      %dma_start3A_143 = tpu.memref_squeeze %dma_start3A_142 : memref<1x128xi32, #tpu.memory_space<vmem>> -> memref<128xi32, #tpu.memory_space<vmem>>
      %dma_start3A_144 = arith.constant 0 : i32
      %dma_start3A_145 = arith.constant 0 : i32
      %dma_start3A_146 = tpu.memref_slice %arg2[%dma_start3A_144, %dma_start3A_145] : memref<10240x128xf32, #tpu.memory_space<hbm>> -> memref<10240x128xf32, #tpu.memory_space<hbm>>
      tpu.enqueue_indirect_dma source(%dma_start3A_146 : memref<10240x128xf32, #tpu.memory_space<hbm>>) target(%arg11 : memref<128x128xf32, #tpu.memory_space<vmem>>) offsets(%dma_start3A_143 : memref<128xi32, #tpu.memory_space<vmem>>) semaphore(%arg14 : memref<!tpu.dma_semaphore, #tpu.memory_space<semaphore_mem>>)
      %dma_wait3A_147 = arith.constant 0 : i32
      %dma_wait3A_148 = arith.constant 0 : i32
      %dma_wait3A_149 = tpu.memref_slice %arg13[%dma_wait3A_147, %dma_wait3A_148] : memref<10240x128xf32, #tpu.memory_space<vmem_shared>> -> memref<10240x128xf32, #tpu.memory_space<vmem_shared>>
      tpu.wait_indirect_dma semaphore(%arg17 : memref<!tpu.dma_semaphore, #tpu.memory_space<semaphore_mem>>) src(%arg12 : memref<128x128xf32, #tpu.memory_space<vmem>>) dst(%dma_wait3A_149 : memref<10240x128xf32, #tpu.memory_space<vmem_shared>>)
      %add3A_150 = arith.constant 2 : i32
      %add3A_151 = arith.addi %mul3A_93, %add3A_150 : i32
      %add3A_152 = arith.constant 1 : i32
      %add3A_153 = arith.addi %add3A_151, %add3A_152 : i32
      %dma_start3A_154 = arith.constant 0 : i32
      %dma_start3A_155 = tpu.memref_slice %arg5[%add3A, %add3A_153, %dma_start3A_154] : memref<32x80x128xi32, #tpu.memory_space<hbm>> -> memref<1x1x128xi32, #tpu.memory_space<hbm>>
      %dma_start3A_156 = tpu.memref_squeeze %dma_start3A_155 : memref<1x1x128xi32, #tpu.memory_space<hbm>> -> memref<128xi32, #tpu.memory_space<hbm>>
      %dma_start3A_157 = arith.constant 0 : i32
      %dma_start3A_158 = tpu.memref_slice %arg5[%add3A, %add3A_153, %dma_start3A_157] : memref<32x80x128xi32, #tpu.memory_space<hbm>> -> memref<1x1x128xi32, #tpu.memory_space<hbm>>
      %dma_start3A_159 = tpu.memref_squeeze %dma_start3A_158 : memref<1x1x128xi32, #tpu.memory_space<hbm>> -> memref<128xi32, #tpu.memory_space<hbm>>
      tpu.enqueue_dma source(%dma_start3A_159 : memref<128xi32, #tpu.memory_space<hbm>>) target(%arg10 : memref<128xi32, #tpu.memory_space<vmem>>) target_semaphore(%arg15 : memref<!tpu.dma_semaphore, #tpu.memory_space<semaphore_mem>>)
      %dma_start3A_160 = arith.constant 0 : i32
      %dma_start3A_161 = tpu.memref_slice %arg8[%add3A_153, %dma_start3A_160] : memref<80x128xi32, #tpu.memory_space<vmem>> -> memref<1x128xi32, #tpu.memory_space<vmem>>
      %dma_start3A_162 = tpu.memref_squeeze %dma_start3A_161 : memref<1x128xi32, #tpu.memory_space<vmem>> -> memref<128xi32, #tpu.memory_space<vmem>>
      %dma_start3A_163 = arith.constant 0 : i32
      %dma_start3A_164 = arith.constant 0 : i32
      %dma_start3A_165 = tpu.memref_slice %arg2[%dma_start3A_163, %dma_start3A_164] : memref<10240x128xf32, #tpu.memory_space<hbm>> -> memref<10240x128xf32, #tpu.memory_space<hbm>>
      tpu.enqueue_indirect_dma source(%dma_start3A_165 : memref<10240x128xf32, #tpu.memory_space<hbm>>) target(%arg12 : memref<128x128xf32, #tpu.memory_space<vmem>>) offsets(%dma_start3A_162 : memref<128xi32, #tpu.memory_space<vmem>>) semaphore(%arg15 : memref<!tpu.dma_semaphore, #tpu.memory_space<semaphore_mem>>)
    }
    %scan3A_40 = arith.constant 39 : i32
    %dma_wait3A = arith.constant 78 : i32
    %dma_wait3A_41 = arith.constant 0 : i32
    %dma_wait3A_42 = tpu.memref_slice %arg5[%add3A, %dma_wait3A, %dma_wait3A_41] : memref<32x80x128xi32, #tpu.memory_space<hbm>> -> memref<1x1x128xi32, #tpu.memory_space<hbm>>
    %dma_wait3A_43 = tpu.memref_squeeze %dma_wait3A_42 : memref<1x1x128xi32, #tpu.memory_space<hbm>> -> memref<128xi32, #tpu.memory_space<hbm>>
    %dma_wait3A_44 = arith.constant 0 : i32
    %dma_wait3A_45 = tpu.memref_slice %arg5[%add3A, %dma_wait3A, %dma_wait3A_44] : memref<32x80x128xi32, #tpu.memory_space<hbm>> -> memref<1x1x128xi32, #tpu.memory_space<hbm>>
    %dma_wait3A_46 = tpu.memref_squeeze %dma_wait3A_45 : memref<1x1x128xi32, #tpu.memory_space<hbm>> -> memref<128xi32, #tpu.memory_space<hbm>>
    tpu.wait_dma2 semaphore(%arg14 : memref<!tpu.dma_semaphore, #tpu.memory_space<semaphore_mem>>) src(%dma_wait3A_46 : memref<128xi32, #tpu.memory_space<hbm>>) dst(%arg9 : memref<128xi32, #tpu.memory_space<vmem>>)
    %dma_wait3A_47 = arith.constant 78 : i32
    %dma_wait3A_48 = arith.constant 0 : i32
    %dma_wait3A_49 = tpu.memref_slice %arg8[%dma_wait3A_47, %dma_wait3A_48] : memref<80x128xi32, #tpu.memory_space<vmem>> -> memref<1x128xi32, #tpu.memory_space<vmem>>
    %dma_wait3A_50 = tpu.memref_squeeze %dma_wait3A_49 : memref<1x128xi32, #tpu.memory_space<vmem>> -> memref<128xi32, #tpu.memory_space<vmem>>
    %dma_wait3A_51 = arith.constant 0 : i32
    %dma_wait3A_52 = arith.constant 0 : i32
    %dma_wait3A_53 = tpu.memref_slice %arg2[%dma_wait3A_51, %dma_wait3A_52] : memref<10240x128xf32, #tpu.memory_space<hbm>> -> memref<10240x128xf32, #tpu.memory_space<hbm>>
    tpu.wait_indirect_dma semaphore(%arg14 : memref<!tpu.dma_semaphore, #tpu.memory_space<semaphore_mem>>) src(%dma_wait3A_53 : memref<10240x128xf32, #tpu.memory_space<hbm>>) dst(%arg11 : memref<128x128xf32, #tpu.memory_space<vmem>>)
    %dma_start3A_54 = arith.constant 0 : i32
    %dma_start3A_55 = arith.constant 0 : i32
    %dma_start3A_56 = tpu.memref_slice %arg13[%dma_start3A_54, %dma_start3A_55] : memref<10240x128xf32, #tpu.memory_space<vmem_shared>> -> memref<10240x128xf32, #tpu.memory_space<vmem_shared>>
    tpu.enqueue_indirect_dma source(%arg11 : memref<128x128xf32, #tpu.memory_space<vmem>>) target(%dma_start3A_56 : memref<10240x128xf32, #tpu.memory_space<vmem_shared>>) offsets(%arg9 : memref<128xi32, #tpu.memory_space<vmem>>) semaphore(%arg16 : memref<!tpu.dma_semaphore, #tpu.memory_space<semaphore_mem>>) {add = true}
    %dma_wait3A_57 = arith.constant 79 : i32
    %dma_wait3A_58 = arith.constant 0 : i32
    %dma_wait3A_59 = tpu.memref_slice %arg5[%add3A, %dma_wait3A_57, %dma_wait3A_58] : memref<32x80x128xi32, #tpu.memory_space<hbm>> -> memref<1x1x128xi32, #tpu.memory_space<hbm>>
    %dma_wait3A_60 = tpu.memref_squeeze %dma_wait3A_59 : memref<1x1x128xi32, #tpu.memory_space<hbm>> -> memref<128xi32, #tpu.memory_space<hbm>>
    %dma_wait3A_61 = arith.constant 0 : i32
    %dma_wait3A_62 = tpu.memref_slice %arg5[%add3A, %dma_wait3A_57, %dma_wait3A_61] : memref<32x80x128xi32, #tpu.memory_space<hbm>> -> memref<1x1x128xi32, #tpu.memory_space<hbm>>
    %dma_wait3A_63 = tpu.memref_squeeze %dma_wait3A_62 : memref<1x1x128xi32, #tpu.memory_space<hbm>> -> memref<128xi32, #tpu.memory_space<hbm>>
    tpu.wait_dma2 semaphore(%arg15 : memref<!tpu.dma_semaphore, #tpu.memory_space<semaphore_mem>>) src(%dma_wait3A_63 : memref<128xi32, #tpu.memory_space<hbm>>) dst(%arg10 : memref<128xi32, #tpu.memory_space<vmem>>)
    %dma_wait3A_64 = arith.constant 79 : i32
    %dma_wait3A_65 = arith.constant 0 : i32
    %dma_wait3A_66 = tpu.memref_slice %arg8[%dma_wait3A_64, %dma_wait3A_65] : memref<80x128xi32, #tpu.memory_space<vmem>> -> memref<1x128xi32, #tpu.memory_space<vmem>>
    %dma_wait3A_67 = tpu.memref_squeeze %dma_wait3A_66 : memref<1x128xi32, #tpu.memory_space<vmem>> -> memref<128xi32, #tpu.memory_space<vmem>>
    %dma_wait3A_68 = arith.constant 0 : i32
    %dma_wait3A_69 = arith.constant 0 : i32
    %dma_wait3A_70 = tpu.memref_slice %arg2[%dma_wait3A_68, %dma_wait3A_69] : memref<10240x128xf32, #tpu.memory_space<hbm>> -> memref<10240x128xf32, #tpu.memory_space<hbm>>
    tpu.wait_indirect_dma semaphore(%arg15 : memref<!tpu.dma_semaphore, #tpu.memory_space<semaphore_mem>>) src(%dma_wait3A_70 : memref<10240x128xf32, #tpu.memory_space<hbm>>) dst(%arg12 : memref<128x128xf32, #tpu.memory_space<vmem>>)
    %dma_start3A_71 = arith.constant 0 : i32
    %dma_start3A_72 = arith.constant 0 : i32
    %dma_start3A_73 = tpu.memref_slice %arg13[%dma_start3A_71, %dma_start3A_72] : memref<10240x128xf32, #tpu.memory_space<vmem_shared>> -> memref<10240x128xf32, #tpu.memory_space<vmem_shared>>
    tpu.enqueue_indirect_dma source(%arg12 : memref<128x128xf32, #tpu.memory_space<vmem>>) target(%dma_start3A_73 : memref<10240x128xf32, #tpu.memory_space<vmem_shared>>) offsets(%arg10 : memref<128xi32, #tpu.memory_space<vmem>>) semaphore(%arg17 : memref<!tpu.dma_semaphore, #tpu.memory_space<semaphore_mem>>) {add = true}
    %dma_wait3A_74 = arith.constant 0 : i32
    %dma_wait3A_75 = arith.constant 0 : i32
    %dma_wait3A_76 = tpu.memref_slice %arg13[%dma_wait3A_74, %dma_wait3A_75] : memref<10240x128xf32, #tpu.memory_space<vmem_shared>> -> memref<10240x128xf32, #tpu.memory_space<vmem_shared>>
    tpu.wait_indirect_dma semaphore(%arg16 : memref<!tpu.dma_semaphore, #tpu.memory_space<semaphore_mem>>) src(%arg11 : memref<128x128xf32, #tpu.memory_space<vmem>>) dst(%dma_wait3A_76 : memref<10240x128xf32, #tpu.memory_space<vmem_shared>>)
    %dma_wait3A_77 = arith.constant 0 : i32
    %dma_wait3A_78 = arith.constant 0 : i32
    %dma_wait3A_79 = tpu.memref_slice %arg13[%dma_wait3A_77, %dma_wait3A_78] : memref<10240x128xf32, #tpu.memory_space<vmem_shared>> -> memref<10240x128xf32, #tpu.memory_space<vmem_shared>>
    tpu.wait_indirect_dma semaphore(%arg17 : memref<!tpu.dma_semaphore, #tpu.memory_space<semaphore_mem>>) src(%arg12 : memref<128x128xf32, #tpu.memory_space<vmem>>) dst(%dma_wait3A_79 : memref<10240x128xf32, #tpu.memory_space<vmem_shared>>)
    %barrier3A_80 = arith.constant 0 : index
    tpu.barrier barrier_id(%barrier3A_80)
    %eq3A_81 = arith.constant 0 : i32
    %eq3A_82 = arith.cmpi eq, %arg0, %eq3A_81 : i32
    %convert_element_type3A_83 = arith.extui %eq3A_82 : i1 to i32
    %cond3A_84 = arith.constant 0 : i32
    %cond3A_85 = arith.cmpi ne, %convert_element_type3A_83, %cond3A_84 : i32
    scf.if %cond3A_85 {
      "tpu.region"() ({
        %run_scoped3A = tpu.sem_alloc : memref<!tpu.dma_semaphore, #tpu.memory_space<semaphore_mem>>
        %dma_start3A_91 = arith.constant 0 : i32
        %dma_start3A_92 = tpu.memref_slice %arg6[%mul3A_2, %dma_start3A_91] : memref<10240x128xf32, #tpu.memory_space<hbm>> -> memref<640x128xf32, #tpu.memory_space<hbm>>
        %dma_start3A_93 = arith.constant 0 : i32
        %dma_start3A_94 = tpu.memref_slice %arg13[%mul3A_2, %dma_start3A_93] : memref<10240x128xf32, #tpu.memory_space<vmem_shared>> -> memref<640x128xf32, #tpu.memory_space<vmem_shared>>
        tpu.enqueue_dma source(%dma_start3A_94 : memref<640x128xf32, #tpu.memory_space<vmem_shared>>) target(%dma_start3A_92 : memref<640x128xf32, #tpu.memory_space<hbm>>) target_semaphore(%run_scoped3A : memref<!tpu.dma_semaphore, #tpu.memory_space<semaphore_mem>>)
        %dma_wait3A_95 = arith.constant 0 : i32
        %dma_wait3A_96 = tpu.memref_slice %arg6[%mul3A_2, %dma_wait3A_95] : memref<10240x128xf32, #tpu.memory_space<hbm>> -> memref<640x128xf32, #tpu.memory_space<hbm>>
        %dma_wait3A_97 = arith.constant 0 : i32
        %dma_wait3A_98 = tpu.memref_slice %arg13[%mul3A_2, %dma_wait3A_97] : memref<10240x128xf32, #tpu.memory_space<vmem_shared>> -> memref<640x128xf32, #tpu.memory_space<vmem_shared>>
        tpu.wait_dma2 semaphore(%run_scoped3A : memref<!tpu.dma_semaphore, #tpu.memory_space<semaphore_mem>>) src(%dma_wait3A_98 : memref<640x128xf32, #tpu.memory_space<vmem_shared>>) dst(%dma_wait3A_96 : memref<640x128xf32, #tpu.memory_space<hbm>>)
        tpu.yield
      }) : () -> ()
    } else {
    }
    %ne3A_86 = arith.constant 0 : i32
    %ne3A_87 = arith.cmpi ne, %arg0, %ne3A_86 : i32
    %convert_element_type3A_88 = arith.extui %ne3A_87 : i1 to i32
    %cond3A_89 = arith.constant 0 : i32
    %cond3A_90 = arith.cmpi ne, %convert_element_type3A_88, %cond3A_89 : i32
    scf.if %cond3A_90 {
      "tpu.region"() ({
        %run_scoped3A = tpu.sem_alloc : memref<!tpu.dma_semaphore, #tpu.memory_space<semaphore_mem>>
        %dma_start3A_91 = arith.constant 0 : i32
        %dma_start3A_92 = tpu.memref_slice %arg7[%mul3A_2, %dma_start3A_91] : memref<10240x128xf32, #tpu.memory_space<hbm>> -> memref<640x128xf32, #tpu.memory_space<hbm>>
        %dma_start3A_93 = arith.constant 0 : i32
        %dma_start3A_94 = tpu.memref_slice %arg13[%mul3A_2, %dma_start3A_93] : memref<10240x128xf32, #tpu.memory_space<vmem_shared>> -> memref<640x128xf32, #tpu.memory_space<vmem_shared>>
        tpu.enqueue_dma source(%dma_start3A_94 : memref<640x128xf32, #tpu.memory_space<vmem_shared>>) target(%dma_start3A_92 : memref<640x128xf32, #tpu.memory_space<hbm>>) target_semaphore(%run_scoped3A : memref<!tpu.dma_semaphore, #tpu.memory_space<semaphore_mem>>)
        %dma_wait3A_95 = arith.constant 0 : i32
        %dma_wait3A_96 = tpu.memref_slice %arg7[%mul3A_2, %dma_wait3A_95] : memref<10240x128xf32, #tpu.memory_space<hbm>> -> memref<640x128xf32, #tpu.memory_space<hbm>>
        %dma_wait3A_97 = arith.constant 0 : i32
        %dma_wait3A_98 = tpu.memref_slice %arg13[%mul3A_2, %dma_wait3A_97] : memref<10240x128xf32, #tpu.memory_space<vmem_shared>> -> memref<640x128xf32, #tpu.memory_space<vmem_shared>>
        tpu.wait_dma2 semaphore(%run_scoped3A : memref<!tpu.dma_semaphore, #tpu.memory_space<semaphore_mem>>) src(%dma_wait3A_98 : memref<640x128xf32, #tpu.memory_space<vmem_shared>>) dst(%dma_wait3A_96 : memref<640x128xf32, #tpu.memory_space<hbm>>)
        tpu.yield
      }) : () -> ()
    } else {
    }
    return
  }
}

#map = affine_map<(d0, d1) -> (0, 0)>
#map1 = affine_map<(d0, d1) -> (0, 0, 0)>
module attributes {stable_mosaic.version = 14 : i64} {
  func.func @_sc_aggregate(%arg0: i32, %arg1: i32, %arg2: memref<10240x128xf32, #tpu.memory_space<hbm>>, %arg3: memref<10240x128xf32, #tpu.memory_space<hbm>>, %arg4: memref<32x80x128xi32, #tpu.memory_space<hbm>>, %arg5: memref<32x80x128xi32, #tpu.memory_space<hbm>>, %arg6: memref<10240x128xf32, #tpu.memory_space<hbm>>, %arg7: memref<10240x128xf32, #tpu.memory_space<hbm>>, %arg8: memref<80x128xi32, #tpu.memory_space<vmem>>, %arg9: memref<128xi32, #tpu.memory_space<vmem>>, %arg10: memref<128xi32, #tpu.memory_space<vmem>>, %arg11: memref<128x128xf32, #tpu.memory_space<vmem>>, %arg12: memref<128x128xf32, #tpu.memory_space<vmem>>, %arg13: memref<10240x128xf32, #tpu.memory_space<vmem_shared>>, %arg14: memref<!tpu.dma_semaphore, #tpu.memory_space<semaphore_mem>>, %arg15: memref<!tpu.dma_semaphore, #tpu.memory_space<semaphore_mem>>, %arg16: memref<!tpu.dma_semaphore, #tpu.memory_space<semaphore_mem>>, %arg17: memref<!tpu.dma_semaphore, #tpu.memory_space<semaphore_mem>>) attributes {dimension_semantics = [#tpu.dimension_semantics<core_parallel>, #tpu.dimension_semantics<subcore_parallel>], iteration_bounds = array<i64: 2, 16>, scalar_prefetch = 0 : i64, scratch_operands = 10 : i64, tpu.core_type = #tpu.core_type<sc_vector_subcore>, window_params = [{transform_indices = #map}, {transform_indices = #map}, {transform_indices = #map1}, {transform_indices = #map1}, {transform_indices = #map}, {transform_indices = #map}]} {
    %mul3A = arith.constant 16 : i32
    %mul3A_0 = arith.muli %arg0, %mul3A : i32
    %add3A = arith.addi %mul3A_0, %arg1 : i32
    %mul3A_1 = arith.constant 640 : i32
    %mul3A_2 = arith.muli %arg1, %mul3A_1 : i32
    %eq3A = arith.constant 0 : i32
    %eq3A_3 = arith.cmpi eq, %arg0, %eq3A : i32
    %convert_element_type3A = arith.extui %eq3A_3 : i1 to i32
    %cond3A = arith.constant 0 : i32
    %cond3A_4 = arith.cmpi ne, %convert_element_type3A, %cond3A : i32
    scf.if %cond3A_4 {
      "tpu.region"() ({
        %run_scoped3A = tpu.sem_alloc : memref<!tpu.dma_semaphore, #tpu.memory_space<semaphore_mem>>
        %dma_start3A_91 = arith.constant 0 : i32
        %dma_start3A_92 = tpu.memref_slice %arg13[%mul3A_2, %dma_start3A_91] : memref<10240x128xf32, #tpu.memory_space<vmem_shared>> -> memref<640x128xf32, #tpu.memory_space<vmem_shared>>
        %dma_start3A_93 = arith.constant 0 : i32
        %dma_start3A_94 = tpu.memref_slice %arg2[%mul3A_2, %dma_start3A_93] : memref<10240x128xf32, #tpu.memory_space<hbm>> -> memref<640x128xf32, #tpu.memory_space<hbm>>
        tpu.enqueue_dma source(%dma_start3A_94 : memref<640x128xf32, #tpu.memory_space<hbm>>) target(%dma_start3A_92 : memref<640x128xf32, #tpu.memory_space<vmem_shared>>) target_semaphore(%run_scoped3A : memref<!tpu.dma_semaphore, #tpu.memory_space<semaphore_mem>>)
        %dma_wait3A_95 = arith.constant 0 : i32
        %dma_wait3A_96 = tpu.memref_slice %arg13[%mul3A_2, %dma_wait3A_95] : memref<10240x128xf32, #tpu.memory_space<vmem_shared>> -> memref<640x128xf32, #tpu.memory_space<vmem_shared>>
        %dma_wait3A_97 = arith.constant 0 : i32
        %dma_wait3A_98 = tpu.memref_slice %arg2[%mul3A_2, %dma_wait3A_97] : memref<10240x128xf32, #tpu.memory_space<hbm>> -> memref<640x128xf32, #tpu.memory_space<hbm>>
        tpu.wait_dma2 semaphore(%run_scoped3A : memref<!tpu.dma_semaphore, #tpu.memory_space<semaphore_mem>>) src(%dma_wait3A_98 : memref<640x128xf32, #tpu.memory_space<hbm>>) dst(%dma_wait3A_96 : memref<640x128xf32, #tpu.memory_space<vmem_shared>>)
        tpu.yield
      }) : () -> ()
    } else {
    }
    %ne3A = arith.constant 0 : i32
    %ne3A_5 = arith.cmpi ne, %arg0, %ne3A : i32
    %convert_element_type3A_6 = arith.extui %ne3A_5 : i1 to i32
    %cond3A_7 = arith.constant 0 : i32
    %cond3A_8 = arith.cmpi ne, %convert_element_type3A_6, %cond3A_7 : i32
    scf.if %cond3A_8 {
      "tpu.region"() ({
        %run_scoped3A = tpu.sem_alloc : memref<!tpu.dma_semaphore, #tpu.memory_space<semaphore_mem>>
        %dma_start3A_91 = arith.constant 0 : i32
        %dma_start3A_92 = tpu.memref_slice %arg13[%mul3A_2, %dma_start3A_91] : memref<10240x128xf32, #tpu.memory_space<vmem_shared>> -> memref<640x128xf32, #tpu.memory_space<vmem_shared>>
        %dma_start3A_93 = arith.constant 0 : i32
        %dma_start3A_94 = tpu.memref_slice %arg3[%mul3A_2, %dma_start3A_93] : memref<10240x128xf32, #tpu.memory_space<hbm>> -> memref<640x128xf32, #tpu.memory_space<hbm>>
        tpu.enqueue_dma source(%dma_start3A_94 : memref<640x128xf32, #tpu.memory_space<hbm>>) target(%dma_start3A_92 : memref<640x128xf32, #tpu.memory_space<vmem_shared>>) target_semaphore(%run_scoped3A : memref<!tpu.dma_semaphore, #tpu.memory_space<semaphore_mem>>)
        %dma_wait3A_95 = arith.constant 0 : i32
        %dma_wait3A_96 = tpu.memref_slice %arg13[%mul3A_2, %dma_wait3A_95] : memref<10240x128xf32, #tpu.memory_space<vmem_shared>> -> memref<640x128xf32, #tpu.memory_space<vmem_shared>>
        %dma_wait3A_97 = arith.constant 0 : i32
        %dma_wait3A_98 = tpu.memref_slice %arg3[%mul3A_2, %dma_wait3A_97] : memref<10240x128xf32, #tpu.memory_space<hbm>> -> memref<640x128xf32, #tpu.memory_space<hbm>>
        tpu.wait_dma2 semaphore(%run_scoped3A : memref<!tpu.dma_semaphore, #tpu.memory_space<semaphore_mem>>) src(%dma_wait3A_98 : memref<640x128xf32, #tpu.memory_space<hbm>>) dst(%dma_wait3A_96 : memref<640x128xf32, #tpu.memory_space<vmem_shared>>)
        tpu.yield
      }) : () -> ()
    } else {
    }
    "tpu.region"() ({
      %run_scoped3A = tpu.sem_alloc : memref<!tpu.dma_semaphore, #tpu.memory_space<semaphore_mem>>
      %dma_start3A_91 = arith.constant 0 : i32
      %dma_start3A_92 = arith.constant 0 : i32
      %dma_start3A_93 = tpu.memref_slice %arg4[%add3A, %dma_start3A_91, %dma_start3A_92] : memref<32x80x128xi32, #tpu.memory_space<hbm>> -> memref<1x80x128xi32, #tpu.memory_space<hbm>>
      %dma_start3A_94 = tpu.memref_squeeze %dma_start3A_93 : memref<1x80x128xi32, #tpu.memory_space<hbm>> -> memref<80x128xi32, #tpu.memory_space<hbm>>
      %dma_start3A_95 = arith.constant 0 : i32
      %dma_start3A_96 = arith.constant 0 : i32
      %dma_start3A_97 = tpu.memref_slice %arg4[%add3A, %dma_start3A_95, %dma_start3A_96] : memref<32x80x128xi32, #tpu.memory_space<hbm>> -> memref<1x80x128xi32, #tpu.memory_space<hbm>>
      %dma_start3A_98 = tpu.memref_squeeze %dma_start3A_97 : memref<1x80x128xi32, #tpu.memory_space<hbm>> -> memref<80x128xi32, #tpu.memory_space<hbm>>
      tpu.enqueue_dma source(%dma_start3A_98 : memref<80x128xi32, #tpu.memory_space<hbm>>) target(%arg8 : memref<80x128xi32, #tpu.memory_space<vmem>>) target_semaphore(%run_scoped3A : memref<!tpu.dma_semaphore, #tpu.memory_space<semaphore_mem>>)
      %dma_wait3A_99 = arith.constant 0 : i32
      %dma_wait3A_100 = arith.constant 0 : i32
      %dma_wait3A_101 = tpu.memref_slice %arg4[%add3A, %dma_wait3A_99, %dma_wait3A_100] : memref<32x80x128xi32, #tpu.memory_space<hbm>> -> memref<1x80x128xi32, #tpu.memory_space<hbm>>
      %dma_wait3A_102 = tpu.memref_squeeze %dma_wait3A_101 : memref<1x80x128xi32, #tpu.memory_space<hbm>> -> memref<80x128xi32, #tpu.memory_space<hbm>>
      %dma_wait3A_103 = arith.constant 0 : i32
      %dma_wait3A_104 = arith.constant 0 : i32
      %dma_wait3A_105 = tpu.memref_slice %arg4[%add3A, %dma_wait3A_103, %dma_wait3A_104] : memref<32x80x128xi32, #tpu.memory_space<hbm>> -> memref<1x80x128xi32, #tpu.memory_space<hbm>>
      %dma_wait3A_106 = tpu.memref_squeeze %dma_wait3A_105 : memref<1x80x128xi32, #tpu.memory_space<hbm>> -> memref<80x128xi32, #tpu.memory_space<hbm>>
      tpu.wait_dma2 semaphore(%run_scoped3A : memref<!tpu.dma_semaphore, #tpu.memory_space<semaphore_mem>>) src(%dma_wait3A_106 : memref<80x128xi32, #tpu.memory_space<hbm>>) dst(%arg8 : memref<80x128xi32, #tpu.memory_space<vmem>>)
      tpu.yield
    }) : () -> ()
    %barrier3A = arith.constant 0 : index
    tpu.barrier barrier_id(%barrier3A)
    %dma_start3A = arith.constant 0 : i32
    %dma_start3A_9 = arith.constant 0 : i32
    %dma_start3A_10 = tpu.memref_slice %arg5[%add3A, %dma_start3A, %dma_start3A_9] : memref<32x80x128xi32, #tpu.memory_space<hbm>> -> memref<1x1x128xi32, #tpu.memory_space<hbm>>
    %dma_start3A_11 = tpu.memref_squeeze %dma_start3A_10 : memref<1x1x128xi32, #tpu.memory_space<hbm>> -> memref<128xi32, #tpu.memory_space<hbm>>
    %dma_start3A_12 = arith.constant 0 : i32
    %dma_start3A_13 = tpu.memref_slice %arg5[%add3A, %dma_start3A, %dma_start3A_12] : memref<32x80x128xi32, #tpu.memory_space<hbm>> -> memref<1x1x128xi32, #tpu.memory_space<hbm>>
    %dma_start3A_14 = tpu.memref_squeeze %dma_start3A_13 : memref<1x1x128xi32, #tpu.memory_space<hbm>> -> memref<128xi32, #tpu.memory_space<hbm>>
    tpu.enqueue_dma source(%dma_start3A_14 : memref<128xi32, #tpu.memory_space<hbm>>) target(%arg9 : memref<128xi32, #tpu.memory_space<vmem>>) target_semaphore(%arg14 : memref<!tpu.dma_semaphore, #tpu.memory_space<semaphore_mem>>)
    %dma_start3A_15 = arith.constant 0 : i32
    %dma_start3A_16 = arith.constant 0 : i32
    %dma_start3A_17 = tpu.memref_slice %arg8[%dma_start3A_15, %dma_start3A_16] : memref<80x128xi32, #tpu.memory_space<vmem>> -> memref<1x128xi32, #tpu.memory_space<vmem>>
    %dma_start3A_18 = tpu.memref_squeeze %dma_start3A_17 : memref<1x128xi32, #tpu.memory_space<vmem>> -> memref<128xi32, #tpu.memory_space<vmem>>
    %dma_start3A_19 = arith.constant 0 : i32
    %dma_start3A_20 = arith.constant 0 : i32
    %dma_start3A_21 = tpu.memref_slice %arg2[%dma_start3A_19, %dma_start3A_20] : memref<10240x128xf32, #tpu.memory_space<hbm>> -> memref<10240x128xf32, #tpu.memory_space<hbm>>
    tpu.enqueue_indirect_dma source(%dma_start3A_21 : memref<10240x128xf32, #tpu.memory_space<hbm>>) target(%arg11 : memref<128x128xf32, #tpu.memory_space<vmem>>) offsets(%dma_start3A_18 : memref<128xi32, #tpu.memory_space<vmem>>) semaphore(%arg14 : memref<!tpu.dma_semaphore, #tpu.memory_space<semaphore_mem>>)
    %dma_start3A_22 = arith.constant 1 : i32
    %dma_start3A_23 = arith.constant 0 : i32
    %dma_start3A_24 = tpu.memref_slice %arg5[%add3A, %dma_start3A_22, %dma_start3A_23] : memref<32x80x128xi32, #tpu.memory_space<hbm>> -> memref<1x1x128xi32, #tpu.memory_space<hbm>>
    %dma_start3A_25 = tpu.memref_squeeze %dma_start3A_24 : memref<1x1x128xi32, #tpu.memory_space<hbm>> -> memref<128xi32, #tpu.memory_space<hbm>>
    %dma_start3A_26 = arith.constant 0 : i32
    %dma_start3A_27 = tpu.memref_slice %arg5[%add3A, %dma_start3A_22, %dma_start3A_26] : memref<32x80x128xi32, #tpu.memory_space<hbm>> -> memref<1x1x128xi32, #tpu.memory_space<hbm>>
    %dma_start3A_28 = tpu.memref_squeeze %dma_start3A_27 : memref<1x1x128xi32, #tpu.memory_space<hbm>> -> memref<128xi32, #tpu.memory_space<hbm>>
    tpu.enqueue_dma source(%dma_start3A_28 : memref<128xi32, #tpu.memory_space<hbm>>) target(%arg10 : memref<128xi32, #tpu.memory_space<vmem>>) target_semaphore(%arg15 : memref<!tpu.dma_semaphore, #tpu.memory_space<semaphore_mem>>)
    %dma_start3A_29 = arith.constant 1 : i32
    %dma_start3A_30 = arith.constant 0 : i32
    %dma_start3A_31 = tpu.memref_slice %arg8[%dma_start3A_29, %dma_start3A_30] : memref<80x128xi32, #tpu.memory_space<vmem>> -> memref<1x128xi32, #tpu.memory_space<vmem>>
    %dma_start3A_32 = tpu.memref_squeeze %dma_start3A_31 : memref<1x128xi32, #tpu.memory_space<vmem>> -> memref<128xi32, #tpu.memory_space<vmem>>
    %dma_start3A_33 = arith.constant 0 : i32
    %dma_start3A_34 = arith.constant 0 : i32
    %dma_start3A_35 = tpu.memref_slice %arg2[%dma_start3A_33, %dma_start3A_34] : memref<10240x128xf32, #tpu.memory_space<hbm>> -> memref<10240x128xf32, #tpu.memory_space<hbm>>
    tpu.enqueue_indirect_dma source(%dma_start3A_35 : memref<10240x128xf32, #tpu.memory_space<hbm>>) target(%arg12 : memref<128x128xf32, #tpu.memory_space<vmem>>) offsets(%dma_start3A_32 : memref<128xi32, #tpu.memory_space<vmem>>) semaphore(%arg15 : memref<!tpu.dma_semaphore, #tpu.memory_space<semaphore_mem>>)
    %scan3A = arith.constant 0 : i32
    %scan3A_36 = arith.constant 0 : i32
    %scan3A_37 = arith.constant 39 : i32
    %scan3A_38 = arith.addi %scan3A_36, %scan3A_37 : i32
    %scan3A_39 = arith.constant 1 : i32
    scf.for %scan3A_91 = %scan3A_36 to %scan3A_38 step %scan3A_39  : i32 {
      %mul3A_92 = arith.constant 2 : i32
      %mul3A_93 = arith.muli %mul3A_92, %scan3A_91 : i32
      %add3A_94 = arith.constant 0 : i32
      %add3A_95 = arith.addi %mul3A_93, %add3A_94 : i32
      %dma_wait3A_96 = arith.constant 0 : i32
      %dma_wait3A_97 = tpu.memref_slice %arg5[%add3A, %add3A_95, %dma_wait3A_96] : memref<32x80x128xi32, #tpu.memory_space<hbm>> -> memref<1x1x128xi32, #tpu.memory_space<hbm>>
      %dma_wait3A_98 = tpu.memref_squeeze %dma_wait3A_97 : memref<1x1x128xi32, #tpu.memory_space<hbm>> -> memref<128xi32, #tpu.memory_space<hbm>>
      %dma_wait3A_99 = arith.constant 0 : i32
      %dma_wait3A_100 = tpu.memref_slice %arg5[%add3A, %add3A_95, %dma_wait3A_99] : memref<32x80x128xi32, #tpu.memory_space<hbm>> -> memref<1x1x128xi32, #tpu.memory_space<hbm>>
      %dma_wait3A_101 = tpu.memref_squeeze %dma_wait3A_100 : memref<1x1x128xi32, #tpu.memory_space<hbm>> -> memref<128xi32, #tpu.memory_space<hbm>>
      tpu.wait_dma2 semaphore(%arg14 : memref<!tpu.dma_semaphore, #tpu.memory_space<semaphore_mem>>) src(%dma_wait3A_101 : memref<128xi32, #tpu.memory_space<hbm>>) dst(%arg9 : memref<128xi32, #tpu.memory_space<vmem>>)
      %dma_wait3A_102 = arith.constant 0 : i32
      %dma_wait3A_103 = tpu.memref_slice %arg8[%add3A_95, %dma_wait3A_102] : memref<80x128xi32, #tpu.memory_space<vmem>> -> memref<1x128xi32, #tpu.memory_space<vmem>>
      %dma_wait3A_104 = tpu.memref_squeeze %dma_wait3A_103 : memref<1x128xi32, #tpu.memory_space<vmem>> -> memref<128xi32, #tpu.memory_space<vmem>>
      %dma_wait3A_105 = arith.constant 0 : i32
      %dma_wait3A_106 = arith.constant 0 : i32
      %dma_wait3A_107 = tpu.memref_slice %arg2[%dma_wait3A_105, %dma_wait3A_106] : memref<10240x128xf32, #tpu.memory_space<hbm>> -> memref<10240x128xf32, #tpu.memory_space<hbm>>
      tpu.wait_indirect_dma semaphore(%arg14 : memref<!tpu.dma_semaphore, #tpu.memory_space<semaphore_mem>>) src(%dma_wait3A_107 : memref<10240x128xf32, #tpu.memory_space<hbm>>) dst(%arg11 : memref<128x128xf32, #tpu.memory_space<vmem>>)
      %dma_start3A_108 = arith.constant 0 : i32
      %dma_start3A_109 = arith.constant 0 : i32
      %dma_start3A_110 = tpu.memref_slice %arg13[%dma_start3A_108, %dma_start3A_109] : memref<10240x128xf32, #tpu.memory_space<vmem_shared>> -> memref<10240x128xf32, #tpu.memory_space<vmem_shared>>
      tpu.enqueue_indirect_dma source(%arg11 : memref<128x128xf32, #tpu.memory_space<vmem>>) target(%dma_start3A_110 : memref<10240x128xf32, #tpu.memory_space<vmem_shared>>) offsets(%arg9 : memref<128xi32, #tpu.memory_space<vmem>>) semaphore(%arg16 : memref<!tpu.dma_semaphore, #tpu.memory_space<semaphore_mem>>) {add = true}
      %add3A_111 = arith.constant 1 : i32
      %add3A_112 = arith.addi %mul3A_93, %add3A_111 : i32
      %dma_wait3A_113 = arith.constant 0 : i32
      %dma_wait3A_114 = tpu.memref_slice %arg5[%add3A, %add3A_112, %dma_wait3A_113] : memref<32x80x128xi32, #tpu.memory_space<hbm>> -> memref<1x1x128xi32, #tpu.memory_space<hbm>>
      %dma_wait3A_115 = tpu.memref_squeeze %dma_wait3A_114 : memref<1x1x128xi32, #tpu.memory_space<hbm>> -> memref<128xi32, #tpu.memory_space<hbm>>
      %dma_wait3A_116 = arith.constant 0 : i32
      %dma_wait3A_117 = tpu.memref_slice %arg5[%add3A, %add3A_112, %dma_wait3A_116] : memref<32x80x128xi32, #tpu.memory_space<hbm>> -> memref<1x1x128xi32, #tpu.memory_space<hbm>>
      %dma_wait3A_118 = tpu.memref_squeeze %dma_wait3A_117 : memref<1x1x128xi32, #tpu.memory_space<hbm>> -> memref<128xi32, #tpu.memory_space<hbm>>
      tpu.wait_dma2 semaphore(%arg15 : memref<!tpu.dma_semaphore, #tpu.memory_space<semaphore_mem>>) src(%dma_wait3A_118 : memref<128xi32, #tpu.memory_space<hbm>>) dst(%arg10 : memref<128xi32, #tpu.memory_space<vmem>>)
      %dma_wait3A_119 = arith.constant 0 : i32
      %dma_wait3A_120 = tpu.memref_slice %arg8[%add3A_112, %dma_wait3A_119] : memref<80x128xi32, #tpu.memory_space<vmem>> -> memref<1x128xi32, #tpu.memory_space<vmem>>
      %dma_wait3A_121 = tpu.memref_squeeze %dma_wait3A_120 : memref<1x128xi32, #tpu.memory_space<vmem>> -> memref<128xi32, #tpu.memory_space<vmem>>
      %dma_wait3A_122 = arith.constant 0 : i32
      %dma_wait3A_123 = arith.constant 0 : i32
      %dma_wait3A_124 = tpu.memref_slice %arg2[%dma_wait3A_122, %dma_wait3A_123] : memref<10240x128xf32, #tpu.memory_space<hbm>> -> memref<10240x128xf32, #tpu.memory_space<hbm>>
      tpu.wait_indirect_dma semaphore(%arg15 : memref<!tpu.dma_semaphore, #tpu.memory_space<semaphore_mem>>) src(%dma_wait3A_124 : memref<10240x128xf32, #tpu.memory_space<hbm>>) dst(%arg12 : memref<128x128xf32, #tpu.memory_space<vmem>>)
      %dma_start3A_125 = arith.constant 0 : i32
      %dma_start3A_126 = arith.constant 0 : i32
      %dma_start3A_127 = tpu.memref_slice %arg13[%dma_start3A_125, %dma_start3A_126] : memref<10240x128xf32, #tpu.memory_space<vmem_shared>> -> memref<10240x128xf32, #tpu.memory_space<vmem_shared>>
      tpu.enqueue_indirect_dma source(%arg12 : memref<128x128xf32, #tpu.memory_space<vmem>>) target(%dma_start3A_127 : memref<10240x128xf32, #tpu.memory_space<vmem_shared>>) offsets(%arg10 : memref<128xi32, #tpu.memory_space<vmem>>) semaphore(%arg17 : memref<!tpu.dma_semaphore, #tpu.memory_space<semaphore_mem>>) {add = true}
      %dma_wait3A_128 = arith.constant 0 : i32
      %dma_wait3A_129 = arith.constant 0 : i32
      %dma_wait3A_130 = tpu.memref_slice %arg13[%dma_wait3A_128, %dma_wait3A_129] : memref<10240x128xf32, #tpu.memory_space<vmem_shared>> -> memref<10240x128xf32, #tpu.memory_space<vmem_shared>>
      tpu.wait_indirect_dma semaphore(%arg16 : memref<!tpu.dma_semaphore, #tpu.memory_space<semaphore_mem>>) src(%arg11 : memref<128x128xf32, #tpu.memory_space<vmem>>) dst(%dma_wait3A_130 : memref<10240x128xf32, #tpu.memory_space<vmem_shared>>)
      %add3A_131 = arith.constant 2 : i32
      %add3A_132 = arith.addi %mul3A_93, %add3A_131 : i32
      %add3A_133 = arith.constant 0 : i32
      %add3A_134 = arith.addi %add3A_132, %add3A_133 : i32
      %dma_start3A_135 = arith.constant 0 : i32
      %dma_start3A_136 = tpu.memref_slice %arg5[%add3A, %add3A_134, %dma_start3A_135] : memref<32x80x128xi32, #tpu.memory_space<hbm>> -> memref<1x1x128xi32, #tpu.memory_space<hbm>>
      %dma_start3A_137 = tpu.memref_squeeze %dma_start3A_136 : memref<1x1x128xi32, #tpu.memory_space<hbm>> -> memref<128xi32, #tpu.memory_space<hbm>>
      %dma_start3A_138 = arith.constant 0 : i32
      %dma_start3A_139 = tpu.memref_slice %arg5[%add3A, %add3A_134, %dma_start3A_138] : memref<32x80x128xi32, #tpu.memory_space<hbm>> -> memref<1x1x128xi32, #tpu.memory_space<hbm>>
      %dma_start3A_140 = tpu.memref_squeeze %dma_start3A_139 : memref<1x1x128xi32, #tpu.memory_space<hbm>> -> memref<128xi32, #tpu.memory_space<hbm>>
      tpu.enqueue_dma source(%dma_start3A_140 : memref<128xi32, #tpu.memory_space<hbm>>) target(%arg9 : memref<128xi32, #tpu.memory_space<vmem>>) target_semaphore(%arg14 : memref<!tpu.dma_semaphore, #tpu.memory_space<semaphore_mem>>)
      %dma_start3A_141 = arith.constant 0 : i32
      %dma_start3A_142 = tpu.memref_slice %arg8[%add3A_134, %dma_start3A_141] : memref<80x128xi32, #tpu.memory_space<vmem>> -> memref<1x128xi32, #tpu.memory_space<vmem>>
      %dma_start3A_143 = tpu.memref_squeeze %dma_start3A_142 : memref<1x128xi32, #tpu.memory_space<vmem>> -> memref<128xi32, #tpu.memory_space<vmem>>
      %dma_start3A_144 = arith.constant 0 : i32
      %dma_start3A_145 = arith.constant 0 : i32
      %dma_start3A_146 = tpu.memref_slice %arg2[%dma_start3A_144, %dma_start3A_145] : memref<10240x128xf32, #tpu.memory_space<hbm>> -> memref<10240x128xf32, #tpu.memory_space<hbm>>
      tpu.enqueue_indirect_dma source(%dma_start3A_146 : memref<10240x128xf32, #tpu.memory_space<hbm>>) target(%arg11 : memref<128x128xf32, #tpu.memory_space<vmem>>) offsets(%dma_start3A_143 : memref<128xi32, #tpu.memory_space<vmem>>) semaphore(%arg14 : memref<!tpu.dma_semaphore, #tpu.memory_space<semaphore_mem>>)
      %dma_wait3A_147 = arith.constant 0 : i32
      %dma_wait3A_148 = arith.constant 0 : i32
      %dma_wait3A_149 = tpu.memref_slice %arg13[%dma_wait3A_147, %dma_wait3A_148] : memref<10240x128xf32, #tpu.memory_space<vmem_shared>> -> memref<10240x128xf32, #tpu.memory_space<vmem_shared>>
      tpu.wait_indirect_dma semaphore(%arg17 : memref<!tpu.dma_semaphore, #tpu.memory_space<semaphore_mem>>) src(%arg12 : memref<128x128xf32, #tpu.memory_space<vmem>>) dst(%dma_wait3A_149 : memref<10240x128xf32, #tpu.memory_space<vmem_shared>>)
      %add3A_150 = arith.constant 2 : i32
      %add3A_151 = arith.addi %mul3A_93, %add3A_150 : i32
      %add3A_152 = arith.constant 1 : i32
      %add3A_153 = arith.addi %add3A_151, %add3A_152 : i32
      %dma_start3A_154 = arith.constant 0 : i32
      %dma_start3A_155 = tpu.memref_slice %arg5[%add3A, %add3A_153, %dma_start3A_154] : memref<32x80x128xi32, #tpu.memory_space<hbm>> -> memref<1x1x128xi32, #tpu.memory_space<hbm>>
      %dma_start3A_156 = tpu.memref_squeeze %dma_start3A_155 : memref<1x1x128xi32, #tpu.memory_space<hbm>> -> memref<128xi32, #tpu.memory_space<hbm>>
      %dma_start3A_157 = arith.constant 0 : i32
      %dma_start3A_158 = tpu.memref_slice %arg5[%add3A, %add3A_153, %dma_start3A_157] : memref<32x80x128xi32, #tpu.memory_space<hbm>> -> memref<1x1x128xi32, #tpu.memory_space<hbm>>
      %dma_start3A_159 = tpu.memref_squeeze %dma_start3A_158 : memref<1x1x128xi32, #tpu.memory_space<hbm>> -> memref<128xi32, #tpu.memory_space<hbm>>
      tpu.enqueue_dma source(%dma_start3A_159 : memref<128xi32, #tpu.memory_space<hbm>>) target(%arg10 : memref<128xi32, #tpu.memory_space<vmem>>) target_semaphore(%arg15 : memref<!tpu.dma_semaphore, #tpu.memory_space<semaphore_mem>>)
      %dma_start3A_160 = arith.constant 0 : i32
      %dma_start3A_161 = tpu.memref_slice %arg8[%add3A_153, %dma_start3A_160] : memref<80x128xi32, #tpu.memory_space<vmem>> -> memref<1x128xi32, #tpu.memory_space<vmem>>
      %dma_start3A_162 = tpu.memref_squeeze %dma_start3A_161 : memref<1x128xi32, #tpu.memory_space<vmem>> -> memref<128xi32, #tpu.memory_space<vmem>>
      %dma_start3A_163 = arith.constant 0 : i32
      %dma_start3A_164 = arith.constant 0 : i32
      %dma_start3A_165 = tpu.memref_slice %arg2[%dma_start3A_163, %dma_start3A_164] : memref<10240x128xf32, #tpu.memory_space<hbm>> -> memref<10240x128xf32, #tpu.memory_space<hbm>>
      tpu.enqueue_indirect_dma source(%dma_start3A_165 : memref<10240x128xf32, #tpu.memory_space<hbm>>) target(%arg12 : memref<128x128xf32, #tpu.memory_space<vmem>>) offsets(%dma_start3A_162 : memref<128xi32, #tpu.memory_space<vmem>>) semaphore(%arg15 : memref<!tpu.dma_semaphore, #tpu.memory_space<semaphore_mem>>)
    }
    %scan3A_40 = arith.constant 39 : i32
    %dma_wait3A = arith.constant 78 : i32
    %dma_wait3A_41 = arith.constant 0 : i32
    %dma_wait3A_42 = tpu.memref_slice %arg5[%add3A, %dma_wait3A, %dma_wait3A_41] : memref<32x80x128xi32, #tpu.memory_space<hbm>> -> memref<1x1x128xi32, #tpu.memory_space<hbm>>
    %dma_wait3A_43 = tpu.memref_squeeze %dma_wait3A_42 : memref<1x1x128xi32, #tpu.memory_space<hbm>> -> memref<128xi32, #tpu.memory_space<hbm>>
    %dma_wait3A_44 = arith.constant 0 : i32
    %dma_wait3A_45 = tpu.memref_slice %arg5[%add3A, %dma_wait3A, %dma_wait3A_44] : memref<32x80x128xi32, #tpu.memory_space<hbm>> -> memref<1x1x128xi32, #tpu.memory_space<hbm>>
    %dma_wait3A_46 = tpu.memref_squeeze %dma_wait3A_45 : memref<1x1x128xi32, #tpu.memory_space<hbm>> -> memref<128xi32, #tpu.memory_space<hbm>>
    tpu.wait_dma2 semaphore(%arg14 : memref<!tpu.dma_semaphore, #tpu.memory_space<semaphore_mem>>) src(%dma_wait3A_46 : memref<128xi32, #tpu.memory_space<hbm>>) dst(%arg9 : memref<128xi32, #tpu.memory_space<vmem>>)
    %dma_wait3A_47 = arith.constant 78 : i32
    %dma_wait3A_48 = arith.constant 0 : i32
    %dma_wait3A_49 = tpu.memref_slice %arg8[%dma_wait3A_47, %dma_wait3A_48] : memref<80x128xi32, #tpu.memory_space<vmem>> -> memref<1x128xi32, #tpu.memory_space<vmem>>
    %dma_wait3A_50 = tpu.memref_squeeze %dma_wait3A_49 : memref<1x128xi32, #tpu.memory_space<vmem>> -> memref<128xi32, #tpu.memory_space<vmem>>
    %dma_wait3A_51 = arith.constant 0 : i32
    %dma_wait3A_52 = arith.constant 0 : i32
    %dma_wait3A_53 = tpu.memref_slice %arg2[%dma_wait3A_51, %dma_wait3A_52] : memref<10240x128xf32, #tpu.memory_space<hbm>> -> memref<10240x128xf32, #tpu.memory_space<hbm>>
    tpu.wait_indirect_dma semaphore(%arg14 : memref<!tpu.dma_semaphore, #tpu.memory_space<semaphore_mem>>) src(%dma_wait3A_53 : memref<10240x128xf32, #tpu.memory_space<hbm>>) dst(%arg11 : memref<128x128xf32, #tpu.memory_space<vmem>>)
    %dma_start3A_54 = arith.constant 0 : i32
    %dma_start3A_55 = arith.constant 0 : i32
    %dma_start3A_56 = tpu.memref_slice %arg13[%dma_start3A_54, %dma_start3A_55] : memref<10240x128xf32, #tpu.memory_space<vmem_shared>> -> memref<10240x128xf32, #tpu.memory_space<vmem_shared>>
    tpu.enqueue_indirect_dma source(%arg11 : memref<128x128xf32, #tpu.memory_space<vmem>>) target(%dma_start3A_56 : memref<10240x128xf32, #tpu.memory_space<vmem_shared>>) offsets(%arg9 : memref<128xi32, #tpu.memory_space<vmem>>) semaphore(%arg16 : memref<!tpu.dma_semaphore, #tpu.memory_space<semaphore_mem>>) {add = true}
    %dma_wait3A_57 = arith.constant 79 : i32
    %dma_wait3A_58 = arith.constant 0 : i32
    %dma_wait3A_59 = tpu.memref_slice %arg5[%add3A, %dma_wait3A_57, %dma_wait3A_58] : memref<32x80x128xi32, #tpu.memory_space<hbm>> -> memref<1x1x128xi32, #tpu.memory_space<hbm>>
    %dma_wait3A_60 = tpu.memref_squeeze %dma_wait3A_59 : memref<1x1x128xi32, #tpu.memory_space<hbm>> -> memref<128xi32, #tpu.memory_space<hbm>>
    %dma_wait3A_61 = arith.constant 0 : i32
    %dma_wait3A_62 = tpu.memref_slice %arg5[%add3A, %dma_wait3A_57, %dma_wait3A_61] : memref<32x80x128xi32, #tpu.memory_space<hbm>> -> memref<1x1x128xi32, #tpu.memory_space<hbm>>
    %dma_wait3A_63 = tpu.memref_squeeze %dma_wait3A_62 : memref<1x1x128xi32, #tpu.memory_space<hbm>> -> memref<128xi32, #tpu.memory_space<hbm>>
    tpu.wait_dma2 semaphore(%arg15 : memref<!tpu.dma_semaphore, #tpu.memory_space<semaphore_mem>>) src(%dma_wait3A_63 : memref<128xi32, #tpu.memory_space<hbm>>) dst(%arg10 : memref<128xi32, #tpu.memory_space<vmem>>)
    %dma_wait3A_64 = arith.constant 79 : i32
    %dma_wait3A_65 = arith.constant 0 : i32
    %dma_wait3A_66 = tpu.memref_slice %arg8[%dma_wait3A_64, %dma_wait3A_65] : memref<80x128xi32, #tpu.memory_space<vmem>> -> memref<1x128xi32, #tpu.memory_space<vmem>>
    %dma_wait3A_67 = tpu.memref_squeeze %dma_wait3A_66 : memref<1x128xi32, #tpu.memory_space<vmem>> -> memref<128xi32, #tpu.memory_space<vmem>>
    %dma_wait3A_68 = arith.constant 0 : i32
    %dma_wait3A_69 = arith.constant 0 : i32
    %dma_wait3A_70 = tpu.memref_slice %arg2[%dma_wait3A_68, %dma_wait3A_69] : memref<10240x128xf32, #tpu.memory_space<hbm>> -> memref<10240x128xf32, #tpu.memory_space<hbm>>
    tpu.wait_indirect_dma semaphore(%arg15 : memref<!tpu.dma_semaphore, #tpu.memory_space<semaphore_mem>>) src(%dma_wait3A_70 : memref<10240x128xf32, #tpu.memory_space<hbm>>) dst(%arg12 : memref<128x128xf32, #tpu.memory_space<vmem>>)
    %dma_start3A_71 = arith.constant 0 : i32
    %dma_start3A_72 = arith.constant 0 : i32
    %dma_start3A_73 = tpu.memref_slice %arg13[%dma_start3A_71, %dma_start3A_72] : memref<10240x128xf32, #tpu.memory_space<vmem_shared>> -> memref<10240x128xf32, #tpu.memory_space<vmem_shared>>
    tpu.enqueue_indirect_dma source(%arg12 : memref<128x128xf32, #tpu.memory_space<vmem>>) target(%dma_start3A_73 : memref<10240x128xf32, #tpu.memory_space<vmem_shared>>) offsets(%arg10 : memref<128xi32, #tpu.memory_space<vmem>>) semaphore(%arg17 : memref<!tpu.dma_semaphore, #tpu.memory_space<semaphore_mem>>) {add = true}
    %dma_wait3A_74 = arith.constant 0 : i32
    %dma_wait3A_75 = arith.constant 0 : i32
    %dma_wait3A_76 = tpu.memref_slice %arg13[%dma_wait3A_74, %dma_wait3A_75] : memref<10240x128xf32, #tpu.memory_space<vmem_shared>> -> memref<10240x128xf32, #tpu.memory_space<vmem_shared>>
    tpu.wait_indirect_dma semaphore(%arg16 : memref<!tpu.dma_semaphore, #tpu.memory_space<semaphore_mem>>) src(%arg11 : memref<128x128xf32, #tpu.memory_space<vmem>>) dst(%dma_wait3A_76 : memref<10240x128xf32, #tpu.memory_space<vmem_shared>>)
    %dma_wait3A_77 = arith.constant 0 : i32
    %dma_wait3A_78 = arith.constant 0 : i32
    %dma_wait3A_79 = tpu.memref_slice %arg13[%dma_wait3A_77, %dma_wait3A_78] : memref<10240x128xf32, #tpu.memory_space<vmem_shared>> -> memref<10240x128xf32, #tpu.memory_space<vmem_shared>>
    tpu.wait_indirect_dma semaphore(%arg17 : memref<!tpu.dma_semaphore, #tpu.memory_space<semaphore_mem>>) src(%arg12 : memref<128x128xf32, #tpu.memory_space<vmem>>) dst(%dma_wait3A_79 : memref<10240x128xf32, #tpu.memory_space<vmem_shared>>)
    %barrier3A_80 = arith.constant 0 : index
    tpu.barrier barrier_id(%barrier3A_80)
    %eq3A_81 = arith.constant 0 : i32
    %eq3A_82 = arith.cmpi eq, %arg0, %eq3A_81 : i32
    %convert_element_type3A_83 = arith.extui %eq3A_82 : i1 to i32
    %cond3A_84 = arith.constant 0 : i32
    %cond3A_85 = arith.cmpi ne, %convert_element_type3A_83, %cond3A_84 : i32
    scf.if %cond3A_85 {
      "tpu.region"() ({
        %run_scoped3A = tpu.sem_alloc : memref<!tpu.dma_semaphore, #tpu.memory_space<semaphore_mem>>
        %dma_start3A_91 = arith.constant 0 : i32
        %dma_start3A_92 = tpu.memref_slice %arg6[%mul3A_2, %dma_start3A_91] : memref<10240x128xf32, #tpu.memory_space<hbm>> -> memref<640x128xf32, #tpu.memory_space<hbm>>
        %dma_start3A_93 = arith.constant 0 : i32
        %dma_start3A_94 = tpu.memref_slice %arg13[%mul3A_2, %dma_start3A_93] : memref<10240x128xf32, #tpu.memory_space<vmem_shared>> -> memref<640x128xf32, #tpu.memory_space<vmem_shared>>
        tpu.enqueue_dma source(%dma_start3A_94 : memref<640x128xf32, #tpu.memory_space<vmem_shared>>) target(%dma_start3A_92 : memref<640x128xf32, #tpu.memory_space<hbm>>) target_semaphore(%run_scoped3A : memref<!tpu.dma_semaphore, #tpu.memory_space<semaphore_mem>>)
        %dma_wait3A_95 = arith.constant 0 : i32
        %dma_wait3A_96 = tpu.memref_slice %arg6[%mul3A_2, %dma_wait3A_95] : memref<10240x128xf32, #tpu.memory_space<hbm>> -> memref<640x128xf32, #tpu.memory_space<hbm>>
        %dma_wait3A_97 = arith.constant 0 : i32
        %dma_wait3A_98 = tpu.memref_slice %arg13[%mul3A_2, %dma_wait3A_97] : memref<10240x128xf32, #tpu.memory_space<vmem_shared>> -> memref<640x128xf32, #tpu.memory_space<vmem_shared>>
        tpu.wait_dma2 semaphore(%run_scoped3A : memref<!tpu.dma_semaphore, #tpu.memory_space<semaphore_mem>>) src(%dma_wait3A_98 : memref<640x128xf32, #tpu.memory_space<vmem_shared>>) dst(%dma_wait3A_96 : memref<640x128xf32, #tpu.memory_space<hbm>>)
        tpu.yield
      }) : () -> ()
    } else {
    }
    %ne3A_86 = arith.constant 0 : i32
    %ne3A_87 = arith.cmpi ne, %arg0, %ne3A_86 : i32
    %convert_element_type3A_88 = arith.extui %ne3A_87 : i1 to i32
    %cond3A_89 = arith.constant 0 : i32
    %cond3A_90 = arith.cmpi ne, %convert_element_type3A_88, %cond3A_89 : i32
    scf.if %cond3A_90 {
      "tpu.region"() ({
        %run_scoped3A = tpu.sem_alloc : memref<!tpu.dma_semaphore, #tpu.memory_space<semaphore_mem>>
        %dma_start3A_91 = arith.constant 0 : i32
        %dma_start3A_92 = tpu.memref_slice %arg7[%mul3A_2, %dma_start3A_91] : memref<10240x128xf32, #tpu.memory_space<hbm>> -> memref<640x128xf32, #tpu.memory_space<hbm>>
        %dma_start3A_93 = arith.constant 0 : i32
        %dma_start3A_94 = tpu.memref_slice %arg13[%mul3A_2, %dma_start3A_93] : memref<10240x128xf32, #tpu.memory_space<vmem_shared>> -> memref<640x128xf32, #tpu.memory_space<vmem_shared>>
        tpu.enqueue_dma source(%dma_start3A_94 : memref<640x128xf32, #tpu.memory_space<vmem_shared>>) target(%dma_start3A_92 : memref<640x128xf32, #tpu.memory_space<hbm>>) target_semaphore(%run_scoped3A : memref<!tpu.dma_semaphore, #tpu.memory_space<semaphore_mem>>)
        %dma_wait3A_95 = arith.constant 0 : i32
        %dma_wait3A_96 = tpu.memref_slice %arg7[%mul3A_2, %dma_wait3A_95] : memref<10240x128xf32, #tpu.memory_space<hbm>> -> memref<640x128xf32, #tpu.memory_space<hbm>>
        %dma_wait3A_97 = arith.constant 0 : i32
        %dma_wait3A_98 = tpu.memref_slice %arg13[%mul3A_2, %dma_wait3A_97] : memref<10240x128xf32, #tpu.memory_space<vmem_shared>> -> memref<640x128xf32, #tpu.memory_space<vmem_shared>>
        tpu.wait_dma2 semaphore(%run_scoped3A : memref<!tpu.dma_semaphore, #tpu.memory_space<semaphore_mem>>) src(%dma_wait3A_98 : memref<640x128xf32, #tpu.memory_space<vmem_shared>>) dst(%dma_wait3A_96 : memref<640x128xf32, #tpu.memory_space<hbm>>)
        tpu.yield
      }) : () -> ()
    } else {
    }
    return
  }
}

#map = affine_map<(d0, d1) -> (0, 0)>
#map1 = affine_map<(d0, d1) -> (0, 0, 0)>
module attributes {stable_mosaic.version = 14 : i64} {
  func.func @_sc_aggregate(%arg0: i32, %arg1: i32, %arg2: memref<10240x128xf32, #tpu.memory_space<hbm>>, %arg3: memref<10240x128xf32, #tpu.memory_space<hbm>>, %arg4: memref<32x80x128xi32, #tpu.memory_space<hbm>>, %arg5: memref<32x80x128xi32, #tpu.memory_space<hbm>>, %arg6: memref<10240x128xf32, #tpu.memory_space<hbm>>, %arg7: memref<10240x128xf32, #tpu.memory_space<hbm>>, %arg8: memref<80x128xi32, #tpu.memory_space<vmem>>, %arg9: memref<128xi32, #tpu.memory_space<vmem>>, %arg10: memref<128xi32, #tpu.memory_space<vmem>>, %arg11: memref<128x128xf32, #tpu.memory_space<vmem>>, %arg12: memref<128x128xf32, #tpu.memory_space<vmem>>, %arg13: memref<10240x128xf32, #tpu.memory_space<vmem_shared>>, %arg14: memref<!tpu.dma_semaphore, #tpu.memory_space<semaphore_mem>>, %arg15: memref<!tpu.dma_semaphore, #tpu.memory_space<semaphore_mem>>, %arg16: memref<!tpu.dma_semaphore, #tpu.memory_space<semaphore_mem>>, %arg17: memref<!tpu.dma_semaphore, #tpu.memory_space<semaphore_mem>>) attributes {dimension_semantics = [#tpu.dimension_semantics<core_parallel>, #tpu.dimension_semantics<subcore_parallel>], iteration_bounds = array<i64: 2, 16>, scalar_prefetch = 0 : i64, scratch_operands = 10 : i64, tpu.core_type = #tpu.core_type<sc_vector_subcore>, window_params = [{transform_indices = #map}, {transform_indices = #map}, {transform_indices = #map1}, {transform_indices = #map1}, {transform_indices = #map}, {transform_indices = #map}]} {
    %mul3A = arith.constant 16 : i32
    %mul3A_0 = arith.muli %arg0, %mul3A : i32
    %add3A = arith.addi %mul3A_0, %arg1 : i32
    %mul3A_1 = arith.constant 640 : i32
    %mul3A_2 = arith.muli %arg1, %mul3A_1 : i32
    %eq3A = arith.constant 0 : i32
    %eq3A_3 = arith.cmpi eq, %arg0, %eq3A : i32
    %convert_element_type3A = arith.extui %eq3A_3 : i1 to i32
    %cond3A = arith.constant 0 : i32
    %cond3A_4 = arith.cmpi ne, %convert_element_type3A, %cond3A : i32
    scf.if %cond3A_4 {
      "tpu.region"() ({
        %run_scoped3A = tpu.sem_alloc : memref<!tpu.dma_semaphore, #tpu.memory_space<semaphore_mem>>
        %dma_start3A_91 = arith.constant 0 : i32
        %dma_start3A_92 = tpu.memref_slice %arg13[%mul3A_2, %dma_start3A_91] : memref<10240x128xf32, #tpu.memory_space<vmem_shared>> -> memref<640x128xf32, #tpu.memory_space<vmem_shared>>
        %dma_start3A_93 = arith.constant 0 : i32
        %dma_start3A_94 = tpu.memref_slice %arg2[%mul3A_2, %dma_start3A_93] : memref<10240x128xf32, #tpu.memory_space<hbm>> -> memref<640x128xf32, #tpu.memory_space<hbm>>
        tpu.enqueue_dma source(%dma_start3A_94 : memref<640x128xf32, #tpu.memory_space<hbm>>) target(%dma_start3A_92 : memref<640x128xf32, #tpu.memory_space<vmem_shared>>) target_semaphore(%run_scoped3A : memref<!tpu.dma_semaphore, #tpu.memory_space<semaphore_mem>>)
        %dma_wait3A_95 = arith.constant 0 : i32
        %dma_wait3A_96 = tpu.memref_slice %arg13[%mul3A_2, %dma_wait3A_95] : memref<10240x128xf32, #tpu.memory_space<vmem_shared>> -> memref<640x128xf32, #tpu.memory_space<vmem_shared>>
        %dma_wait3A_97 = arith.constant 0 : i32
        %dma_wait3A_98 = tpu.memref_slice %arg2[%mul3A_2, %dma_wait3A_97] : memref<10240x128xf32, #tpu.memory_space<hbm>> -> memref<640x128xf32, #tpu.memory_space<hbm>>
        tpu.wait_dma2 semaphore(%run_scoped3A : memref<!tpu.dma_semaphore, #tpu.memory_space<semaphore_mem>>) src(%dma_wait3A_98 : memref<640x128xf32, #tpu.memory_space<hbm>>) dst(%dma_wait3A_96 : memref<640x128xf32, #tpu.memory_space<vmem_shared>>)
        tpu.yield
      }) : () -> ()
    } else {
    }
    %ne3A = arith.constant 0 : i32
    %ne3A_5 = arith.cmpi ne, %arg0, %ne3A : i32
    %convert_element_type3A_6 = arith.extui %ne3A_5 : i1 to i32
    %cond3A_7 = arith.constant 0 : i32
    %cond3A_8 = arith.cmpi ne, %convert_element_type3A_6, %cond3A_7 : i32
    scf.if %cond3A_8 {
      "tpu.region"() ({
        %run_scoped3A = tpu.sem_alloc : memref<!tpu.dma_semaphore, #tpu.memory_space<semaphore_mem>>
        %dma_start3A_91 = arith.constant 0 : i32
        %dma_start3A_92 = tpu.memref_slice %arg13[%mul3A_2, %dma_start3A_91] : memref<10240x128xf32, #tpu.memory_space<vmem_shared>> -> memref<640x128xf32, #tpu.memory_space<vmem_shared>>
        %dma_start3A_93 = arith.constant 0 : i32
        %dma_start3A_94 = tpu.memref_slice %arg3[%mul3A_2, %dma_start3A_93] : memref<10240x128xf32, #tpu.memory_space<hbm>> -> memref<640x128xf32, #tpu.memory_space<hbm>>
        tpu.enqueue_dma source(%dma_start3A_94 : memref<640x128xf32, #tpu.memory_space<hbm>>) target(%dma_start3A_92 : memref<640x128xf32, #tpu.memory_space<vmem_shared>>) target_semaphore(%run_scoped3A : memref<!tpu.dma_semaphore, #tpu.memory_space<semaphore_mem>>)
        %dma_wait3A_95 = arith.constant 0 : i32
        %dma_wait3A_96 = tpu.memref_slice %arg13[%mul3A_2, %dma_wait3A_95] : memref<10240x128xf32, #tpu.memory_space<vmem_shared>> -> memref<640x128xf32, #tpu.memory_space<vmem_shared>>
        %dma_wait3A_97 = arith.constant 0 : i32
        %dma_wait3A_98 = tpu.memref_slice %arg3[%mul3A_2, %dma_wait3A_97] : memref<10240x128xf32, #tpu.memory_space<hbm>> -> memref<640x128xf32, #tpu.memory_space<hbm>>
        tpu.wait_dma2 semaphore(%run_scoped3A : memref<!tpu.dma_semaphore, #tpu.memory_space<semaphore_mem>>) src(%dma_wait3A_98 : memref<640x128xf32, #tpu.memory_space<hbm>>) dst(%dma_wait3A_96 : memref<640x128xf32, #tpu.memory_space<vmem_shared>>)
        tpu.yield
      }) : () -> ()
    } else {
    }
    "tpu.region"() ({
      %run_scoped3A = tpu.sem_alloc : memref<!tpu.dma_semaphore, #tpu.memory_space<semaphore_mem>>
      %dma_start3A_91 = arith.constant 0 : i32
      %dma_start3A_92 = arith.constant 0 : i32
      %dma_start3A_93 = tpu.memref_slice %arg4[%add3A, %dma_start3A_91, %dma_start3A_92] : memref<32x80x128xi32, #tpu.memory_space<hbm>> -> memref<1x80x128xi32, #tpu.memory_space<hbm>>
      %dma_start3A_94 = tpu.memref_squeeze %dma_start3A_93 : memref<1x80x128xi32, #tpu.memory_space<hbm>> -> memref<80x128xi32, #tpu.memory_space<hbm>>
      %dma_start3A_95 = arith.constant 0 : i32
      %dma_start3A_96 = arith.constant 0 : i32
      %dma_start3A_97 = tpu.memref_slice %arg4[%add3A, %dma_start3A_95, %dma_start3A_96] : memref<32x80x128xi32, #tpu.memory_space<hbm>> -> memref<1x80x128xi32, #tpu.memory_space<hbm>>
      %dma_start3A_98 = tpu.memref_squeeze %dma_start3A_97 : memref<1x80x128xi32, #tpu.memory_space<hbm>> -> memref<80x128xi32, #tpu.memory_space<hbm>>
      tpu.enqueue_dma source(%dma_start3A_98 : memref<80x128xi32, #tpu.memory_space<hbm>>) target(%arg8 : memref<80x128xi32, #tpu.memory_space<vmem>>) target_semaphore(%run_scoped3A : memref<!tpu.dma_semaphore, #tpu.memory_space<semaphore_mem>>)
      %dma_wait3A_99 = arith.constant 0 : i32
      %dma_wait3A_100 = arith.constant 0 : i32
      %dma_wait3A_101 = tpu.memref_slice %arg4[%add3A, %dma_wait3A_99, %dma_wait3A_100] : memref<32x80x128xi32, #tpu.memory_space<hbm>> -> memref<1x80x128xi32, #tpu.memory_space<hbm>>
      %dma_wait3A_102 = tpu.memref_squeeze %dma_wait3A_101 : memref<1x80x128xi32, #tpu.memory_space<hbm>> -> memref<80x128xi32, #tpu.memory_space<hbm>>
      %dma_wait3A_103 = arith.constant 0 : i32
      %dma_wait3A_104 = arith.constant 0 : i32
      %dma_wait3A_105 = tpu.memref_slice %arg4[%add3A, %dma_wait3A_103, %dma_wait3A_104] : memref<32x80x128xi32, #tpu.memory_space<hbm>> -> memref<1x80x128xi32, #tpu.memory_space<hbm>>
      %dma_wait3A_106 = tpu.memref_squeeze %dma_wait3A_105 : memref<1x80x128xi32, #tpu.memory_space<hbm>> -> memref<80x128xi32, #tpu.memory_space<hbm>>
      tpu.wait_dma2 semaphore(%run_scoped3A : memref<!tpu.dma_semaphore, #tpu.memory_space<semaphore_mem>>) src(%dma_wait3A_106 : memref<80x128xi32, #tpu.memory_space<hbm>>) dst(%arg8 : memref<80x128xi32, #tpu.memory_space<vmem>>)
      tpu.yield
    }) : () -> ()
    %barrier3A = arith.constant 0 : index
    tpu.barrier barrier_id(%barrier3A)
    %dma_start3A = arith.constant 0 : i32
    %dma_start3A_9 = arith.constant 0 : i32
    %dma_start3A_10 = tpu.memref_slice %arg5[%add3A, %dma_start3A, %dma_start3A_9] : memref<32x80x128xi32, #tpu.memory_space<hbm>> -> memref<1x1x128xi32, #tpu.memory_space<hbm>>
    %dma_start3A_11 = tpu.memref_squeeze %dma_start3A_10 : memref<1x1x128xi32, #tpu.memory_space<hbm>> -> memref<128xi32, #tpu.memory_space<hbm>>
    %dma_start3A_12 = arith.constant 0 : i32
    %dma_start3A_13 = tpu.memref_slice %arg5[%add3A, %dma_start3A, %dma_start3A_12] : memref<32x80x128xi32, #tpu.memory_space<hbm>> -> memref<1x1x128xi32, #tpu.memory_space<hbm>>
    %dma_start3A_14 = tpu.memref_squeeze %dma_start3A_13 : memref<1x1x128xi32, #tpu.memory_space<hbm>> -> memref<128xi32, #tpu.memory_space<hbm>>
    tpu.enqueue_dma source(%dma_start3A_14 : memref<128xi32, #tpu.memory_space<hbm>>) target(%arg9 : memref<128xi32, #tpu.memory_space<vmem>>) target_semaphore(%arg14 : memref<!tpu.dma_semaphore, #tpu.memory_space<semaphore_mem>>)
    %dma_start3A_15 = arith.constant 0 : i32
    %dma_start3A_16 = arith.constant 0 : i32
    %dma_start3A_17 = tpu.memref_slice %arg8[%dma_start3A_15, %dma_start3A_16] : memref<80x128xi32, #tpu.memory_space<vmem>> -> memref<1x128xi32, #tpu.memory_space<vmem>>
    %dma_start3A_18 = tpu.memref_squeeze %dma_start3A_17 : memref<1x128xi32, #tpu.memory_space<vmem>> -> memref<128xi32, #tpu.memory_space<vmem>>
    %dma_start3A_19 = arith.constant 0 : i32
    %dma_start3A_20 = arith.constant 0 : i32
    %dma_start3A_21 = tpu.memref_slice %arg2[%dma_start3A_19, %dma_start3A_20] : memref<10240x128xf32, #tpu.memory_space<hbm>> -> memref<10240x128xf32, #tpu.memory_space<hbm>>
    tpu.enqueue_indirect_dma source(%dma_start3A_21 : memref<10240x128xf32, #tpu.memory_space<hbm>>) target(%arg11 : memref<128x128xf32, #tpu.memory_space<vmem>>) offsets(%dma_start3A_18 : memref<128xi32, #tpu.memory_space<vmem>>) semaphore(%arg14 : memref<!tpu.dma_semaphore, #tpu.memory_space<semaphore_mem>>)
    %dma_start3A_22 = arith.constant 1 : i32
    %dma_start3A_23 = arith.constant 0 : i32
    %dma_start3A_24 = tpu.memref_slice %arg5[%add3A, %dma_start3A_22, %dma_start3A_23] : memref<32x80x128xi32, #tpu.memory_space<hbm>> -> memref<1x1x128xi32, #tpu.memory_space<hbm>>
    %dma_start3A_25 = tpu.memref_squeeze %dma_start3A_24 : memref<1x1x128xi32, #tpu.memory_space<hbm>> -> memref<128xi32, #tpu.memory_space<hbm>>
    %dma_start3A_26 = arith.constant 0 : i32
    %dma_start3A_27 = tpu.memref_slice %arg5[%add3A, %dma_start3A_22, %dma_start3A_26] : memref<32x80x128xi32, #tpu.memory_space<hbm>> -> memref<1x1x128xi32, #tpu.memory_space<hbm>>
    %dma_start3A_28 = tpu.memref_squeeze %dma_start3A_27 : memref<1x1x128xi32, #tpu.memory_space<hbm>> -> memref<128xi32, #tpu.memory_space<hbm>>
    tpu.enqueue_dma source(%dma_start3A_28 : memref<128xi32, #tpu.memory_space<hbm>>) target(%arg10 : memref<128xi32, #tpu.memory_space<vmem>>) target_semaphore(%arg15 : memref<!tpu.dma_semaphore, #tpu.memory_space<semaphore_mem>>)
    %dma_start3A_29 = arith.constant 1 : i32
    %dma_start3A_30 = arith.constant 0 : i32
    %dma_start3A_31 = tpu.memref_slice %arg8[%dma_start3A_29, %dma_start3A_30] : memref<80x128xi32, #tpu.memory_space<vmem>> -> memref<1x128xi32, #tpu.memory_space<vmem>>
    %dma_start3A_32 = tpu.memref_squeeze %dma_start3A_31 : memref<1x128xi32, #tpu.memory_space<vmem>> -> memref<128xi32, #tpu.memory_space<vmem>>
    %dma_start3A_33 = arith.constant 0 : i32
    %dma_start3A_34 = arith.constant 0 : i32
    %dma_start3A_35 = tpu.memref_slice %arg2[%dma_start3A_33, %dma_start3A_34] : memref<10240x128xf32, #tpu.memory_space<hbm>> -> memref<10240x128xf32, #tpu.memory_space<hbm>>
    tpu.enqueue_indirect_dma source(%dma_start3A_35 : memref<10240x128xf32, #tpu.memory_space<hbm>>) target(%arg12 : memref<128x128xf32, #tpu.memory_space<vmem>>) offsets(%dma_start3A_32 : memref<128xi32, #tpu.memory_space<vmem>>) semaphore(%arg15 : memref<!tpu.dma_semaphore, #tpu.memory_space<semaphore_mem>>)
    %scan3A = arith.constant 0 : i32
    %scan3A_36 = arith.constant 0 : i32
    %scan3A_37 = arith.constant 39 : i32
    %scan3A_38 = arith.addi %scan3A_36, %scan3A_37 : i32
    %scan3A_39 = arith.constant 1 : i32
    scf.for %scan3A_91 = %scan3A_36 to %scan3A_38 step %scan3A_39  : i32 {
      %mul3A_92 = arith.constant 2 : i32
      %mul3A_93 = arith.muli %mul3A_92, %scan3A_91 : i32
      %add3A_94 = arith.constant 0 : i32
      %add3A_95 = arith.addi %mul3A_93, %add3A_94 : i32
      %dma_wait3A_96 = arith.constant 0 : i32
      %dma_wait3A_97 = tpu.memref_slice %arg5[%add3A, %add3A_95, %dma_wait3A_96] : memref<32x80x128xi32, #tpu.memory_space<hbm>> -> memref<1x1x128xi32, #tpu.memory_space<hbm>>
      %dma_wait3A_98 = tpu.memref_squeeze %dma_wait3A_97 : memref<1x1x128xi32, #tpu.memory_space<hbm>> -> memref<128xi32, #tpu.memory_space<hbm>>
      %dma_wait3A_99 = arith.constant 0 : i32
      %dma_wait3A_100 = tpu.memref_slice %arg5[%add3A, %add3A_95, %dma_wait3A_99] : memref<32x80x128xi32, #tpu.memory_space<hbm>> -> memref<1x1x128xi32, #tpu.memory_space<hbm>>
      %dma_wait3A_101 = tpu.memref_squeeze %dma_wait3A_100 : memref<1x1x128xi32, #tpu.memory_space<hbm>> -> memref<128xi32, #tpu.memory_space<hbm>>
      tpu.wait_dma2 semaphore(%arg14 : memref<!tpu.dma_semaphore, #tpu.memory_space<semaphore_mem>>) src(%dma_wait3A_101 : memref<128xi32, #tpu.memory_space<hbm>>) dst(%arg9 : memref<128xi32, #tpu.memory_space<vmem>>)
      %dma_wait3A_102 = arith.constant 0 : i32
      %dma_wait3A_103 = tpu.memref_slice %arg8[%add3A_95, %dma_wait3A_102] : memref<80x128xi32, #tpu.memory_space<vmem>> -> memref<1x128xi32, #tpu.memory_space<vmem>>
      %dma_wait3A_104 = tpu.memref_squeeze %dma_wait3A_103 : memref<1x128xi32, #tpu.memory_space<vmem>> -> memref<128xi32, #tpu.memory_space<vmem>>
      %dma_wait3A_105 = arith.constant 0 : i32
      %dma_wait3A_106 = arith.constant 0 : i32
      %dma_wait3A_107 = tpu.memref_slice %arg2[%dma_wait3A_105, %dma_wait3A_106] : memref<10240x128xf32, #tpu.memory_space<hbm>> -> memref<10240x128xf32, #tpu.memory_space<hbm>>
      tpu.wait_indirect_dma semaphore(%arg14 : memref<!tpu.dma_semaphore, #tpu.memory_space<semaphore_mem>>) src(%dma_wait3A_107 : memref<10240x128xf32, #tpu.memory_space<hbm>>) dst(%arg11 : memref<128x128xf32, #tpu.memory_space<vmem>>)
      %dma_start3A_108 = arith.constant 0 : i32
      %dma_start3A_109 = arith.constant 0 : i32
      %dma_start3A_110 = tpu.memref_slice %arg13[%dma_start3A_108, %dma_start3A_109] : memref<10240x128xf32, #tpu.memory_space<vmem_shared>> -> memref<10240x128xf32, #tpu.memory_space<vmem_shared>>
      tpu.enqueue_indirect_dma source(%arg11 : memref<128x128xf32, #tpu.memory_space<vmem>>) target(%dma_start3A_110 : memref<10240x128xf32, #tpu.memory_space<vmem_shared>>) offsets(%arg9 : memref<128xi32, #tpu.memory_space<vmem>>) semaphore(%arg16 : memref<!tpu.dma_semaphore, #tpu.memory_space<semaphore_mem>>) {add = true}
      %add3A_111 = arith.constant 1 : i32
      %add3A_112 = arith.addi %mul3A_93, %add3A_111 : i32
      %dma_wait3A_113 = arith.constant 0 : i32
      %dma_wait3A_114 = tpu.memref_slice %arg5[%add3A, %add3A_112, %dma_wait3A_113] : memref<32x80x128xi32, #tpu.memory_space<hbm>> -> memref<1x1x128xi32, #tpu.memory_space<hbm>>
      %dma_wait3A_115 = tpu.memref_squeeze %dma_wait3A_114 : memref<1x1x128xi32, #tpu.memory_space<hbm>> -> memref<128xi32, #tpu.memory_space<hbm>>
      %dma_wait3A_116 = arith.constant 0 : i32
      %dma_wait3A_117 = tpu.memref_slice %arg5[%add3A, %add3A_112, %dma_wait3A_116] : memref<32x80x128xi32, #tpu.memory_space<hbm>> -> memref<1x1x128xi32, #tpu.memory_space<hbm>>
      %dma_wait3A_118 = tpu.memref_squeeze %dma_wait3A_117 : memref<1x1x128xi32, #tpu.memory_space<hbm>> -> memref<128xi32, #tpu.memory_space<hbm>>
      tpu.wait_dma2 semaphore(%arg15 : memref<!tpu.dma_semaphore, #tpu.memory_space<semaphore_mem>>) src(%dma_wait3A_118 : memref<128xi32, #tpu.memory_space<hbm>>) dst(%arg10 : memref<128xi32, #tpu.memory_space<vmem>>)
      %dma_wait3A_119 = arith.constant 0 : i32
      %dma_wait3A_120 = tpu.memref_slice %arg8[%add3A_112, %dma_wait3A_119] : memref<80x128xi32, #tpu.memory_space<vmem>> -> memref<1x128xi32, #tpu.memory_space<vmem>>
      %dma_wait3A_121 = tpu.memref_squeeze %dma_wait3A_120 : memref<1x128xi32, #tpu.memory_space<vmem>> -> memref<128xi32, #tpu.memory_space<vmem>>
      %dma_wait3A_122 = arith.constant 0 : i32
      %dma_wait3A_123 = arith.constant 0 : i32
      %dma_wait3A_124 = tpu.memref_slice %arg2[%dma_wait3A_122, %dma_wait3A_123] : memref<10240x128xf32, #tpu.memory_space<hbm>> -> memref<10240x128xf32, #tpu.memory_space<hbm>>
      tpu.wait_indirect_dma semaphore(%arg15 : memref<!tpu.dma_semaphore, #tpu.memory_space<semaphore_mem>>) src(%dma_wait3A_124 : memref<10240x128xf32, #tpu.memory_space<hbm>>) dst(%arg12 : memref<128x128xf32, #tpu.memory_space<vmem>>)
      %dma_start3A_125 = arith.constant 0 : i32
      %dma_start3A_126 = arith.constant 0 : i32
      %dma_start3A_127 = tpu.memref_slice %arg13[%dma_start3A_125, %dma_start3A_126] : memref<10240x128xf32, #tpu.memory_space<vmem_shared>> -> memref<10240x128xf32, #tpu.memory_space<vmem_shared>>
      tpu.enqueue_indirect_dma source(%arg12 : memref<128x128xf32, #tpu.memory_space<vmem>>) target(%dma_start3A_127 : memref<10240x128xf32, #tpu.memory_space<vmem_shared>>) offsets(%arg10 : memref<128xi32, #tpu.memory_space<vmem>>) semaphore(%arg17 : memref<!tpu.dma_semaphore, #tpu.memory_space<semaphore_mem>>) {add = true}
      %dma_wait3A_128 = arith.constant 0 : i32
      %dma_wait3A_129 = arith.constant 0 : i32
      %dma_wait3A_130 = tpu.memref_slice %arg13[%dma_wait3A_128, %dma_wait3A_129] : memref<10240x128xf32, #tpu.memory_space<vmem_shared>> -> memref<10240x128xf32, #tpu.memory_space<vmem_shared>>
      tpu.wait_indirect_dma semaphore(%arg16 : memref<!tpu.dma_semaphore, #tpu.memory_space<semaphore_mem>>) src(%arg11 : memref<128x128xf32, #tpu.memory_space<vmem>>) dst(%dma_wait3A_130 : memref<10240x128xf32, #tpu.memory_space<vmem_shared>>)
      %add3A_131 = arith.constant 2 : i32
      %add3A_132 = arith.addi %mul3A_93, %add3A_131 : i32
      %add3A_133 = arith.constant 0 : i32
      %add3A_134 = arith.addi %add3A_132, %add3A_133 : i32
      %dma_start3A_135 = arith.constant 0 : i32
      %dma_start3A_136 = tpu.memref_slice %arg5[%add3A, %add3A_134, %dma_start3A_135] : memref<32x80x128xi32, #tpu.memory_space<hbm>> -> memref<1x1x128xi32, #tpu.memory_space<hbm>>
      %dma_start3A_137 = tpu.memref_squeeze %dma_start3A_136 : memref<1x1x128xi32, #tpu.memory_space<hbm>> -> memref<128xi32, #tpu.memory_space<hbm>>
      %dma_start3A_138 = arith.constant 0 : i32
      %dma_start3A_139 = tpu.memref_slice %arg5[%add3A, %add3A_134, %dma_start3A_138] : memref<32x80x128xi32, #tpu.memory_space<hbm>> -> memref<1x1x128xi32, #tpu.memory_space<hbm>>
      %dma_start3A_140 = tpu.memref_squeeze %dma_start3A_139 : memref<1x1x128xi32, #tpu.memory_space<hbm>> -> memref<128xi32, #tpu.memory_space<hbm>>
      tpu.enqueue_dma source(%dma_start3A_140 : memref<128xi32, #tpu.memory_space<hbm>>) target(%arg9 : memref<128xi32, #tpu.memory_space<vmem>>) target_semaphore(%arg14 : memref<!tpu.dma_semaphore, #tpu.memory_space<semaphore_mem>>)
      %dma_start3A_141 = arith.constant 0 : i32
      %dma_start3A_142 = tpu.memref_slice %arg8[%add3A_134, %dma_start3A_141] : memref<80x128xi32, #tpu.memory_space<vmem>> -> memref<1x128xi32, #tpu.memory_space<vmem>>
      %dma_start3A_143 = tpu.memref_squeeze %dma_start3A_142 : memref<1x128xi32, #tpu.memory_space<vmem>> -> memref<128xi32, #tpu.memory_space<vmem>>
      %dma_start3A_144 = arith.constant 0 : i32
      %dma_start3A_145 = arith.constant 0 : i32
      %dma_start3A_146 = tpu.memref_slice %arg2[%dma_start3A_144, %dma_start3A_145] : memref<10240x128xf32, #tpu.memory_space<hbm>> -> memref<10240x128xf32, #tpu.memory_space<hbm>>
      tpu.enqueue_indirect_dma source(%dma_start3A_146 : memref<10240x128xf32, #tpu.memory_space<hbm>>) target(%arg11 : memref<128x128xf32, #tpu.memory_space<vmem>>) offsets(%dma_start3A_143 : memref<128xi32, #tpu.memory_space<vmem>>) semaphore(%arg14 : memref<!tpu.dma_semaphore, #tpu.memory_space<semaphore_mem>>)
      %dma_wait3A_147 = arith.constant 0 : i32
      %dma_wait3A_148 = arith.constant 0 : i32
      %dma_wait3A_149 = tpu.memref_slice %arg13[%dma_wait3A_147, %dma_wait3A_148] : memref<10240x128xf32, #tpu.memory_space<vmem_shared>> -> memref<10240x128xf32, #tpu.memory_space<vmem_shared>>
      tpu.wait_indirect_dma semaphore(%arg17 : memref<!tpu.dma_semaphore, #tpu.memory_space<semaphore_mem>>) src(%arg12 : memref<128x128xf32, #tpu.memory_space<vmem>>) dst(%dma_wait3A_149 : memref<10240x128xf32, #tpu.memory_space<vmem_shared>>)
      %add3A_150 = arith.constant 2 : i32
      %add3A_151 = arith.addi %mul3A_93, %add3A_150 : i32
      %add3A_152 = arith.constant 1 : i32
      %add3A_153 = arith.addi %add3A_151, %add3A_152 : i32
      %dma_start3A_154 = arith.constant 0 : i32
      %dma_start3A_155 = tpu.memref_slice %arg5[%add3A, %add3A_153, %dma_start3A_154] : memref<32x80x128xi32, #tpu.memory_space<hbm>> -> memref<1x1x128xi32, #tpu.memory_space<hbm>>
      %dma_start3A_156 = tpu.memref_squeeze %dma_start3A_155 : memref<1x1x128xi32, #tpu.memory_space<hbm>> -> memref<128xi32, #tpu.memory_space<hbm>>
      %dma_start3A_157 = arith.constant 0 : i32
      %dma_start3A_158 = tpu.memref_slice %arg5[%add3A, %add3A_153, %dma_start3A_157] : memref<32x80x128xi32, #tpu.memory_space<hbm>> -> memref<1x1x128xi32, #tpu.memory_space<hbm>>
      %dma_start3A_159 = tpu.memref_squeeze %dma_start3A_158 : memref<1x1x128xi32, #tpu.memory_space<hbm>> -> memref<128xi32, #tpu.memory_space<hbm>>
      tpu.enqueue_dma source(%dma_start3A_159 : memref<128xi32, #tpu.memory_space<hbm>>) target(%arg10 : memref<128xi32, #tpu.memory_space<vmem>>) target_semaphore(%arg15 : memref<!tpu.dma_semaphore, #tpu.memory_space<semaphore_mem>>)
      %dma_start3A_160 = arith.constant 0 : i32
      %dma_start3A_161 = tpu.memref_slice %arg8[%add3A_153, %dma_start3A_160] : memref<80x128xi32, #tpu.memory_space<vmem>> -> memref<1x128xi32, #tpu.memory_space<vmem>>
      %dma_start3A_162 = tpu.memref_squeeze %dma_start3A_161 : memref<1x128xi32, #tpu.memory_space<vmem>> -> memref<128xi32, #tpu.memory_space<vmem>>
      %dma_start3A_163 = arith.constant 0 : i32
      %dma_start3A_164 = arith.constant 0 : i32
      %dma_start3A_165 = tpu.memref_slice %arg2[%dma_start3A_163, %dma_start3A_164] : memref<10240x128xf32, #tpu.memory_space<hbm>> -> memref<10240x128xf32, #tpu.memory_space<hbm>>
      tpu.enqueue_indirect_dma source(%dma_start3A_165 : memref<10240x128xf32, #tpu.memory_space<hbm>>) target(%arg12 : memref<128x128xf32, #tpu.memory_space<vmem>>) offsets(%dma_start3A_162 : memref<128xi32, #tpu.memory_space<vmem>>) semaphore(%arg15 : memref<!tpu.dma_semaphore, #tpu.memory_space<semaphore_mem>>)
    }
    %scan3A_40 = arith.constant 39 : i32
    %dma_wait3A = arith.constant 78 : i32
    %dma_wait3A_41 = arith.constant 0 : i32
    %dma_wait3A_42 = tpu.memref_slice %arg5[%add3A, %dma_wait3A, %dma_wait3A_41] : memref<32x80x128xi32, #tpu.memory_space<hbm>> -> memref<1x1x128xi32, #tpu.memory_space<hbm>>
    %dma_wait3A_43 = tpu.memref_squeeze %dma_wait3A_42 : memref<1x1x128xi32, #tpu.memory_space<hbm>> -> memref<128xi32, #tpu.memory_space<hbm>>
    %dma_wait3A_44 = arith.constant 0 : i32
    %dma_wait3A_45 = tpu.memref_slice %arg5[%add3A, %dma_wait3A, %dma_wait3A_44] : memref<32x80x128xi32, #tpu.memory_space<hbm>> -> memref<1x1x128xi32, #tpu.memory_space<hbm>>
    %dma_wait3A_46 = tpu.memref_squeeze %dma_wait3A_45 : memref<1x1x128xi32, #tpu.memory_space<hbm>> -> memref<128xi32, #tpu.memory_space<hbm>>
    tpu.wait_dma2 semaphore(%arg14 : memref<!tpu.dma_semaphore, #tpu.memory_space<semaphore_mem>>) src(%dma_wait3A_46 : memref<128xi32, #tpu.memory_space<hbm>>) dst(%arg9 : memref<128xi32, #tpu.memory_space<vmem>>)
    %dma_wait3A_47 = arith.constant 78 : i32
    %dma_wait3A_48 = arith.constant 0 : i32
    %dma_wait3A_49 = tpu.memref_slice %arg8[%dma_wait3A_47, %dma_wait3A_48] : memref<80x128xi32, #tpu.memory_space<vmem>> -> memref<1x128xi32, #tpu.memory_space<vmem>>
    %dma_wait3A_50 = tpu.memref_squeeze %dma_wait3A_49 : memref<1x128xi32, #tpu.memory_space<vmem>> -> memref<128xi32, #tpu.memory_space<vmem>>
    %dma_wait3A_51 = arith.constant 0 : i32
    %dma_wait3A_52 = arith.constant 0 : i32
    %dma_wait3A_53 = tpu.memref_slice %arg2[%dma_wait3A_51, %dma_wait3A_52] : memref<10240x128xf32, #tpu.memory_space<hbm>> -> memref<10240x128xf32, #tpu.memory_space<hbm>>
    tpu.wait_indirect_dma semaphore(%arg14 : memref<!tpu.dma_semaphore, #tpu.memory_space<semaphore_mem>>) src(%dma_wait3A_53 : memref<10240x128xf32, #tpu.memory_space<hbm>>) dst(%arg11 : memref<128x128xf32, #tpu.memory_space<vmem>>)
    %dma_start3A_54 = arith.constant 0 : i32
    %dma_start3A_55 = arith.constant 0 : i32
    %dma_start3A_56 = tpu.memref_slice %arg13[%dma_start3A_54, %dma_start3A_55] : memref<10240x128xf32, #tpu.memory_space<vmem_shared>> -> memref<10240x128xf32, #tpu.memory_space<vmem_shared>>
    tpu.enqueue_indirect_dma source(%arg11 : memref<128x128xf32, #tpu.memory_space<vmem>>) target(%dma_start3A_56 : memref<10240x128xf32, #tpu.memory_space<vmem_shared>>) offsets(%arg9 : memref<128xi32, #tpu.memory_space<vmem>>) semaphore(%arg16 : memref<!tpu.dma_semaphore, #tpu.memory_space<semaphore_mem>>) {add = true}
    %dma_wait3A_57 = arith.constant 79 : i32
    %dma_wait3A_58 = arith.constant 0 : i32
    %dma_wait3A_59 = tpu.memref_slice %arg5[%add3A, %dma_wait3A_57, %dma_wait3A_58] : memref<32x80x128xi32, #tpu.memory_space<hbm>> -> memref<1x1x128xi32, #tpu.memory_space<hbm>>
    %dma_wait3A_60 = tpu.memref_squeeze %dma_wait3A_59 : memref<1x1x128xi32, #tpu.memory_space<hbm>> -> memref<128xi32, #tpu.memory_space<hbm>>
    %dma_wait3A_61 = arith.constant 0 : i32
    %dma_wait3A_62 = tpu.memref_slice %arg5[%add3A, %dma_wait3A_57, %dma_wait3A_61] : memref<32x80x128xi32, #tpu.memory_space<hbm>> -> memref<1x1x128xi32, #tpu.memory_space<hbm>>
    %dma_wait3A_63 = tpu.memref_squeeze %dma_wait3A_62 : memref<1x1x128xi32, #tpu.memory_space<hbm>> -> memref<128xi32, #tpu.memory_space<hbm>>
    tpu.wait_dma2 semaphore(%arg15 : memref<!tpu.dma_semaphore, #tpu.memory_space<semaphore_mem>>) src(%dma_wait3A_63 : memref<128xi32, #tpu.memory_space<hbm>>) dst(%arg10 : memref<128xi32, #tpu.memory_space<vmem>>)
    %dma_wait3A_64 = arith.constant 79 : i32
    %dma_wait3A_65 = arith.constant 0 : i32
    %dma_wait3A_66 = tpu.memref_slice %arg8[%dma_wait3A_64, %dma_wait3A_65] : memref<80x128xi32, #tpu.memory_space<vmem>> -> memref<1x128xi32, #tpu.memory_space<vmem>>
    %dma_wait3A_67 = tpu.memref_squeeze %dma_wait3A_66 : memref<1x128xi32, #tpu.memory_space<vmem>> -> memref<128xi32, #tpu.memory_space<vmem>>
    %dma_wait3A_68 = arith.constant 0 : i32
    %dma_wait3A_69 = arith.constant 0 : i32
    %dma_wait3A_70 = tpu.memref_slice %arg2[%dma_wait3A_68, %dma_wait3A_69] : memref<10240x128xf32, #tpu.memory_space<hbm>> -> memref<10240x128xf32, #tpu.memory_space<hbm>>
    tpu.wait_indirect_dma semaphore(%arg15 : memref<!tpu.dma_semaphore, #tpu.memory_space<semaphore_mem>>) src(%dma_wait3A_70 : memref<10240x128xf32, #tpu.memory_space<hbm>>) dst(%arg12 : memref<128x128xf32, #tpu.memory_space<vmem>>)
    %dma_start3A_71 = arith.constant 0 : i32
    %dma_start3A_72 = arith.constant 0 : i32
    %dma_start3A_73 = tpu.memref_slice %arg13[%dma_start3A_71, %dma_start3A_72] : memref<10240x128xf32, #tpu.memory_space<vmem_shared>> -> memref<10240x128xf32, #tpu.memory_space<vmem_shared>>
    tpu.enqueue_indirect_dma source(%arg12 : memref<128x128xf32, #tpu.memory_space<vmem>>) target(%dma_start3A_73 : memref<10240x128xf32, #tpu.memory_space<vmem_shared>>) offsets(%arg10 : memref<128xi32, #tpu.memory_space<vmem>>) semaphore(%arg17 : memref<!tpu.dma_semaphore, #tpu.memory_space<semaphore_mem>>) {add = true}
    %dma_wait3A_74 = arith.constant 0 : i32
    %dma_wait3A_75 = arith.constant 0 : i32
    %dma_wait3A_76 = tpu.memref_slice %arg13[%dma_wait3A_74, %dma_wait3A_75] : memref<10240x128xf32, #tpu.memory_space<vmem_shared>> -> memref<10240x128xf32, #tpu.memory_space<vmem_shared>>
    tpu.wait_indirect_dma semaphore(%arg16 : memref<!tpu.dma_semaphore, #tpu.memory_space<semaphore_mem>>) src(%arg11 : memref<128x128xf32, #tpu.memory_space<vmem>>) dst(%dma_wait3A_76 : memref<10240x128xf32, #tpu.memory_space<vmem_shared>>)
    %dma_wait3A_77 = arith.constant 0 : i32
    %dma_wait3A_78 = arith.constant 0 : i32
    %dma_wait3A_79 = tpu.memref_slice %arg13[%dma_wait3A_77, %dma_wait3A_78] : memref<10240x128xf32, #tpu.memory_space<vmem_shared>> -> memref<10240x128xf32, #tpu.memory_space<vmem_shared>>
    tpu.wait_indirect_dma semaphore(%arg17 : memref<!tpu.dma_semaphore, #tpu.memory_space<semaphore_mem>>) src(%arg12 : memref<128x128xf32, #tpu.memory_space<vmem>>) dst(%dma_wait3A_79 : memref<10240x128xf32, #tpu.memory_space<vmem_shared>>)
    %barrier3A_80 = arith.constant 0 : index
    tpu.barrier barrier_id(%barrier3A_80)
    %eq3A_81 = arith.constant 0 : i32
    %eq3A_82 = arith.cmpi eq, %arg0, %eq3A_81 : i32
    %convert_element_type3A_83 = arith.extui %eq3A_82 : i1 to i32
    %cond3A_84 = arith.constant 0 : i32
    %cond3A_85 = arith.cmpi ne, %convert_element_type3A_83, %cond3A_84 : i32
    scf.if %cond3A_85 {
      "tpu.region"() ({
        %run_scoped3A = tpu.sem_alloc : memref<!tpu.dma_semaphore, #tpu.memory_space<semaphore_mem>>
        %dma_start3A_91 = arith.constant 0 : i32
        %dma_start3A_92 = tpu.memref_slice %arg6[%mul3A_2, %dma_start3A_91] : memref<10240x128xf32, #tpu.memory_space<hbm>> -> memref<640x128xf32, #tpu.memory_space<hbm>>
        %dma_start3A_93 = arith.constant 0 : i32
        %dma_start3A_94 = tpu.memref_slice %arg13[%mul3A_2, %dma_start3A_93] : memref<10240x128xf32, #tpu.memory_space<vmem_shared>> -> memref<640x128xf32, #tpu.memory_space<vmem_shared>>
        tpu.enqueue_dma source(%dma_start3A_94 : memref<640x128xf32, #tpu.memory_space<vmem_shared>>) target(%dma_start3A_92 : memref<640x128xf32, #tpu.memory_space<hbm>>) target_semaphore(%run_scoped3A : memref<!tpu.dma_semaphore, #tpu.memory_space<semaphore_mem>>)
        %dma_wait3A_95 = arith.constant 0 : i32
        %dma_wait3A_96 = tpu.memref_slice %arg6[%mul3A_2, %dma_wait3A_95] : memref<10240x128xf32, #tpu.memory_space<hbm>> -> memref<640x128xf32, #tpu.memory_space<hbm>>
        %dma_wait3A_97 = arith.constant 0 : i32
        %dma_wait3A_98 = tpu.memref_slice %arg13[%mul3A_2, %dma_wait3A_97] : memref<10240x128xf32, #tpu.memory_space<vmem_shared>> -> memref<640x128xf32, #tpu.memory_space<vmem_shared>>
        tpu.wait_dma2 semaphore(%run_scoped3A : memref<!tpu.dma_semaphore, #tpu.memory_space<semaphore_mem>>) src(%dma_wait3A_98 : memref<640x128xf32, #tpu.memory_space<vmem_shared>>) dst(%dma_wait3A_96 : memref<640x128xf32, #tpu.memory_space<hbm>>)
        tpu.yield
      }) : () -> ()
    } else {
    }
    %ne3A_86 = arith.constant 0 : i32
    %ne3A_87 = arith.cmpi ne, %arg0, %ne3A_86 : i32
    %convert_element_type3A_88 = arith.extui %ne3A_87 : i1 to i32
    %cond3A_89 = arith.constant 0 : i32
    %cond3A_90 = arith.cmpi ne, %convert_element_type3A_88, %cond3A_89 : i32
    scf.if %cond3A_90 {
      "tpu.region"() ({
        %run_scoped3A = tpu.sem_alloc : memref<!tpu.dma_semaphore, #tpu.memory_space<semaphore_mem>>
        %dma_start3A_91 = arith.constant 0 : i32
        %dma_start3A_92 = tpu.memref_slice %arg7[%mul3A_2, %dma_start3A_91] : memref<10240x128xf32, #tpu.memory_space<hbm>> -> memref<640x128xf32, #tpu.memory_space<hbm>>
        %dma_start3A_93 = arith.constant 0 : i32
        %dma_start3A_94 = tpu.memref_slice %arg13[%mul3A_2, %dma_start3A_93] : memref<10240x128xf32, #tpu.memory_space<vmem_shared>> -> memref<640x128xf32, #tpu.memory_space<vmem_shared>>
        tpu.enqueue_dma source(%dma_start3A_94 : memref<640x128xf32, #tpu.memory_space<vmem_shared>>) target(%dma_start3A_92 : memref<640x128xf32, #tpu.memory_space<hbm>>) target_semaphore(%run_scoped3A : memref<!tpu.dma_semaphore, #tpu.memory_space<semaphore_mem>>)
        %dma_wait3A_95 = arith.constant 0 : i32
        %dma_wait3A_96 = tpu.memref_slice %arg7[%mul3A_2, %dma_wait3A_95] : memref<10240x128xf32, #tpu.memory_space<hbm>> -> memref<640x128xf32, #tpu.memory_space<hbm>>
        %dma_wait3A_97 = arith.constant 0 : i32
        %dma_wait3A_98 = tpu.memref_slice %arg13[%mul3A_2, %dma_wait3A_97] : memref<10240x128xf32, #tpu.memory_space<vmem_shared>> -> memref<640x128xf32, #tpu.memory_space<vmem_shared>>
        tpu.wait_dma2 semaphore(%run_scoped3A : memref<!tpu.dma_semaphore, #tpu.memory_space<semaphore_mem>>) src(%dma_wait3A_98 : memref<640x128xf32, #tpu.memory_space<vmem_shared>>) dst(%dma_wait3A_96 : memref<640x128xf32, #tpu.memory_space<hbm>>)
        tpu.yield
      }) : () -> ()
    } else {
    }
    return
  }
}

module attributes {stable_mosaic.version = 14 : i64} {
  func.func @_enc_h_body(%arg0: memref<10000x8xf32, #tpu.memory_space<vmem>>, %arg1: memref<8x128xf32, #tpu.memory_space<vmem>>, %arg2: memref<128xf32, #tpu.memory_space<vmem>>, %arg3: memref<128xf32, #tpu.memory_space<vmem>>, %arg4: memref<128xf32, #tpu.memory_space<vmem>>, %arg5: memref<10000x128xf32, #tpu.memory_space<vmem>>) attributes {dimension_semantics = [], scalar_prefetch = 0 : i64, scratch_operands = 0 : i64, tpu.core_type = #tpu.core_type<tc>} {
    %get3A = arith.constant 0 : index
    %get3A_0 = arith.constant 0 : index
    %get3A_1 = vector.load %arg0[%get3A, %get3A_0] : memref<10000x8xf32, #tpu.memory_space<vmem>>, vector<10000x8xf32>
    %get3A_2 = arith.constant 0 : index
    %get3A_3 = arith.constant 0 : index
    %get3A_4 = vector.load %arg1[%get3A_2, %get3A_3] : memref<8x128xf32, #tpu.memory_space<vmem>>, vector<8x128xf32>
    %dot_general3A = arith.constant dense<0.000000e+00> : vector<10000x128xf32>
    %dot_general3A_5 = tpu.matmul %get3A_1, %get3A_4, %dot_general3A {dimension_numbers = #tpu.dot_dimension_numbers<[1], [0], [0], [1], [0, 0, 1, 1], [], []>, transpose_lhs_hint = false} : vector<10000x8xf32>, vector<8x128xf32>, vector<10000x128xf32> -> vector<10000x128xf32>
    %get3A_6 = arith.constant 0 : index
    %get3A_7 = vector.load %arg2[%get3A_6] : memref<128xf32, #tpu.memory_space<vmem>>, vector<128xf32>
    %broadcast_in_dim3A = vector.shape_cast %get3A_7 : vector<128xf32> to vector<1x128xf32>
    %add3A = vector.broadcast %broadcast_in_dim3A : vector<1x128xf32> to vector<10000x128xf32>
    %add3A_8 = arith.addf %dot_general3A_5, %add3A : vector<10000x128xf32>
    %max3A = arith.constant 0.000000e+00 : f32
    %max3A_9 = vector.broadcast %max3A : f32 to vector<10000x128xf32>
    %max3A_10 = arith.maximumf %add3A_8, %max3A_9 : vector<10000x128xf32>
    %reduce_sum3A = arith.constant dense<0.000000e+00> : vector<128xf32>
    %reduce_sum3A_11 = vector.multi_reduction <add>, %max3A_10, %reduce_sum3A [0] : vector<10000x128xf32> to vector<128xf32>
    %broadcast_in_dim3A_12 = vector.shape_cast %reduce_sum3A_11 : vector<128xf32> to vector<1x128xf32>
    %mul3A = arith.constant 9.99999974E-5 : f32
    %mul3A_13 = vector.broadcast %mul3A : f32 to vector<1x128xf32>
    %mul3A_14 = arith.mulf %broadcast_in_dim3A_12, %mul3A_13 : vector<1x128xf32>
    %sub3A = vector.broadcast %mul3A_14 : vector<1x128xf32> to vector<10000x128xf32>
    %sub3A_15 = arith.subf %max3A_10, %sub3A : vector<10000x128xf32>
    %mul3A_16 = arith.mulf %sub3A_15, %sub3A_15 : vector<10000x128xf32>
    %reduce_sum3A_17 = arith.constant dense<0.000000e+00> : vector<128xf32>
    %reduce_sum3A_18 = vector.multi_reduction <add>, %mul3A_16, %reduce_sum3A_17 [0] : vector<10000x128xf32> to vector<128xf32>
    %broadcast_in_dim3A_19 = vector.shape_cast %reduce_sum3A_18 : vector<128xf32> to vector<1x128xf32>
    %mul3A_20 = arith.constant 9.99999974E-5 : f32
    %mul3A_21 = vector.broadcast %mul3A_20 : f32 to vector<1x128xf32>
    %mul3A_22 = arith.mulf %broadcast_in_dim3A_19, %mul3A_21 : vector<1x128xf32>
    %add3A_23 = arith.constant 9.99999974E-6 : f32
    %add3A_24 = vector.broadcast %add3A_23 : f32 to vector<1x128xf32>
    %add3A_25 = arith.addf %mul3A_22, %add3A_24 : vector<1x128xf32>
    %rsqrt3A = math.rsqrt %add3A_25 : vector<1x128xf32>
    %mul3A_26 = vector.broadcast %rsqrt3A : vector<1x128xf32> to vector<10000x128xf32>
    %mul3A_27 = arith.mulf %sub3A_15, %mul3A_26 : vector<10000x128xf32>
    %get3A_28 = arith.constant 0 : index
    %get3A_29 = vector.load %arg3[%get3A_28] : memref<128xf32, #tpu.memory_space<vmem>>, vector<128xf32>
    %broadcast_in_dim3A_30 = vector.shape_cast %get3A_29 : vector<128xf32> to vector<1x128xf32>
    %mul3A_31 = vector.broadcast %broadcast_in_dim3A_30 : vector<1x128xf32> to vector<10000x128xf32>
    %mul3A_32 = arith.mulf %mul3A_27, %mul3A_31 : vector<10000x128xf32>
    %get3A_33 = arith.constant 0 : index
    %get3A_34 = vector.load %arg4[%get3A_33] : memref<128xf32, #tpu.memory_space<vmem>>, vector<128xf32>
    %broadcast_in_dim3A_35 = vector.shape_cast %get3A_34 : vector<128xf32> to vector<1x128xf32>
    %add3A_36 = vector.broadcast %broadcast_in_dim3A_35 : vector<1x128xf32> to vector<10000x128xf32>
    %add3A_37 = arith.addf %mul3A_32, %add3A_36 : vector<10000x128xf32>
    %swap3A = arith.constant 0 : index
    %swap3A_38 = arith.constant 0 : index
    %swap3A_39 = vector.load %arg5[%swap3A, %swap3A_38] : memref<10000x128xf32, #tpu.memory_space<vmem>>, vector<10000x128xf32>
    tpu.vector_store %arg5[%swap3A, %swap3A_38], %add3A_37 {strides = array<i32>} : memref<10000x128xf32, #tpu.memory_space<vmem>>, vector<10000x128xf32>,
    return
  }
}

module attributes {stable_mosaic.version = 14 : i64} {
  func.func @_enc_msc_body(%arg0: memref<10000x128xf32, #tpu.memory_space<vmem>>, %arg1: memref<32x10240xf32, #tpu.memory_space<vmem>>, %arg2: memref<128x128xf32, #tpu.memory_space<vmem>>, %arg3: memref<10240x1xf32, #tpu.memory_space<vmem>>, %arg4: memref<10240x128xf32, #tpu.memory_space<vmem>>) attributes {dimension_semantics = [], scalar_prefetch = 0 : i64, scratch_operands = 0 : i64, tpu.core_type = #tpu.core_type<tc>} {
    %get3A = arith.constant 0 : index
    %get3A_0 = arith.constant 0 : index
    %get3A_1 = vector.load %arg1[%get3A, %get3A_0] : memref<32x10240xf32, #tpu.memory_space<vmem>>, vector<32x10240xf32>
    %reduce_sum3A = arith.constant dense<0.000000e+00> : vector<10240xf32>
    %reduce_sum3A_2 = vector.multi_reduction <add>, %get3A_1, %reduce_sum3A [0] : vector<32x10240xf32> to vector<10240xf32>
    %reshape3A = vector.shape_cast %reduce_sum3A_2 : vector<10240xf32> to vector<10240x1xf32>
    %add3A = arith.constant 1.000000e+00 : f32
    %add3A_3 = vector.broadcast %add3A : f32 to vector<10240x1xf32>
    %add3A_4 = arith.addf %reshape3A, %add3A_3 : vector<10240x1xf32>
    %gt3A = arith.constant 0.000000e+00 : f32
    %gt3A_5 = vector.broadcast %gt3A : f32 to vector<10240x1xf32>
    %gt3A_6 = arith.cmpf ogt, %add3A_4, %gt3A_5 : vector<10240x1xf32>
    %max3A = arith.constant 1.000000e+00 : f32
    %max3A_7 = vector.broadcast %max3A : f32 to vector<10240x1xf32>
    %max3A_8 = arith.maximumf %add3A_4, %max3A_7 : vector<10240x1xf32>
    %rsqrt3A = math.rsqrt %max3A_8 : vector<10240x1xf32>
    %jit3A = arith.constant 0.000000e+00 : f32
    %broadcast_in_dim3A = vector.broadcast %jit3A : f32 to vector<10240x1xf32>
    %select_n3A = arith.select %gt3A_6, %rsqrt3A, %broadcast_in_dim3A : vector<10240x1xi1>, vector<10240x1xf32>
    %swap3A = arith.constant 0 : index
    %swap3A_9 = arith.constant 0 : index
    %swap3A_10 = vector.load %arg3[%swap3A, %swap3A_9] : memref<10240x1xf32, #tpu.memory_space<vmem>>, vector<10240x1xf32>
    tpu.vector_store %arg3[%swap3A, %swap3A_9], %select_n3A {strides = array<i32>} : memref<10240x1xf32, #tpu.memory_space<vmem>>, vector<10240x1xf32>,
    %get3A_11 = arith.constant 0 : index
    %get3A_12 = arith.constant 0 : index
    %get3A_13 = vector.load %arg0[%get3A_11, %get3A_12] : memref<10000x128xf32, #tpu.memory_space<vmem>>, vector<10000x128xf32>
    %get3A_14 = arith.constant 0 : index
    %get3A_15 = arith.constant 0 : index
    %get3A_16 = vector.load %arg2[%get3A_14, %get3A_15] : memref<128x128xf32, #tpu.memory_space<vmem>>, vector<128x128xf32>
    %dot_general3A = arith.constant dense<0.000000e+00> : vector<10000x128xf32>
    %dot_general3A_17 = tpu.matmul %get3A_13, %get3A_16, %dot_general3A {dimension_numbers = #tpu.dot_dimension_numbers<[1], [0], [0], [1], [0, 0, 1, 1], [], []>, transpose_lhs_hint = false} : vector<10000x128xf32>, vector<128x128xf32>, vector<10000x128xf32> -> vector<10000x128xf32>
    %slice3A = vector.extract_strided_slice %select_n3A {offsets = [0, 0], sizes = [10000, 1], strides = [1, 1]} : vector<10240x1xf32> to vector<10000x1xf32>
    %mul3A = vector.broadcast %slice3A : vector<10000x1xf32> to vector<10000x128xf32>
    %mul3A_18 = arith.mulf %dot_general3A_17, %mul3A : vector<10000x128xf32>
    %swap3A_19 = arith.constant 0 : index
    %swap3A_20 = arith.constant 0 : index
    %swap3A_21 = vector.load %arg4[%swap3A_19, %swap3A_20] : memref<10240x128xf32, #tpu.memory_space<vmem>>, vector<10000x128xf32>
    tpu.vector_store %arg4[%swap3A_19, %swap3A_20], %mul3A_18 {strides = array<i32>} : memref<10240x128xf32, #tpu.memory_space<vmem>>, vector<10000x128xf32>,
    %broadcast_in_dim3A_22 = arith.constant 0.000000e+00 : f32
    %broadcast_in_dim3A_23 = vector.broadcast %broadcast_in_dim3A_22 : f32 to vector<240x128xf32>
    %swap3A_24 = arith.constant 10000 : index
    %swap3A_25 = arith.constant 0 : index
    %swap3A_26 = vector.load %arg4[%swap3A_24, %swap3A_25] : memref<10240x128xf32, #tpu.memory_space<vmem>>, vector<240x128xf32>
    tpu.vector_store %arg4[%swap3A_24, %swap3A_25], %broadcast_in_dim3A_23 {strides = array<i32>} : memref<10240x128xf32, #tpu.memory_space<vmem>>, vector<240x128xf32>,
    return
  }
}

module attributes {stable_mosaic.version = 14 : i64} {
  func.func @_layer_body(%arg0: memref<10000x128xf32, #tpu.memory_space<vmem>>, %arg1: memref<10240x128xf32, #tpu.memory_space<vmem>>, %arg2: memref<10240x128xf32, #tpu.memory_space<vmem>>, %arg3: memref<10240x1xf32, #tpu.memory_space<vmem>>, %arg4: memref<128xf32, #tpu.memory_space<vmem>>, %arg5: memref<128xf32, #tpu.memory_space<vmem>>, %arg6: memref<128xf32, #tpu.memory_space<vmem>>, %arg7: memref<128x128xf32, #tpu.memory_space<vmem>>, %arg8: memref<10000x128xf32, #tpu.memory_space<vmem>>, %arg9: memref<10240x128xf32, #tpu.memory_space<vmem>>) attributes {dimension_semantics = [], scalar_prefetch = 0 : i64, scratch_operands = 0 : i64, tpu.core_type = #tpu.core_type<tc>} {
    %get3A = arith.constant 0 : index
    %get3A_0 = arith.constant 0 : index
    %get3A_1 = vector.load %arg3[%get3A, %get3A_0] : memref<10240x1xf32, #tpu.memory_space<vmem>>, vector<10240x1xf32>
    %get3A_2 = arith.constant 0 : index
    %get3A_3 = arith.constant 0 : index
    %get3A_4 = vector.load %arg1[%get3A_2, %get3A_3] : memref<10240x128xf32, #tpu.memory_space<vmem>>, vector<10000x128xf32>
    %get3A_5 = arith.constant 0 : index
    %get3A_6 = arith.constant 0 : index
    %get3A_7 = vector.load %arg2[%get3A_5, %get3A_6] : memref<10240x128xf32, #tpu.memory_space<vmem>>, vector<10000x128xf32>
    %add3A = arith.addf %get3A_4, %get3A_7 : vector<10000x128xf32>
    %slice3A = vector.extract_strided_slice %get3A_1 {offsets = [0, 0], sizes = [10000, 1], strides = [1, 1]} : vector<10240x1xf32> to vector<10000x1xf32>
    %mul3A = vector.broadcast %slice3A : vector<10000x1xf32> to vector<10000x128xf32>
    %mul3A_8 = arith.mulf %add3A, %mul3A : vector<10000x128xf32>
    %get3A_9 = arith.constant 0 : index
    %get3A_10 = vector.load %arg4[%get3A_9] : memref<128xf32, #tpu.memory_space<vmem>>, vector<128xf32>
    %broadcast_in_dim3A = vector.shape_cast %get3A_10 : vector<128xf32> to vector<1x128xf32>
    %add3A_11 = vector.broadcast %broadcast_in_dim3A : vector<1x128xf32> to vector<10000x128xf32>
    %add3A_12 = arith.addf %mul3A_8, %add3A_11 : vector<10000x128xf32>
    %get3A_13 = arith.constant 0 : index
    %get3A_14 = vector.load %arg5[%get3A_13] : memref<128xf32, #tpu.memory_space<vmem>>, vector<128xf32>
    %get3A_15 = arith.constant 0 : index
    %get3A_16 = vector.load %arg6[%get3A_15] : memref<128xf32, #tpu.memory_space<vmem>>, vector<128xf32>
    %reduce_sum3A = arith.constant dense<0.000000e+00> : vector<128xf32>
    %reduce_sum3A_17 = vector.multi_reduction <add>, %add3A_12, %reduce_sum3A [0] : vector<10000x128xf32> to vector<128xf32>
    %broadcast_in_dim3A_18 = vector.shape_cast %reduce_sum3A_17 : vector<128xf32> to vector<1x128xf32>
    %mul3A_19 = arith.constant 9.99999974E-5 : f32
    %mul3A_20 = vector.broadcast %mul3A_19 : f32 to vector<1x128xf32>
    %mul3A_21 = arith.mulf %broadcast_in_dim3A_18, %mul3A_20 : vector<1x128xf32>
    %sub3A = vector.broadcast %mul3A_21 : vector<1x128xf32> to vector<10000x128xf32>
    %sub3A_22 = arith.subf %add3A_12, %sub3A : vector<10000x128xf32>
    %mul3A_23 = arith.mulf %sub3A_22, %sub3A_22 : vector<10000x128xf32>
    %reduce_sum3A_24 = arith.constant dense<0.000000e+00> : vector<128xf32>
    %reduce_sum3A_25 = vector.multi_reduction <add>, %mul3A_23, %reduce_sum3A_24 [0] : vector<10000x128xf32> to vector<128xf32>
    %broadcast_in_dim3A_26 = vector.shape_cast %reduce_sum3A_25 : vector<128xf32> to vector<1x128xf32>
    %mul3A_27 = arith.constant 9.99999974E-5 : f32
    %mul3A_28 = vector.broadcast %mul3A_27 : f32 to vector<1x128xf32>
    %mul3A_29 = arith.mulf %broadcast_in_dim3A_26, %mul3A_28 : vector<1x128xf32>
    %add3A_30 = arith.constant 9.99999974E-6 : f32
    %add3A_31 = vector.broadcast %add3A_30 : f32 to vector<1x128xf32>
    %add3A_32 = arith.addf %mul3A_29, %add3A_31 : vector<1x128xf32>
    %rsqrt3A = math.rsqrt %add3A_32 : vector<1x128xf32>
    %mul3A_33 = vector.broadcast %rsqrt3A : vector<1x128xf32> to vector<10000x128xf32>
    %mul3A_34 = arith.mulf %sub3A_22, %mul3A_33 : vector<10000x128xf32>
    %broadcast_in_dim3A_35 = vector.shape_cast %get3A_14 : vector<128xf32> to vector<1x128xf32>
    %mul3A_36 = vector.broadcast %broadcast_in_dim3A_35 : vector<1x128xf32> to vector<10000x128xf32>
    %mul3A_37 = arith.mulf %mul3A_34, %mul3A_36 : vector<10000x128xf32>
    %broadcast_in_dim3A_38 = vector.shape_cast %get3A_16 : vector<128xf32> to vector<1x128xf32>
    %add3A_39 = vector.broadcast %broadcast_in_dim3A_38 : vector<1x128xf32> to vector<10000x128xf32>
    %add3A_40 = arith.addf %mul3A_37, %add3A_39 : vector<10000x128xf32>
    %max3A = arith.constant 0.000000e+00 : f32
    %max3A_41 = vector.broadcast %max3A : f32 to vector<10000x128xf32>
    %max3A_42 = arith.maximumf %add3A_40, %max3A_41 : vector<10000x128xf32>
    %get3A_43 = arith.constant 0 : index
    %get3A_44 = arith.constant 0 : index
    %get3A_45 = vector.load %arg0[%get3A_43, %get3A_44] : memref<10000x128xf32, #tpu.memory_space<vmem>>, vector<10000x128xf32>
    %add3A_46 = arith.addf %get3A_45, %max3A_42 : vector<10000x128xf32>
    %swap3A = arith.constant 0 : index
    %swap3A_47 = arith.constant 0 : index
    %swap3A_48 = vector.load %arg8[%swap3A, %swap3A_47] : memref<10000x128xf32, #tpu.memory_space<vmem>>, vector<10000x128xf32>
    tpu.vector_store %arg8[%swap3A, %swap3A_47], %add3A_46 {strides = array<i32>} : memref<10000x128xf32, #tpu.memory_space<vmem>>, vector<10000x128xf32>,
    %get3A_49 = arith.constant 0 : index
    %get3A_50 = arith.constant 0 : index
    %get3A_51 = vector.load %arg7[%get3A_49, %get3A_50] : memref<128x128xf32, #tpu.memory_space<vmem>>, vector<128x128xf32>
    %dot_general3A = arith.constant dense<0.000000e+00> : vector<10000x128xf32>
    %dot_general3A_52 = tpu.matmul %add3A_46, %get3A_51, %dot_general3A {dimension_numbers = #tpu.dot_dimension_numbers<[1], [0], [0], [1], [0, 0, 1, 1], [], []>, transpose_lhs_hint = false} : vector<10000x128xf32>, vector<128x128xf32>, vector<10000x128xf32> -> vector<10000x128xf32>
    %slice3A_53 = vector.extract_strided_slice %get3A_1 {offsets = [0, 0], sizes = [10000, 1], strides = [1, 1]} : vector<10240x1xf32> to vector<10000x1xf32>
    %mul3A_54 = vector.broadcast %slice3A_53 : vector<10000x1xf32> to vector<10000x128xf32>
    %mul3A_55 = arith.mulf %dot_general3A_52, %mul3A_54 : vector<10000x128xf32>
    %swap3A_56 = arith.constant 0 : index
    %swap3A_57 = arith.constant 0 : index
    %swap3A_58 = vector.load %arg9[%swap3A_56, %swap3A_57] : memref<10240x128xf32, #tpu.memory_space<vmem>>, vector<10000x128xf32>
    tpu.vector_store %arg9[%swap3A_56, %swap3A_57], %mul3A_55 {strides = array<i32>} : memref<10240x128xf32, #tpu.memory_space<vmem>>, vector<10000x128xf32>,
    %broadcast_in_dim3A_59 = arith.constant 0.000000e+00 : f32
    %broadcast_in_dim3A_60 = vector.broadcast %broadcast_in_dim3A_59 : f32 to vector<240x128xf32>
    %swap3A_61 = arith.constant 10000 : index
    %swap3A_62 = arith.constant 0 : index
    %swap3A_63 = vector.load %arg9[%swap3A_61, %swap3A_62] : memref<10240x128xf32, #tpu.memory_space<vmem>>, vector<240x128xf32>
    tpu.vector_store %arg9[%swap3A_61, %swap3A_62], %broadcast_in_dim3A_60 {strides = array<i32>} : memref<10240x128xf32, #tpu.memory_space<vmem>>, vector<240x128xf32>,
    return
  }
}

module attributes {stable_mosaic.version = 14 : i64} {
  func.func @_final_body(%arg0: memref<10000x128xf32, #tpu.memory_space<vmem>>, %arg1: memref<10240x128xf32, #tpu.memory_space<vmem>>, %arg2: memref<10240x128xf32, #tpu.memory_space<vmem>>, %arg3: memref<10240x1xf32, #tpu.memory_space<vmem>>, %arg4: memref<128xf32, #tpu.memory_space<vmem>>, %arg5: memref<128xf32, #tpu.memory_space<vmem>>, %arg6: memref<128xf32, #tpu.memory_space<vmem>>, %arg7: memref<128x64xf32, #tpu.memory_space<vmem>>, %arg8: memref<64xf32, #tpu.memory_space<vmem>>, %arg9: memref<64x32xf32, #tpu.memory_space<vmem>>, %arg10: memref<32xf32, #tpu.memory_space<vmem>>, %arg11: memref<32x1xf32, #tpu.memory_space<vmem>>, %arg12: memref<1xf32, #tpu.memory_space<vmem>>, %arg13: memref<10000x1xf32, #tpu.memory_space<vmem>>) attributes {dimension_semantics = [], scalar_prefetch = 0 : i64, scratch_operands = 0 : i64, tpu.core_type = #tpu.core_type<tc>} {
    %get3A = arith.constant 0 : index
    %get3A_0 = arith.constant 0 : index
    %get3A_1 = vector.load %arg3[%get3A, %get3A_0] : memref<10240x1xf32, #tpu.memory_space<vmem>>, vector<10240x1xf32>
    %get3A_2 = arith.constant 0 : index
    %get3A_3 = arith.constant 0 : index
    %get3A_4 = vector.load %arg1[%get3A_2, %get3A_3] : memref<10240x128xf32, #tpu.memory_space<vmem>>, vector<10000x128xf32>
    %get3A_5 = arith.constant 0 : index
    %get3A_6 = arith.constant 0 : index
    %get3A_7 = vector.load %arg2[%get3A_5, %get3A_6] : memref<10240x128xf32, #tpu.memory_space<vmem>>, vector<10000x128xf32>
    %add3A = arith.addf %get3A_4, %get3A_7 : vector<10000x128xf32>
    %slice3A = vector.extract_strided_slice %get3A_1 {offsets = [0, 0], sizes = [10000, 1], strides = [1, 1]} : vector<10240x1xf32> to vector<10000x1xf32>
    %mul3A = vector.broadcast %slice3A : vector<10000x1xf32> to vector<10000x128xf32>
    %mul3A_8 = arith.mulf %add3A, %mul3A : vector<10000x128xf32>
    %get3A_9 = arith.constant 0 : index
    %get3A_10 = vector.load %arg4[%get3A_9] : memref<128xf32, #tpu.memory_space<vmem>>, vector<128xf32>
    %broadcast_in_dim3A = vector.shape_cast %get3A_10 : vector<128xf32> to vector<1x128xf32>
    %add3A_11 = vector.broadcast %broadcast_in_dim3A : vector<1x128xf32> to vector<10000x128xf32>
    %add3A_12 = arith.addf %mul3A_8, %add3A_11 : vector<10000x128xf32>
    %get3A_13 = arith.constant 0 : index
    %get3A_14 = vector.load %arg5[%get3A_13] : memref<128xf32, #tpu.memory_space<vmem>>, vector<128xf32>
    %get3A_15 = arith.constant 0 : index
    %get3A_16 = vector.load %arg6[%get3A_15] : memref<128xf32, #tpu.memory_space<vmem>>, vector<128xf32>
    %reduce_sum3A = arith.constant dense<0.000000e+00> : vector<128xf32>
    %reduce_sum3A_17 = vector.multi_reduction <add>, %add3A_12, %reduce_sum3A [0] : vector<10000x128xf32> to vector<128xf32>
    %broadcast_in_dim3A_18 = vector.shape_cast %reduce_sum3A_17 : vector<128xf32> to vector<1x128xf32>
    %mul3A_19 = arith.constant 9.99999974E-5 : f32
    %mul3A_20 = vector.broadcast %mul3A_19 : f32 to vector<1x128xf32>
    %mul3A_21 = arith.mulf %broadcast_in_dim3A_18, %mul3A_20 : vector<1x128xf32>
    %sub3A = vector.broadcast %mul3A_21 : vector<1x128xf32> to vector<10000x128xf32>
    %sub3A_22 = arith.subf %add3A_12, %sub3A : vector<10000x128xf32>
    %mul3A_23 = arith.mulf %sub3A_22, %sub3A_22 : vector<10000x128xf32>
    %reduce_sum3A_24 = arith.constant dense<0.000000e+00> : vector<128xf32>
    %reduce_sum3A_25 = vector.multi_reduction <add>, %mul3A_23, %reduce_sum3A_24 [0] : vector<10000x128xf32> to vector<128xf32>
    %broadcast_in_dim3A_26 = vector.shape_cast %reduce_sum3A_25 : vector<128xf32> to vector<1x128xf32>
    %mul3A_27 = arith.constant 9.99999974E-5 : f32
    %mul3A_28 = vector.broadcast %mul3A_27 : f32 to vector<1x128xf32>
    %mul3A_29 = arith.mulf %broadcast_in_dim3A_26, %mul3A_28 : vector<1x128xf32>
    %add3A_30 = arith.constant 9.99999974E-6 : f32
    %add3A_31 = vector.broadcast %add3A_30 : f32 to vector<1x128xf32>
    %add3A_32 = arith.addf %mul3A_29, %add3A_31 : vector<1x128xf32>
    %rsqrt3A = math.rsqrt %add3A_32 : vector<1x128xf32>
    %mul3A_33 = vector.broadcast %rsqrt3A : vector<1x128xf32> to vector<10000x128xf32>
    %mul3A_34 = arith.mulf %sub3A_22, %mul3A_33 : vector<10000x128xf32>
    %broadcast_in_dim3A_35 = vector.shape_cast %get3A_14 : vector<128xf32> to vector<1x128xf32>
    %mul3A_36 = vector.broadcast %broadcast_in_dim3A_35 : vector<1x128xf32> to vector<10000x128xf32>
    %mul3A_37 = arith.mulf %mul3A_34, %mul3A_36 : vector<10000x128xf32>
    %broadcast_in_dim3A_38 = vector.shape_cast %get3A_16 : vector<128xf32> to vector<1x128xf32>
    %add3A_39 = vector.broadcast %broadcast_in_dim3A_38 : vector<1x128xf32> to vector<10000x128xf32>
    %add3A_40 = arith.addf %mul3A_37, %add3A_39 : vector<10000x128xf32>
    %max3A = arith.constant 0.000000e+00 : f32
    %max3A_41 = vector.broadcast %max3A : f32 to vector<10000x128xf32>
    %max3A_42 = arith.maximumf %add3A_40, %max3A_41 : vector<10000x128xf32>
    %get3A_43 = arith.constant 0 : index
    %get3A_44 = arith.constant 0 : index
    %get3A_45 = vector.load %arg0[%get3A_43, %get3A_44] : memref<10000x128xf32, #tpu.memory_space<vmem>>, vector<10000x128xf32>
    %add3A_46 = arith.addf %get3A_45, %max3A_42 : vector<10000x128xf32>
    %get3A_47 = arith.constant 0 : index
    %get3A_48 = arith.constant 0 : index
    %get3A_49 = vector.load %arg7[%get3A_47, %get3A_48] : memref<128x64xf32, #tpu.memory_space<vmem>>, vector<128x64xf32>
    %dot_general3A = arith.constant dense<0.000000e+00> : vector<10000x64xf32>
    %dot_general3A_50 = tpu.matmul %add3A_46, %get3A_49, %dot_general3A {dimension_numbers = #tpu.dot_dimension_numbers<[1], [0], [0], [1], [0, 0, 1, 1], [], []>, transpose_lhs_hint = false} : vector<10000x128xf32>, vector<128x64xf32>, vector<10000x64xf32> -> vector<10000x64xf32>
    %get3A_51 = arith.constant 0 : index
    %get3A_52 = vector.load %arg8[%get3A_51] : memref<64xf32, #tpu.memory_space<vmem>>, vector<64xf32>
    %broadcast_in_dim3A_53 = vector.shape_cast %get3A_52 : vector<64xf32> to vector<1x64xf32>
    %add3A_54 = vector.broadcast %broadcast_in_dim3A_53 : vector<1x64xf32> to vector<10000x64xf32>
    %add3A_55 = arith.addf %dot_general3A_50, %add3A_54 : vector<10000x64xf32>
    %max3A_56 = arith.constant 0.000000e+00 : f32
    %max3A_57 = vector.broadcast %max3A_56 : f32 to vector<10000x64xf32>
    %max3A_58 = arith.maximumf %add3A_55, %max3A_57 : vector<10000x64xf32>
    %get3A_59 = arith.constant 0 : index
    %get3A_60 = arith.constant 0 : index
    %get3A_61 = vector.load %arg9[%get3A_59, %get3A_60] : memref<64x32xf32, #tpu.memory_space<vmem>>, vector<64x32xf32>
    %dot_general3A_62 = arith.constant dense<0.000000e+00> : vector<10000x32xf32>
    %dot_general3A_63 = tpu.matmul %max3A_58, %get3A_61, %dot_general3A_62 {dimension_numbers = #tpu.dot_dimension_numbers<[1], [0], [0], [1], [0, 0, 1, 1], [], []>, transpose_lhs_hint = false} : vector<10000x64xf32>, vector<64x32xf32>, vector<10000x32xf32> -> vector<10000x32xf32>
    %get3A_64 = arith.constant 0 : index
    %get3A_65 = vector.load %arg10[%get3A_64] : memref<32xf32, #tpu.memory_space<vmem>>, vector<32xf32>
    %broadcast_in_dim3A_66 = vector.shape_cast %get3A_65 : vector<32xf32> to vector<1x32xf32>
    %add3A_67 = vector.broadcast %broadcast_in_dim3A_66 : vector<1x32xf32> to vector<10000x32xf32>
    %add3A_68 = arith.addf %dot_general3A_63, %add3A_67 : vector<10000x32xf32>
    %max3A_69 = arith.constant 0.000000e+00 : f32
    %max3A_70 = vector.broadcast %max3A_69 : f32 to vector<10000x32xf32>
    %max3A_71 = arith.maximumf %add3A_68, %max3A_70 : vector<10000x32xf32>
    %get3A_72 = arith.constant 0 : index
    %get3A_73 = arith.constant 0 : index
    %get3A_74 = vector.load %arg11[%get3A_72, %get3A_73] : memref<32x1xf32, #tpu.memory_space<vmem>>, vector<32x1xf32>
    %dot_general3A_75 = arith.constant dense<0.000000e+00> : vector<10000x1xf32>
    %dot_general3A_76 = tpu.matmul %max3A_71, %get3A_74, %dot_general3A_75 {dimension_numbers = #tpu.dot_dimension_numbers<[1], [0], [0], [1], [0, 0, 1, 1], [], []>, transpose_lhs_hint = false} : vector<10000x32xf32>, vector<32x1xf32>, vector<10000x1xf32> -> vector<10000x1xf32>
    %get3A_77 = arith.constant 0 : index
    %get3A_78 = vector.load %arg12[%get3A_77] : memref<1xf32, #tpu.memory_space<vmem>>, vector<1xf32>
    %broadcast_in_dim3A_79 = vector.shape_cast %get3A_78 : vector<1xf32> to vector<1x1xf32>
    %add3A_80 = vector.broadcast %broadcast_in_dim3A_79 : vector<1x1xf32> to vector<10000x1xf32>
    %add3A_81 = arith.addf %dot_general3A_76, %add3A_80 : vector<10000x1xf32>
    %swap3A = arith.constant 0 : index
    %swap3A_82 = arith.constant 0 : index
    %swap3A_83 = vector.load %arg13[%swap3A, %swap3A_82] : memref<10000x1xf32, #tpu.memory_space<vmem>>, vector<10000x1xf32>
    tpu.vector_store %arg13[%swap3A, %swap3A_82], %add3A_81 {strides = array<i32>} : memref<10000x1xf32, #tpu.memory_space<vmem>>, vector<10000x1xf32>,
    return
  }
}

</mosaic_0001>

<sc_bundles>
// kernel: kernel.17.cloned.1.call-start
scs
__scs_entry_jumppad:
0x0: {  	(pc) =	sbr.rel $0x88, $3  }
0x1: {  	(tag) =	ssettag $0x0;
	lr =	simm.s32 $0x1  }
0x2: {  	[smem:$0x3F91] =	sst lr;
	_ =	strace $0xD0000000  }
0x3: {  	_ = 	snop  }
0x4: {  	_ = 	snop  }
0x5: {  	_ = 	snop  }
0x6: {  	_ = 	snop  }
0x7: {  	_ = 	snop  }
__scs_overlays_trampoline_lowered:
0x8: {  	[smem:$0x3FA0] =	sst s0  }
0x9: {  	[smem:$0x3FA1] =	sst s1  }
0xa: {  	[smem:$0x3FA2] =	sst s2  }
0xb: {  	[smem:$0x3FA3] =	sst s3  }
0xc: {  	[smem:$0x3FA4] =	sst s4  }
0xd: {  	[smem:$0x3FA5] =	sst s5  }
0xe: {  	[smem:$0x3FA6] =	sst s6  }
0xf: {  	[smem:$0x3FA7] =	sst s7  }
0x10: {  	[smem:$0x3FA8] =	sst s8  }
0x11: {  	[smem:$0x3FA9] =	sst s9;
	s0 =	simm.s32 @!p0 $0x0  }
0x12: {  	s1 =	sld [smem:$0x3F8F];
	s0 =	simm.s32 @p0 $0x1  }
0x13: {  	[smem:$0x3FAA] =	sst s0;
	s0 =	simm.s32 @!p1 $0x0  }
0x14: {  	s2 =	sld [smem:$0x3F8E];
	s0 =	simm.s32 @p1 $0x1  }
0x15: {  	[smem:$0x3FAB] =	sst s0;
	s0 =	simm.s32 @!p2 $0x0  }
0x16: {  	s3 =	sld [smem:$0x3FDB];
	s0 =	simm.s32 @p2 $0x1  }
0x17: {  	s4 =	simm.s32 $0x1BF5;
	[smem:$0x3FAD] =	sst s0  }
0x18: {  	s0 =	sld [smem:$0x3F90];
	_ =	swait.ge [sflag:s4], $0x0  }
0x19: {  	s7 =	sld [smem:$0x3F91]  }
0x1a: {  	s8 =	sadd.s32 $0xFFFFE003, lr  }
0x1b: {  	s9 =	sadd.s32 $0xFFFFFEF7, lr;
	s5 =	simm.s32 $0xFFFFFFFF;
	p2 =	slt.u32 s8, $0xFFFFF086  }
0x1c: {  	p1 =	slt.u32 s9, $0xF7A;
	s5 =	simm.s32 @!p2 $0x0  }
0x1d: {  	s5 =	simm.s32 @p1 $0x1;
	p0 =	seq.s32 s7, s2  }
0x1e: {  	s7 =	smul.u32 @!p0 $0xF7A, s2;
	p2 =	seq.s32 @!p0 s5, $0x0  }
0x1f: {  	s9 =	smul.u32 $0xF7A, s1;
	s8 =	simm.s32 @!p0 $0x1BF5;
	p2 =	por !p2, p0  }
0x20: {  	[sflag:s8] =	ssyncset.s32 @!p0 $0xFFFFF086;
	s6 =	sadd.s32 @!p0 s3, s7;
	s7 =	simm.s32 @!p0 $0x108  }
0x21: {  	s3 =	sadd.s32 s3, s9;
	s6 =	sadd.s32 @!p0 $0x88, s6;
	s7 =	simm.s32 @p2 $0x1082  }
0x22: {  	[simem:s7], [sflag:s8] =	dma.local @!p0 [hbm:s6], $0xF7A  }
0x23: {  	s9 =	sor.u32 $0xD0000000, s2;
	s6 =	simm.s32 $0x108;
	_ =	swait.ge @!p0 [sflag:s8], $0x0  }
0x24: {  	s3 =	sadd.s32 $0x88, s3;
	s6 =	simm.s32 @!p1 $0x1082;
	[sflag:s4] =	ssyncset.s32 $0xFFFFF086  }
0x25: {  	[simem:s6], [sflag:s4] =	dma.local [hbm:s3], $0xF7A  }
0x26: {  	[smem:$0x3F91] =	sst s1;
	(tag) =	ssettag s2;
	_ =	strace s9  }
0x27: {  	s1 =	sld [smem:$0x3FA1]  }
0x28: {  	s2 =	sld [smem:$0x3FA2]  }
0x29: {  	s4 =	sld [smem:$0x3FA4]  }
0x2a: {  	p0 =	seq.s32 s5, $0x0;
	s5 =	sld [smem:$0x3FA5]  }
0x2b: {  	s6 =	sld [smem:$0x3FA6]  }
0x2c: {  	s7 =	sld [smem:$0x3FA7]  }
0x2d: {  	s3 =	simm.s32 $0x108;
	s8 =	sld [smem:$0x3FA8]  }
0x2e: {  	s3 =	simm.s32 @!p0 $0x1082;
	s9 =	sld [smem:$0x3FA9]  }
0x2f: {  	lr =	sadd.s32 s0, s3;
	s0 =	sld [smem:$0x3FA0]  }
0x30: {  	s3 =	sld [smem:$0x3FA3]  }
0x31: {  	[smem:$0x3FAC] =	sst s10  }
0x32: {  	s10 =	sld [smem:$0x3FAA];
	_ =	sdelay $0x3  }
0x33: {  	p0 =	seq.s32 s10, $0x1;
	s10 =	sld [smem:$0x3FAC];
	_ =	sdelay $0x3  }
0x34: {  	[smem:$0x3FAC] =	sst s10  }
0x35: {  	s10 =	sld [smem:$0x3FAB];
	_ =	sdelay $0x3  }
0x36: {  	p1 =	seq.s32 s10, $0x1;
	s10 =	sld [smem:$0x3FAC];
	_ =	sdelay $0x3  }
0x37: {  	[smem:$0x3FAC] =	sst s10  }
0x38: {  	s10 =	sld [smem:$0x3FAD]  }
0x39: {  	_ = 	snop;
	(pc) =	sbr.ind lr, $3  }
0x3a: {  	_ = 	snop  }
0x3b: {  	_ = 	snop  }
0x3c: {  	p2 =	seq.s32 s10, $0x1;
	s10 =	sld [smem:$0x3FAC]  }
0x3d: {  	_ =	shalt  }
0x3e: {  	_ =	shalt  }
0x3f: {  	_ =	shalt  }
0x40: {  	_ =	shalt  }
0x41: {  	_ =	shalt  }
0x42: {  	_ =	shalt  }
0x43: {  	_ =	shalt  }
0x44: {  	_ =	shalt  }
0x45: {  	_ =	shalt  }
0x46: {  	_ =	shalt  }
0x47: {  	_ =	shalt  }
0x48: {  	_ =	shalt  }
0x49: {  	_ =	shalt  }
0x4a: {  	_ =	shalt  }
0x4b: {  	_ =	shalt  }
0x4c: {  	_ =	shalt  }
0x4d: {  	_ =	shalt  }
0x4e: {  	_ =	shalt  }
0x4f: {  	_ =	shalt  }
0x50: {  	_ =	shalt  }
0x51: {  	_ =	shalt  }
0x52: {  	_ =	shalt  }
0x53: {  	_ =	shalt  }
0x54: {  	_ =	shalt  }
0x55: {  	_ =	shalt  }
0x56: {  	_ =	shalt  }
0x57: {  	_ =	shalt  }
0x58: {  	_ =	shalt  }
0x59: {  	_ =	shalt  }
0x5a: {  	_ =	shalt  }
0x5b: {  	_ =	shalt  }
0x5c: {  	_ =	shalt  }
0x5d: {  	_ =	shalt  }
0x5e: {  	_ =	shalt  }
0x5f: {  	_ =	shalt  }
0x60: {  	_ =	shalt  }
0x61: {  	_ =	shalt  }
0x62: {  	_ =	shalt  }
0x63: {  	_ =	shalt  }
0x64: {  	_ =	shalt  }
0x65: {  	_ =	shalt  }
0x66: {  	_ =	shalt  }
0x67: {  	_ =	shalt  }
0x68: {  	_ =	shalt  }
0x69: {  	_ =	shalt  }
0x6a: {  	_ =	shalt  }
0x6b: {  	_ =	shalt  }
0x6c: {  	_ =	shalt  }
0x6d: {  	_ =	shalt  }
0x6e: {  	_ =	shalt  }
0x6f: {  	_ =	shalt  }
0x70: {  	_ =	shalt  }
0x71: {  	_ =	shalt  }
0x72: {  	_ =	shalt  }
0x73: {  	_ =	shalt  }
0x74: {  	_ =	shalt  }
0x75: {  	_ =	shalt  }
0x76: {  	_ =	shalt  }
0x77: {  	_ =	shalt  }
0x78: {  	_ =	shalt  }
0x79: {  	_ =	shalt  }
0x7a: {  	_ =	shalt  }
0x7b: {  	_ =	shalt  }
0x7c: {  	_ =	shalt  }
0x7d: {  	_ =	shalt  }
0x7e: {  	_ =	shalt  }
0x7f: {  	_ =	shalt  }
0x80: {  	_ =	shalt  }
0x81: {  	_ =	shalt  }
0x82: {  	_ =	shalt  }
0x83: {  	_ =	shalt  }
0x84: {  	_ =	shalt  }
0x85: {  	_ =	shalt  }
0x86: {  	_ =	shalt  }
0x87: {  	_ =	shalt  }
.Lfunc_end0:
.L_simem_size_0:
called_computation_lowered:
.L_overlay_start_0:
0x88: {  	s2 =	sld [smem:$0x3FD9]  }
0x89: {  	s3 =	sld [smem:$0x3FFE];
	_ =	sdelay $0x1  }
0x8a: {  	s1 =	srdreg.scid  }
0x8b: {  	s0 =	sand.u32 $0x1, s1  }
0x8c: {  	s17 =	sshll.u32 s0, $0xA;
	s2 =	sadd.s32 s3, s2  }
0x8d: {  	s2 =	sadd.s32 s2, s17  }
0x8e: {  	[smem:$0x3FB8] =	sst s2  }
0x8f: {  	_ = 	snop  }
0x90: {  	s2 =	sld [smem:$0x3FD0];
	(tm) =	ssettm $0x1  }
0x91: {  	s18 =	sld [smem:$0x3FFB];
	_ =	sdelay $0x3  }
0x92: {  	_ =	strace s18  }
0x93: {  	s3 =	sld [smem:$0x3FFC];
	_ =	sdelay $0x3  }
0x94: {  	_ =	strace s3  }
0x95: {  	s3 =	sld [smem:$0x3FFD];
	_ =	sdelay $0x3  }
0x96: {  	_ =	strace s3  }
0x97: {  	_ =	strace $0x8FFFFFFF  }
0x98: {  	s19 =	sld [smem:$0x3FDB];
	_ =	sdelay $0x1  }
0x99: {  	s4 =	simm.s32 $_scs_section_size  }
0x9a: {  	s5 =	simm.s32 $_size__tile_overlayer_lowered;
	s6 =	simm.s32 $_tile_overlayer_lowered  }
0x9b: {  	s22 =	simm.s32 $0x1BFF;
	s21 =	sshll.u32 s6, $0x1;
	s3 =	sadd.s32 s4, s19  }
0x9c: {  	s7 =	simm.s32 $0x0;
	s20 =	sshll.u32 s5, $0x1;
	s5 =	sadd.s32 s21, s3  }
0x9d: {  	[timem:s7], [sflag:s22] =	dma.local [hbm:s5], s20  }
0x9e: {  	_ =	swait.ge [sflag:s22], s20  }
0x9f: {  	s4 =	ssub.s32 $0x0, s20;
	[sflag:s22] =	ssyncset.done $0x0  }
0xa0: {  	[sflag:s22] =	ssyncadd.s32 s4;
	_ =	sdelay $0x1  }
0xa1: {  	s23 =	simm.s32 $0x1B8B  }
0xa2: {  	_ =	swait.ge [sflag:s23], $0x1  }
0xa3: {  	[sflag:s23] =	ssyncset.done $0x0  }
0xa4: {  	s25 =	simm.s32 $0x1B8E;
	s24 =	sld [smem:$0x3FFE];
	[sflag:s23] =	ssyncadd.s32 $0xFFFFFFFF  }
0xa5: {  	s26 =	simm.s32 $execute0_lowered;
	[smem:$0x3FD2] =	sst s25  }
0xa6: {  	s5 =	sshll.u32 s26, $0x1;
	_ =	strace $0x80000046;
	[dreg:$0x1] =	wrdreg $0xFFFFFFFF  }
0xa7: {  	s28 =	simm.s32 $_size_execute0_lowered;
	s3 =	sadd.s32 s3, s5;
	[dreg:$0x0] =	wrdreg $0x0  }
0xa8: {  	s5 =	sshll.u32 s28, $0x1;
	[dreg:$0x2] =	wrdreg s3  }
0xa9: {  	[dreg:$0x3] =	wrdreg s5  }
0xaa: {  	[dreg:$0x4] =	wrdreg $0xC0  }
0xab: {  	_ =	task [dreg:s7], $0x5FFFF  }
0xac: {  	[dreg:$0x1] =	wrdreg $0xFFFFFFFF  }
0xad: {  	[dreg:$0x0] =	wrdreg $0x60  }
0xae: {  	[dreg:$0x2] =	wrdreg s2  }
0xaf: {  	[dreg:$0x3] =	wrdreg s24  }
0xb0: {  	[dreg:$0x4] =	wrdreg $0x9  }
0xb1: {  	_ =	task.clear_ibuf [dreg:s7], $0x5FFFF;
	_ =	strace $0x90000046  }
0xb2: {  	s29 =	simm.s32 $0x9;
	_ =	strace $0x80000048  }
0xb3: {  	_ =	swait.ge [sflag:s29], $0x1  }
0xb4: {  	[sflag:s29] =	ssyncadd.s32 $0xFFFFFFFF  }
0xb5: {  	_ =	strace $0x90000048  }
0xb6: {  	_ =	sfence  }
0xb7: {  	s30 =	sld [smem:$0x0];
	_ =	sdelay $0x2  }
0xb8: {  	s31 =	sshll.u32 s1, $0xD;
	s1 =	sshrl.u32 s1, $0x2  }
0xb9: {  	s3 =	sand.u32 $0x4000, s31;
	s1 =	sadd.s32 s1, s30  }
0xba: {  	s0 =	sor.u32 s3, s0;
	s1 =	sshll.u32 s1, $0x11  }
0xbb: {  	s0 =	sor.u32 s1, s0  }
0xbc: {  	s0 =	sadd.s32 $0x8F2B, s0  }
0xbd: {  	[sflag:s0] =	ssyncadd.remote.s32 $0x1  }
0xbe: {  	_ =	sfence.sel $0xFFFF  }
0xbf: {  	[dreg:$0x0] =	wrdreg $0xFFFFFFFF;
	(pc) =	sbr.abs _section_cstart, $3  }
0xc0: {  	[dreg:$0x1] =	wrdreg $0xFFFFFFFF  }
0xc1: {  	_ =	task.clear_ibuf [dreg:s7], $0x2FFFF;
	_ =	strace $0x9FFFFFFF  }
0xc2: {  	(tm) =	ssettm $0x7FFFFFFF  }
0xc3: {  	_ =	shalt  }
tec
execute0_lowered:
.L_overlay_start_1:
0x0: {  	(tag) =	ssettag $0x1  }
0x1: {  	s0 =	srdreg.scid;
	s2 =	rddreg [dreg:$0x0]  }
0x2: {  	s7 =	rddreg [dreg:$0x1];
	s3 =	simm.s32 $0x0;
	s10 =	simm.s32 $0x3  }
0x3: {  	s11 =	simm.s32 $0x80;
	s12 =	simm.s32 $0x1;
	s6 =	sand.u32 $0x1, s0  }
0x4: {  	s13 =	simm.s32 $0x100;
	s0 =	stileid.u32;
	s1 =	sshll.u32 s6, $0x4  }
0x5: {  	s14 =	simm.s32 $0x2;
	s15 =	simm.s32 $0x400;
	s4 =	sor.u32 s0, s1  }
0x6: {  	s16 =	simm.s32 $0x0;
	[smem:$0x7FF] =	sst s3;
	s5 =	sshrl.u32 s4, $0x3  }
0x7: {  	s8 =	sshll.u32 s0, $0x7;
	s6 =	ssub.s32 $0x2, s6;
	s5 =	smul.u32 $0x14000, s5  }
0x8: {  	s1 =	rddreg [dreg:$0x2];
	s8 =	sand.u32 $0x380, s8;
	s4 =	smul.u32 $0x2800, s4  }
0x9: {  	_ =	strace $0x80000047;
	s31 =	sshrl.u32 s6, $0x1;
	s8 =	sor.u32 s8, s5  }
0xa: {  	s9 =	sshrl.u32 s4, $0x3;
	s5 =	sadd.s32 $0x10E00, s7;
	s8 =	sshrl.u32 s8, $0x3  }
0xb: {  	s7 =	sadd.s32 s8, s7;
	s8 =	ssub.s32 s6, s31;
	s6 =	sadd.s32 s5, s9  }
0xc: {  	v0 =	vimm.f32 $1.000000000e+00;
	s7 =	sadd.s32 $0x1AE00, s7;
	s8 =	smax.u32 s8, $0x1;
	s9 =	sadd.s32 $0x4F0, s6  }
.LBB2_1:
0xd: {  	[tilespmem:s13], [sflag:$0x3] =	stream.linear.gather [hbm4b:s2+s3], $0x2800, $0x38;
	[tilespmem:$0x2900] =	vst v63  }
0xe: {  	_ =	swait.ge [sflag:s10], $0x2800  }
0xf: {  	[sflag:s10] =	ssyncset.done $0x0  }
0x10: {  	s17 =	simm.s32 $0x100;
	[sflag:s10] =	ssyncadd.s32 $0xFFFFD800  }
0x11: {  	[tilespmem:s3], [sflag:$0x1] =	stream.linear.gather [hbm4b:s6+s3], $0x80, $0x38;
	[tilespmem:$0x2900] =	vst v63  }
.LBB2_2:
0x12: {  	s18 =	sadd.s32 $0xFFFFFF00, s17  }
0x13: {  	s19 =	sand.u32 $0x3C00, s18  }
0x14: {  	s18 =	sand.u32 $0x300, s18;
	s19 =	sadd.s32 s4, s19  }
0x15: {  	s18 =	sor.u32 s19, s18  }
0x16: {  	s18 =	sor.u32 $0x80, s18  }
0x17: {  	s18 =	sshrl.u32 s18, $0x3  }
0x18: {  	s18 =	sadd.s32 s5, s18  }
0x19: {  	[tilespmem:s11], [sflag:$0x2] =	stream.linear.gather [hbm4b:s18+s3], $0x80, $0x38;
	[tilespmem:$0x2900] =	vst v63  }
0x1a: {  	_ =	swait.ge [sflag:s12], $0x80  }
0x1b: {  	[sflag:s12] =	ssyncset.done $0x0  }
0x1c: {  	[sflag:s12] =	ssyncadd.s32 $0xFFFFFF80  }
0x1d: {  	v1 =	vld [tilespmem:$0x0];
	_ =	sdelay $0x7  }
0x1e: {  	[tilespmem:v1+s13+$0x0] =	vst.idx.add.f32.msk $0xffff, v0  }
0x1f: {  	v1 =	vld [tilespmem:$0x10];
	_ =	sdelay $0x7  }
0x20: {  	[tilespmem:v1+s13+$0x0] =	vst.idx.add.f32.msk $0xffff, v0  }
0x21: {  	v1 =	vld [tilespmem:$0x20];
	_ =	sdelay $0x7  }
0x22: {  	[tilespmem:v1+s13+$0x0] =	vst.idx.add.f32.msk $0xffff, v0  }
0x23: {  	v1 =	vld [tilespmem:$0x30];
	_ =	sdelay $0x7  }
0x24: {  	[tilespmem:v1+s13+$0x0] =	vst.idx.add.f32.msk $0xffff, v0  }
0x25: {  	v1 =	vld [tilespmem:$0x40];
	_ =	sdelay $0x7  }
0x26: {  	[tilespmem:v1+s13+$0x0] =	vst.idx.add.f32.msk $0xffff, v0  }
0x27: {  	v1 =	vld [tilespmem:$0x50];
	_ =	sdelay $0x7  }
0x28: {  	[tilespmem:v1+s13+$0x0] =	vst.idx.add.f32.msk $0xffff, v0  }
0x29: {  	v1 =	vld [tilespmem:$0x60];
	_ =	sdelay $0x7  }
0x2a: {  	[tilespmem:v1+s13+$0x0] =	vst.idx.add.f32.msk $0xffff, v0  }
0x2b: {  	v1 =	vld [tilespmem:$0x70];
	_ =	sdelay $0x3  }
0x2c: {  	s30 =	sand.u32 $0x7C00, s17  }
0x2d: {  	s31 =	sand.u32 $0x380, s17;
	s18 =	sadd.s32 s4, s30  }
0x2e: {  	s18 =	sor.u32 s31, s18  }
0x2f: {  	s18 =	sshrl.u32 s18, $0x3  }
0x30: {  	s18 =	sadd.s32 s5, s18;
	[tilespmem:v1+s13+$0x0] =	vst.idx.add.f32.msk $0xffff, v0  }
0x31: {  	[tilespmem:s3], [sflag:$0x1] =	stream.linear.gather [hbm4b:s18+s3], $0x80, $0x38;
	[tilespmem:$0x2900] =	vst v63  }
0x32: {  	_ =	swait.ge [sflag:s14], $0x80  }
0x33: {  	[sflag:s14] =	ssyncset.done $0x0  }
0x34: {  	[sflag:s14] =	ssyncadd.s32 $0xFFFFFF80  }
0x35: {  	v1 =	vld [tilespmem:$0x80];
	_ =	sdelay $0x7  }
0x36: {  	[tilespmem:v1+s13+$0x0] =	vst.idx.add.f32.msk $0xffff, v0  }
0x37: {  	v1 =	vld [tilespmem:$0x90];
	_ =	sdelay $0x7  }
0x38: {  	[tilespmem:v1+s13+$0x0] =	vst.idx.add.f32.msk $0xffff, v0  }
0x39: {  	v1 =	vld [tilespmem:$0xA0];
	_ =	sdelay $0x7  }
0x3a: {  	[tilespmem:v1+s13+$0x0] =	vst.idx.add.f32.msk $0xffff, v0  }
0x3b: {  	v1 =	vld [tilespmem:$0xB0];
	_ =	sdelay $0x7  }
0x3c: {  	[tilespmem:v1+s13+$0x0] =	vst.idx.add.f32.msk $0xffff, v0  }
0x3d: {  	v1 =	vld [tilespmem:$0xC0];
	_ =	sdelay $0x7  }
0x3e: {  	[tilespmem:v1+s13+$0x0] =	vst.idx.add.f32.msk $0xffff, v0  }
0x3f: {  	v1 =	vld [tilespmem:$0xD0];
	_ =	sdelay $0x7  }
0x40: {  	[tilespmem:v1+s13+$0x0] =	vst.idx.add.f32.msk $0xffff, v0  }
0x41: {  	v1 =	vld [tilespmem:$0xE0];
	_ =	sdelay $0x7  }
0x42: {  	[tilespmem:v1+s13+$0x0] =	vst.idx.add.f32.msk $0xffff, v0  }
0x43: {  	v1 =	vld [tilespmem:$0xF0];
	_ =	sdelay $0x2  }
0x44: {  	p0 =	sne.s32 s17, $0x2700  }
.Ltmp0:
0x45: {  	_ = 	snop;
	(pc) =	sbr.rel @p0 .LBB2_2-.Ltmp0, $2  }
0x46: {  	_ =	sdelay $0x2  }
0x47: {  	s17 =	sadd.s32 $0x100, s17;
	[tilespmem:v1+s13+$0x0] =	vst.idx.add.f32.msk $0xffff, v0  }
0x48: {  	[tilespmem:s11], [sflag:$0x2] =	stream.linear.gather [hbm4b:s9+s3], $0x80, $0x38;
	[tilespmem:$0x2900] =	vst v63  }
0x49: {  	_ =	swait.ge [sflag:s12], $0x80  }
0x4a: {  	[sflag:s12] =	ssyncset.done $0x0  }
0x4b: {  	[sflag:s12] =	ssyncadd.s32 $0xFFFFFF80  }
0x4c: {  	v1 =	vld [tilespmem:$0x0];
	_ =	sdelay $0x7  }
0x4d: {  	[tilespmem:v1+s13+$0x0] =	vst.idx.add.f32.msk $0xffff, v0  }
0x4e: {  	v1 =	vld [tilespmem:$0x10];
	_ =	sdelay $0x7  }
0x4f: {  	[tilespmem:v1+s13+$0x0] =	vst.idx.add.f32.msk $0xffff, v0  }
0x50: {  	v1 =	vld [tilespmem:$0x20];
	_ =	sdelay $0x7  }
0x51: {  	[tilespmem:v1+s13+$0x0] =	vst.idx.add.f32.msk $0xffff, v0  }
0x52: {  	v1 =	vld [tilespmem:$0x30];
	_ =	sdelay $0x7  }
0x53: {  	[tilespmem:v1+s13+$0x0] =	vst.idx.add.f32.msk $0xffff, v0  }
0x54: {  	v1 =	vld [tilespmem:$0x40];
	_ =	sdelay $0x7  }
0x55: {  	[tilespmem:v1+s13+$0x0] =	vst.idx.add.f32.msk $0xffff, v0  }
0x56: {  	v1 =	vld [tilespmem:$0x50];
	_ =	sdelay $0x7  }
0x57: {  	[tilespmem:v1+s13+$0x0] =	vst.idx.add.f32.msk $0xffff, v0  }
0x58: {  	v1 =	vld [tilespmem:$0x60];
	_ =	sdelay $0x7  }
0x59: {  	[tilespmem:v1+s13+$0x0] =	vst.idx.add.f32.msk $0xffff, v0  }
0x5a: {  	v1 =	vld [tilespmem:$0x70];
	_ =	sdelay $0x7  }
0x5b: {  	[tilespmem:v1+s13+$0x0] =	vst.idx.add.f32.msk $0xffff, v0  }
0x5c: {  	[tilespmem:s3], [sflag:$0x1] =	stream.linear.gather [hbm4b:s9+s3], $0x80, $0x38;
	[tilespmem:$0x2900] =	vst v63  }
0x5d: {  	_ =	swait.ge [sflag:s14], $0x80  }
0x5e: {  	[sflag:s14] =	ssyncset.done $0x0  }
0x5f: {  	[sflag:s14] =	ssyncadd.s32 $0xFFFFFF80  }
0x60: {  	v1 =	vld [tilespmem:$0x80];
	_ =	sdelay $0x7  }
0x61: {  	[tilespmem:v1+s13+$0x0] =	vst.idx.add.f32.msk $0xffff, v0  }
0x62: {  	v1 =	vld [tilespmem:$0x90];
	_ =	sdelay $0x7  }
0x63: {  	[tilespmem:v1+s13+$0x0] =	vst.idx.add.f32.msk $0xffff, v0  }
0x64: {  	v1 =	vld [tilespmem:$0xA0];
	_ =	sdelay $0x7  }
0x65: {  	[tilespmem:v1+s13+$0x0] =	vst.idx.add.f32.msk $0xffff, v0  }
0x66: {  	v1 =	vld [tilespmem:$0xB0];
	_ =	sdelay $0x7  }
0x67: {  	[tilespmem:v1+s13+$0x0] =	vst.idx.add.f32.msk $0xffff, v0  }
0x68: {  	v1 =	vld [tilespmem:$0xC0];
	_ =	sdelay $0x7  }
0x69: {  	[tilespmem:v1+s13+$0x0] =	vst.idx.add.f32.msk $0xffff, v0  }
0x6a: {  	v1 =	vld [tilespmem:$0xD0];
	_ =	sdelay $0x7  }
0x6b: {  	[tilespmem:v1+s13+$0x0] =	vst.idx.add.f32.msk $0xffff, v0  }
0x6c: {  	v1 =	vld [tilespmem:$0xE0];
	_ =	sdelay $0x7  }
0x6d: {  	[tilespmem:v1+s13+$0x0] =	vst.idx.add.f32.msk $0xffff, v0  }
0x6e: {  	v1 =	vld [tilespmem:$0xF0];
	_ =	sdelay $0x7  }
0x6f: {  	[tilespmem:v1+s13+$0x0] =	vst.idx.add.f32.msk $0xffff, v0  }
0x70: {  	s16 =	sadd.s32 $0x1, s16;
	_ =	swait.ge [sflag:s12], $0x80  }
0x71: {  	p0 =	sne.s32 s16, s8;
	[sflag:s12] =	ssyncset.done $0x0  }
.Ltmp1:
0x72: {  	[sflag:s12] =	ssyncadd.s32 $0xFFFFFF80;
	(pc) =	sbr.rel @p0 .LBB2_1-.Ltmp1, $4  }
0x73: {  	[hbm4b:s7+s11] =	stream.strided.scatter [tilespmem:s13], [sflag:$0x3], $0x2800, s15, s11, $0x38;
	[tilespmem:$0x2900] =	vst v63  }
0x74: {  	_ =	swait.ge [sflag:s10], $0x2800  }
0x75: {  	[sflag:s10] =	ssyncset.done $0x0  }
0x76: {  	[sflag:s10] =	ssyncadd.s32 $0xFFFFD800  }
0x77: {  	_ =	sfence.sel $0x180000  }
0x78: {  	[bflag:$0x0] =	sbarrier.arrive $0xFFFF  }
0x79: {  	p0 =	sne.s32 s0, $0x0;
	_ =	strace $0x90000047  }
0x7a: {  	s0 =	sadd.s32 @!p0 $0x100000, s1;
	[bflag:$0x2] =	sbarrier.arrive $0xFFFF  }
0x7b: {  	[sflag:s0] =	ssyncadd.tile.s32 @!p0 $0x1;
	_ =	shalt  }
.Lfunc_end2:
_tile_overlayer_lowered:
.L_overlay_start_2:
0x7c: {  	(tag) =	ssettag $0x2  }
0x7d: {  	s0 =	rddreg [dreg:$0x0];
	s2 =	stileid.u32  }
0x7e: {  	s1 =	rddreg [dreg:$0x1];
	p0 =	sne.s32 s2, $0x0  }
0x7f: {  	s3 =	rddreg [dreg:$0x2];
	[bflag:$0x3] =	sbarrier.arrive $0xFFFF;
	s2 =	simm.s32 @!p0 $0x1C03  }
0x80: {  	[timem:s3], [sflag:s2] =	dma.local @!p0 [hbm:s0], s1  }
0x81: {  	s0 =	simm.s32 @!p0 $0x3  }
0x82: {  	_ =	swait.ge @!p0 [sflag:s0], s1  }
0x83: {  	s1 =	ssub.s32 @!p0 $0x0, s1;
	[sflag:s0] =	ssyncset.done @!p0 $0x0  }
0x84: {  	[sflag:s0] =	ssyncadd.s32 @!p0 s1  }
0x85: {  	[bflag:$0x3] =	sbarrier.arrive $0xFFFF  }
0x86: {  	_ =	shalt  }

// kernel: kernel.20.cloned.1.call-start
scs
__scs_entry_jumppad:
0x0: {  	(pc) =	sbr.rel $0x88, $3  }
0x1: {  	(tag) =	ssettag $0x0;
	lr =	simm.s32 $0x1  }
0x2: {  	[smem:$0x3F91] =	sst lr;
	_ =	strace $0xD0000000  }
0x3: {  	_ = 	snop  }
0x4: {  	_ = 	snop  }
0x5: {  	_ = 	snop  }
0x6: {  	_ = 	snop  }
0x7: {  	_ = 	snop  }
__scs_overlays_trampoline_lowered:
0x8: {  	[smem:$0x3FA0] =	sst s0  }
0x9: {  	[smem:$0x3FA1] =	sst s1  }
0xa: {  	[smem:$0x3FA2] =	sst s2  }
0xb: {  	[smem:$0x3FA3] =	sst s3  }
0xc: {  	[smem:$0x3FA4] =	sst s4  }
0xd: {  	[smem:$0x3FA5] =	sst s5  }
0xe: {  	[smem:$0x3FA6] =	sst s6  }
0xf: {  	[smem:$0x3FA7] =	sst s7  }
0x10: {  	[smem:$0x3FA8] =	sst s8  }
0x11: {  	[smem:$0x3FA9] =	sst s9;
	s0 =	simm.s32 @!p0 $0x0  }
0x12: {  	s1 =	sld [smem:$0x3F8F];
	s0 =	simm.s32 @p0 $0x1  }
0x13: {  	[smem:$0x3FAA] =	sst s0;
	s0 =	simm.s32 @!p1 $0x0  }
0x14: {  	s2 =	sld [smem:$0x3F8E];
	s0 =	simm.s32 @p1 $0x1  }
0x15: {  	[smem:$0x3FAB] =	sst s0;
	s0 =	simm.s32 @!p2 $0x0  }
0x16: {  	s3 =	sld [smem:$0x3FDB];
	s0 =	simm.s32 @p2 $0x1  }
0x17: {  	s4 =	simm.s32 $0x1BF5;
	[smem:$0x3FAD] =	sst s0  }
0x18: {  	s0 =	sld [smem:$0x3F90];
	_ =	swait.ge [sflag:s4], $0x0  }
0x19: {  	s7 =	sld [smem:$0x3F91]  }
0x1a: {  	s8 =	sadd.s32 $0xFFFFE003, lr  }
0x1b: {  	s9 =	sadd.s32 $0xFFFFFEF7, lr;
	s5 =	simm.s32 $0xFFFFFFFF;
	p2 =	slt.u32 s8, $0xFFFFF086  }
0x1c: {  	p1 =	slt.u32 s9, $0xF7A;
	s5 =	simm.s32 @!p2 $0x0  }
0x1d: {  	s5 =	simm.s32 @p1 $0x1;
	p0 =	seq.s32 s7, s2  }
0x1e: {  	s7 =	smul.u32 @!p0 $0xF7A, s2;
	p2 =	seq.s32 @!p0 s5, $0x0  }
0x1f: {  	s9 =	smul.u32 $0xF7A, s1;
	s8 =	simm.s32 @!p0 $0x1BF5;
	p2 =	por !p2, p0  }
0x20: {  	[sflag:s8] =	ssyncset.s32 @!p0 $0xFFFFF086;
	s6 =	sadd.s32 @!p0 s3, s7;
	s7 =	simm.s32 @!p0 $0x108  }
0x21: {  	s3 =	sadd.s32 s3, s9;
	s6 =	sadd.s32 @!p0 $0x88, s6;
	s7 =	simm.s32 @p2 $0x1082  }
0x22: {  	[simem:s7], [sflag:s8] =	dma.local @!p0 [hbm:s6], $0xF7A  }
0x23: {  	s9 =	sor.u32 $0xD0000000, s2;
	s6 =	simm.s32 $0x108;
	_ =	swait.ge @!p0 [sflag:s8], $0x0  }
0x24: {  	s3 =	sadd.s32 $0x88, s3;
	s6 =	simm.s32 @!p1 $0x1082;
	[sflag:s4] =	ssyncset.s32 $0xFFFFF086  }
0x25: {  	[simem:s6], [sflag:s4] =	dma.local [hbm:s3], $0xF7A  }
0x26: {  	[smem:$0x3F91] =	sst s1;
	(tag) =	ssettag s2;
	_ =	strace s9  }
0x27: {  	s1 =	sld [smem:$0x3FA1]  }
0x28: {  	s2 =	sld [smem:$0x3FA2]  }
0x29: {  	s4 =	sld [smem:$0x3FA4]  }
0x2a: {  	p0 =	seq.s32 s5, $0x0;
	s5 =	sld [smem:$0x3FA5]  }
0x2b: {  	s6 =	sld [smem:$0x3FA6]  }
0x2c: {  	s7 =	sld [smem:$0x3FA7]  }
0x2d: {  	s3 =	simm.s32 $0x108;
	s8 =	sld [smem:$0x3FA8]  }
0x2e: {  	s3 =	simm.s32 @!p0 $0x1082;
	s9 =	sld [smem:$0x3FA9]  }
0x2f: {  	lr =	sadd.s32 s0, s3;
	s0 =	sld [smem:$0x3FA0]  }
0x30: {  	s3 =	sld [smem:$0x3FA3]  }
0x31: {  	[smem:$0x3FAC] =	sst s10  }
0x32: {  	s10 =	sld [smem:$0x3FAA];
	_ =	sdelay $0x3  }
0x33: {  	p0 =	seq.s32 s10, $0x1;
	s10 =	sld [smem:$0x3FAC];
	_ =	sdelay $0x3  }
0x34: {  	[smem:$0x3FAC] =	sst s10  }
0x35: {  	s10 =	sld [smem:$0x3FAB];
	_ =	sdelay $0x3  }
0x36: {  	p1 =	seq.s32 s10, $0x1;
	s10 =	sld [smem:$0x3FAC];
	_ =	sdelay $0x3  }
0x37: {  	[smem:$0x3FAC] =	sst s10  }
0x38: {  	s10 =	sld [smem:$0x3FAD]  }
0x39: {  	_ = 	snop;
	(pc) =	sbr.ind lr, $3  }
0x3a: {  	_ = 	snop  }
0x3b: {  	_ = 	snop  }
0x3c: {  	p2 =	seq.s32 s10, $0x1;
	s10 =	sld [smem:$0x3FAC]  }
0x3d: {  	_ =	shalt  }
0x3e: {  	_ =	shalt  }
0x3f: {  	_ =	shalt  }
0x40: {  	_ =	shalt  }
0x41: {  	_ =	shalt  }
0x42: {  	_ =	shalt  }
0x43: {  	_ =	shalt  }
0x44: {  	_ =	shalt  }
0x45: {  	_ =	shalt  }
0x46: {  	_ =	shalt  }
0x47: {  	_ =	shalt  }
0x48: {  	_ =	shalt  }
0x49: {  	_ =	shalt  }
0x4a: {  	_ =	shalt  }
0x4b: {  	_ =	shalt  }
0x4c: {  	_ =	shalt  }
0x4d: {  	_ =	shalt  }
0x4e: {  	_ =	shalt  }
0x4f: {  	_ =	shalt  }
0x50: {  	_ =	shalt  }
0x51: {  	_ =	shalt  }
0x52: {  	_ =	shalt  }
0x53: {  	_ =	shalt  }
0x54: {  	_ =	shalt  }
0x55: {  	_ =	shalt  }
0x56: {  	_ =	shalt  }
0x57: {  	_ =	shalt  }
0x58: {  	_ =	shalt  }
0x59: {  	_ =	shalt  }
0x5a: {  	_ =	shalt  }
0x5b: {  	_ =	shalt  }
0x5c: {  	_ =	shalt  }
0x5d: {  	_ =	shalt  }
0x5e: {  	_ =	shalt  }
0x5f: {  	_ =	shalt  }
0x60: {  	_ =	shalt  }
0x61: {  	_ =	shalt  }
0x62: {  	_ =	shalt  }
0x63: {  	_ =	shalt  }
0x64: {  	_ =	shalt  }
0x65: {  	_ =	shalt  }
0x66: {  	_ =	shalt  }
0x67: {  	_ =	shalt  }
0x68: {  	_ =	shalt  }
0x69: {  	_ =	shalt  }
0x6a: {  	_ =	shalt  }
0x6b: {  	_ =	shalt  }
0x6c: {  	_ =	shalt  }
0x6d: {  	_ =	shalt  }
0x6e: {  	_ =	shalt  }
0x6f: {  	_ =	shalt  }
0x70: {  	_ =	shalt  }
0x71: {  	_ =	shalt  }
0x72: {  	_ =	shalt  }
0x73: {  	_ =	shalt  }
0x74: {  	_ =	shalt  }
0x75: {  	_ =	shalt  }
0x76: {  	_ =	shalt  }
0x77: {  	_ =	shalt  }
0x78: {  	_ =	shalt  }
0x79: {  	_ =	shalt  }
0x7a: {  	_ =	shalt  }
0x7b: {  	_ =	shalt  }
0x7c: {  	_ =	shalt  }
0x7d: {  	_ =	shalt  }
0x7e: {  	_ =	shalt  }
0x7f: {  	_ =	shalt  }
0x80: {  	_ =	shalt  }
0x81: {  	_ =	shalt  }
0x82: {  	_ =	shalt  }
0x83: {  	_ =	shalt  }
0x84: {  	_ =	shalt  }
0x85: {  	_ =	shalt  }
0x86: {  	_ =	shalt  }
0x87: {  	_ =	shalt  }
.Lfunc_end0:
.L_simem_size_0:
called_computation.1_lowered:
.L_overlay_start_0:
0x88: {  	s2 =	sld [smem:$0x3FD9]  }
0x89: {  	s3 =	sld [smem:$0x3FFE];
	_ =	sdelay $0x1  }
0x8a: {  	s1 =	srdreg.scid  }
0x8b: {  	s0 =	sand.u32 $0x1, s1  }
0x8c: {  	s16 =	sshll.u32 s0, $0xA;
	s2 =	sadd.s32 s3, s2  }
0x8d: {  	s2 =	sadd.s32 s2, s16  }
0x8e: {  	[smem:$0x3FB8] =	sst s2  }
0x8f: {  	_ = 	snop  }
0x90: {  	(tm) =	ssettm $0x1  }
0x91: {  	s17 =	sld [smem:$0x3FFB];
	_ =	sdelay $0x3  }
0x92: {  	_ =	strace s17  }
0x93: {  	s2 =	sld [smem:$0x3FFC];
	_ =	sdelay $0x3  }
0x94: {  	_ =	strace s2  }
0x95: {  	s2 =	sld [smem:$0x3FFD];
	_ =	sdelay $0x3  }
0x96: {  	_ =	strace s2  }
0x97: {  	_ =	strace $0x8FFFFFFF  }
0x98: {  	s18 =	sld [smem:$0x3FDB];
	_ =	sdelay $0x1  }
0x99: {  	s19 =	simm.s32 $_scs_section_size  }
0x9a: {  	s4 =	simm.s32 $_size__tile_overlayer_lowered;
	s5 =	simm.s32 $_tile_overlayer_lowered  }
0x9b: {  	s22 =	simm.s32 $0x1BFF;
	s21 =	sshll.u32 s5, $0x1;
	s2 =	sadd.s32 s19, s18  }
0x9c: {  	s6 =	simm.s32 $0x0;
	s20 =	sshll.u32 s4, $0x1;
	s4 =	sadd.s32 s21, s2  }
0x9d: {  	[timem:s6], [sflag:s22] =	dma.local [hbm:s4], s20  }
0x9e: {  	_ =	swait.ge [sflag:s22], s20  }
0x9f: {  	s3 =	ssub.s32 $0x0, s20;
	[sflag:s22] =	ssyncset.done $0x0  }
0xa0: {  	[sflag:s22] =	ssyncadd.s32 s3;
	_ =	sdelay $0x1  }
0xa1: {  	s23 =	simm.s32 $0x1B8B  }
0xa2: {  	_ =	swait.ge [sflag:s23], $0x1  }
0xa3: {  	[sflag:s23] =	ssyncset.done $0x0  }
0xa4: {  	s25 =	simm.s32 $0x1B8E;
	s24 =	sld [smem:$0x3FFE];
	[sflag:s23] =	ssyncadd.s32 $0xFFFFFFFF  }
0xa5: {  	s26 =	simm.s32 $execute0_lowered;
	[smem:$0x3FD2] =	sst s25  }
0xa6: {  	s4 =	sshll.u32 s26, $0x1;
	_ =	strace $0x80000049;
	[dreg:$0x1] =	wrdreg $0xFFFFFFFF  }
0xa7: {  	s28 =	simm.s32 $_size_execute0_lowered;
	s2 =	sadd.s32 s2, s4;
	[dreg:$0x0] =	wrdreg $0x0  }
0xa8: {  	s4 =	sshll.u32 s28, $0x1;
	[dreg:$0x2] =	wrdreg s2  }
0xa9: {  	[dreg:$0x3] =	wrdreg s4  }
0xaa: {  	[dreg:$0x4] =	wrdreg $0xC0  }
0xab: {  	_ =	task [dreg:s6], $0x5FFFF  }
0xac: {  	[dreg:$0x1] =	wrdreg $0xFFFFFFFF  }
0xad: {  	[dreg:$0x0] =	wrdreg $0x60  }
0xae: {  	[dreg:$0x2] =	wrdreg s24  }
0xaf: {  	[dreg:$0x3] =	wrdreg $0xA9000  }
0xb0: {  	[dreg:$0x4] =	wrdreg $0x9  }
0xb1: {  	_ =	task.clear_ibuf [dreg:s6], $0x5FFFF;
	_ =	strace $0x90000049  }
0xb2: {  	s29 =	simm.s32 $0x9;
	_ =	strace $0x8000004B  }
0xb3: {  	_ =	swait.ge [sflag:s29], $0x1  }
0xb4: {  	[sflag:s29] =	ssyncadd.s32 $0xFFFFFFFF  }
0xb5: {  	_ =	strace $0x9000004B  }
0xb6: {  	_ =	sfence  }
0xb7: {  	s30 =	sld [smem:$0x0];
	_ =	sdelay $0x2  }
0xb8: {  	s31 =	sshll.u32 s1, $0xD;
	s1 =	sshrl.u32 s1, $0x2  }
0xb9: {  	s3 =	sand.u32 $0x4000, s31;
	s1 =	sadd.s32 s1, s30  }
0xba: {  	s0 =	sor.u32 s3, s0;
	s1 =	sshll.u32 s1, $0x11  }
0xbb: {  	s0 =	sor.u32 s1, s0  }
0xbc: {  	s0 =	sadd.s32 $0x8F2B, s0  }
0xbd: {  	[sflag:s0] =	ssyncadd.remote.s32 $0x1  }
0xbe: {  	_ =	sfence.sel $0xFFFF  }
0xbf: {  	[dreg:$0x0] =	wrdreg $0xFFFFFFFF;
	(pc) =	sbr.abs _section_cstart, $3  }
0xc0: {  	[dreg:$0x1] =	wrdreg $0xFFFFFFFF  }
0xc1: {  	_ =	task.clear_ibuf [dreg:s6], $0x2FFFF;
	_ =	strace $0x9FFFFFFF  }
0xc2: {  	(tm) =	ssettm $0x7FFFFFFF  }
0xc3: {  	_ =	shalt  }
tec
execute0_lowered:
.L_overlay_start_1:
0x0: {  	(tag) =	ssettag $0x1  }
0x1: {  	s8 =	rddreg [dreg:$0x0]  }
0x2: {  	s0 =	srdreg.scid;
	s2 =	rddreg [dreg:$0x1]  }
0x3: {  	s3 =	simm.s32 $0x0;
	s17 =	simm.s32 $0x80;
	s18 =	simm.s32 $0x2900  }
0x4: {  	s19 =	simm.s32 $0x2880;
	s20 =	simm.s32 $0x6900;
	s21 =	simm.s32 $0x1  }
0x5: {  	s22 =	simm.s32 $0x2;
	s23 =	simm.s32 $0x3;
	s24 =	simm.s32 $0x4  }
0x6: {  	s25 =	simm.s32 $0x0;
	s7 =	sand.u32 $0x1, s0;
	s0 =	stileid.u32  }
0x7: {  	[smem:$0x7FF] =	sst s3;
	s5 =	sadd.s32 $0x1AE00, s8;
	s11 =	sadd.s32 $0x6AE00, s8  }
0x8: {  	s6 =	sadd.s32 $0x10E00, s8;
	s14 =	sadd.s32 $0x92E00, s8;
	s15 =	sadd.s32 $0xBAE00, s8  }
0x9: {  	s1 =	sshll.u32 s7, $0x4;
	_ =	strace $0x8000004A;
	s13 =	smul.u32 $0x50000, s0  }
0xa: {  	s12 =	ssub.s32 $0x2, s7;
	p0 =	seq.s32 s7, $0x0;
	s30 =	smul.u32 $0x2800, s0  }
0xb: {  	s31 =	sshll.u32 s0, $0x6;
	s4 =	sor.u32 s0, s1;
	s28 =	sshrl.u32 s12, $0x1  }
0xc: {  	s11 =	smov.u32 @p0 s5;
	s15 =	smov.u32 @p0 s14;
	s4 =	smul.u32 $0x2800, s4  }
0xd: {  	s12 =	ssub.s32 s12, s28;
	s29 =	sshrl.u32 s13, $0x2;
	s11 =	sadd.s32 s11, s30  }
0xe: {  	s13 =	sadd.s32 s15, s30;
	s16 =	sadd.s32 s29, s2;
	s9 =	sshrl.u32 s4, $0x3  }
0xf: {  	s15 =	simm.s32 $0x5;
	s14 =	sshrl.u32 s16, $0x3;
	s10 =	sadd.s32 s9, s8  }
0x10: {  	s16 =	simm.s32 $0x2800;
	s7 =	sadd.s32 s6, s9;
	s8 =	sadd.s32 $0x6E00, s10  }
0x11: {  	s9 =	sadd.s32 $0x10, s7;
	s10 =	smax.u32 s12, $0x1;
	s12 =	sor.u32 $0x1C05, s31  }
.LBB2_1:
0x12: {  	[spmem:s14], [sflag:s12] =	dma.local [hbm:s11], $0x2800  }
0x13: {  	_ =	swait.ge [sflag:s15], $0x2800  }
0x14: {  	[sflag:s15] =	ssyncset.done $0x0  }
0x15: {  	[sflag:s15] =	ssyncadd.s32 $0xFFFFD800  }
0x16: {  	[tilespmem:s3], [sflag:$0x5] =	stream.linear.gather [hbm4b:s8+s3], $0x2800, $0x38;
	[tilespmem:$0x1E900] =	vst v63  }
0x17: {  	_ =	swait.ge [sflag:s15], $0x2800  }
0x18: {  	[sflag:s15] =	ssyncset.done $0x0  }
0x19: {  	[sflag:s15] =	ssyncadd.s32 $0xFFFFD800  }
0x1a: {  	[bflag:$0x0] =	sbarrier.arrive $0xFFFF  }
0x1b: {  	[tilespmem:s16], [sflag:$0x1] =	stream.linear.gather [hbm4b:s7+s3], $0x80, $0x38;
	[tilespmem:$0x1E900] =	vst v63  }
0x1c: {  	_ = 	snop  }
0x1d: {  	[tilespmem:s18], [sflag:$0x1] =	stream.indirect.gather [hbm4b:s5+s17], $0x80, s3, s17, $0xb8;
	[tilespmem:$0x1E900] =	vst v63  }
0x1e: {  	_ = 	snop  }
0x1f: {  	[tilespmem:s19], [sflag:$0x2] =	stream.linear.gather [hbm4b:s9+s3], $0x80, $0x38;
	[tilespmem:$0x1E900] =	vst v63  }
0x20: {  	_ = 	snop  }
0x21: {  	[tilespmem:s20], [sflag:$0x2] =	stream.indirect.gather [hbm4b:s5+s17], $0x80, s17, s17, $0xb8;
	[tilespmem:$0x1E900] =	vst v63  }
0x22: {  	_ =	swait.ge [sflag:s21], $0x80  }
0x23: {  	[sflag:s21] =	ssyncset.done $0x0  }
0x24: {  	[sflag:s21] =	ssyncadd.s32 $0xFFFFFF80  }
0x25: {  	_ =	swait.ge [sflag:s21], $0x4000  }
0x26: {  	[sflag:s21] =	ssyncset.done $0x0  }
0x27: {  	[sflag:s21] =	ssyncadd.s32 $0xFFFFC000  }
0x28: {  	[spmem:s2] =	stream.indirect.scatter.add.f32 [tilespmem:s18], [sflag:$0x3], $0x80, s16, s17, $0xb8;
	[tilespmem:$0x1E900] =	vst v63  }
0x29: {  	_ =	swait.ge [sflag:s22], $0x80  }
0x2a: {  	[sflag:s22] =	ssyncset.done $0x0  }
0x2b: {  	[sflag:s22] =	ssyncadd.s32 $0xFFFFFF80  }
0x2c: {  	s26 =	simm.s32 $0x100;
	_ =	swait.ge [sflag:s22], $0x4000  }
0x2d: {  	s28 =	sand.u32 $0x7C00, s26;
	[sflag:s22] =	ssyncset.done $0x0  }
0x2e: {  	s26 =	sand.u32 $0x300, s26;
	s28 =	sadd.s32 s4, s28;
	[sflag:s22] =	ssyncadd.s32 $0xFFFFC000  }
0x2f: {  	[spmem:s2] =	stream.indirect.scatter.add.f32 [tilespmem:s20], [sflag:$0x4], $0x80, s19, s17, $0xb8;
	[tilespmem:$0x1E900] =	vst v63  }
0x30: {  	s26 =	sor.u32 s26, s28;
	_ =	swait.ge [sflag:s23], $0x4000  }
0x31: {  	s28 =	simm.s32 $0x180;
	s26 =	sshrl.u32 s26, $0x3;
	[sflag:s23] =	ssyncset.done $0x0  }
0x32: {  	s29 =	sand.u32 $0x7C00, s28;
	s26 =	sadd.s32 s6, s26;
	[sflag:s23] =	ssyncadd.s32 $0xFFFFC000  }
0x33: {  	[tilespmem:s16], [sflag:$0x1] =	stream.linear.gather [hbm4b:s26+s3], $0x80, $0x38;
	[tilespmem:$0x1E900] =	vst v63  }
0x34: {  	s30 =	simm.s32 $0x100;
	s28 =	sand.u32 $0x380, s28;
	s29 =	sadd.s32 s4, s29  }
0x35: {  	[tilespmem:s18], [sflag:$0x1] =	stream.indirect.gather [hbm4b:s5+s17], $0x80, s30, s17, $0xb8;
	[tilespmem:$0x1E900] =	vst v63  }
0x36: {  	s31 =	sor.u32 s28, s29;
	_ =	swait.ge [sflag:s24], $0x4000  }
0x37: {  	s26 =	sshrl.u32 s31, $0x3;
	[sflag:s24] =	ssyncset.done $0x0  }
0x38: {  	s26 =	sadd.s32 s6, s26;
	[sflag:s24] =	ssyncadd.s32 $0xFFFFC000  }
0x39: {  	[tilespmem:s19], [sflag:$0x2] =	stream.linear.gather [hbm4b:s26+s3], $0x80, $0x38;
	[tilespmem:$0x1E900] =	vst v63  }
0x3a: {  	s28 =	simm.s32 $0x180;
	s29 =	simm.s32 $0x200;
	s26 =	simm.s32 $0x280  }
.LBB2_2:
0x3b: {  	s30 =	sadd.s32 $0x80, s29  }
0x3c: {  	p0 =	sne.s32 s26, $0x2780;
	s31 =	smov.u32 s26;
	s26 =	sadd.s32 $0x100, s26  }
0x3d: {  	[tilespmem:s20], [sflag:$0x2] =	stream.indirect.gather [hbm4b:s5+s17], $0x80, s28, s17, $0xb8;
	[tilespmem:$0x1E900] =	vst v63  }
0x3e: {  	s28 =	smov.u32 s30;
	_ =	swait.ge [sflag:s21], $0x80  }
0x3f: {  	[sflag:s21] =	ssyncset.done $0x0  }
0x40: {  	[sflag:s21] =	ssyncadd.s32 $0xFFFFFF80  }
0x41: {  	_ =	swait.ge [sflag:s21], $0x4000  }
0x42: {  	[sflag:s21] =	ssyncset.done $0x0  }
0x43: {  	[sflag:s21] =	ssyncadd.s32 $0xFFFFC000  }
0x44: {  	[spmem:s2] =	stream.indirect.scatter.add.f32 [tilespmem:s18], [sflag:$0x3], $0x80, s16, s17, $0xb8;
	[tilespmem:$0x1E900] =	vst v63  }
0x45: {  	_ =	swait.ge [sflag:s22], $0x80  }
0x46: {  	[sflag:s22] =	ssyncset.done $0x0  }
0x47: {  	[sflag:s22] =	ssyncadd.s32 $0xFFFFFF80  }
0x48: {  	_ =	swait.ge [sflag:s22], $0x4000  }
0x49: {  	s30 =	sadd.s32 $0xFFFFFF80, s31;
	[sflag:s22] =	ssyncset.done $0x0  }
0x4a: {  	s1 =	sand.u32 $0x7C00, s30;
	s30 =	sand.u32 $0x300, s30;
	[sflag:s22] =	ssyncadd.s32 $0xFFFFC000  }
0x4b: {  	[spmem:s2] =	stream.indirect.scatter.add.f32 [tilespmem:s20], [sflag:$0x4], $0x80, s19, s17, $0xb8;
	[tilespmem:$0x1E900] =	vst v63  }
0x4c: {  	s1 =	sadd.s32 s4, s1;
	_ =	swait.ge [sflag:s23], $0x4000  }
0x4d: {  	s1 =	sor.u32 s30, s1;
	[sflag:s23] =	ssyncset.done $0x0  }
0x4e: {  	s1 =	sshrl.u32 s1, $0x3;
	[sflag:s23] =	ssyncadd.s32 $0xFFFFC000  }
0x4f: {  	s30 =	sand.u32 $0x7C00, s31;
	s1 =	sadd.s32 s6, s1  }
0x50: {  	[tilespmem:s16], [sflag:$0x1] =	stream.linear.gather [hbm4b:s1+s3], $0x80, $0x38;
	[tilespmem:$0x1E900] =	vst v63  }
0x51: {  	s1 =	sadd.s32 s4, s30;
	s30 =	sand.u32 $0x380, s31  }
0x52: {  	[tilespmem:s18], [sflag:$0x1] =	stream.indirect.gather [hbm4b:s5+s17], $0x80, s29, s17, $0xb8;
	[tilespmem:$0x1E900] =	vst v63  }
.Ltmp0:
0x53: {  	_ = 	snop;
	(pc) =	sbr.rel @p0 .LBB2_2-.Ltmp0, $4  }
0x54: {  	s1 =	sor.u32 s30, s1;
	_ =	swait.ge [sflag:s24], $0x4000  }
0x55: {  	s1 =	sshrl.u32 s1, $0x3;
	[sflag:s24] =	ssyncset.done $0x0  }
0x56: {  	s29 =	sadd.s32 $0x100, s29;
	s1 =	sadd.s32 s6, s1;
	[sflag:s24] =	ssyncadd.s32 $0xFFFFC000  }
0x57: {  	[tilespmem:s19], [sflag:$0x2] =	stream.linear.gather [hbm4b:s1+s3], $0x80, $0x38;
	[tilespmem:$0x1E900] =	vst v63  }
0x58: {  	[tilespmem:s20], [sflag:$0x2] =	stream.indirect.gather [hbm4b:s5+s17], $0x80, s28, s17, $0xb8;
	[tilespmem:$0x1E900] =	vst v63  }
0x59: {  	_ =	swait.ge [sflag:s21], $0x80  }
0x5a: {  	[sflag:s21] =	ssyncset.done $0x0  }
0x5b: {  	[sflag:s21] =	ssyncadd.s32 $0xFFFFFF80  }
0x5c: {  	_ =	swait.ge [sflag:s21], $0x4000  }
0x5d: {  	[sflag:s21] =	ssyncset.done $0x0  }
0x5e: {  	[sflag:s21] =	ssyncadd.s32 $0xFFFFC000  }
0x5f: {  	[spmem:s2] =	stream.indirect.scatter.add.f32 [tilespmem:s18], [sflag:$0x3], $0x80, s16, s17, $0xb8;
	[tilespmem:$0x1E900] =	vst v63  }
0x60: {  	_ =	swait.ge [sflag:s22], $0x80  }
0x61: {  	[sflag:s22] =	ssyncset.done $0x0  }
0x62: {  	[sflag:s22] =	ssyncadd.s32 $0xFFFFFF80  }
0x63: {  	_ =	swait.ge [sflag:s22], $0x4000  }
0x64: {  	[sflag:s22] =	ssyncset.done $0x0  }
0x65: {  	[sflag:s22] =	ssyncadd.s32 $0xFFFFC000  }
0x66: {  	[spmem:s2] =	stream.indirect.scatter.add.f32 [tilespmem:s20], [sflag:$0x4], $0x80, s19, s17, $0xb8;
	[tilespmem:$0x1E900] =	vst v63  }
0x67: {  	_ =	swait.ge [sflag:s23], $0x4000  }
0x68: {  	[sflag:s23] =	ssyncset.done $0x0  }
0x69: {  	[sflag:s23] =	ssyncadd.s32 $0xFFFFC000  }
0x6a: {  	_ =	swait.ge [sflag:s24], $0x4000  }
0x6b: {  	s25 =	sadd.s32 $0x1, s25;
	[sflag:s24] =	ssyncset.done $0x0  }
0x6c: {  	p0 =	sne.s32 s25, s10;
	[sflag:s24] =	ssyncadd.s32 $0xFFFFC000  }
.Ltmp1:
0x6d: {  	[bflag:$0x0] =	sbarrier.arrive $0xFFFF;
	(pc) =	sbr.rel @p0 .LBB2_1-.Ltmp1, $4  }
0x6e: {  	[hbm:s13], [sflag:s12] =	dma.local [spmem:s14], $0x2800  }
0x6f: {  	_ =	swait.ge [sflag:s15], $0x2800  }
0x70: {  	[sflag:s15] =	ssyncset.done $0x0  }
0x71: {  	[sflag:s15] =	ssyncadd.s32 $0xFFFFD800  }
0x72: {  	_ =	sfence.sel $0x180000  }
0x73: {  	[bflag:$0x0] =	sbarrier.arrive $0xFFFF  }
0x74: {  	_ =	strace $0x9000004A  }
0x75: {  	[bflag:$0x2] =	sbarrier.arrive $0xFFFF  }
0x76: {  	p0 =	sne.s32 s0, $0x0;
	s0 =	rddreg [dreg:$0x2]  }
0x77: {  	s0 =	sadd.s32 @!p0 $0x100000, s0  }
0x78: {  	[sflag:s0] =	ssyncadd.tile.s32 @!p0 $0x1;
	_ =	shalt  }
.Lfunc_end2:
_tile_overlayer_lowered:
.L_overlay_start_2:
0x79: {  	(tag) =	ssettag $0x2  }
0x7a: {  	s0 =	rddreg [dreg:$0x0];
	s2 =	stileid.u32  }
0x7b: {  	s1 =	rddreg [dreg:$0x1];
	p0 =	sne.s32 s2, $0x0  }
0x7c: {  	s3 =	rddreg [dreg:$0x2];
	[bflag:$0x3] =	sbarrier.arrive $0xFFFF;
	s2 =	simm.s32 @!p0 $0x1C05  }
0x7d: {  	[timem:s3], [sflag:s2] =	dma.local @!p0 [hbm:s0], s1  }
0x7e: {  	s0 =	simm.s32 @!p0 $0x5  }
0x7f: {  	_ =	swait.ge @!p0 [sflag:s0], s1  }
0x80: {  	s1 =	ssub.s32 @!p0 $0x0, s1;
	[sflag:s0] =	ssyncset.done @!p0 $0x0  }
0x81: {  	[sflag:s0] =	ssyncadd.s32 @!p0 s1  }
0x82: {  	[bflag:$0x3] =	sbarrier.arrive $0xFFFF  }
0x83: {  	_ =	shalt  }

// kernel: kernel.23.cloned.1.call-start
scs
__scs_entry_jumppad:
0x0: {  	(pc) =	sbr.rel $0x88, $3  }
0x1: {  	(tag) =	ssettag $0x0;
	lr =	simm.s32 $0x1  }
0x2: {  	[smem:$0x3F91] =	sst lr;
	_ =	strace $0xD0000000  }
0x3: {  	_ = 	snop  }
0x4: {  	_ = 	snop  }
0x5: {  	_ = 	snop  }
0x6: {  	_ = 	snop  }
0x7: {  	_ = 	snop  }
__scs_overlays_trampoline_lowered:
0x8: {  	[smem:$0x3FA0] =	sst s0  }
0x9: {  	[smem:$0x3FA1] =	sst s1  }
0xa: {  	[smem:$0x3FA2] =	sst s2  }
0xb: {  	[smem:$0x3FA3] =	sst s3  }
0xc: {  	[smem:$0x3FA4] =	sst s4  }
0xd: {  	[smem:$0x3FA5] =	sst s5  }
0xe: {  	[smem:$0x3FA6] =	sst s6  }
0xf: {  	[smem:$0x3FA7] =	sst s7  }
0x10: {  	[smem:$0x3FA8] =	sst s8  }
0x11: {  	[smem:$0x3FA9] =	sst s9;
	s0 =	simm.s32 @!p0 $0x0  }
0x12: {  	s1 =	sld [smem:$0x3F8F];
	s0 =	simm.s32 @p0 $0x1  }
0x13: {  	[smem:$0x3FAA] =	sst s0;
	s0 =	simm.s32 @!p1 $0x0  }
0x14: {  	s2 =	sld [smem:$0x3F8E];
	s0 =	simm.s32 @p1 $0x1  }
0x15: {  	[smem:$0x3FAB] =	sst s0;
	s0 =	simm.s32 @!p2 $0x0  }
0x16: {  	s3 =	sld [smem:$0x3FDB];
	s0 =	simm.s32 @p2 $0x1  }
0x17: {  	s4 =	simm.s32 $0x1BF5;
	[smem:$0x3FAD] =	sst s0  }
0x18: {  	s0 =	sld [smem:$0x3F90];
	_ =	swait.ge [sflag:s4], $0x0  }
0x19: {  	s7 =	sld [smem:$0x3F91]  }
0x1a: {  	s8 =	sadd.s32 $0xFFFFE003, lr  }
0x1b: {  	s9 =	sadd.s32 $0xFFFFFEF7, lr;
	s5 =	simm.s32 $0xFFFFFFFF;
	p2 =	slt.u32 s8, $0xFFFFF086  }
0x1c: {  	p1 =	slt.u32 s9, $0xF7A;
	s5 =	simm.s32 @!p2 $0x0  }
0x1d: {  	s5 =	simm.s32 @p1 $0x1;
	p0 =	seq.s32 s7, s2  }
0x1e: {  	s7 =	smul.u32 @!p0 $0xF7A, s2;
	p2 =	seq.s32 @!p0 s5, $0x0  }
0x1f: {  	s9 =	smul.u32 $0xF7A, s1;
	s8 =	simm.s32 @!p0 $0x1BF5;
	p2 =	por !p2, p0  }
0x20: {  	[sflag:s8] =	ssyncset.s32 @!p0 $0xFFFFF086;
	s6 =	sadd.s32 @!p0 s3, s7;
	s7 =	simm.s32 @!p0 $0x108  }
0x21: {  	s3 =	sadd.s32 s3, s9;
	s6 =	sadd.s32 @!p0 $0x88, s6;
	s7 =	simm.s32 @p2 $0x1082  }
0x22: {  	[simem:s7], [sflag:s8] =	dma.local @!p0 [hbm:s6], $0xF7A  }
0x23: {  	s9 =	sor.u32 $0xD0000000, s2;
	s6 =	simm.s32 $0x108;
	_ =	swait.ge @!p0 [sflag:s8], $0x0  }
0x24: {  	s3 =	sadd.s32 $0x88, s3;
	s6 =	simm.s32 @!p1 $0x1082;
	[sflag:s4] =	ssyncset.s32 $0xFFFFF086  }
0x25: {  	[simem:s6], [sflag:s4] =	dma.local [hbm:s3], $0xF7A  }
0x26: {  	[smem:$0x3F91] =	sst s1;
	(tag) =	ssettag s2;
	_ =	strace s9  }
0x27: {  	s1 =	sld [smem:$0x3FA1]  }
0x28: {  	s2 =	sld [smem:$0x3FA2]  }
0x29: {  	s4 =	sld [smem:$0x3FA4]  }
0x2a: {  	p0 =	seq.s32 s5, $0x0;
	s5 =	sld [smem:$0x3FA5]  }
0x2b: {  	s6 =	sld [smem:$0x3FA6]  }
0x2c: {  	s7 =	sld [smem:$0x3FA7]  }
0x2d: {  	s3 =	simm.s32 $0x108;
	s8 =	sld [smem:$0x3FA8]  }
0x2e: {  	s3 =	simm.s32 @!p0 $0x1082;
	s9 =	sld [smem:$0x3FA9]  }
0x2f: {  	lr =	sadd.s32 s0, s3;
	s0 =	sld [smem:$0x3FA0]  }
0x30: {  	s3 =	sld [smem:$0x3FA3]  }
0x31: {  	[smem:$0x3FAC] =	sst s10  }
0x32: {  	s10 =	sld [smem:$0x3FAA];
	_ =	sdelay $0x3  }
0x33: {  	p0 =	seq.s32 s10, $0x1;
	s10 =	sld [smem:$0x3FAC];
	_ =	sdelay $0x3  }
0x34: {  	[smem:$0x3FAC] =	sst s10  }
0x35: {  	s10 =	sld [smem:$0x3FAB];
	_ =	sdelay $0x3  }
0x36: {  	p1 =	seq.s32 s10, $0x1;
	s10 =	sld [smem:$0x3FAC];
	_ =	sdelay $0x3  }
0x37: {  	[smem:$0x3FAC] =	sst s10  }
0x38: {  	s10 =	sld [smem:$0x3FAD]  }
0x39: {  	_ = 	snop;
	(pc) =	sbr.ind lr, $3  }
0x3a: {  	_ = 	snop  }
0x3b: {  	_ = 	snop  }
0x3c: {  	p2 =	seq.s32 s10, $0x1;
	s10 =	sld [smem:$0x3FAC]  }
0x3d: {  	_ =	shalt  }
0x3e: {  	_ =	shalt  }
0x3f: {  	_ =	shalt  }
0x40: {  	_ =	shalt  }
0x41: {  	_ =	shalt  }
0x42: {  	_ =	shalt  }
0x43: {  	_ =	shalt  }
0x44: {  	_ =	shalt  }
0x45: {  	_ =	shalt  }
0x46: {  	_ =	shalt  }
0x47: {  	_ =	shalt  }
0x48: {  	_ =	shalt  }
0x49: {  	_ =	shalt  }
0x4a: {  	_ =	shalt  }
0x4b: {  	_ =	shalt  }
0x4c: {  	_ =	shalt  }
0x4d: {  	_ =	shalt  }
0x4e: {  	_ =	shalt  }
0x4f: {  	_ =	shalt  }
0x50: {  	_ =	shalt  }
0x51: {  	_ =	shalt  }
0x52: {  	_ =	shalt  }
0x53: {  	_ =	shalt  }
0x54: {  	_ =	shalt  }
0x55: {  	_ =	shalt  }
0x56: {  	_ =	shalt  }
0x57: {  	_ =	shalt  }
0x58: {  	_ =	shalt  }
0x59: {  	_ =	shalt  }
0x5a: {  	_ =	shalt  }
0x5b: {  	_ =	shalt  }
0x5c: {  	_ =	shalt  }
0x5d: {  	_ =	shalt  }
0x5e: {  	_ =	shalt  }
0x5f: {  	_ =	shalt  }
0x60: {  	_ =	shalt  }
0x61: {  	_ =	shalt  }
0x62: {  	_ =	shalt  }
0x63: {  	_ =	shalt  }
0x64: {  	_ =	shalt  }
0x65: {  	_ =	shalt  }
0x66: {  	_ =	shalt  }
0x67: {  	_ =	shalt  }
0x68: {  	_ =	shalt  }
0x69: {  	_ =	shalt  }
0x6a: {  	_ =	shalt  }
0x6b: {  	_ =	shalt  }
0x6c: {  	_ =	shalt  }
0x6d: {  	_ =	shalt  }
0x6e: {  	_ =	shalt  }
0x6f: {  	_ =	shalt  }
0x70: {  	_ =	shalt  }
0x71: {  	_ =	shalt  }
0x72: {  	_ =	shalt  }
0x73: {  	_ =	shalt  }
0x74: {  	_ =	shalt  }
0x75: {  	_ =	shalt  }
0x76: {  	_ =	shalt  }
0x77: {  	_ =	shalt  }
0x78: {  	_ =	shalt  }
0x79: {  	_ =	shalt  }
0x7a: {  	_ =	shalt  }
0x7b: {  	_ =	shalt  }
0x7c: {  	_ =	shalt  }
0x7d: {  	_ =	shalt  }
0x7e: {  	_ =	shalt  }
0x7f: {  	_ =	shalt  }
0x80: {  	_ =	shalt  }
0x81: {  	_ =	shalt  }
0x82: {  	_ =	shalt  }
0x83: {  	_ =	shalt  }
0x84: {  	_ =	shalt  }
0x85: {  	_ =	shalt  }
0x86: {  	_ =	shalt  }
0x87: {  	_ =	shalt  }
.Lfunc_end0:
.L_simem_size_0:
called_computation.2_lowered:
.L_overlay_start_0:
0x88: {  	s2 =	sld [smem:$0x3FD9]  }
0x89: {  	s3 =	sld [smem:$0x3FFE];
	_ =	sdelay $0x1  }
0x8a: {  	s1 =	srdreg.scid  }
0x8b: {  	s0 =	sand.u32 $0x1, s1  }
0x8c: {  	s16 =	sshll.u32 s0, $0xA;
	s2 =	sadd.s32 s3, s2  }
0x8d: {  	s2 =	sadd.s32 s2, s16  }
0x8e: {  	[smem:$0x3FB8] =	sst s2  }
0x8f: {  	_ = 	snop  }
0x90: {  	(tm) =	ssettm $0x1  }
0x91: {  	s17 =	sld [smem:$0x3FFB];
	_ =	sdelay $0x3  }
0x92: {  	_ =	strace s17  }
0x93: {  	s2 =	sld [smem:$0x3FFC];
	_ =	sdelay $0x3  }
0x94: {  	_ =	strace s2  }
0x95: {  	s2 =	sld [smem:$0x3FFD];
	_ =	sdelay $0x3  }
0x96: {  	_ =	strace s2  }
0x97: {  	_ =	strace $0x8FFFFFFF  }
0x98: {  	s18 =	sld [smem:$0x3FDB];
	_ =	sdelay $0x1  }
0x99: {  	s19 =	simm.s32 $_scs_section_size  }
0x9a: {  	s4 =	simm.s32 $_size__tile_overlayer_lowered;
	s5 =	simm.s32 $_tile_overlayer_lowered  }
0x9b: {  	s22 =	simm.s32 $0x1BFF;
	s21 =	sshll.u32 s5, $0x1;
	s2 =	sadd.s32 s19, s18  }
0x9c: {  	s6 =	simm.s32 $0x0;
	s20 =	sshll.u32 s4, $0x1;
	s4 =	sadd.s32 s21, s2  }
0x9d: {  	[timem:s6], [sflag:s22] =	dma.local [hbm:s4], s20  }
0x9e: {  	_ =	swait.ge [sflag:s22], s20  }
0x9f: {  	s3 =	ssub.s32 $0x0, s20;
	[sflag:s22] =	ssyncset.done $0x0  }
0xa0: {  	[sflag:s22] =	ssyncadd.s32 s3;
	_ =	sdelay $0x1  }
0xa1: {  	s23 =	simm.s32 $0x1B8B  }
0xa2: {  	_ =	swait.ge [sflag:s23], $0x1  }
0xa3: {  	[sflag:s23] =	ssyncset.done $0x0  }
0xa4: {  	s25 =	simm.s32 $0x1B8E;
	s24 =	sld [smem:$0x3FFE];
	[sflag:s23] =	ssyncadd.s32 $0xFFFFFFFF  }
0xa5: {  	s26 =	simm.s32 $execute0_lowered;
	[smem:$0x3FD2] =	sst s25  }
0xa6: {  	s4 =	sshll.u32 s26, $0x1;
	_ =	strace $0x8000004C;
	[dreg:$0x1] =	wrdreg $0xFFFFFFFF  }
0xa7: {  	s28 =	simm.s32 $_size_execute0_lowered;
	s2 =	sadd.s32 s2, s4;
	[dreg:$0x0] =	wrdreg $0x0  }
0xa8: {  	s4 =	sshll.u32 s28, $0x1;
	[dreg:$0x2] =	wrdreg s2  }
0xa9: {  	[dreg:$0x3] =	wrdreg s4  }
0xaa: {  	[dreg:$0x4] =	wrdreg $0xC0  }
0xab: {  	_ =	task [dreg:s6], $0x5FFFF  }
0xac: {  	[dreg:$0x1] =	wrdreg $0xFFFFFFFF  }
0xad: {  	[dreg:$0x0] =	wrdreg $0x60  }
0xae: {  	[dreg:$0x2] =	wrdreg s24  }
0xaf: {  	[dreg:$0x3] =	wrdreg $0xA9000  }
0xb0: {  	[dreg:$0x4] =	wrdreg $0x9  }
0xb1: {  	_ =	task.clear_ibuf [dreg:s6], $0x5FFFF;
	_ =	strace $0x9000004C  }
0xb2: {  	s29 =	simm.s32 $0x9;
	_ =	strace $0x8000004E  }
0xb3: {  	_ =	swait.ge [sflag:s29], $0x1  }
0xb4: {  	[sflag:s29] =	ssyncadd.s32 $0xFFFFFFFF  }
0xb5: {  	_ =	strace $0x9000004E  }
0xb6: {  	_ =	sfence  }
0xb7: {  	s30 =	sld [smem:$0x0];
	_ =	sdelay $0x2  }
0xb8: {  	s31 =	sshll.u32 s1, $0xD;
	s1 =	sshrl.u32 s1, $0x2  }
0xb9: {  	s3 =	sand.u32 $0x4000, s31;
	s1 =	sadd.s32 s1, s30  }
0xba: {  	s0 =	sor.u32 s3, s0;
	s1 =	sshll.u32 s1, $0x11  }
0xbb: {  	s0 =	sor.u32 s1, s0  }
0xbc: {  	s0 =	sadd.s32 $0x8F2B, s0  }
0xbd: {  	[sflag:s0] =	ssyncadd.remote.s32 $0x1  }
0xbe: {  	_ =	sfence.sel $0xFFFF  }
0xbf: {  	[dreg:$0x0] =	wrdreg $0xFFFFFFFF;
	(pc) =	sbr.abs _section_cstart, $3  }
0xc0: {  	[dreg:$0x1] =	wrdreg $0xFFFFFFFF  }
0xc1: {  	_ =	task.clear_ibuf [dreg:s6], $0x2FFFF;
	_ =	strace $0x9FFFFFFF  }
0xc2: {  	(tm) =	ssettm $0x7FFFFFFF  }
0xc3: {  	_ =	shalt  }
tec
execute0_lowered:
.L_overlay_start_1:
0x0: {  	(tag) =	ssettag $0x1  }
0x1: {  	s8 =	rddreg [dreg:$0x0]  }
0x2: {  	s0 =	srdreg.scid;
	s2 =	rddreg [dreg:$0x1]  }
0x3: {  	s3 =	simm.s32 $0x0;
	s17 =	simm.s32 $0x80;
	s18 =	simm.s32 $0x2900  }
0x4: {  	s19 =	simm.s32 $0x2880;
	s20 =	simm.s32 $0x6900;
	s21 =	simm.s32 $0x1  }
0x5: {  	s22 =	simm.s32 $0x2;
	s23 =	simm.s32 $0x3;
	s24 =	simm.s32 $0x4  }
0x6: {  	s25 =	simm.s32 $0x0;
	s7 =	sand.u32 $0x1, s0;
	s0 =	stileid.u32  }
0x7: {  	[smem:$0x7FF] =	sst s3;
	s5 =	sadd.s32 $0x1AE00, s8;
	s11 =	sadd.s32 $0x6AE00, s8  }
0x8: {  	s6 =	sadd.s32 $0x10E00, s8;
	s14 =	sadd.s32 $0x92E00, s8;
	s15 =	sadd.s32 $0xBAE00, s8  }
0x9: {  	s1 =	sshll.u32 s7, $0x4;
	_ =	strace $0x8000004D;
	s13 =	smul.u32 $0x50000, s0  }
0xa: {  	s12 =	ssub.s32 $0x2, s7;
	p0 =	seq.s32 s7, $0x0;
	s30 =	smul.u32 $0x2800, s0  }
0xb: {  	s31 =	sshll.u32 s0, $0x6;
	s4 =	sor.u32 s0, s1;
	s28 =	sshrl.u32 s12, $0x1  }
0xc: {  	s11 =	smov.u32 @p0 s5;
	s15 =	smov.u32 @p0 s14;
	s4 =	smul.u32 $0x2800, s4  }
0xd: {  	s12 =	ssub.s32 s12, s28;
	s29 =	sshrl.u32 s13, $0x2;
	s11 =	sadd.s32 s11, s30  }
0xe: {  	s13 =	sadd.s32 s15, s30;
	s16 =	sadd.s32 s29, s2;
	s9 =	sshrl.u32 s4, $0x3  }
0xf: {  	s15 =	simm.s32 $0x5;
	s14 =	sshrl.u32 s16, $0x3;
	s10 =	sadd.s32 s9, s8  }
0x10: {  	s16 =	simm.s32 $0x2800;
	s7 =	sadd.s32 s6, s9;
	s8 =	sadd.s32 $0x6E00, s10  }
0x11: {  	s9 =	sadd.s32 $0x10, s7;
	s10 =	smax.u32 s12, $0x1;
	s12 =	sor.u32 $0x1C05, s31  }
.LBB2_1:
0x12: {  	[spmem:s14], [sflag:s12] =	dma.local [hbm:s11], $0x2800  }
0x13: {  	_ =	swait.ge [sflag:s15], $0x2800  }
0x14: {  	[sflag:s15] =	ssyncset.done $0x0  }
0x15: {  	[sflag:s15] =	ssyncadd.s32 $0xFFFFD800  }
0x16: {  	[tilespmem:s3], [sflag:$0x5] =	stream.linear.gather [hbm4b:s8+s3], $0x2800, $0x38;
	[tilespmem:$0x1E900] =	vst v63  }
0x17: {  	_ =	swait.ge [sflag:s15], $0x2800  }
0x18: {  	[sflag:s15] =	ssyncset.done $0x0  }
0x19: {  	[sflag:s15] =	ssyncadd.s32 $0xFFFFD800  }
0x1a: {  	[bflag:$0x0] =	sbarrier.arrive $0xFFFF  }
0x1b: {  	[tilespmem:s16], [sflag:$0x1] =	stream.linear.gather [hbm4b:s7+s3], $0x80, $0x38;
	[tilespmem:$0x1E900] =	vst v63  }
0x1c: {  	_ = 	snop  }
0x1d: {  	[tilespmem:s18], [sflag:$0x1] =	stream.indirect.gather [hbm4b:s5+s17], $0x80, s3, s17, $0xb8;
	[tilespmem:$0x1E900] =	vst v63  }
0x1e: {  	_ = 	snop  }
0x1f: {  	[tilespmem:s19], [sflag:$0x2] =	stream.linear.gather [hbm4b:s9+s3], $0x80, $0x38;
	[tilespmem:$0x1E900] =	vst v63  }
0x20: {  	_ = 	snop  }
0x21: {  	[tilespmem:s20], [sflag:$0x2] =	stream.indirect.gather [hbm4b:s5+s17], $0x80, s17, s17, $0xb8;
	[tilespmem:$0x1E900] =	vst v63  }
0x22: {  	_ =	swait.ge [sflag:s21], $0x80  }
0x23: {  	[sflag:s21] =	ssyncset.done $0x0  }
0x24: {  	[sflag:s21] =	ssyncadd.s32 $0xFFFFFF80  }
0x25: {  	_ =	swait.ge [sflag:s21], $0x4000  }
0x26: {  	[sflag:s21] =	ssyncset.done $0x0  }
0x27: {  	[sflag:s21] =	ssyncadd.s32 $0xFFFFC000  }
0x28: {  	[spmem:s2] =	stream.indirect.scatter.add.f32 [tilespmem:s18], [sflag:$0x3], $0x80, s16, s17, $0xb8;
	[tilespmem:$0x1E900] =	vst v63  }
0x29: {  	_ =	swait.ge [sflag:s22], $0x80  }
0x2a: {  	[sflag:s22] =	ssyncset.done $0x0  }
0x2b: {  	[sflag:s22] =	ssyncadd.s32 $0xFFFFFF80  }
0x2c: {  	s26 =	simm.s32 $0x100;
	_ =	swait.ge [sflag:s22], $0x4000  }
0x2d: {  	s28 =	sand.u32 $0x7C00, s26;
	[sflag:s22] =	ssyncset.done $0x0  }
0x2e: {  	s26 =	sand.u32 $0x300, s26;
	s28 =	sadd.s32 s4, s28;
	[sflag:s22] =	ssyncadd.s32 $0xFFFFC000  }
0x2f: {  	[spmem:s2] =	stream.indirect.scatter.add.f32 [tilespmem:s20], [sflag:$0x4], $0x80, s19, s17, $0xb8;
	[tilespmem:$0x1E900] =	vst v63  }
0x30: {  	s26 =	sor.u32 s26, s28;
	_ =	swait.ge [sflag:s23], $0x4000  }
0x31: {  	s28 =	simm.s32 $0x180;
	s26 =	sshrl.u32 s26, $0x3;
	[sflag:s23] =	ssyncset.done $0x0  }
0x32: {  	s29 =	sand.u32 $0x7C00, s28;
	s26 =	sadd.s32 s6, s26;
	[sflag:s23] =	ssyncadd.s32 $0xFFFFC000  }
0x33: {  	[tilespmem:s16], [sflag:$0x1] =	stream.linear.gather [hbm4b:s26+s3], $0x80, $0x38;
	[tilespmem:$0x1E900] =	vst v63  }
0x34: {  	s30 =	simm.s32 $0x100;
	s28 =	sand.u32 $0x380, s28;
	s29 =	sadd.s32 s4, s29  }
0x35: {  	[tilespmem:s18], [sflag:$0x1] =	stream.indirect.gather [hbm4b:s5+s17], $0x80, s30, s17, $0xb8;
	[tilespmem:$0x1E900] =	vst v63  }
0x36: {  	s31 =	sor.u32 s28, s29;
	_ =	swait.ge [sflag:s24], $0x4000  }
0x37: {  	s26 =	sshrl.u32 s31, $0x3;
	[sflag:s24] =	ssyncset.done $0x0  }
0x38: {  	s26 =	sadd.s32 s6, s26;
	[sflag:s24] =	ssyncadd.s32 $0xFFFFC000  }
0x39: {  	[tilespmem:s19], [sflag:$0x2] =	stream.linear.gather [hbm4b:s26+s3], $0x80, $0x38;
	[tilespmem:$0x1E900] =	vst v63  }
0x3a: {  	s28 =	simm.s32 $0x180;
	s29 =	simm.s32 $0x200;
	s26 =	simm.s32 $0x280  }
.LBB2_2:
0x3b: {  	s30 =	sadd.s32 $0x80, s29  }
0x3c: {  	p0 =	sne.s32 s26, $0x2780;
	s31 =	smov.u32 s26;
	s26 =	sadd.s32 $0x100, s26  }
0x3d: {  	[tilespmem:s20], [sflag:$0x2] =	stream.indirect.gather [hbm4b:s5+s17], $0x80, s28, s17, $0xb8;
	[tilespmem:$0x1E900] =	vst v63  }
0x3e: {  	s28 =	smov.u32 s30;
	_ =	swait.ge [sflag:s21], $0x80  }
0x3f: {  	[sflag:s21] =	ssyncset.done $0x0  }
0x40: {  	[sflag:s21] =	ssyncadd.s32 $0xFFFFFF80  }
0x41: {  	_ =	swait.ge [sflag:s21], $0x4000  }
0x42: {  	[sflag:s21] =	ssyncset.done $0x0  }
0x43: {  	[sflag:s21] =	ssyncadd.s32 $0xFFFFC000  }
0x44: {  	[spmem:s2] =	stream.indirect.scatter.add.f32 [tilespmem:s18], [sflag:$0x3], $0x80, s16, s17, $0xb8;
	[tilespmem:$0x1E900] =	vst v63  }
0x45: {  	_ =	swait.ge [sflag:s22], $0x80  }
0x46: {  	[sflag:s22] =	ssyncset.done $0x0  }
0x47: {  	[sflag:s22] =	ssyncadd.s32 $0xFFFFFF80  }
0x48: {  	_ =	swait.ge [sflag:s22], $0x4000  }
0x49: {  	s30 =	sadd.s32 $0xFFFFFF80, s31;
	[sflag:s22] =	ssyncset.done $0x0  }
0x4a: {  	s1 =	sand.u32 $0x7C00, s30;
	s30 =	sand.u32 $0x300, s30;
	[sflag:s22] =	ssyncadd.s32 $0xFFFFC000  }
0x4b: {  	[spmem:s2] =	stream.indirect.scatter.add.f32 [tilespmem:s20], [sflag:$0x4], $0x80, s19, s17, $0xb8;
	[tilespmem:$0x1E900] =	vst v63  }
0x4c: {  	s1 =	sadd.s32 s4, s1;
	_ =	swait.ge [sflag:s23], $0x4000  }
0x4d: {  	s1 =	sor.u32 s30, s1;
	[sflag:s23] =	ssyncset.done $0x0  }
0x4e: {  	s1 =	sshrl.u32 s1, $0x3;
	[sflag:s23] =	ssyncadd.s32 $0xFFFFC000  }
0x4f: {  	s30 =	sand.u32 $0x7C00, s31;
	s1 =	sadd.s32 s6, s1  }
0x50: {  	[tilespmem:s16], [sflag:$0x1] =	stream.linear.gather [hbm4b:s1+s3], $0x80, $0x38;
	[tilespmem:$0x1E900] =	vst v63  }
0x51: {  	s1 =	sadd.s32 s4, s30;
	s30 =	sand.u32 $0x380, s31  }
0x52: {  	[tilespmem:s18], [sflag:$0x1] =	stream.indirect.gather [hbm4b:s5+s17], $0x80, s29, s17, $0xb8;
	[tilespmem:$0x1E900] =	vst v63  }
.Ltmp0:
0x53: {  	_ = 	snop;
	(pc) =	sbr.rel @p0 .LBB2_2-.Ltmp0, $4  }
0x54: {  	s1 =	sor.u32 s30, s1;
	_ =	swait.ge [sflag:s24], $0x4000  }
0x55: {  	s1 =	sshrl.u32 s1, $0x3;
	[sflag:s24] =	ssyncset.done $0x0  }
0x56: {  	s29 =	sadd.s32 $0x100, s29;
	s1 =	sadd.s32 s6, s1;
	[sflag:s24] =	ssyncadd.s32 $0xFFFFC000  }
0x57: {  	[tilespmem:s19], [sflag:$0x2] =	stream.linear.gather [hbm4b:s1+s3], $0x80, $0x38;
	[tilespmem:$0x1E900] =	vst v63  }
0x58: {  	[tilespmem:s20], [sflag:$0x2] =	stream.indirect.gather [hbm4b:s5+s17], $0x80, s28, s17, $0xb8;
	[tilespmem:$0x1E900] =	vst v63  }
0x59: {  	_ =	swait.ge [sflag:s21], $0x80  }
0x5a: {  	[sflag:s21] =	ssyncset.done $0x0  }
0x5b: {  	[sflag:s21] =	ssyncadd.s32 $0xFFFFFF80  }
0x5c: {  	_ =	swait.ge [sflag:s21], $0x4000  }
0x5d: {  	[sflag:s21] =	ssyncset.done $0x0  }
0x5e: {  	[sflag:s21] =	ssyncadd.s32 $0xFFFFC000  }
0x5f: {  	[spmem:s2] =	stream.indirect.scatter.add.f32 [tilespmem:s18], [sflag:$0x3], $0x80, s16, s17, $0xb8;
	[tilespmem:$0x1E900] =	vst v63  }
0x60: {  	_ =	swait.ge [sflag:s22], $0x80  }
0x61: {  	[sflag:s22] =	ssyncset.done $0x0  }
0x62: {  	[sflag:s22] =	ssyncadd.s32 $0xFFFFFF80  }
0x63: {  	_ =	swait.ge [sflag:s22], $0x4000  }
0x64: {  	[sflag:s22] =	ssyncset.done $0x0  }
0x65: {  	[sflag:s22] =	ssyncadd.s32 $0xFFFFC000  }
0x66: {  	[spmem:s2] =	stream.indirect.scatter.add.f32 [tilespmem:s20], [sflag:$0x4], $0x80, s19, s17, $0xb8;
	[tilespmem:$0x1E900] =	vst v63  }
0x67: {  	_ =	swait.ge [sflag:s23], $0x4000  }
0x68: {  	[sflag:s23] =	ssyncset.done $0x0  }
0x69: {  	[sflag:s23] =	ssyncadd.s32 $0xFFFFC000  }
0x6a: {  	_ =	swait.ge [sflag:s24], $0x4000  }
0x6b: {  	s25 =	sadd.s32 $0x1, s25;
	[sflag:s24] =	ssyncset.done $0x0  }
0x6c: {  	p0 =	sne.s32 s25, s10;
	[sflag:s24] =	ssyncadd.s32 $0xFFFFC000  }
.Ltmp1:
0x6d: {  	[bflag:$0x0] =	sbarrier.arrive $0xFFFF;
	(pc) =	sbr.rel @p0 .LBB2_1-.Ltmp1, $4  }
0x6e: {  	[hbm:s13], [sflag:s12] =	dma.local [spmem:s14], $0x2800  }
0x6f: {  	_ =	swait.ge [sflag:s15], $0x2800  }
0x70: {  	[sflag:s15] =	ssyncset.done $0x0  }
0x71: {  	[sflag:s15] =	ssyncadd.s32 $0xFFFFD800  }
0x72: {  	_ =	sfence.sel $0x180000  }
0x73: {  	[bflag:$0x0] =	sbarrier.arrive $0xFFFF  }
0x74: {  	_ =	strace $0x9000004D  }
0x75: {  	[bflag:$0x2] =	sbarrier.arrive $0xFFFF  }
0x76: {  	p0 =	sne.s32 s0, $0x0;
	s0 =	rddreg [dreg:$0x2]  }
0x77: {  	s0 =	sadd.s32 @!p0 $0x100000, s0  }
0x78: {  	[sflag:s0] =	ssyncadd.tile.s32 @!p0 $0x1;
	_ =	shalt  }
.Lfunc_end2:
_tile_overlayer_lowered:
.L_overlay_start_2:
0x79: {  	(tag) =	ssettag $0x2  }
0x7a: {  	s0 =	rddreg [dreg:$0x0];
	s2 =	stileid.u32  }
0x7b: {  	s1 =	rddreg [dreg:$0x1];
	p0 =	sne.s32 s2, $0x0  }
0x7c: {  	s3 =	rddreg [dreg:$0x2];
	[bflag:$0x3] =	sbarrier.arrive $0xFFFF;
	s2 =	simm.s32 @!p0 $0x1C05  }
0x7d: {  	[timem:s3], [sflag:s2] =	dma.local @!p0 [hbm:s0], s1  }
0x7e: {  	s0 =	simm.s32 @!p0 $0x5  }
0x7f: {  	_ =	swait.ge @!p0 [sflag:s0], s1  }
0x80: {  	s1 =	ssub.s32 @!p0 $0x0, s1;
	[sflag:s0] =	ssyncset.done @!p0 $0x0  }
0x81: {  	[sflag:s0] =	ssyncadd.s32 @!p0 s1  }
0x82: {  	[bflag:$0x3] =	sbarrier.arrive $0xFFFF  }
0x83: {  	_ =	shalt  }

// kernel: kernel.26.cloned.1.call-start
scs
__scs_entry_jumppad:
0x0: {  	(pc) =	sbr.rel $0x88, $3  }
0x1: {  	(tag) =	ssettag $0x0;
	lr =	simm.s32 $0x1  }
0x2: {  	[smem:$0x3F91] =	sst lr;
	_ =	strace $0xD0000000  }
0x3: {  	_ = 	snop  }
0x4: {  	_ = 	snop  }
0x5: {  	_ = 	snop  }
0x6: {  	_ = 	snop  }
0x7: {  	_ = 	snop  }
__scs_overlays_trampoline_lowered:
0x8: {  	[smem:$0x3FA0] =	sst s0  }
0x9: {  	[smem:$0x3FA1] =	sst s1  }
0xa: {  	[smem:$0x3FA2] =	sst s2  }
0xb: {  	[smem:$0x3FA3] =	sst s3  }
0xc: {  	[smem:$0x3FA4] =	sst s4  }
0xd: {  	[smem:$0x3FA5] =	sst s5  }
0xe: {  	[smem:$0x3FA6] =	sst s6  }
0xf: {  	[smem:$0x3FA7] =	sst s7  }
0x10: {  	[smem:$0x3FA8] =	sst s8  }
0x11: {  	[smem:$0x3FA9] =	sst s9;
	s0 =	simm.s32 @!p0 $0x0  }
0x12: {  	s1 =	sld [smem:$0x3F8F];
	s0 =	simm.s32 @p0 $0x1  }
0x13: {  	[smem:$0x3FAA] =	sst s0;
	s0 =	simm.s32 @!p1 $0x0  }
0x14: {  	s2 =	sld [smem:$0x3F8E];
	s0 =	simm.s32 @p1 $0x1  }
0x15: {  	[smem:$0x3FAB] =	sst s0;
	s0 =	simm.s32 @!p2 $0x0  }
0x16: {  	s3 =	sld [smem:$0x3FDB];
	s0 =	simm.s32 @p2 $0x1  }
0x17: {  	s4 =	simm.s32 $0x1BF5;
	[smem:$0x3FAD] =	sst s0  }
0x18: {  	s0 =	sld [smem:$0x3F90];
	_ =	swait.ge [sflag:s4], $0x0  }
0x19: {  	s7 =	sld [smem:$0x3F91]  }
0x1a: {  	s8 =	sadd.s32 $0xFFFFE003, lr  }
0x1b: {  	s9 =	sadd.s32 $0xFFFFFEF7, lr;
	s5 =	simm.s32 $0xFFFFFFFF;
	p2 =	slt.u32 s8, $0xFFFFF086  }
0x1c: {  	p1 =	slt.u32 s9, $0xF7A;
	s5 =	simm.s32 @!p2 $0x0  }
0x1d: {  	s5 =	simm.s32 @p1 $0x1;
	p0 =	seq.s32 s7, s2  }
0x1e: {  	s7 =	smul.u32 @!p0 $0xF7A, s2;
	p2 =	seq.s32 @!p0 s5, $0x0  }
0x1f: {  	s9 =	smul.u32 $0xF7A, s1;
	s8 =	simm.s32 @!p0 $0x1BF5;
	p2 =	por !p2, p0  }
0x20: {  	[sflag:s8] =	ssyncset.s32 @!p0 $0xFFFFF086;
	s6 =	sadd.s32 @!p0 s3, s7;
	s7 =	simm.s32 @!p0 $0x108  }
0x21: {  	s3 =	sadd.s32 s3, s9;
	s6 =	sadd.s32 @!p0 $0x88, s6;
	s7 =	simm.s32 @p2 $0x1082  }
0x22: {  	[simem:s7], [sflag:s8] =	dma.local @!p0 [hbm:s6], $0xF7A  }
0x23: {  	s9 =	sor.u32 $0xD0000000, s2;
	s6 =	simm.s32 $0x108;
	_ =	swait.ge @!p0 [sflag:s8], $0x0  }
0x24: {  	s3 =	sadd.s32 $0x88, s3;
	s6 =	simm.s32 @!p1 $0x1082;
	[sflag:s4] =	ssyncset.s32 $0xFFFFF086  }
0x25: {  	[simem:s6], [sflag:s4] =	dma.local [hbm:s3], $0xF7A  }
0x26: {  	[smem:$0x3F91] =	sst s1;
	(tag) =	ssettag s2;
	_ =	strace s9  }
0x27: {  	s1 =	sld [smem:$0x3FA1]  }
0x28: {  	s2 =	sld [smem:$0x3FA2]  }
0x29: {  	s4 =	sld [smem:$0x3FA4]  }
0x2a: {  	p0 =	seq.s32 s5, $0x0;
	s5 =	sld [smem:$0x3FA5]  }
0x2b: {  	s6 =	sld [smem:$0x3FA6]  }
0x2c: {  	s7 =	sld [smem:$0x3FA7]  }
0x2d: {  	s3 =	simm.s32 $0x108;
	s8 =	sld [smem:$0x3FA8]  }
0x2e: {  	s3 =	simm.s32 @!p0 $0x1082;
	s9 =	sld [smem:$0x3FA9]  }
0x2f: {  	lr =	sadd.s32 s0, s3;
	s0 =	sld [smem:$0x3FA0]  }
0x30: {  	s3 =	sld [smem:$0x3FA3]  }
0x31: {  	[smem:$0x3FAC] =	sst s10  }
0x32: {  	s10 =	sld [smem:$0x3FAA];
	_ =	sdelay $0x3  }
0x33: {  	p0 =	seq.s32 s10, $0x1;
	s10 =	sld [smem:$0x3FAC];
	_ =	sdelay $0x3  }
0x34: {  	[smem:$0x3FAC] =	sst s10  }
0x35: {  	s10 =	sld [smem:$0x3FAB];
	_ =	sdelay $0x3  }
0x36: {  	p1 =	seq.s32 s10, $0x1;
	s10 =	sld [smem:$0x3FAC];
	_ =	sdelay $0x3  }
0x37: {  	[smem:$0x3FAC] =	sst s10  }
0x38: {  	s10 =	sld [smem:$0x3FAD]  }
0x39: {  	_ = 	snop;
	(pc) =	sbr.ind lr, $3  }
0x3a: {  	_ = 	snop  }
0x3b: {  	_ = 	snop  }
0x3c: {  	p2 =	seq.s32 s10, $0x1;
	s10 =	sld [smem:$0x3FAC]  }
0x3d: {  	_ =	shalt  }
0x3e: {  	_ =	shalt  }
0x3f: {  	_ =	shalt  }
0x40: {  	_ =	shalt  }
0x41: {  	_ =	shalt  }
0x42: {  	_ =	shalt  }
0x43: {  	_ =	shalt  }
0x44: {  	_ =	shalt  }
0x45: {  	_ =	shalt  }
0x46: {  	_ =	shalt  }
0x47: {  	_ =	shalt  }
0x48: {  	_ =	shalt  }
0x49: {  	_ =	shalt  }
0x4a: {  	_ =	shalt  }
0x4b: {  	_ =	shalt  }
0x4c: {  	_ =	shalt  }
0x4d: {  	_ =	shalt  }
0x4e: {  	_ =	shalt  }
0x4f: {  	_ =	shalt  }
0x50: {  	_ =	shalt  }
0x51: {  	_ =	shalt  }
0x52: {  	_ =	shalt  }
0x53: {  	_ =	shalt  }
0x54: {  	_ =	shalt  }
0x55: {  	_ =	shalt  }
0x56: {  	_ =	shalt  }
0x57: {  	_ =	shalt  }
0x58: {  	_ =	shalt  }
0x59: {  	_ =	shalt  }
0x5a: {  	_ =	shalt  }
0x5b: {  	_ =	shalt  }
0x5c: {  	_ =	shalt  }
0x5d: {  	_ =	shalt  }
0x5e: {  	_ =	shalt  }
0x5f: {  	_ =	shalt  }
0x60: {  	_ =	shalt  }
0x61: {  	_ =	shalt  }
0x62: {  	_ =	shalt  }
0x63: {  	_ =	shalt  }
0x64: {  	_ =	shalt  }
0x65: {  	_ =	shalt  }
0x66: {  	_ =	shalt  }
0x67: {  	_ =	shalt  }
0x68: {  	_ =	shalt  }
0x69: {  	_ =	shalt  }
0x6a: {  	_ =	shalt  }
0x6b: {  	_ =	shalt  }
0x6c: {  	_ =	shalt  }
0x6d: {  	_ =	shalt  }
0x6e: {  	_ =	shalt  }
0x6f: {  	_ =	shalt  }
0x70: {  	_ =	shalt  }
0x71: {  	_ =	shalt  }
0x72: {  	_ =	shalt  }
0x73: {  	_ =	shalt  }
0x74: {  	_ =	shalt  }
0x75: {  	_ =	shalt  }
0x76: {  	_ =	shalt  }
0x77: {  	_ =	shalt  }
0x78: {  	_ =	shalt  }
0x79: {  	_ =	shalt  }
0x7a: {  	_ =	shalt  }
0x7b: {  	_ =	shalt  }
0x7c: {  	_ =	shalt  }
0x7d: {  	_ =	shalt  }
0x7e: {  	_ =	shalt  }
0x7f: {  	_ =	shalt  }
0x80: {  	_ =	shalt  }
0x81: {  	_ =	shalt  }
0x82: {  	_ =	shalt  }
0x83: {  	_ =	shalt  }
0x84: {  	_ =	shalt  }
0x85: {  	_ =	shalt  }
0x86: {  	_ =	shalt  }
0x87: {  	_ =	shalt  }
.Lfunc_end0:
.L_simem_size_0:
called_computation.3_lowered:
.L_overlay_start_0:
0x88: {  	s2 =	sld [smem:$0x3FD9]  }
0x89: {  	s3 =	sld [smem:$0x3FFE];
	_ =	sdelay $0x1  }
0x8a: {  	s1 =	srdreg.scid  }
0x8b: {  	s0 =	sand.u32 $0x1, s1  }
0x8c: {  	s16 =	sshll.u32 s0, $0xA;
	s2 =	sadd.s32 s3, s2  }
0x8d: {  	s2 =	sadd.s32 s2, s16  }
0x8e: {  	[smem:$0x3FB8] =	sst s2  }
0x8f: {  	_ = 	snop  }
0x90: {  	(tm) =	ssettm $0x1  }
0x91: {  	s17 =	sld [smem:$0x3FFB];
	_ =	sdelay $0x3  }
0x92: {  	_ =	strace s17  }
0x93: {  	s2 =	sld [smem:$0x3FFC];
	_ =	sdelay $0x3  }
0x94: {  	_ =	strace s2  }
0x95: {  	s2 =	sld [smem:$0x3FFD];
	_ =	sdelay $0x3  }
0x96: {  	_ =	strace s2  }
0x97: {  	_ =	strace $0x8FFFFFFF  }
0x98: {  	s18 =	sld [smem:$0x3FDB];
	_ =	sdelay $0x1  }
0x99: {  	s19 =	simm.s32 $_scs_section_size  }
0x9a: {  	s4 =	simm.s32 $_size__tile_overlayer_lowered;
	s5 =	simm.s32 $_tile_overlayer_lowered  }
0x9b: {  	s22 =	simm.s32 $0x1BFF;
	s21 =	sshll.u32 s5, $0x1;
	s2 =	sadd.s32 s19, s18  }
0x9c: {  	s6 =	simm.s32 $0x0;
	s20 =	sshll.u32 s4, $0x1;
	s4 =	sadd.s32 s21, s2  }
0x9d: {  	[timem:s6], [sflag:s22] =	dma.local [hbm:s4], s20  }
0x9e: {  	_ =	swait.ge [sflag:s22], s20  }
0x9f: {  	s3 =	ssub.s32 $0x0, s20;
	[sflag:s22] =	ssyncset.done $0x0  }
0xa0: {  	[sflag:s22] =	ssyncadd.s32 s3;
	_ =	sdelay $0x1  }
0xa1: {  	s23 =	simm.s32 $0x1B8B  }
0xa2: {  	_ =	swait.ge [sflag:s23], $0x1  }
0xa3: {  	[sflag:s23] =	ssyncset.done $0x0  }
0xa4: {  	s25 =	simm.s32 $0x1B8E;
	s24 =	sld [smem:$0x3FFE];
	[sflag:s23] =	ssyncadd.s32 $0xFFFFFFFF  }
0xa5: {  	s26 =	simm.s32 $execute0_lowered;
	[smem:$0x3FD2] =	sst s25  }
0xa6: {  	s4 =	sshll.u32 s26, $0x1;
	_ =	strace $0x8000004F;
	[dreg:$0x1] =	wrdreg $0xFFFFFFFF  }
0xa7: {  	s28 =	simm.s32 $_size_execute0_lowered;
	s2 =	sadd.s32 s2, s4;
	[dreg:$0x0] =	wrdreg $0x0  }
0xa8: {  	s4 =	sshll.u32 s28, $0x1;
	[dreg:$0x2] =	wrdreg s2  }
0xa9: {  	[dreg:$0x3] =	wrdreg s4  }
0xaa: {  	[dreg:$0x4] =	wrdreg $0xC0  }
0xab: {  	_ =	task [dreg:s6], $0x5FFFF  }
0xac: {  	[dreg:$0x1] =	wrdreg $0xFFFFFFFF  }
0xad: {  	[dreg:$0x0] =	wrdreg $0x60  }
0xae: {  	[dreg:$0x2] =	wrdreg s24  }
0xaf: {  	[dreg:$0x3] =	wrdreg $0xA9000  }
0xb0: {  	[dreg:$0x4] =	wrdreg $0x9  }
0xb1: {  	_ =	task.clear_ibuf [dreg:s6], $0x5FFFF;
	_ =	strace $0x9000004F  }
0xb2: {  	s29 =	simm.s32 $0x9;
	_ =	strace $0x80000051  }
0xb3: {  	_ =	swait.ge [sflag:s29], $0x1  }
0xb4: {  	[sflag:s29] =	ssyncadd.s32 $0xFFFFFFFF  }
0xb5: {  	_ =	strace $0x90000051  }
0xb6: {  	_ =	sfence  }
0xb7: {  	s30 =	sld [smem:$0x0];
	_ =	sdelay $0x2  }
0xb8: {  	s31 =	sshll.u32 s1, $0xD;
	s1 =	sshrl.u32 s1, $0x2  }
0xb9: {  	s3 =	sand.u32 $0x4000, s31;
	s1 =	sadd.s32 s1, s30  }
0xba: {  	s0 =	sor.u32 s3, s0;
	s1 =	sshll.u32 s1, $0x11  }
0xbb: {  	s0 =	sor.u32 s1, s0  }
0xbc: {  	s0 =	sadd.s32 $0x8F2B, s0  }
0xbd: {  	[sflag:s0] =	ssyncadd.remote.s32 $0x1  }
0xbe: {  	_ =	sfence.sel $0xFFFF  }
0xbf: {  	[dreg:$0x0] =	wrdreg $0xFFFFFFFF;
	(pc) =	sbr.abs _section_cstart, $3  }
0xc0: {  	[dreg:$0x1] =	wrdreg $0xFFFFFFFF  }
0xc1: {  	_ =	task.clear_ibuf [dreg:s6], $0x2FFFF;
	_ =	strace $0x9FFFFFFF  }
0xc2: {  	(tm) =	ssettm $0x7FFFFFFF  }
0xc3: {  	_ =	shalt  }
tec
execute0_lowered:
.L_overlay_start_1:
0x0: {  	(tag) =	ssettag $0x1  }
0x1: {  	s8 =	rddreg [dreg:$0x0]  }
0x2: {  	s0 =	srdreg.scid;
	s2 =	rddreg [dreg:$0x1]  }
0x3: {  	s3 =	simm.s32 $0x0;
	s17 =	simm.s32 $0x80;
	s18 =	simm.s32 $0x2900  }
0x4: {  	s19 =	simm.s32 $0x2880;
	s20 =	simm.s32 $0x6900;
	s21 =	simm.s32 $0x1  }
0x5: {  	s22 =	simm.s32 $0x2;
	s23 =	simm.s32 $0x3;
	s24 =	simm.s32 $0x4  }
0x6: {  	s25 =	simm.s32 $0x0;
	s7 =	sand.u32 $0x1, s0;
	s0 =	stileid.u32  }
0x7: {  	[smem:$0x7FF] =	sst s3;
	s5 =	sadd.s32 $0x1AE00, s8;
	s11 =	sadd.s32 $0x6AE00, s8  }
0x8: {  	s6 =	sadd.s32 $0x10E00, s8;
	s14 =	sadd.s32 $0x92E00, s8;
	s15 =	sadd.s32 $0xBAE00, s8  }
0x9: {  	s1 =	sshll.u32 s7, $0x4;
	_ =	strace $0x80000050;
	s13 =	smul.u32 $0x50000, s0  }
0xa: {  	s12 =	ssub.s32 $0x2, s7;
	p0 =	seq.s32 s7, $0x0;
	s30 =	smul.u32 $0x2800, s0  }
0xb: {  	s31 =	sshll.u32 s0, $0x6;
	s4 =	sor.u32 s0, s1;
	s28 =	sshrl.u32 s12, $0x1  }
0xc: {  	s11 =	smov.u32 @p0 s5;
	s15 =	smov.u32 @p0 s14;
	s4 =	smul.u32 $0x2800, s4  }
0xd: {  	s12 =	ssub.s32 s12, s28;
	s29 =	sshrl.u32 s13, $0x2;
	s11 =	sadd.s32 s11, s30  }
0xe: {  	s13 =	sadd.s32 s15, s30;
	s16 =	sadd.s32 s29, s2;
	s9 =	sshrl.u32 s4, $0x3  }
0xf: {  	s15 =	simm.s32 $0x5;
	s14 =	sshrl.u32 s16, $0x3;
	s10 =	sadd.s32 s9, s8  }
0x10: {  	s16 =	simm.s32 $0x2800;
	s7 =	sadd.s32 s6, s9;
	s8 =	sadd.s32 $0x6E00, s10  }
0x11: {  	s9 =	sadd.s32 $0x10, s7;
	s10 =	smax.u32 s12, $0x1;
	s12 =	sor.u32 $0x1C05, s31  }
.LBB2_1:
0x12: {  	[spmem:s14], [sflag:s12] =	dma.local [hbm:s11], $0x2800  }
0x13: {  	_ =	swait.ge [sflag:s15], $0x2800  }
0x14: {  	[sflag:s15] =	ssyncset.done $0x0  }
0x15: {  	[sflag:s15] =	ssyncadd.s32 $0xFFFFD800  }
0x16: {  	[tilespmem:s3], [sflag:$0x5] =	stream.linear.gather [hbm4b:s8+s3], $0x2800, $0x38;
	[tilespmem:$0x1E900] =	vst v63  }
0x17: {  	_ =	swait.ge [sflag:s15], $0x2800  }
0x18: {  	[sflag:s15] =	ssyncset.done $0x0  }
0x19: {  	[sflag:s15] =	ssyncadd.s32 $0xFFFFD800  }
0x1a: {  	[bflag:$0x0] =	sbarrier.arrive $0xFFFF  }
0x1b: {  	[tilespmem:s16], [sflag:$0x1] =	stream.linear.gather [hbm4b:s7+s3], $0x80, $0x38;
	[tilespmem:$0x1E900] =	vst v63  }
0x1c: {  	_ = 	snop  }
0x1d: {  	[tilespmem:s18], [sflag:$0x1] =	stream.indirect.gather [hbm4b:s5+s17], $0x80, s3, s17, $0xb8;
	[tilespmem:$0x1E900] =	vst v63  }
0x1e: {  	_ = 	snop  }
0x1f: {  	[tilespmem:s19], [sflag:$0x2] =	stream.linear.gather [hbm4b:s9+s3], $0x80, $0x38;
	[tilespmem:$0x1E900] =	vst v63  }
0x20: {  	_ = 	snop  }
0x21: {  	[tilespmem:s20], [sflag:$0x2] =	stream.indirect.gather [hbm4b:s5+s17], $0x80, s17, s17, $0xb8;
	[tilespmem:$0x1E900] =	vst v63  }
0x22: {  	_ =	swait.ge [sflag:s21], $0x80  }
0x23: {  	[sflag:s21] =	ssyncset.done $0x0  }
0x24: {  	[sflag:s21] =	ssyncadd.s32 $0xFFFFFF80  }
0x25: {  	_ =	swait.ge [sflag:s21], $0x4000  }
0x26: {  	[sflag:s21] =	ssyncset.done $0x0  }
0x27: {  	[sflag:s21] =	ssyncadd.s32 $0xFFFFC000  }
0x28: {  	[spmem:s2] =	stream.indirect.scatter.add.f32 [tilespmem:s18], [sflag:$0x3], $0x80, s16, s17, $0xb8;
	[tilespmem:$0x1E900] =	vst v63  }
0x29: {  	_ =	swait.ge [sflag:s22], $0x80  }
0x2a: {  	[sflag:s22] =	ssyncset.done $0x0  }
0x2b: {  	[sflag:s22] =	ssyncadd.s32 $0xFFFFFF80  }
0x2c: {  	s26 =	simm.s32 $0x100;
	_ =	swait.ge [sflag:s22], $0x4000  }
0x2d: {  	s28 =	sand.u32 $0x7C00, s26;
	[sflag:s22] =	ssyncset.done $0x0  }
0x2e: {  	s26 =	sand.u32 $0x300, s26;
	s28 =	sadd.s32 s4, s28;
	[sflag:s22] =	ssyncadd.s32 $0xFFFFC000  }
0x2f: {  	[spmem:s2] =	stream.indirect.scatter.add.f32 [tilespmem:s20], [sflag:$0x4], $0x80, s19, s17, $0xb8;
	[tilespmem:$0x1E900] =	vst v63  }
0x30: {  	s26 =	sor.u32 s26, s28;
	_ =	swait.ge [sflag:s23], $0x4000  }
0x31: {  	s28 =	simm.s32 $0x180;
	s26 =	sshrl.u32 s26, $0x3;
	[sflag:s23] =	ssyncset.done $0x0  }
0x32: {  	s29 =	sand.u32 $0x7C00, s28;
	s26 =	sadd.s32 s6, s26;
	[sflag:s23] =	ssyncadd.s32 $0xFFFFC000  }
0x33: {  	[tilespmem:s16], [sflag:$0x1] =	stream.linear.gather [hbm4b:s26+s3], $0x80, $0x38;
	[tilespmem:$0x1E900] =	vst v63  }
0x34: {  	s30 =	simm.s32 $0x100;
	s28 =	sand.u32 $0x380, s28;
	s29 =	sadd.s32 s4, s29  }
0x35: {  	[tilespmem:s18], [sflag:$0x1] =	stream.indirect.gather [hbm4b:s5+s17], $0x80, s30, s17, $0xb8;
	[tilespmem:$0x1E900] =	vst v63  }
0x36: {  	s31 =	sor.u32 s28, s29;
	_ =	swait.ge [sflag:s24], $0x4000  }
0x37: {  	s26 =	sshrl.u32 s31, $0x3;
	[sflag:s24] =	ssyncset.done $0x0  }
0x38: {  	s26 =	sadd.s32 s6, s26;
	[sflag:s24] =	ssyncadd.s32 $0xFFFFC000  }
0x39: {  	[tilespmem:s19], [sflag:$0x2] =	stream.linear.gather [hbm4b:s26+s3], $0x80, $0x38;
	[tilespmem:$0x1E900] =	vst v63  }
0x3a: {  	s28 =	simm.s32 $0x180;
	s29 =	simm.s32 $0x200;
	s26 =	simm.s32 $0x280  }
.LBB2_2:
0x3b: {  	s30 =	sadd.s32 $0x80, s29  }
0x3c: {  	p0 =	sne.s32 s26, $0x2780;
	s31 =	smov.u32 s26;
	s26 =	sadd.s32 $0x100, s26  }
0x3d: {  	[tilespmem:s20], [sflag:$0x2] =	stream.indirect.gather [hbm4b:s5+s17], $0x80, s28, s17, $0xb8;
	[tilespmem:$0x1E900] =	vst v63  }
0x3e: {  	s28 =	smov.u32 s30;
	_ =	swait.ge [sflag:s21], $0x80  }
0x3f: {  	[sflag:s21] =	ssyncset.done $0x0  }
0x40: {  	[sflag:s21] =	ssyncadd.s32 $0xFFFFFF80  }
0x41: {  	_ =	swait.ge [sflag:s21], $0x4000  }
0x42: {  	[sflag:s21] =	ssyncset.done $0x0  }
0x43: {  	[sflag:s21] =	ssyncadd.s32 $0xFFFFC000  }
0x44: {  	[spmem:s2] =	stream.indirect.scatter.add.f32 [tilespmem:s18], [sflag:$0x3], $0x80, s16, s17, $0xb8;
	[tilespmem:$0x1E900] =	vst v63  }
0x45: {  	_ =	swait.ge [sflag:s22], $0x80  }
0x46: {  	[sflag:s22] =	ssyncset.done $0x0  }
0x47: {  	[sflag:s22] =	ssyncadd.s32 $0xFFFFFF80  }
0x48: {  	_ =	swait.ge [sflag:s22], $0x4000  }
0x49: {  	s30 =	sadd.s32 $0xFFFFFF80, s31;
	[sflag:s22] =	ssyncset.done $0x0  }
0x4a: {  	s1 =	sand.u32 $0x7C00, s30;
	s30 =	sand.u32 $0x300, s30;
	[sflag:s22] =	ssyncadd.s32 $0xFFFFC000  }
0x4b: {  	[spmem:s2] =	stream.indirect.scatter.add.f32 [tilespmem:s20], [sflag:$0x4], $0x80, s19, s17, $0xb8;
	[tilespmem:$0x1E900] =	vst v63  }
0x4c: {  	s1 =	sadd.s32 s4, s1;
	_ =	swait.ge [sflag:s23], $0x4000  }
0x4d: {  	s1 =	sor.u32 s30, s1;
	[sflag:s23] =	ssyncset.done $0x0  }
0x4e: {  	s1 =	sshrl.u32 s1, $0x3;
	[sflag:s23] =	ssyncadd.s32 $0xFFFFC000  }
0x4f: {  	s30 =	sand.u32 $0x7C00, s31;
	s1 =	sadd.s32 s6, s1  }
0x50: {  	[tilespmem:s16], [sflag:$0x1] =	stream.linear.gather [hbm4b:s1+s3], $0x80, $0x38;
	[tilespmem:$0x1E900] =	vst v63  }
0x51: {  	s1 =	sadd.s32 s4, s30;
	s30 =	sand.u32 $0x380, s31  }
0x52: {  	[tilespmem:s18], [sflag:$0x1] =	stream.indirect.gather [hbm4b:s5+s17], $0x80, s29, s17, $0xb8;
	[tilespmem:$0x1E900] =	vst v63  }
.Ltmp0:
0x53: {  	_ = 	snop;
	(pc) =	sbr.rel @p0 .LBB2_2-.Ltmp0, $4  }
0x54: {  	s1 =	sor.u32 s30, s1;
	_ =	swait.ge [sflag:s24], $0x4000  }
0x55: {  	s1 =	sshrl.u32 s1, $0x3;
	[sflag:s24] =	ssyncset.done $0x0  }
0x56: {  	s29 =	sadd.s32 $0x100, s29;
	s1 =	sadd.s32 s6, s1;
	[sflag:s24] =	ssyncadd.s32 $0xFFFFC000  }
0x57: {  	[tilespmem:s19], [sflag:$0x2] =	stream.linear.gather [hbm4b:s1+s3], $0x80, $0x38;
	[tilespmem:$0x1E900] =	vst v63  }
0x58: {  	[tilespmem:s20], [sflag:$0x2] =	stream.indirect.gather [hbm4b:s5+s17], $0x80, s28, s17, $0xb8;
	[tilespmem:$0x1E900] =	vst v63  }
0x59: {  	_ =	swait.ge [sflag:s21], $0x80  }
0x5a: {  	[sflag:s21] =	ssyncset.done $0x0  }
0x5b: {  	[sflag:s21] =	ssyncadd.s32 $0xFFFFFF80  }
0x5c: {  	_ =	swait.ge [sflag:s21], $0x4000  }
0x5d: {  	[sflag:s21] =	ssyncset.done $0x0  }
0x5e: {  	[sflag:s21] =	ssyncadd.s32 $0xFFFFC000  }
0x5f: {  	[spmem:s2] =	stream.indirect.scatter.add.f32 [tilespmem:s18], [sflag:$0x3], $0x80, s16, s17, $0xb8;
	[tilespmem:$0x1E900] =	vst v63  }
0x60: {  	_ =	swait.ge [sflag:s22], $0x80  }
0x61: {  	[sflag:s22] =	ssyncset.done $0x0  }
0x62: {  	[sflag:s22] =	ssyncadd.s32 $0xFFFFFF80  }
0x63: {  	_ =	swait.ge [sflag:s22], $0x4000  }
0x64: {  	[sflag:s22] =	ssyncset.done $0x0  }
0x65: {  	[sflag:s22] =	ssyncadd.s32 $0xFFFFC000  }
0x66: {  	[spmem:s2] =	stream.indirect.scatter.add.f32 [tilespmem:s20], [sflag:$0x4], $0x80, s19, s17, $0xb8;
	[tilespmem:$0x1E900] =	vst v63  }
0x67: {  	_ =	swait.ge [sflag:s23], $0x4000  }
0x68: {  	[sflag:s23] =	ssyncset.done $0x0  }
0x69: {  	[sflag:s23] =	ssyncadd.s32 $0xFFFFC000  }
0x6a: {  	_ =	swait.ge [sflag:s24], $0x4000  }
0x6b: {  	s25 =	sadd.s32 $0x1, s25;
	[sflag:s24] =	ssyncset.done $0x0  }
0x6c: {  	p0 =	sne.s32 s25, s10;
	[sflag:s24] =	ssyncadd.s32 $0xFFFFC000  }
.Ltmp1:
0x6d: {  	[bflag:$0x0] =	sbarrier.arrive $0xFFFF;
	(pc) =	sbr.rel @p0 .LBB2_1-.Ltmp1, $4  }
0x6e: {  	[hbm:s13], [sflag:s12] =	dma.local [spmem:s14], $0x2800  }
0x6f: {  	_ =	swait.ge [sflag:s15], $0x2800  }
0x70: {  	[sflag:s15] =	ssyncset.done $0x0  }
0x71: {  	[sflag:s15] =	ssyncadd.s32 $0xFFFFD800  }
0x72: {  	_ =	sfence.sel $0x180000  }
0x73: {  	[bflag:$0x0] =	sbarrier.arrive $0xFFFF  }
0x74: {  	_ =	strace $0x90000050  }
0x75: {  	[bflag:$0x2] =	sbarrier.arrive $0xFFFF  }
0x76: {  	p0 =	sne.s32 s0, $0x0;
	s0 =	rddreg [dreg:$0x2]  }
0x77: {  	s0 =	sadd.s32 @!p0 $0x100000, s0  }
0x78: {  	[sflag:s0] =	ssyncadd.tile.s32 @!p0 $0x1;
	_ =	shalt  }
.Lfunc_end2:
_tile_overlayer_lowered:
.L_overlay_start_2:
0x79: {  	(tag) =	ssettag $0x2  }
0x7a: {  	s0 =	rddreg [dreg:$0x0];
	s2 =	stileid.u32  }
0x7b: {  	s1 =	rddreg [dreg:$0x1];
	p0 =	sne.s32 s2, $0x0  }
0x7c: {  	s3 =	rddreg [dreg:$0x2];
	[bflag:$0x3] =	sbarrier.arrive $0xFFFF;
	s2 =	simm.s32 @!p0 $0x1C05  }
0x7d: {  	[timem:s3], [sflag:s2] =	dma.local @!p0 [hbm:s0], s1  }
0x7e: {  	s0 =	simm.s32 @!p0 $0x5  }
0x7f: {  	_ =	swait.ge @!p0 [sflag:s0], s1  }
0x80: {  	s1 =	ssub.s32 @!p0 $0x0, s1;
	[sflag:s0] =	ssyncset.done @!p0 $0x0  }
0x81: {  	[sflag:s0] =	ssyncadd.s32 @!p0 s1  }
0x82: {  	[bflag:$0x3] =	sbarrier.arrive $0xFFFF  }
0x83: {  	_ =	shalt  }

// kernel: kernel.29.cloned.1.call-start
scs
__scs_entry_jumppad:
0x0: {  	(pc) =	sbr.rel $0x88, $3  }
0x1: {  	(tag) =	ssettag $0x0;
	lr =	simm.s32 $0x1  }
0x2: {  	[smem:$0x3F91] =	sst lr;
	_ =	strace $0xD0000000  }
0x3: {  	_ = 	snop  }
0x4: {  	_ = 	snop  }
0x5: {  	_ = 	snop  }
0x6: {  	_ = 	snop  }
0x7: {  	_ = 	snop  }
__scs_overlays_trampoline_lowered:
0x8: {  	[smem:$0x3FA0] =	sst s0  }
0x9: {  	[smem:$0x3FA1] =	sst s1  }
0xa: {  	[smem:$0x3FA2] =	sst s2  }
0xb: {  	[smem:$0x3FA3] =	sst s3  }
0xc: {  	[smem:$0x3FA4] =	sst s4  }
0xd: {  	[smem:$0x3FA5] =	sst s5  }
0xe: {  	[smem:$0x3FA6] =	sst s6  }
0xf: {  	[smem:$0x3FA7] =	sst s7  }
0x10: {  	[smem:$0x3FA8] =	sst s8  }
0x11: {  	[smem:$0x3FA9] =	sst s9;
	s0 =	simm.s32 @!p0 $0x0  }
0x12: {  	s1 =	sld [smem:$0x3F8F];
	s0 =	simm.s32 @p0 $0x1  }
0x13: {  	[smem:$0x3FAA] =	sst s0;
	s0 =	simm.s32 @!p1 $0x0  }
0x14: {  	s2 =	sld [smem:$0x3F8E];
	s0 =	simm.s32 @p1 $0x1  }
0x15: {  	[smem:$0x3FAB] =	sst s0;
	s0 =	simm.s32 @!p2 $0x0  }
0x16: {  	s3 =	sld [smem:$0x3FDB];
	s0 =	simm.s32 @p2 $0x1  }
0x17: {  	s4 =	simm.s32 $0x1BF5;
	[smem:$0x3FAD] =	sst s0  }
0x18: {  	s0 =	sld [smem:$0x3F90];
	_ =	swait.ge [sflag:s4], $0x0  }
0x19: {  	s7 =	sld [smem:$0x3F91]  }
0x1a: {  	s8 =	sadd.s32 $0xFFFFE003, lr  }
0x1b: {  	s9 =	sadd.s32 $0xFFFFFEF7, lr;
	s5 =	simm.s32 $0xFFFFFFFF;
	p2 =	slt.u32 s8, $0xFFFFF086  }
0x1c: {  	p1 =	slt.u32 s9, $0xF7A;
	s5 =	simm.s32 @!p2 $0x0  }
0x1d: {  	s5 =	simm.s32 @p1 $0x1;
	p0 =	seq.s32 s7, s2  }
0x1e: {  	s7 =	smul.u32 @!p0 $0xF7A, s2;
	p2 =	seq.s32 @!p0 s5, $0x0  }
0x1f: {  	s9 =	smul.u32 $0xF7A, s1;
	s8 =	simm.s32 @!p0 $0x1BF5;
	p2 =	por !p2, p0  }
0x20: {  	[sflag:s8] =	ssyncset.s32 @!p0 $0xFFFFF086;
	s6 =	sadd.s32 @!p0 s3, s7;
	s7 =	simm.s32 @!p0 $0x108  }
0x21: {  	s3 =	sadd.s32 s3, s9;
	s6 =	sadd.s32 @!p0 $0x88, s6;
	s7 =	simm.s32 @p2 $0x1082  }
0x22: {  	[simem:s7], [sflag:s8] =	dma.local @!p0 [hbm:s6], $0xF7A  }
0x23: {  	s9 =	sor.u32 $0xD0000000, s2;
	s6 =	simm.s32 $0x108;
	_ =	swait.ge @!p0 [sflag:s8], $0x0  }
0x24: {  	s3 =	sadd.s32 $0x88, s3;
	s6 =	simm.s32 @!p1 $0x1082;
	[sflag:s4] =	ssyncset.s32 $0xFFFFF086  }
0x25: {  	[simem:s6], [sflag:s4] =	dma.local [hbm:s3], $0xF7A  }
0x26: {  	[smem:$0x3F91] =	sst s1;
	(tag) =	ssettag s2;
	_ =	strace s9  }
0x27: {  	s1 =	sld [smem:$0x3FA1]  }
0x28: {  	s2 =	sld [smem:$0x3FA2]  }
0x29: {  	s4 =	sld [smem:$0x3FA4]  }
0x2a: {  	p0 =	seq.s32 s5, $0x0;
	s5 =	sld [smem:$0x3FA5]  }
0x2b: {  	s6 =	sld [smem:$0x3FA6]  }
0x2c: {  	s7 =	sld [smem:$0x3FA7]  }
0x2d: {  	s3 =	simm.s32 $0x108;
	s8 =	sld [smem:$0x3FA8]  }
0x2e: {  	s3 =	simm.s32 @!p0 $0x1082;
	s9 =	sld [smem:$0x3FA9]  }
0x2f: {  	lr =	sadd.s32 s0, s3;
	s0 =	sld [smem:$0x3FA0]  }
0x30: {  	s3 =	sld [smem:$0x3FA3]  }
0x31: {  	[smem:$0x3FAC] =	sst s10  }
0x32: {  	s10 =	sld [smem:$0x3FAA];
	_ =	sdelay $0x3  }
0x33: {  	p0 =	seq.s32 s10, $0x1;
	s10 =	sld [smem:$0x3FAC];
	_ =	sdelay $0x3  }
0x34: {  	[smem:$0x3FAC] =	sst s10  }
0x35: {  	s10 =	sld [smem:$0x3FAB];
	_ =	sdelay $0x3  }
0x36: {  	p1 =	seq.s32 s10, $0x1;
	s10 =	sld [smem:$0x3FAC];
	_ =	sdelay $0x3  }
0x37: {  	[smem:$0x3FAC] =	sst s10  }
0x38: {  	s10 =	sld [smem:$0x3FAD]  }
0x39: {  	_ = 	snop;
	(pc) =	sbr.ind lr, $3  }
0x3a: {  	_ = 	snop  }
0x3b: {  	_ = 	snop  }
0x3c: {  	p2 =	seq.s32 s10, $0x1;
	s10 =	sld [smem:$0x3FAC]  }
0x3d: {  	_ =	shalt  }
0x3e: {  	_ =	shalt  }
0x3f: {  	_ =	shalt  }
0x40: {  	_ =	shalt  }
0x41: {  	_ =	shalt  }
0x42: {  	_ =	shalt  }
0x43: {  	_ =	shalt  }
0x44: {  	_ =	shalt  }
0x45: {  	_ =	shalt  }
0x46: {  	_ =	shalt  }
0x47: {  	_ =	shalt  }
0x48: {  	_ =	shalt  }
0x49: {  	_ =	shalt  }
0x4a: {  	_ =	shalt  }
0x4b: {  	_ =	shalt  }
0x4c: {  	_ =	shalt  }
0x4d: {  	_ =	shalt  }
0x4e: {  	_ =	shalt  }
0x4f: {  	_ =	shalt  }
0x50: {  	_ =	shalt  }
0x51: {  	_ =	shalt  }
0x52: {  	_ =	shalt  }
0x53: {  	_ =	shalt  }
0x54: {  	_ =	shalt  }
0x55: {  	_ =	shalt  }
0x56: {  	_ =	shalt  }
0x57: {  	_ =	shalt  }
0x58: {  	_ =	shalt  }
0x59: {  	_ =	shalt  }
0x5a: {  	_ =	shalt  }
0x5b: {  	_ =	shalt  }
0x5c: {  	_ =	shalt  }
0x5d: {  	_ =	shalt  }
0x5e: {  	_ =	shalt  }
0x5f: {  	_ =	shalt  }
0x60: {  	_ =	shalt  }
0x61: {  	_ =	shalt  }
0x62: {  	_ =	shalt  }
0x63: {  	_ =	shalt  }
0x64: {  	_ =	shalt  }
0x65: {  	_ =	shalt  }
0x66: {  	_ =	shalt  }
0x67: {  	_ =	shalt  }
0x68: {  	_ =	shalt  }
0x69: {  	_ =	shalt  }
0x6a: {  	_ =	shalt  }
0x6b: {  	_ =	shalt  }
0x6c: {  	_ =	shalt  }
0x6d: {  	_ =	shalt  }
0x6e: {  	_ =	shalt  }
0x6f: {  	_ =	shalt  }
0x70: {  	_ =	shalt  }
0x71: {  	_ =	shalt  }
0x72: {  	_ =	shalt  }
0x73: {  	_ =	shalt  }
0x74: {  	_ =	shalt  }
0x75: {  	_ =	shalt  }
0x76: {  	_ =	shalt  }
0x77: {  	_ =	shalt  }
0x78: {  	_ =	shalt  }
0x79: {  	_ =	shalt  }
0x7a: {  	_ =	shalt  }
0x7b: {  	_ =	shalt  }
0x7c: {  	_ =	shalt  }
0x7d: {  	_ =	shalt  }
0x7e: {  	_ =	shalt  }
0x7f: {  	_ =	shalt  }
0x80: {  	_ =	shalt  }
0x81: {  	_ =	shalt  }
0x82: {  	_ =	shalt  }
0x83: {  	_ =	shalt  }
0x84: {  	_ =	shalt  }
0x85: {  	_ =	shalt  }
0x86: {  	_ =	shalt  }
0x87: {  	_ =	shalt  }
.Lfunc_end0:
.L_simem_size_0:
called_computation.4_lowered:
.L_overlay_start_0:
0x88: {  	s2 =	sld [smem:$0x3FD9]  }
0x89: {  	s3 =	sld [smem:$0x3FFE];
	_ =	sdelay $0x1  }
0x8a: {  	s1 =	srdreg.scid  }
0x8b: {  	s0 =	sand.u32 $0x1, s1  }
0x8c: {  	s16 =	sshll.u32 s0, $0xA;
	s2 =	sadd.s32 s3, s2  }
0x8d: {  	s2 =	sadd.s32 s2, s16  }
0x8e: {  	[smem:$0x3FB8] =	sst s2  }
0x8f: {  	_ = 	snop  }
0x90: {  	(tm) =	ssettm $0x1  }
0x91: {  	s17 =	sld [smem:$0x3FFB];
	_ =	sdelay $0x3  }
0x92: {  	_ =	strace s17  }
0x93: {  	s2 =	sld [smem:$0x3FFC];
	_ =	sdelay $0x3  }
0x94: {  	_ =	strace s2  }
0x95: {  	s2 =	sld [smem:$0x3FFD];
	_ =	sdelay $0x3  }
0x96: {  	_ =	strace s2  }
0x97: {  	_ =	strace $0x8FFFFFFF  }
0x98: {  	s18 =	sld [smem:$0x3FDB];
	_ =	sdelay $0x1  }
0x99: {  	s19 =	simm.s32 $_scs_section_size  }
0x9a: {  	s4 =	simm.s32 $_size__tile_overlayer_lowered;
	s5 =	simm.s32 $_tile_overlayer_lowered  }
0x9b: {  	s22 =	simm.s32 $0x1BFF;
	s21 =	sshll.u32 s5, $0x1;
	s2 =	sadd.s32 s19, s18  }
0x9c: {  	s6 =	simm.s32 $0x0;
	s20 =	sshll.u32 s4, $0x1;
	s4 =	sadd.s32 s21, s2  }
0x9d: {  	[timem:s6], [sflag:s22] =	dma.local [hbm:s4], s20  }
0x9e: {  	_ =	swait.ge [sflag:s22], s20  }
0x9f: {  	s3 =	ssub.s32 $0x0, s20;
	[sflag:s22] =	ssyncset.done $0x0  }
0xa0: {  	[sflag:s22] =	ssyncadd.s32 s3;
	_ =	sdelay $0x1  }
0xa1: {  	s23 =	simm.s32 $0x1B8B  }
0xa2: {  	_ =	swait.ge [sflag:s23], $0x1  }
0xa3: {  	[sflag:s23] =	ssyncset.done $0x0  }
0xa4: {  	s25 =	simm.s32 $0x1B8E;
	s24 =	sld [smem:$0x3FFE];
	[sflag:s23] =	ssyncadd.s32 $0xFFFFFFFF  }
0xa5: {  	s26 =	simm.s32 $execute0_lowered;
	[smem:$0x3FD2] =	sst s25  }
0xa6: {  	s4 =	sshll.u32 s26, $0x1;
	_ =	strace $0x80000052;
	[dreg:$0x1] =	wrdreg $0xFFFFFFFF  }
0xa7: {  	s28 =	simm.s32 $_size_execute0_lowered;
	s2 =	sadd.s32 s2, s4;
	[dreg:$0x0] =	wrdreg $0x0  }
0xa8: {  	s4 =	sshll.u32 s28, $0x1;
	[dreg:$0x2] =	wrdreg s2  }
0xa9: {  	[dreg:$0x3] =	wrdreg s4  }
0xaa: {  	[dreg:$0x4] =	wrdreg $0xC0  }
0xab: {  	_ =	task [dreg:s6], $0x5FFFF  }
0xac: {  	[dreg:$0x1] =	wrdreg $0xFFFFFFFF  }
0xad: {  	[dreg:$0x0] =	wrdreg $0x60  }
0xae: {  	[dreg:$0x2] =	wrdreg s24  }
0xaf: {  	[dreg:$0x3] =	wrdreg $0xA9000  }
0xb0: {  	[dreg:$0x4] =	wrdreg $0x9  }
0xb1: {  	_ =	task.clear_ibuf [dreg:s6], $0x5FFFF;
	_ =	strace $0x90000052  }
0xb2: {  	s29 =	simm.s32 $0x9;
	_ =	strace $0x80000054  }
0xb3: {  	_ =	swait.ge [sflag:s29], $0x1  }
0xb4: {  	[sflag:s29] =	ssyncadd.s32 $0xFFFFFFFF  }
0xb5: {  	_ =	strace $0x90000054  }
0xb6: {  	_ =	sfence  }
0xb7: {  	s30 =	sld [smem:$0x0];
	_ =	sdelay $0x2  }
0xb8: {  	s31 =	sshll.u32 s1, $0xD;
	s1 =	sshrl.u32 s1, $0x2  }
0xb9: {  	s3 =	sand.u32 $0x4000, s31;
	s1 =	sadd.s32 s1, s30  }
0xba: {  	s0 =	sor.u32 s3, s0;
	s1 =	sshll.u32 s1, $0x11  }
0xbb: {  	s0 =	sor.u32 s1, s0  }
0xbc: {  	s0 =	sadd.s32 $0x8F2B, s0  }
0xbd: {  	[sflag:s0] =	ssyncadd.remote.s32 $0x1  }
0xbe: {  	_ =	sfence.sel $0xFFFF  }
0xbf: {  	[dreg:$0x0] =	wrdreg $0xFFFFFFFF;
	(pc) =	sbr.abs _section_cstart, $3  }
0xc0: {  	[dreg:$0x1] =	wrdreg $0xFFFFFFFF  }
0xc1: {  	_ =	task.clear_ibuf [dreg:s6], $0x2FFFF;
	_ =	strace $0x9FFFFFFF  }
0xc2: {  	(tm) =	ssettm $0x7FFFFFFF  }
0xc3: {  	_ =	shalt  }
tec
execute0_lowered:
.L_overlay_start_1:
0x0: {  	(tag) =	ssettag $0x1  }
0x1: {  	s8 =	rddreg [dreg:$0x0]  }
0x2: {  	s0 =	srdreg.scid;
	s2 =	rddreg [dreg:$0x1]  }
0x3: {  	s3 =	simm.s32 $0x0;
	s17 =	simm.s32 $0x80;
	s18 =	simm.s32 $0x2900  }
0x4: {  	s19 =	simm.s32 $0x2880;
	s20 =	simm.s32 $0x6900;
	s21 =	simm.s32 $0x1  }
0x5: {  	s22 =	simm.s32 $0x2;
	s23 =	simm.s32 $0x3;
	s24 =	simm.s32 $0x4  }
0x6: {  	s25 =	simm.s32 $0x0;
	s7 =	sand.u32 $0x1, s0;
	s0 =	stileid.u32  }
0x7: {  	[smem:$0x7FF] =	sst s3;
	s5 =	sadd.s32 $0x1AE00, s8;
	s11 =	sadd.s32 $0x6AE00, s8  }
0x8: {  	s6 =	sadd.s32 $0x10E00, s8;
	s14 =	sadd.s32 $0x92E00, s8;
	s15 =	sadd.s32 $0xBAE00, s8  }
0x9: {  	s1 =	sshll.u32 s7, $0x4;
	_ =	strace $0x80000053;
	s13 =	smul.u32 $0x50000, s0  }
0xa: {  	s12 =	ssub.s32 $0x2, s7;
	p0 =	seq.s32 s7, $0x0;
	s30 =	smul.u32 $0x2800, s0  }
0xb: {  	s31 =	sshll.u32 s0, $0x6;
	s4 =	sor.u32 s0, s1;
	s28 =	sshrl.u32 s12, $0x1  }
0xc: {  	s11 =	smov.u32 @p0 s5;
	s15 =	smov.u32 @p0 s14;
	s4 =	smul.u32 $0x2800, s4  }
0xd: {  	s12 =	ssub.s32 s12, s28;
	s29 =	sshrl.u32 s13, $0x2;
	s11 =	sadd.s32 s11, s30  }
0xe: {  	s13 =	sadd.s32 s15, s30;
	s16 =	sadd.s32 s29, s2;
	s9 =	sshrl.u32 s4, $0x3  }
0xf: {  	s15 =	simm.s32 $0x5;
	s14 =	sshrl.u32 s16, $0x3;
	s10 =	sadd.s32 s9, s8  }
0x10: {  	s16 =	simm.s32 $0x2800;
	s7 =	sadd.s32 s6, s9;
	s8 =	sadd.s32 $0x6E00, s10  }
0x11: {  	s9 =	sadd.s32 $0x10, s7;
	s10 =	smax.u32 s12, $0x1;
	s12 =	sor.u32 $0x1C05, s31  }
.LBB2_1:
0x12: {  	[spmem:s14], [sflag:s12] =	dma.local [hbm:s11], $0x2800  }
0x13: {  	_ =	swait.ge [sflag:s15], $0x2800  }
0x14: {  	[sflag:s15] =	ssyncset.done $0x0  }
0x15: {  	[sflag:s15] =	ssyncadd.s32 $0xFFFFD800  }
0x16: {  	[tilespmem:s3], [sflag:$0x5] =	stream.linear.gather [hbm4b:s8+s3], $0x2800, $0x38;
	[tilespmem:$0x1E900] =	vst v63  }
0x17: {  	_ =	swait.ge [sflag:s15], $0x2800  }
0x18: {  	[sflag:s15] =	ssyncset.done $0x0  }
0x19: {  	[sflag:s15] =	ssyncadd.s32 $0xFFFFD800  }
0x1a: {  	[bflag:$0x0] =	sbarrier.arrive $0xFFFF  }
0x1b: {  	[tilespmem:s16], [sflag:$0x1] =	stream.linear.gather [hbm4b:s7+s3], $0x80, $0x38;
	[tilespmem:$0x1E900] =	vst v63  }
0x1c: {  	_ = 	snop  }
0x1d: {  	[tilespmem:s18], [sflag:$0x1] =	stream.indirect.gather [hbm4b:s5+s17], $0x80, s3, s17, $0xb8;
	[tilespmem:$0x1E900] =	vst v63  }
0x1e: {  	_ = 	snop  }
0x1f: {  	[tilespmem:s19], [sflag:$0x2] =	stream.linear.gather [hbm4b:s9+s3], $0x80, $0x38;
	[tilespmem:$0x1E900] =	vst v63  }
0x20: {  	_ = 	snop  }
0x21: {  	[tilespmem:s20], [sflag:$0x2] =	stream.indirect.gather [hbm4b:s5+s17], $0x80, s17, s17, $0xb8;
	[tilespmem:$0x1E900] =	vst v63  }
0x22: {  	_ =	swait.ge [sflag:s21], $0x80  }
0x23: {  	[sflag:s21] =	ssyncset.done $0x0  }
0x24: {  	[sflag:s21] =	ssyncadd.s32 $0xFFFFFF80  }
0x25: {  	_ =	swait.ge [sflag:s21], $0x4000  }
0x26: {  	[sflag:s21] =	ssyncset.done $0x0  }
0x27: {  	[sflag:s21] =	ssyncadd.s32 $0xFFFFC000  }
0x28: {  	[spmem:s2] =	stream.indirect.scatter.add.f32 [tilespmem:s18], [sflag:$0x3], $0x80, s16, s17, $0xb8;
	[tilespmem:$0x1E900] =	vst v63  }
0x29: {  	_ =	swait.ge [sflag:s22], $0x80  }
0x2a: {  	[sflag:s22] =	ssyncset.done $0x0  }
0x2b: {  	[sflag:s22] =	ssyncadd.s32 $0xFFFFFF80  }
0x2c: {  	s26 =	simm.s32 $0x100;
	_ =	swait.ge [sflag:s22], $0x4000  }
0x2d: {  	s28 =	sand.u32 $0x7C00, s26;
	[sflag:s22] =	ssyncset.done $0x0  }
0x2e: {  	s26 =	sand.u32 $0x300, s26;
	s28 =	sadd.s32 s4, s28;
	[sflag:s22] =	ssyncadd.s32 $0xFFFFC000  }
0x2f: {  	[spmem:s2] =	stream.indirect.scatter.add.f32 [tilespmem:s20], [sflag:$0x4], $0x80, s19, s17, $0xb8;
	[tilespmem:$0x1E900] =	vst v63  }
0x30: {  	s26 =	sor.u32 s26, s28;
	_ =	swait.ge [sflag:s23], $0x4000  }
0x31: {  	s28 =	simm.s32 $0x180;
	s26 =	sshrl.u32 s26, $0x3;
	[sflag:s23] =	ssyncset.done $0x0  }
0x32: {  	s29 =	sand.u32 $0x7C00, s28;
	s26 =	sadd.s32 s6, s26;
	[sflag:s23] =	ssyncadd.s32 $0xFFFFC000  }
0x33: {  	[tilespmem:s16], [sflag:$0x1] =	stream.linear.gather [hbm4b:s26+s3], $0x80, $0x38;
	[tilespmem:$0x1E900] =	vst v63  }
0x34: {  	s30 =	simm.s32 $0x100;
	s28 =	sand.u32 $0x380, s28;
	s29 =	sadd.s32 s4, s29  }
0x35: {  	[tilespmem:s18], [sflag:$0x1] =	stream.indirect.gather [hbm4b:s5+s17], $0x80, s30, s17, $0xb8;
	[tilespmem:$0x1E900] =	vst v63  }
0x36: {  	s31 =	sor.u32 s28, s29;
	_ =	swait.ge [sflag:s24], $0x4000  }
0x37: {  	s26 =	sshrl.u32 s31, $0x3;
	[sflag:s24] =	ssyncset.done $0x0  }
0x38: {  	s26 =	sadd.s32 s6, s26;
	[sflag:s24] =	ssyncadd.s32 $0xFFFFC000  }
0x39: {  	[tilespmem:s19], [sflag:$0x2] =	stream.linear.gather [hbm4b:s26+s3], $0x80, $0x38;
	[tilespmem:$0x1E900] =	vst v63  }
0x3a: {  	s28 =	simm.s32 $0x180;
	s29 =	simm.s32 $0x200;
	s26 =	simm.s32 $0x280  }
.LBB2_2:
0x3b: {  	s30 =	sadd.s32 $0x80, s29  }
0x3c: {  	p0 =	sne.s32 s26, $0x2780;
	s31 =	smov.u32 s26;
	s26 =	sadd.s32 $0x100, s26  }
0x3d: {  	[tilespmem:s20], [sflag:$0x2] =	stream.indirect.gather [hbm4b:s5+s17], $0x80, s28, s17, $0xb8;
	[tilespmem:$0x1E900] =	vst v63  }
0x3e: {  	s28 =	smov.u32 s30;
	_ =	swait.ge [sflag:s21], $0x80  }
0x3f: {  	[sflag:s21] =	ssyncset.done $0x0  }
0x40: {  	[sflag:s21] =	ssyncadd.s32 $0xFFFFFF80  }
0x41: {  	_ =	swait.ge [sflag:s21], $0x4000  }
0x42: {  	[sflag:s21] =	ssyncset.done $0x0  }
0x43: {  	[sflag:s21] =	ssyncadd.s32 $0xFFFFC000  }
0x44: {  	[spmem:s2] =	stream.indirect.scatter.add.f32 [tilespmem:s18], [sflag:$0x3], $0x80, s16, s17, $0xb8;
	[tilespmem:$0x1E900] =	vst v63  }
0x45: {  	_ =	swait.ge [sflag:s22], $0x80  }
0x46: {  	[sflag:s22] =	ssyncset.done $0x0  }
0x47: {  	[sflag:s22] =	ssyncadd.s32 $0xFFFFFF80  }
0x48: {  	_ =	swait.ge [sflag:s22], $0x4000  }
0x49: {  	s30 =	sadd.s32 $0xFFFFFF80, s31;
	[sflag:s22] =	ssyncset.done $0x0  }
0x4a: {  	s1 =	sand.u32 $0x7C00, s30;
	s30 =	sand.u32 $0x300, s30;
	[sflag:s22] =	ssyncadd.s32 $0xFFFFC000  }
0x4b: {  	[spmem:s2] =	stream.indirect.scatter.add.f32 [tilespmem:s20], [sflag:$0x4], $0x80, s19, s17, $0xb8;
	[tilespmem:$0x1E900] =	vst v63  }
0x4c: {  	s1 =	sadd.s32 s4, s1;
	_ =	swait.ge [sflag:s23], $0x4000  }
0x4d: {  	s1 =	sor.u32 s30, s1;
	[sflag:s23] =	ssyncset.done $0x0  }
0x4e: {  	s1 =	sshrl.u32 s1, $0x3;
	[sflag:s23] =	ssyncadd.s32 $0xFFFFC000  }
0x4f: {  	s30 =	sand.u32 $0x7C00, s31;
	s1 =	sadd.s32 s6, s1  }
0x50: {  	[tilespmem:s16], [sflag:$0x1] =	stream.linear.gather [hbm4b:s1+s3], $0x80, $0x38;
	[tilespmem:$0x1E900] =	vst v63  }
0x51: {  	s1 =	sadd.s32 s4, s30;
	s30 =	sand.u32 $0x380, s31  }
0x52: {  	[tilespmem:s18], [sflag:$0x1] =	stream.indirect.gather [hbm4b:s5+s17], $0x80, s29, s17, $0xb8;
	[tilespmem:$0x1E900] =	vst v63  }
.Ltmp0:
0x53: {  	_ = 	snop;
	(pc) =	sbr.rel @p0 .LBB2_2-.Ltmp0, $4  }
0x54: {  	s1 =	sor.u32 s30, s1;
	_ =	swait.ge [sflag:s24], $0x4000  }
0x55: {  	s1 =	sshrl.u32 s1, $0x3;
	[sflag:s24] =	ssyncset.done $0x0  }
0x56: {  	s29 =	sadd.s32 $0x100, s29;
	s1 =	sadd.s32 s6, s1;
	[sflag:s24] =	ssyncadd.s32 $0xFFFFC000  }
0x57: {  	[tilespmem:s19], [sflag:$0x2] =	stream.linear.gather [hbm4b:s1+s3], $0x80, $0x38;
	[tilespmem:$0x1E900] =	vst v63  }
0x58: {  	[tilespmem:s20], [sflag:$0x2] =	stream.indirect.gather [hbm4b:s5+s17], $0x80, s28, s17, $0xb8;
	[tilespmem:$0x1E900] =	vst v63  }
0x59: {  	_ =	swait.ge [sflag:s21], $0x80  }
0x5a: {  	[sflag:s21] =	ssyncset.done $0x0  }
0x5b: {  	[sflag:s21] =	ssyncadd.s32 $0xFFFFFF80  }
0x5c: {  	_ =	swait.ge [sflag:s21], $0x4000  }
0x5d: {  	[sflag:s21] =	ssyncset.done $0x0  }
0x5e: {  	[sflag:s21] =	ssyncadd.s32 $0xFFFFC000  }
0x5f: {  	[spmem:s2] =	stream.indirect.scatter.add.f32 [tilespmem:s18], [sflag:$0x3], $0x80, s16, s17, $0xb8;
	[tilespmem:$0x1E900] =	vst v63  }
0x60: {  	_ =	swait.ge [sflag:s22], $0x80  }
0x61: {  	[sflag:s22] =	ssyncset.done $0x0  }
0x62: {  	[sflag:s22] =	ssyncadd.s32 $0xFFFFFF80  }
0x63: {  	_ =	swait.ge [sflag:s22], $0x4000  }
0x64: {  	[sflag:s22] =	ssyncset.done $0x0  }
0x65: {  	[sflag:s22] =	ssyncadd.s32 $0xFFFFC000  }
0x66: {  	[spmem:s2] =	stream.indirect.scatter.add.f32 [tilespmem:s20], [sflag:$0x4], $0x80, s19, s17, $0xb8;
	[tilespmem:$0x1E900] =	vst v63  }
0x67: {  	_ =	swait.ge [sflag:s23], $0x4000  }
0x68: {  	[sflag:s23] =	ssyncset.done $0x0  }
0x69: {  	[sflag:s23] =	ssyncadd.s32 $0xFFFFC000  }
0x6a: {  	_ =	swait.ge [sflag:s24], $0x4000  }
0x6b: {  	s25 =	sadd.s32 $0x1, s25;
	[sflag:s24] =	ssyncset.done $0x0  }
0x6c: {  	p0 =	sne.s32 s25, s10;
	[sflag:s24] =	ssyncadd.s32 $0xFFFFC000  }
.Ltmp1:
0x6d: {  	[bflag:$0x0] =	sbarrier.arrive $0xFFFF;
	(pc) =	sbr.rel @p0 .LBB2_1-.Ltmp1, $4  }
0x6e: {  	[hbm:s13], [sflag:s12] =	dma.local [spmem:s14], $0x2800  }
0x6f: {  	_ =	swait.ge [sflag:s15], $0x2800  }
0x70: {  	[sflag:s15] =	ssyncset.done $0x0  }
0x71: {  	[sflag:s15] =	ssyncadd.s32 $0xFFFFD800  }
0x72: {  	_ =	sfence.sel $0x180000  }
0x73: {  	[bflag:$0x0] =	sbarrier.arrive $0xFFFF  }
0x74: {  	_ =	strace $0x90000053  }
0x75: {  	[bflag:$0x2] =	sbarrier.arrive $0xFFFF  }
0x76: {  	p0 =	sne.s32 s0, $0x0;
	s0 =	rddreg [dreg:$0x2]  }
0x77: {  	s0 =	sadd.s32 @!p0 $0x100000, s0  }
0x78: {  	[sflag:s0] =	ssyncadd.tile.s32 @!p0 $0x1;
	_ =	shalt  }
.Lfunc_end2:
_tile_overlayer_lowered:
.L_overlay_start_2:
0x79: {  	(tag) =	ssettag $0x2  }
0x7a: {  	s0 =	rddreg [dreg:$0x0];
	s2 =	stileid.u32  }
0x7b: {  	s1 =	rddreg [dreg:$0x1];
	p0 =	sne.s32 s2, $0x0  }
0x7c: {  	s3 =	rddreg [dreg:$0x2];
	[bflag:$0x3] =	sbarrier.arrive $0xFFFF;
	s2 =	simm.s32 @!p0 $0x1C05  }
0x7d: {  	[timem:s3], [sflag:s2] =	dma.local @!p0 [hbm:s0], s1  }
0x7e: {  	s0 =	simm.s32 @!p0 $0x5  }
0x7f: {  	_ =	swait.ge @!p0 [sflag:s0], s1  }
0x80: {  	s1 =	ssub.s32 @!p0 $0x0, s1;
	[sflag:s0] =	ssyncset.done @!p0 $0x0  }
0x81: {  	[sflag:s0] =	ssyncadd.s32 @!p0 s1  }
0x82: {  	[bflag:$0x3] =	sbarrier.arrive $0xFFFF  }
0x83: {  	_ =	shalt  }

// kernel: kernel.32.cloned.1.call-start
scs
__scs_entry_jumppad:
0x0: {  	(pc) =	sbr.rel $0x88, $3  }
0x1: {  	(tag) =	ssettag $0x0;
	lr =	simm.s32 $0x1  }
0x2: {  	[smem:$0x3F91] =	sst lr;
	_ =	strace $0xD0000000  }
0x3: {  	_ = 	snop  }
0x4: {  	_ = 	snop  }
0x5: {  	_ = 	snop  }
0x6: {  	_ = 	snop  }
0x7: {  	_ = 	snop  }
__scs_overlays_trampoline_lowered:
0x8: {  	[smem:$0x3FA0] =	sst s0  }
0x9: {  	[smem:$0x3FA1] =	sst s1  }
0xa: {  	[smem:$0x3FA2] =	sst s2  }
0xb: {  	[smem:$0x3FA3] =	sst s3  }
0xc: {  	[smem:$0x3FA4] =	sst s4  }
0xd: {  	[smem:$0x3FA5] =	sst s5  }
0xe: {  	[smem:$0x3FA6] =	sst s6  }
0xf: {  	[smem:$0x3FA7] =	sst s7  }
0x10: {  	[smem:$0x3FA8] =	sst s8  }
0x11: {  	[smem:$0x3FA9] =	sst s9;
	s0 =	simm.s32 @!p0 $0x0  }
0x12: {  	s1 =	sld [smem:$0x3F8F];
	s0 =	simm.s32 @p0 $0x1  }
0x13: {  	[smem:$0x3FAA] =	sst s0;
	s0 =	simm.s32 @!p1 $0x0  }
0x14: {  	s2 =	sld [smem:$0x3F8E];
	s0 =	simm.s32 @p1 $0x1  }
0x15: {  	[smem:$0x3FAB] =	sst s0;
	s0 =	simm.s32 @!p2 $0x0  }
0x16: {  	s3 =	sld [smem:$0x3FDB];
	s0 =	simm.s32 @p2 $0x1  }
0x17: {  	s4 =	simm.s32 $0x1BF5;
	[smem:$0x3FAD] =	sst s0  }
0x18: {  	s0 =	sld [smem:$0x3F90];
	_ =	swait.ge [sflag:s4], $0x0  }
0x19: {  	s7 =	sld [smem:$0x3F91]  }
0x1a: {  	s8 =	sadd.s32 $0xFFFFE003, lr  }
0x1b: {  	s9 =	sadd.s32 $0xFFFFFEF7, lr;
	s5 =	simm.s32 $0xFFFFFFFF;
	p2 =	slt.u32 s8, $0xFFFFF086  }
0x1c: {  	p1 =	slt.u32 s9, $0xF7A;
	s5 =	simm.s32 @!p2 $0x0  }
0x1d: {  	s5 =	simm.s32 @p1 $0x1;
	p0 =	seq.s32 s7, s2  }
0x1e: {  	s7 =	smul.u32 @!p0 $0xF7A, s2;
	p2 =	seq.s32 @!p0 s5, $0x0  }
0x1f: {  	s9 =	smul.u32 $0xF7A, s1;
	s8 =	simm.s32 @!p0 $0x1BF5;
	p2 =	por !p2, p0  }
0x20: {  	[sflag:s8] =	ssyncset.s32 @!p0 $0xFFFFF086;
	s6 =	sadd.s32 @!p0 s3, s7;
	s7 =	simm.s32 @!p0 $0x108  }
0x21: {  	s3 =	sadd.s32 s3, s9;
	s6 =	sadd.s32 @!p0 $0x88, s6;
	s7 =	simm.s32 @p2 $0x1082  }
0x22: {  	[simem:s7], [sflag:s8] =	dma.local @!p0 [hbm:s6], $0xF7A  }
0x23: {  	s9 =	sor.u32 $0xD0000000, s2;
	s6 =	simm.s32 $0x108;
	_ =	swait.ge @!p0 [sflag:s8], $0x0  }
0x24: {  	s3 =	sadd.s32 $0x88, s3;
	s6 =	simm.s32 @!p1 $0x1082;
	[sflag:s4] =	ssyncset.s32 $0xFFFFF086  }
0x25: {  	[simem:s6], [sflag:s4] =	dma.local [hbm:s3], $0xF7A  }
0x26: {  	[smem:$0x3F91] =	sst s1;
	(tag) =	ssettag s2;
	_ =	strace s9  }
0x27: {  	s1 =	sld [smem:$0x3FA1]  }
0x28: {  	s2 =	sld [smem:$0x3FA2]  }
0x29: {  	s4 =	sld [smem:$0x3FA4]  }
0x2a: {  	p0 =	seq.s32 s5, $0x0;
	s5 =	sld [smem:$0x3FA5]  }
0x2b: {  	s6 =	sld [smem:$0x3FA6]  }
0x2c: {  	s7 =	sld [smem:$0x3FA7]  }
0x2d: {  	s3 =	simm.s32 $0x108;
	s8 =	sld [smem:$0x3FA8]  }
0x2e: {  	s3 =	simm.s32 @!p0 $0x1082;
	s9 =	sld [smem:$0x3FA9]  }
0x2f: {  	lr =	sadd.s32 s0, s3;
	s0 =	sld [smem:$0x3FA0]  }
0x30: {  	s3 =	sld [smem:$0x3FA3]  }
0x31: {  	[smem:$0x3FAC] =	sst s10  }
0x32: {  	s10 =	sld [smem:$0x3FAA];
	_ =	sdelay $0x3  }
0x33: {  	p0 =	seq.s32 s10, $0x1;
	s10 =	sld [smem:$0x3FAC];
	_ =	sdelay $0x3  }
0x34: {  	[smem:$0x3FAC] =	sst s10  }
0x35: {  	s10 =	sld [smem:$0x3FAB];
	_ =	sdelay $0x3  }
0x36: {  	p1 =	seq.s32 s10, $0x1;
	s10 =	sld [smem:$0x3FAC];
	_ =	sdelay $0x3  }
0x37: {  	[smem:$0x3FAC] =	sst s10  }
0x38: {  	s10 =	sld [smem:$0x3FAD]  }
0x39: {  	_ = 	snop;
	(pc) =	sbr.ind lr, $3  }
0x3a: {  	_ = 	snop  }
0x3b: {  	_ = 	snop  }
0x3c: {  	p2 =	seq.s32 s10, $0x1;
	s10 =	sld [smem:$0x3FAC]  }
0x3d: {  	_ =	shalt  }
0x3e: {  	_ =	shalt  }
0x3f: {  	_ =	shalt  }
0x40: {  	_ =	shalt  }
0x41: {  	_ =	shalt  }
0x42: {  	_ =	shalt  }
0x43: {  	_ =	shalt  }
0x44: {  	_ =	shalt  }
0x45: {  	_ =	shalt  }
0x46: {  	_ =	shalt  }
0x47: {  	_ =	shalt  }
0x48: {  	_ =	shalt  }
0x49: {  	_ =	shalt  }
0x4a: {  	_ =	shalt  }
0x4b: {  	_ =	shalt  }
0x4c: {  	_ =	shalt  }
0x4d: {  	_ =	shalt  }
0x4e: {  	_ =	shalt  }
0x4f: {  	_ =	shalt  }
0x50: {  	_ =	shalt  }
0x51: {  	_ =	shalt  }
0x52: {  	_ =	shalt  }
0x53: {  	_ =	shalt  }
0x54: {  	_ =	shalt  }
0x55: {  	_ =	shalt  }
0x56: {  	_ =	shalt  }
0x57: {  	_ =	shalt  }
0x58: {  	_ =	shalt  }
0x59: {  	_ =	shalt  }
0x5a: {  	_ =	shalt  }
0x5b: {  	_ =	shalt  }
0x5c: {  	_ =	shalt  }
0x5d: {  	_ =	shalt  }
0x5e: {  	_ =	shalt  }
0x5f: {  	_ =	shalt  }
0x60: {  	_ =	shalt  }
0x61: {  	_ =	shalt  }
0x62: {  	_ =	shalt  }
0x63: {  	_ =	shalt  }
0x64: {  	_ =	shalt  }
0x65: {  	_ =	shalt  }
0x66: {  	_ =	shalt  }
0x67: {  	_ =	shalt  }
0x68: {  	_ =	shalt  }
0x69: {  	_ =	shalt  }
0x6a: {  	_ =	shalt  }
0x6b: {  	_ =	shalt  }
0x6c: {  	_ =	shalt  }
0x6d: {  	_ =	shalt  }
0x6e: {  	_ =	shalt  }
0x6f: {  	_ =	shalt  }
0x70: {  	_ =	shalt  }
0x71: {  	_ =	shalt  }
0x72: {  	_ =	shalt  }
0x73: {  	_ =	shalt  }
0x74: {  	_ =	shalt  }
0x75: {  	_ =	shalt  }
0x76: {  	_ =	shalt  }
0x77: {  	_ =	shalt  }
0x78: {  	_ =	shalt  }
0x79: {  	_ =	shalt  }
0x7a: {  	_ =	shalt  }
0x7b: {  	_ =	shalt  }
0x7c: {  	_ =	shalt  }
0x7d: {  	_ =	shalt  }
0x7e: {  	_ =	shalt  }
0x7f: {  	_ =	shalt  }
0x80: {  	_ =	shalt  }
0x81: {  	_ =	shalt  }
0x82: {  	_ =	shalt  }
0x83: {  	_ =	shalt  }
0x84: {  	_ =	shalt  }
0x85: {  	_ =	shalt  }
0x86: {  	_ =	shalt  }
0x87: {  	_ =	shalt  }
.Lfunc_end0:
.L_simem_size_0:
called_computation.5_lowered:
.L_overlay_start_0:
0x88: {  	s2 =	sld [smem:$0x3FD9]  }
0x89: {  	s3 =	sld [smem:$0x3FFE];
	_ =	sdelay $0x1  }
0x8a: {  	s1 =	srdreg.scid  }
0x8b: {  	s0 =	sand.u32 $0x1, s1  }
0x8c: {  	s16 =	sshll.u32 s0, $0xA;
	s2 =	sadd.s32 s3, s2  }
0x8d: {  	s2 =	sadd.s32 s2, s16  }
0x8e: {  	[smem:$0x3FB8] =	sst s2  }
0x8f: {  	_ = 	snop  }
0x90: {  	(tm) =	ssettm $0x1  }
0x91: {  	s17 =	sld [smem:$0x3FFB];
	_ =	sdelay $0x3  }
0x92: {  	_ =	strace s17  }
0x93: {  	s2 =	sld [smem:$0x3FFC];
	_ =	sdelay $0x3  }
0x94: {  	_ =	strace s2  }
0x95: {  	s2 =	sld [smem:$0x3FFD];
	_ =	sdelay $0x3  }
0x96: {  	_ =	strace s2  }
0x97: {  	_ =	strace $0x8FFFFFFF  }
0x98: {  	s18 =	sld [smem:$0x3FDB];
	_ =	sdelay $0x1  }
0x99: {  	s19 =	simm.s32 $_scs_section_size  }
0x9a: {  	s4 =	simm.s32 $_size__tile_overlayer_lowered;
	s5 =	simm.s32 $_tile_overlayer_lowered  }
0x9b: {  	s22 =	simm.s32 $0x1BFF;
	s21 =	sshll.u32 s5, $0x1;
	s2 =	sadd.s32 s19, s18  }
0x9c: {  	s6 =	simm.s32 $0x0;
	s20 =	sshll.u32 s4, $0x1;
	s4 =	sadd.s32 s21, s2  }
0x9d: {  	[timem:s6], [sflag:s22] =	dma.local [hbm:s4], s20  }
0x9e: {  	_ =	swait.ge [sflag:s22], s20  }
0x9f: {  	s3 =	ssub.s32 $0x0, s20;
	[sflag:s22] =	ssyncset.done $0x0  }
0xa0: {  	[sflag:s22] =	ssyncadd.s32 s3;
	_ =	sdelay $0x1  }
0xa1: {  	s23 =	simm.s32 $0x1B8B  }
0xa2: {  	_ =	swait.ge [sflag:s23], $0x1  }
0xa3: {  	[sflag:s23] =	ssyncset.done $0x0  }
0xa4: {  	s25 =	simm.s32 $0x1B8E;
	s24 =	sld [smem:$0x3FFE];
	[sflag:s23] =	ssyncadd.s32 $0xFFFFFFFF  }
0xa5: {  	s26 =	simm.s32 $execute0_lowered;
	[smem:$0x3FD2] =	sst s25  }
0xa6: {  	s4 =	sshll.u32 s26, $0x1;
	_ =	strace $0x80000055;
	[dreg:$0x1] =	wrdreg $0xFFFFFFFF  }
0xa7: {  	s28 =	simm.s32 $_size_execute0_lowered;
	s2 =	sadd.s32 s2, s4;
	[dreg:$0x0] =	wrdreg $0x0  }
0xa8: {  	s4 =	sshll.u32 s28, $0x1;
	[dreg:$0x2] =	wrdreg s2  }
0xa9: {  	[dreg:$0x3] =	wrdreg s4  }
0xaa: {  	[dreg:$0x4] =	wrdreg $0xC0  }
0xab: {  	_ =	task [dreg:s6], $0x5FFFF  }
0xac: {  	[dreg:$0x1] =	wrdreg $0xFFFFFFFF  }
0xad: {  	[dreg:$0x0] =	wrdreg $0x60  }
0xae: {  	[dreg:$0x2] =	wrdreg s24  }
0xaf: {  	[dreg:$0x3] =	wrdreg $0xA9000  }
0xb0: {  	[dreg:$0x4] =	wrdreg $0x9  }
0xb1: {  	_ =	task.clear_ibuf [dreg:s6], $0x5FFFF;
	_ =	strace $0x90000055  }
0xb2: {  	s29 =	simm.s32 $0x9;
	_ =	strace $0x80000057  }
0xb3: {  	_ =	swait.ge [sflag:s29], $0x1  }
0xb4: {  	[sflag:s29] =	ssyncadd.s32 $0xFFFFFFFF  }
0xb5: {  	_ =	strace $0x90000057  }
0xb6: {  	_ =	sfence  }
0xb7: {  	s30 =	sld [smem:$0x0];
	_ =	sdelay $0x2  }
0xb8: {  	s31 =	sshll.u32 s1, $0xD;
	s1 =	sshrl.u32 s1, $0x2  }
0xb9: {  	s3 =	sand.u32 $0x4000, s31;
	s1 =	sadd.s32 s1, s30  }
0xba: {  	s0 =	sor.u32 s3, s0;
	s1 =	sshll.u32 s1, $0x11  }
0xbb: {  	s0 =	sor.u32 s1, s0  }
0xbc: {  	s0 =	sadd.s32 $0x8F2B, s0  }
0xbd: {  	[sflag:s0] =	ssyncadd.remote.s32 $0x1  }
0xbe: {  	_ =	sfence.sel $0xFFFF  }
0xbf: {  	[dreg:$0x0] =	wrdreg $0xFFFFFFFF;
	(pc) =	sbr.abs _section_cstart, $3  }
0xc0: {  	[dreg:$0x1] =	wrdreg $0xFFFFFFFF  }
0xc1: {  	_ =	task.clear_ibuf [dreg:s6], $0x2FFFF;
	_ =	strace $0x9FFFFFFF  }
0xc2: {  	(tm) =	ssettm $0x7FFFFFFF  }
0xc3: {  	_ =	shalt  }
tec
execute0_lowered:
.L_overlay_start_1:
0x0: {  	(tag) =	ssettag $0x1  }
0x1: {  	s8 =	rddreg [dreg:$0x0]  }
0x2: {  	s0 =	srdreg.scid;
	s2 =	rddreg [dreg:$0x1]  }
0x3: {  	s3 =	simm.s32 $0x0;
	s17 =	simm.s32 $0x80;
	s18 =	simm.s32 $0x2900  }
0x4: {  	s19 =	simm.s32 $0x2880;
	s20 =	simm.s32 $0x6900;
	s21 =	simm.s32 $0x1  }
0x5: {  	s22 =	simm.s32 $0x2;
	s23 =	simm.s32 $0x3;
	s24 =	simm.s32 $0x4  }
0x6: {  	s25 =	simm.s32 $0x0;
	s7 =	sand.u32 $0x1, s0;
	s0 =	stileid.u32  }
0x7: {  	[smem:$0x7FF] =	sst s3;
	s5 =	sadd.s32 $0x1AE00, s8;
	s11 =	sadd.s32 $0x6AE00, s8  }
0x8: {  	s6 =	sadd.s32 $0x10E00, s8;
	s14 =	sadd.s32 $0x92E00, s8;
	s15 =	sadd.s32 $0xBAE00, s8  }
0x9: {  	s1 =	sshll.u32 s7, $0x4;
	_ =	strace $0x80000056;
	s13 =	smul.u32 $0x50000, s0  }
0xa: {  	s12 =	ssub.s32 $0x2, s7;
	p0 =	seq.s32 s7, $0x0;
	s30 =	smul.u32 $0x2800, s0  }
0xb: {  	s31 =	sshll.u32 s0, $0x6;
	s4 =	sor.u32 s0, s1;
	s28 =	sshrl.u32 s12, $0x1  }
0xc: {  	s11 =	smov.u32 @p0 s5;
	s15 =	smov.u32 @p0 s14;
	s4 =	smul.u32 $0x2800, s4  }
0xd: {  	s12 =	ssub.s32 s12, s28;
	s29 =	sshrl.u32 s13, $0x2;
	s11 =	sadd.s32 s11, s30  }
0xe: {  	s13 =	sadd.s32 s15, s30;
	s16 =	sadd.s32 s29, s2;
	s9 =	sshrl.u32 s4, $0x3  }
0xf: {  	s15 =	simm.s32 $0x5;
	s14 =	sshrl.u32 s16, $0x3;
	s10 =	sadd.s32 s9, s8  }
0x10: {  	s16 =	simm.s32 $0x2800;
	s7 =	sadd.s32 s6, s9;
	s8 =	sadd.s32 $0x6E00, s10  }
0x11: {  	s9 =	sadd.s32 $0x10, s7;
	s10 =	smax.u32 s12, $0x1;
	s12 =	sor.u32 $0x1C05, s31  }
.LBB2_1:
0x12: {  	[spmem:s14], [sflag:s12] =	dma.local [hbm:s11], $0x2800  }
0x13: {  	_ =	swait.ge [sflag:s15], $0x2800  }
0x14: {  	[sflag:s15] =	ssyncset.done $0x0  }
0x15: {  	[sflag:s15] =	ssyncadd.s32 $0xFFFFD800  }
0x16: {  	[tilespmem:s3], [sflag:$0x5] =	stream.linear.gather [hbm4b:s8+s3], $0x2800, $0x38;
	[tilespmem:$0x1E900] =	vst v63  }
0x17: {  	_ =	swait.ge [sflag:s15], $0x2800  }
0x18: {  	[sflag:s15] =	ssyncset.done $0x0  }
0x19: {  	[sflag:s15] =	ssyncadd.s32 $0xFFFFD800  }
0x1a: {  	[bflag:$0x0] =	sbarrier.arrive $0xFFFF  }
0x1b: {  	[tilespmem:s16], [sflag:$0x1] =	stream.linear.gather [hbm4b:s7+s3], $0x80, $0x38;
	[tilespmem:$0x1E900] =	vst v63  }
0x1c: {  	_ = 	snop  }
0x1d: {  	[tilespmem:s18], [sflag:$0x1] =	stream.indirect.gather [hbm4b:s5+s17], $0x80, s3, s17, $0xb8;
	[tilespmem:$0x1E900] =	vst v63  }
0x1e: {  	_ = 	snop  }
0x1f: {  	[tilespmem:s19], [sflag:$0x2] =	stream.linear.gather [hbm4b:s9+s3], $0x80, $0x38;
	[tilespmem:$0x1E900] =	vst v63  }
0x20: {  	_ = 	snop  }
0x21: {  	[tilespmem:s20], [sflag:$0x2] =	stream.indirect.gather [hbm4b:s5+s17], $0x80, s17, s17, $0xb8;
	[tilespmem:$0x1E900] =	vst v63  }
0x22: {  	_ =	swait.ge [sflag:s21], $0x80  }
0x23: {  	[sflag:s21] =	ssyncset.done $0x0  }
0x24: {  	[sflag:s21] =	ssyncadd.s32 $0xFFFFFF80  }
0x25: {  	_ =	swait.ge [sflag:s21], $0x4000  }
0x26: {  	[sflag:s21] =	ssyncset.done $0x0  }
0x27: {  	[sflag:s21] =	ssyncadd.s32 $0xFFFFC000  }
0x28: {  	[spmem:s2] =	stream.indirect.scatter.add.f32 [tilespmem:s18], [sflag:$0x3], $0x80, s16, s17, $0xb8;
	[tilespmem:$0x1E900] =	vst v63  }
0x29: {  	_ =	swait.ge [sflag:s22], $0x80  }
0x2a: {  	[sflag:s22] =	ssyncset.done $0x0  }
0x2b: {  	[sflag:s22] =	ssyncadd.s32 $0xFFFFFF80  }
0x2c: {  	s26 =	simm.s32 $0x100;
	_ =	swait.ge [sflag:s22], $0x4000  }
0x2d: {  	s28 =	sand.u32 $0x7C00, s26;
	[sflag:s22] =	ssyncset.done $0x0  }
0x2e: {  	s26 =	sand.u32 $0x300, s26;
	s28 =	sadd.s32 s4, s28;
	[sflag:s22] =	ssyncadd.s32 $0xFFFFC000  }
0x2f: {  	[spmem:s2] =	stream.indirect.scatter.add.f32 [tilespmem:s20], [sflag:$0x4], $0x80, s19, s17, $0xb8;
	[tilespmem:$0x1E900] =	vst v63  }
0x30: {  	s26 =	sor.u32 s26, s28;
	_ =	swait.ge [sflag:s23], $0x4000  }
0x31: {  	s28 =	simm.s32 $0x180;
	s26 =	sshrl.u32 s26, $0x3;
	[sflag:s23] =	ssyncset.done $0x0  }
0x32: {  	s29 =	sand.u32 $0x7C00, s28;
	s26 =	sadd.s32 s6, s26;
	[sflag:s23] =	ssyncadd.s32 $0xFFFFC000  }
0x33: {  	[tilespmem:s16], [sflag:$0x1] =	stream.linear.gather [hbm4b:s26+s3], $0x80, $0x38;
	[tilespmem:$0x1E900] =	vst v63  }
0x34: {  	s30 =	simm.s32 $0x100;
	s28 =	sand.u32 $0x380, s28;
	s29 =	sadd.s32 s4, s29  }
0x35: {  	[tilespmem:s18], [sflag:$0x1] =	stream.indirect.gather [hbm4b:s5+s17], $0x80, s30, s17, $0xb8;
	[tilespmem:$0x1E900] =	vst v63  }
0x36: {  	s31 =	sor.u32 s28, s29;
	_ =	swait.ge [sflag:s24], $0x4000  }
0x37: {  	s26 =	sshrl.u32 s31, $0x3;
	[sflag:s24] =	ssyncset.done $0x0  }
0x38: {  	s26 =	sadd.s32 s6, s26;
	[sflag:s24] =	ssyncadd.s32 $0xFFFFC000  }
0x39: {  	[tilespmem:s19], [sflag:$0x2] =	stream.linear.gather [hbm4b:s26+s3], $0x80, $0x38;
	[tilespmem:$0x1E900] =	vst v63  }
0x3a: {  	s28 =	simm.s32 $0x180;
	s29 =	simm.s32 $0x200;
	s26 =	simm.s32 $0x280  }
.LBB2_2:
0x3b: {  	s30 =	sadd.s32 $0x80, s29  }
0x3c: {  	p0 =	sne.s32 s26, $0x2780;
	s31 =	smov.u32 s26;
	s26 =	sadd.s32 $0x100, s26  }
0x3d: {  	[tilespmem:s20], [sflag:$0x2] =	stream.indirect.gather [hbm4b:s5+s17], $0x80, s28, s17, $0xb8;
	[tilespmem:$0x1E900] =	vst v63  }
0x3e: {  	s28 =	smov.u32 s30;
	_ =	swait.ge [sflag:s21], $0x80  }
0x3f: {  	[sflag:s21] =	ssyncset.done $0x0  }
0x40: {  	[sflag:s21] =	ssyncadd.s32 $0xFFFFFF80  }
0x41: {  	_ =	swait.ge [sflag:s21], $0x4000  }
0x42: {  	[sflag:s21] =	ssyncset.done $0x0  }
0x43: {  	[sflag:s21] =	ssyncadd.s32 $0xFFFFC000  }
0x44: {  	[spmem:s2] =	stream.indirect.scatter.add.f32 [tilespmem:s18], [sflag:$0x3], $0x80, s16, s17, $0xb8;
	[tilespmem:$0x1E900] =	vst v63  }
0x45: {  	_ =	swait.ge [sflag:s22], $0x80  }
0x46: {  	[sflag:s22] =	ssyncset.done $0x0  }
0x47: {  	[sflag:s22] =	ssyncadd.s32 $0xFFFFFF80  }
0x48: {  	_ =	swait.ge [sflag:s22], $0x4000  }
0x49: {  	s30 =	sadd.s32 $0xFFFFFF80, s31;
	[sflag:s22] =	ssyncset.done $0x0  }
0x4a: {  	s1 =	sand.u32 $0x7C00, s30;
	s30 =	sand.u32 $0x300, s30;
	[sflag:s22] =	ssyncadd.s32 $0xFFFFC000  }
0x4b: {  	[spmem:s2] =	stream.indirect.scatter.add.f32 [tilespmem:s20], [sflag:$0x4], $0x80, s19, s17, $0xb8;
	[tilespmem:$0x1E900] =	vst v63  }
0x4c: {  	s1 =	sadd.s32 s4, s1;
	_ =	swait.ge [sflag:s23], $0x4000  }
0x4d: {  	s1 =	sor.u32 s30, s1;
	[sflag:s23] =	ssyncset.done $0x0  }
0x4e: {  	s1 =	sshrl.u32 s1, $0x3;
	[sflag:s23] =	ssyncadd.s32 $0xFFFFC000  }
0x4f: {  	s30 =	sand.u32 $0x7C00, s31;
	s1 =	sadd.s32 s6, s1  }
0x50: {  	[tilespmem:s16], [sflag:$0x1] =	stream.linear.gather [hbm4b:s1+s3], $0x80, $0x38;
	[tilespmem:$0x1E900] =	vst v63  }
0x51: {  	s1 =	sadd.s32 s4, s30;
	s30 =	sand.u32 $0x380, s31  }
0x52: {  	[tilespmem:s18], [sflag:$0x1] =	stream.indirect.gather [hbm4b:s5+s17], $0x80, s29, s17, $0xb8;
	[tilespmem:$0x1E900] =	vst v63  }
.Ltmp0:
0x53: {  	_ = 	snop;
	(pc) =	sbr.rel @p0 .LBB2_2-.Ltmp0, $4  }
0x54: {  	s1 =	sor.u32 s30, s1;
	_ =	swait.ge [sflag:s24], $0x4000  }
0x55: {  	s1 =	sshrl.u32 s1, $0x3;
	[sflag:s24] =	ssyncset.done $0x0  }
0x56: {  	s29 =	sadd.s32 $0x100, s29;
	s1 =	sadd.s32 s6, s1;
	[sflag:s24] =	ssyncadd.s32 $0xFFFFC000  }
0x57: {  	[tilespmem:s19], [sflag:$0x2] =	stream.linear.gather [hbm4b:s1+s3], $0x80, $0x38;
	[tilespmem:$0x1E900] =	vst v63  }
0x58: {  	[tilespmem:s20], [sflag:$0x2] =	stream.indirect.gather [hbm4b:s5+s17], $0x80, s28, s17, $0xb8;
	[tilespmem:$0x1E900] =	vst v63  }
0x59: {  	_ =	swait.ge [sflag:s21], $0x80  }
0x5a: {  	[sflag:s21] =	ssyncset.done $0x0  }
0x5b: {  	[sflag:s21] =	ssyncadd.s32 $0xFFFFFF80  }
0x5c: {  	_ =	swait.ge [sflag:s21], $0x4000  }
0x5d: {  	[sflag:s21] =	ssyncset.done $0x0  }
0x5e: {  	[sflag:s21] =	ssyncadd.s32 $0xFFFFC000  }
0x5f: {  	[spmem:s2] =	stream.indirect.scatter.add.f32 [tilespmem:s18], [sflag:$0x3], $0x80, s16, s17, $0xb8;
	[tilespmem:$0x1E900] =	vst v63  }
0x60: {  	_ =	swait.ge [sflag:s22], $0x80  }
0x61: {  	[sflag:s22] =	ssyncset.done $0x0  }
0x62: {  	[sflag:s22] =	ssyncadd.s32 $0xFFFFFF80  }
0x63: {  	_ =	swait.ge [sflag:s22], $0x4000  }
0x64: {  	[sflag:s22] =	ssyncset.done $0x0  }
0x65: {  	[sflag:s22] =	ssyncadd.s32 $0xFFFFC000  }
0x66: {  	[spmem:s2] =	stream.indirect.scatter.add.f32 [tilespmem:s20], [sflag:$0x4], $0x80, s19, s17, $0xb8;
	[tilespmem:$0x1E900] =	vst v63  }
0x67: {  	_ =	swait.ge [sflag:s23], $0x4000  }
0x68: {  	[sflag:s23] =	ssyncset.done $0x0  }
0x69: {  	[sflag:s23] =	ssyncadd.s32 $0xFFFFC000  }
0x6a: {  	_ =	swait.ge [sflag:s24], $0x4000  }
0x6b: {  	s25 =	sadd.s32 $0x1, s25;
	[sflag:s24] =	ssyncset.done $0x0  }
0x6c: {  	p0 =	sne.s32 s25, s10;
	[sflag:s24] =	ssyncadd.s32 $0xFFFFC000  }
.Ltmp1:
0x6d: {  	[bflag:$0x0] =	sbarrier.arrive $0xFFFF;
	(pc) =	sbr.rel @p0 .LBB2_1-.Ltmp1, $4  }
0x6e: {  	[hbm:s13], [sflag:s12] =	dma.local [spmem:s14], $0x2800  }
0x6f: {  	_ =	swait.ge [sflag:s15], $0x2800  }
0x70: {  	[sflag:s15] =	ssyncset.done $0x0  }
0x71: {  	[sflag:s15] =	ssyncadd.s32 $0xFFFFD800  }
0x72: {  	_ =	sfence.sel $0x180000  }
0x73: {  	[bflag:$0x0] =	sbarrier.arrive $0xFFFF  }
0x74: {  	_ =	strace $0x90000056  }
0x75: {  	[bflag:$0x2] =	sbarrier.arrive $0xFFFF  }
0x76: {  	p0 =	sne.s32 s0, $0x0;
	s0 =	rddreg [dreg:$0x2]  }
0x77: {  	s0 =	sadd.s32 @!p0 $0x100000, s0  }
0x78: {  	[sflag:s0] =	ssyncadd.tile.s32 @!p0 $0x1;
	_ =	shalt  }
.Lfunc_end2:
_tile_overlayer_lowered:
.L_overlay_start_2:
0x79: {  	(tag) =	ssettag $0x2  }
0x7a: {  	s0 =	rddreg [dreg:$0x0];
	s2 =	stileid.u32  }
0x7b: {  	s1 =	rddreg [dreg:$0x1];
	p0 =	sne.s32 s2, $0x0  }
0x7c: {  	s3 =	rddreg [dreg:$0x2];
	[bflag:$0x3] =	sbarrier.arrive $0xFFFF;
	s2 =	simm.s32 @!p0 $0x1C05  }
0x7d: {  	[timem:s3], [sflag:s2] =	dma.local @!p0 [hbm:s0], s1  }
0x7e: {  	s0 =	simm.s32 @!p0 $0x5  }
0x7f: {  	_ =	swait.ge @!p0 [sflag:s0], s1  }
0x80: {  	s1 =	ssub.s32 @!p0 $0x0, s1;
	[sflag:s0] =	ssyncset.done @!p0 $0x0  }
0x81: {  	[sflag:s0] =	ssyncadd.s32 @!p0 s1  }
0x82: {  	[bflag:$0x3] =	sbarrier.arrive $0xFFFF  }
0x83: {  	_ =	shalt  }

// kernel: kernel.35.cloned.1.call-start
scs
__scs_entry_jumppad:
0x0: {  	(pc) =	sbr.rel $0x88, $3  }
0x1: {  	(tag) =	ssettag $0x0;
	lr =	simm.s32 $0x1  }
0x2: {  	[smem:$0x3F91] =	sst lr;
	_ =	strace $0xD0000000  }
0x3: {  	_ = 	snop  }
0x4: {  	_ = 	snop  }
0x5: {  	_ = 	snop  }
0x6: {  	_ = 	snop  }
0x7: {  	_ = 	snop  }
__scs_overlays_trampoline_lowered:
0x8: {  	[smem:$0x3FA0] =	sst s0  }
0x9: {  	[smem:$0x3FA1] =	sst s1  }
0xa: {  	[smem:$0x3FA2] =	sst s2  }
0xb: {  	[smem:$0x3FA3] =	sst s3  }
0xc: {  	[smem:$0x3FA4] =	sst s4  }
0xd: {  	[smem:$0x3FA5] =	sst s5  }
0xe: {  	[smem:$0x3FA6] =	sst s6  }
0xf: {  	[smem:$0x3FA7] =	sst s7  }
0x10: {  	[smem:$0x3FA8] =	sst s8  }
0x11: {  	[smem:$0x3FA9] =	sst s9;
	s0 =	simm.s32 @!p0 $0x0  }
0x12: {  	s1 =	sld [smem:$0x3F8F];
	s0 =	simm.s32 @p0 $0x1  }
0x13: {  	[smem:$0x3FAA] =	sst s0;
	s0 =	simm.s32 @!p1 $0x0  }
0x14: {  	s2 =	sld [smem:$0x3F8E];
	s0 =	simm.s32 @p1 $0x1  }
0x15: {  	[smem:$0x3FAB] =	sst s0;
	s0 =	simm.s32 @!p2 $0x0  }
0x16: {  	s3 =	sld [smem:$0x3FDB];
	s0 =	simm.s32 @p2 $0x1  }
0x17: {  	s4 =	simm.s32 $0x1BF5;
	[smem:$0x3FAD] =	sst s0  }
0x18: {  	s0 =	sld [smem:$0x3F90];
	_ =	swait.ge [sflag:s4], $0x0  }
0x19: {  	s7 =	sld [smem:$0x3F91]  }
0x1a: {  	s8 =	sadd.s32 $0xFFFFE003, lr  }
0x1b: {  	s9 =	sadd.s32 $0xFFFFFEF7, lr;
	s5 =	simm.s32 $0xFFFFFFFF;
	p2 =	slt.u32 s8, $0xFFFFF086  }
0x1c: {  	p1 =	slt.u32 s9, $0xF7A;
	s5 =	simm.s32 @!p2 $0x0  }
0x1d: {  	s5 =	simm.s32 @p1 $0x1;
	p0 =	seq.s32 s7, s2  }
0x1e: {  	s7 =	smul.u32 @!p0 $0xF7A, s2;
	p2 =	seq.s32 @!p0 s5, $0x0  }
0x1f: {  	s9 =	smul.u32 $0xF7A, s1;
	s8 =	simm.s32 @!p0 $0x1BF5;
	p2 =	por !p2, p0  }
0x20: {  	[sflag:s8] =	ssyncset.s32 @!p0 $0xFFFFF086;
	s6 =	sadd.s32 @!p0 s3, s7;
	s7 =	simm.s32 @!p0 $0x108  }
0x21: {  	s3 =	sadd.s32 s3, s9;
	s6 =	sadd.s32 @!p0 $0x88, s6;
	s7 =	simm.s32 @p2 $0x1082  }
0x22: {  	[simem:s7], [sflag:s8] =	dma.local @!p0 [hbm:s6], $0xF7A  }
0x23: {  	s9 =	sor.u32 $0xD0000000, s2;
	s6 =	simm.s32 $0x108;
	_ =	swait.ge @!p0 [sflag:s8], $0x0  }
0x24: {  	s3 =	sadd.s32 $0x88, s3;
	s6 =	simm.s32 @!p1 $0x1082;
	[sflag:s4] =	ssyncset.s32 $0xFFFFF086  }
0x25: {  	[simem:s6], [sflag:s4] =	dma.local [hbm:s3], $0xF7A  }
0x26: {  	[smem:$0x3F91] =	sst s1;
	(tag) =	ssettag s2;
	_ =	strace s9  }
0x27: {  	s1 =	sld [smem:$0x3FA1]  }
0x28: {  	s2 =	sld [smem:$0x3FA2]  }
0x29: {  	s4 =	sld [smem:$0x3FA4]  }
0x2a: {  	p0 =	seq.s32 s5, $0x0;
	s5 =	sld [smem:$0x3FA5]  }
0x2b: {  	s6 =	sld [smem:$0x3FA6]  }
0x2c: {  	s7 =	sld [smem:$0x3FA7]  }
0x2d: {  	s3 =	simm.s32 $0x108;
	s8 =	sld [smem:$0x3FA8]  }
0x2e: {  	s3 =	simm.s32 @!p0 $0x1082;
	s9 =	sld [smem:$0x3FA9]  }
0x2f: {  	lr =	sadd.s32 s0, s3;
	s0 =	sld [smem:$0x3FA0]  }
0x30: {  	s3 =	sld [smem:$0x3FA3]  }
0x31: {  	[smem:$0x3FAC] =	sst s10  }
0x32: {  	s10 =	sld [smem:$0x3FAA];
	_ =	sdelay $0x3  }
0x33: {  	p0 =	seq.s32 s10, $0x1;
	s10 =	sld [smem:$0x3FAC];
	_ =	sdelay $0x3  }
0x34: {  	[smem:$0x3FAC] =	sst s10  }
0x35: {  	s10 =	sld [smem:$0x3FAB];
	_ =	sdelay $0x3  }
0x36: {  	p1 =	seq.s32 s10, $0x1;
	s10 =	sld [smem:$0x3FAC];
	_ =	sdelay $0x3  }
0x37: {  	[smem:$0x3FAC] =	sst s10  }
0x38: {  	s10 =	sld [smem:$0x3FAD]  }
0x39: {  	_ = 	snop;
	(pc) =	sbr.ind lr, $3  }
0x3a: {  	_ = 	snop  }
0x3b: {  	_ = 	snop  }
0x3c: {  	p2 =	seq.s32 s10, $0x1;
	s10 =	sld [smem:$0x3FAC]  }
0x3d: {  	_ =	shalt  }
0x3e: {  	_ =	shalt  }
0x3f: {  	_ =	shalt  }
0x40: {  	_ =	shalt  }
0x41: {  	_ =	shalt  }
0x42: {  	_ =	shalt  }
0x43: {  	_ =	shalt  }
0x44: {  	_ =	shalt  }
0x45: {  	_ =	shalt  }
0x46: {  	_ =	shalt  }
0x47: {  	_ =	shalt  }
0x48: {  	_ =	shalt  }
0x49: {  	_ =	shalt  }
0x4a: {  	_ =	shalt  }
0x4b: {  	_ =	shalt  }
0x4c: {  	_ =	shalt  }
0x4d: {  	_ =	shalt  }
0x4e: {  	_ =	shalt  }
0x4f: {  	_ =	shalt  }
0x50: {  	_ =	shalt  }
0x51: {  	_ =	shalt  }
0x52: {  	_ =	shalt  }
0x53: {  	_ =	shalt  }
0x54: {  	_ =	shalt  }
0x55: {  	_ =	shalt  }
0x56: {  	_ =	shalt  }
0x57: {  	_ =	shalt  }
0x58: {  	_ =	shalt  }
0x59: {  	_ =	shalt  }
0x5a: {  	_ =	shalt  }
0x5b: {  	_ =	shalt  }
0x5c: {  	_ =	shalt  }
0x5d: {  	_ =	shalt  }
0x5e: {  	_ =	shalt  }
0x5f: {  	_ =	shalt  }
0x60: {  	_ =	shalt  }
0x61: {  	_ =	shalt  }
0x62: {  	_ =	shalt  }
0x63: {  	_ =	shalt  }
0x64: {  	_ =	shalt  }
0x65: {  	_ =	shalt  }
0x66: {  	_ =	shalt  }
0x67: {  	_ =	shalt  }
0x68: {  	_ =	shalt  }
0x69: {  	_ =	shalt  }
0x6a: {  	_ =	shalt  }
0x6b: {  	_ =	shalt  }
0x6c: {  	_ =	shalt  }
0x6d: {  	_ =	shalt  }
0x6e: {  	_ =	shalt  }
0x6f: {  	_ =	shalt  }
0x70: {  	_ =	shalt  }
0x71: {  	_ =	shalt  }
0x72: {  	_ =	shalt  }
0x73: {  	_ =	shalt  }
0x74: {  	_ =	shalt  }
0x75: {  	_ =	shalt  }
0x76: {  	_ =	shalt  }
0x77: {  	_ =	shalt  }
0x78: {  	_ =	shalt  }
0x79: {  	_ =	shalt  }
0x7a: {  	_ =	shalt  }
0x7b: {  	_ =	shalt  }
0x7c: {  	_ =	shalt  }
0x7d: {  	_ =	shalt  }
0x7e: {  	_ =	shalt  }
0x7f: {  	_ =	shalt  }
0x80: {  	_ =	shalt  }
0x81: {  	_ =	shalt  }
0x82: {  	_ =	shalt  }
0x83: {  	_ =	shalt  }
0x84: {  	_ =	shalt  }
0x85: {  	_ =	shalt  }
0x86: {  	_ =	shalt  }
0x87: {  	_ =	shalt  }
.Lfunc_end0:
.L_simem_size_0:
called_computation.6_lowered:
.L_overlay_start_0:
0x88: {  	s2 =	sld [smem:$0x3FD9]  }
0x89: {  	s3 =	sld [smem:$0x3FFE];
	_ =	sdelay $0x1  }
0x8a: {  	s1 =	srdreg.scid  }
0x8b: {  	s0 =	sand.u32 $0x1, s1  }
0x8c: {  	s16 =	sshll.u32 s0, $0xA;
	s2 =	sadd.s32 s3, s2  }
0x8d: {  	s2 =	sadd.s32 s2, s16  }
0x8e: {  	[smem:$0x3FB8] =	sst s2  }
0x8f: {  	_ = 	snop  }
0x90: {  	(tm) =	ssettm $0x1  }
0x91: {  	s17 =	sld [smem:$0x3FFB];
	_ =	sdelay $0x3  }
0x92: {  	_ =	strace s17  }
0x93: {  	s2 =	sld [smem:$0x3FFC];
	_ =	sdelay $0x3  }
0x94: {  	_ =	strace s2  }
0x95: {  	s2 =	sld [smem:$0x3FFD];
	_ =	sdelay $0x3  }
0x96: {  	_ =	strace s2  }
0x97: {  	_ =	strace $0x8FFFFFFF  }
0x98: {  	s18 =	sld [smem:$0x3FDB];
	_ =	sdelay $0x1  }
0x99: {  	s19 =	simm.s32 $_scs_section_size  }
0x9a: {  	s4 =	simm.s32 $_size__tile_overlayer_lowered;
	s5 =	simm.s32 $_tile_overlayer_lowered  }
0x9b: {  	s22 =	simm.s32 $0x1BFF;
	s21 =	sshll.u32 s5, $0x1;
	s2 =	sadd.s32 s19, s18  }
0x9c: {  	s6 =	simm.s32 $0x0;
	s20 =	sshll.u32 s4, $0x1;
	s4 =	sadd.s32 s21, s2  }
0x9d: {  	[timem:s6], [sflag:s22] =	dma.local [hbm:s4], s20  }
0x9e: {  	_ =	swait.ge [sflag:s22], s20  }
0x9f: {  	s3 =	ssub.s32 $0x0, s20;
	[sflag:s22] =	ssyncset.done $0x0  }
0xa0: {  	[sflag:s22] =	ssyncadd.s32 s3;
	_ =	sdelay $0x1  }
0xa1: {  	s23 =	simm.s32 $0x1B8B  }
0xa2: {  	_ =	swait.ge [sflag:s23], $0x1  }
0xa3: {  	[sflag:s23] =	ssyncset.done $0x0  }
0xa4: {  	s25 =	simm.s32 $0x1B8E;
	s24 =	sld [smem:$0x3FFE];
	[sflag:s23] =	ssyncadd.s32 $0xFFFFFFFF  }
0xa5: {  	s26 =	simm.s32 $execute0_lowered;
	[smem:$0x3FD2] =	sst s25  }
0xa6: {  	s4 =	sshll.u32 s26, $0x1;
	_ =	strace $0x80000058;
	[dreg:$0x1] =	wrdreg $0xFFFFFFFF  }
0xa7: {  	s28 =	simm.s32 $_size_execute0_lowered;
	s2 =	sadd.s32 s2, s4;
	[dreg:$0x0] =	wrdreg $0x0  }
0xa8: {  	s4 =	sshll.u32 s28, $0x1;
	[dreg:$0x2] =	wrdreg s2  }
0xa9: {  	[dreg:$0x3] =	wrdreg s4  }
0xaa: {  	[dreg:$0x4] =	wrdreg $0xC0  }
0xab: {  	_ =	task [dreg:s6], $0x5FFFF  }
0xac: {  	[dreg:$0x1] =	wrdreg $0xFFFFFFFF  }
0xad: {  	[dreg:$0x0] =	wrdreg $0x60  }
0xae: {  	[dreg:$0x2] =	wrdreg s24  }
0xaf: {  	[dreg:$0x3] =	wrdreg $0xA9000  }
0xb0: {  	[dreg:$0x4] =	wrdreg $0x9  }
0xb1: {  	_ =	task.clear_ibuf [dreg:s6], $0x5FFFF;
	_ =	strace $0x90000058  }
0xb2: {  	s29 =	simm.s32 $0x9;
	_ =	strace $0x8000005A  }
0xb3: {  	_ =	swait.ge [sflag:s29], $0x1  }
0xb4: {  	[sflag:s29] =	ssyncadd.s32 $0xFFFFFFFF  }
0xb5: {  	_ =	strace $0x9000005A  }
0xb6: {  	_ =	sfence  }
0xb7: {  	s30 =	sld [smem:$0x0];
	_ =	sdelay $0x2  }
0xb8: {  	s31 =	sshll.u32 s1, $0xD;
	s1 =	sshrl.u32 s1, $0x2  }
0xb9: {  	s3 =	sand.u32 $0x4000, s31;
	s1 =	sadd.s32 s1, s30  }
0xba: {  	s0 =	sor.u32 s3, s0;
	s1 =	sshll.u32 s1, $0x11  }
0xbb: {  	s0 =	sor.u32 s1, s0  }
0xbc: {  	s0 =	sadd.s32 $0x8F2B, s0  }
0xbd: {  	[sflag:s0] =	ssyncadd.remote.s32 $0x1  }
0xbe: {  	_ =	sfence.sel $0xFFFF  }
0xbf: {  	[dreg:$0x0] =	wrdreg $0xFFFFFFFF;
	(pc) =	sbr.abs _section_cstart, $3  }
0xc0: {  	[dreg:$0x1] =	wrdreg $0xFFFFFFFF  }
0xc1: {  	_ =	task.clear_ibuf [dreg:s6], $0x2FFFF;
	_ =	strace $0x9FFFFFFF  }
0xc2: {  	(tm) =	ssettm $0x7FFFFFFF  }
0xc3: {  	_ =	shalt  }
tec
execute0_lowered:
.L_overlay_start_1:
0x0: {  	(tag) =	ssettag $0x1  }
0x1: {  	s8 =	rddreg [dreg:$0x0]  }
0x2: {  	s0 =	srdreg.scid;
	s2 =	rddreg [dreg:$0x1]  }
0x3: {  	s3 =	simm.s32 $0x0;
	s17 =	simm.s32 $0x80;
	s18 =	simm.s32 $0x2900  }
0x4: {  	s19 =	simm.s32 $0x2880;
	s20 =	simm.s32 $0x6900;
	s21 =	simm.s32 $0x1  }
0x5: {  	s22 =	simm.s32 $0x2;
	s23 =	simm.s32 $0x3;
	s24 =	simm.s32 $0x4  }
0x6: {  	s25 =	simm.s32 $0x0;
	s7 =	sand.u32 $0x1, s0;
	s0 =	stileid.u32  }
0x7: {  	[smem:$0x7FF] =	sst s3;
	s5 =	sadd.s32 $0x1AE00, s8;
	s11 =	sadd.s32 $0x6AE00, s8  }
0x8: {  	s6 =	sadd.s32 $0x10E00, s8;
	s14 =	sadd.s32 $0x92E00, s8;
	s15 =	sadd.s32 $0xBAE00, s8  }
0x9: {  	s1 =	sshll.u32 s7, $0x4;
	_ =	strace $0x80000059;
	s13 =	smul.u32 $0x50000, s0  }
0xa: {  	s12 =	ssub.s32 $0x2, s7;
	p0 =	seq.s32 s7, $0x0;
	s30 =	smul.u32 $0x2800, s0  }
0xb: {  	s31 =	sshll.u32 s0, $0x6;
	s4 =	sor.u32 s0, s1;
	s28 =	sshrl.u32 s12, $0x1  }
0xc: {  	s11 =	smov.u32 @p0 s5;
	s15 =	smov.u32 @p0 s14;
	s4 =	smul.u32 $0x2800, s4  }
0xd: {  	s12 =	ssub.s32 s12, s28;
	s29 =	sshrl.u32 s13, $0x2;
	s11 =	sadd.s32 s11, s30  }
0xe: {  	s13 =	sadd.s32 s15, s30;
	s16 =	sadd.s32 s29, s2;
	s9 =	sshrl.u32 s4, $0x3  }
0xf: {  	s15 =	simm.s32 $0x5;
	s14 =	sshrl.u32 s16, $0x3;
	s10 =	sadd.s32 s9, s8  }
0x10: {  	s16 =	simm.s32 $0x2800;
	s7 =	sadd.s32 s6, s9;
	s8 =	sadd.s32 $0x6E00, s10  }
0x11: {  	s9 =	sadd.s32 $0x10, s7;
	s10 =	smax.u32 s12, $0x1;
	s12 =	sor.u32 $0x1C05, s31  }
.LBB2_1:
0x12: {  	[spmem:s14], [sflag:s12] =	dma.local [hbm:s11], $0x2800  }
0x13: {  	_ =	swait.ge [sflag:s15], $0x2800  }
0x14: {  	[sflag:s15] =	ssyncset.done $0x0  }
0x15: {  	[sflag:s15] =	ssyncadd.s32 $0xFFFFD800  }
0x16: {  	[tilespmem:s3], [sflag:$0x5] =	stream.linear.gather [hbm4b:s8+s3], $0x2800, $0x38;
	[tilespmem:$0x1E900] =	vst v63  }
0x17: {  	_ =	swait.ge [sflag:s15], $0x2800  }
0x18: {  	[sflag:s15] =	ssyncset.done $0x0  }
0x19: {  	[sflag:s15] =	ssyncadd.s32 $0xFFFFD800  }
0x1a: {  	[bflag:$0x0] =	sbarrier.arrive $0xFFFF  }
0x1b: {  	[tilespmem:s16], [sflag:$0x1] =	stream.linear.gather [hbm4b:s7+s3], $0x80, $0x38;
	[tilespmem:$0x1E900] =	vst v63  }
0x1c: {  	_ = 	snop  }
0x1d: {  	[tilespmem:s18], [sflag:$0x1] =	stream.indirect.gather [hbm4b:s5+s17], $0x80, s3, s17, $0xb8;
	[tilespmem:$0x1E900] =	vst v63  }
0x1e: {  	_ = 	snop  }
0x1f: {  	[tilespmem:s19], [sflag:$0x2] =	stream.linear.gather [hbm4b:s9+s3], $0x80, $0x38;
	[tilespmem:$0x1E900] =	vst v63  }
0x20: {  	_ = 	snop  }
0x21: {  	[tilespmem:s20], [sflag:$0x2] =	stream.indirect.gather [hbm4b:s5+s17], $0x80, s17, s17, $0xb8;
	[tilespmem:$0x1E900] =	vst v63  }
0x22: {  	_ =	swait.ge [sflag:s21], $0x80  }
0x23: {  	[sflag:s21] =	ssyncset.done $0x0  }
0x24: {  	[sflag:s21] =	ssyncadd.s32 $0xFFFFFF80  }
0x25: {  	_ =	swait.ge [sflag:s21], $0x4000  }
0x26: {  	[sflag:s21] =	ssyncset.done $0x0  }
0x27: {  	[sflag:s21] =	ssyncadd.s32 $0xFFFFC000  }
0x28: {  	[spmem:s2] =	stream.indirect.scatter.add.f32 [tilespmem:s18], [sflag:$0x3], $0x80, s16, s17, $0xb8;
	[tilespmem:$0x1E900] =	vst v63  }
0x29: {  	_ =	swait.ge [sflag:s22], $0x80  }
0x2a: {  	[sflag:s22] =	ssyncset.done $0x0  }
0x2b: {  	[sflag:s22] =	ssyncadd.s32 $0xFFFFFF80  }
0x2c: {  	s26 =	simm.s32 $0x100;
	_ =	swait.ge [sflag:s22], $0x4000  }
0x2d: {  	s28 =	sand.u32 $0x7C00, s26;
	[sflag:s22] =	ssyncset.done $0x0  }
0x2e: {  	s26 =	sand.u32 $0x300, s26;
	s28 =	sadd.s32 s4, s28;
	[sflag:s22] =	ssyncadd.s32 $0xFFFFC000  }
0x2f: {  	[spmem:s2] =	stream.indirect.scatter.add.f32 [tilespmem:s20], [sflag:$0x4], $0x80, s19, s17, $0xb8;
	[tilespmem:$0x1E900] =	vst v63  }
0x30: {  	s26 =	sor.u32 s26, s28;
	_ =	swait.ge [sflag:s23], $0x4000  }
0x31: {  	s28 =	simm.s32 $0x180;
	s26 =	sshrl.u32 s26, $0x3;
	[sflag:s23] =	ssyncset.done $0x0  }
0x32: {  	s29 =	sand.u32 $0x7C00, s28;
	s26 =	sadd.s32 s6, s26;
	[sflag:s23] =	ssyncadd.s32 $0xFFFFC000  }
0x33: {  	[tilespmem:s16], [sflag:$0x1] =	stream.linear.gather [hbm4b:s26+s3], $0x80, $0x38;
	[tilespmem:$0x1E900] =	vst v63  }
0x34: {  	s30 =	simm.s32 $0x100;
	s28 =	sand.u32 $0x380, s28;
	s29 =	sadd.s32 s4, s29  }
0x35: {  	[tilespmem:s18], [sflag:$0x1] =	stream.indirect.gather [hbm4b:s5+s17], $0x80, s30, s17, $0xb8;
	[tilespmem:$0x1E900] =	vst v63  }
0x36: {  	s31 =	sor.u32 s28, s29;
	_ =	swait.ge [sflag:s24], $0x4000  }
0x37: {  	s26 =	sshrl.u32 s31, $0x3;
	[sflag:s24] =	ssyncset.done $0x0  }
0x38: {  	s26 =	sadd.s32 s6, s26;
	[sflag:s24] =	ssyncadd.s32 $0xFFFFC000  }
0x39: {  	[tilespmem:s19], [sflag:$0x2] =	stream.linear.gather [hbm4b:s26+s3], $0x80, $0x38;
	[tilespmem:$0x1E900] =	vst v63  }
0x3a: {  	s28 =	simm.s32 $0x180;
	s29 =	simm.s32 $0x200;
	s26 =	simm.s32 $0x280  }
.LBB2_2:
0x3b: {  	s30 =	sadd.s32 $0x80, s29  }
0x3c: {  	p0 =	sne.s32 s26, $0x2780;
	s31 =	smov.u32 s26;
	s26 =	sadd.s32 $0x100, s26  }
0x3d: {  	[tilespmem:s20], [sflag:$0x2] =	stream.indirect.gather [hbm4b:s5+s17], $0x80, s28, s17, $0xb8;
	[tilespmem:$0x1E900] =	vst v63  }
0x3e: {  	s28 =	smov.u32 s30;
	_ =	swait.ge [sflag:s21], $0x80  }
0x3f: {  	[sflag:s21] =	ssyncset.done $0x0  }
0x40: {  	[sflag:s21] =	ssyncadd.s32 $0xFFFFFF80  }
0x41: {  	_ =	swait.ge [sflag:s21], $0x4000  }
0x42: {  	[sflag:s21] =	ssyncset.done $0x0  }
0x43: {  	[sflag:s21] =	ssyncadd.s32 $0xFFFFC000  }
0x44: {  	[spmem:s2] =	stream.indirect.scatter.add.f32 [tilespmem:s18], [sflag:$0x3], $0x80, s16, s17, $0xb8;
	[tilespmem:$0x1E900] =	vst v63  }
0x45: {  	_ =	swait.ge [sflag:s22], $0x80  }
0x46: {  	[sflag:s22] =	ssyncset.done $0x0  }
0x47: {  	[sflag:s22] =	ssyncadd.s32 $0xFFFFFF80  }
0x48: {  	_ =	swait.ge [sflag:s22], $0x4000  }
0x49: {  	s30 =	sadd.s32 $0xFFFFFF80, s31;
	[sflag:s22] =	ssyncset.done $0x0  }
0x4a: {  	s1 =	sand.u32 $0x7C00, s30;
	s30 =	sand.u32 $0x300, s30;
	[sflag:s22] =	ssyncadd.s32 $0xFFFFC000  }
0x4b: {  	[spmem:s2] =	stream.indirect.scatter.add.f32 [tilespmem:s20], [sflag:$0x4], $0x80, s19, s17, $0xb8;
	[tilespmem:$0x1E900] =	vst v63  }
0x4c: {  	s1 =	sadd.s32 s4, s1;
	_ =	swait.ge [sflag:s23], $0x4000  }
0x4d: {  	s1 =	sor.u32 s30, s1;
	[sflag:s23] =	ssyncset.done $0x0  }
0x4e: {  	s1 =	sshrl.u32 s1, $0x3;
	[sflag:s23] =	ssyncadd.s32 $0xFFFFC000  }
0x4f: {  	s30 =	sand.u32 $0x7C00, s31;
	s1 =	sadd.s32 s6, s1  }
0x50: {  	[tilespmem:s16], [sflag:$0x1] =	stream.linear.gather [hbm4b:s1+s3], $0x80, $0x38;
	[tilespmem:$0x1E900] =	vst v63  }
0x51: {  	s1 =	sadd.s32 s4, s30;
	s30 =	sand.u32 $0x380, s31  }
0x52: {  	[tilespmem:s18], [sflag:$0x1] =	stream.indirect.gather [hbm4b:s5+s17], $0x80, s29, s17, $0xb8;
	[tilespmem:$0x1E900] =	vst v63  }
.Ltmp0:
0x53: {  	_ = 	snop;
	(pc) =	sbr.rel @p0 .LBB2_2-.Ltmp0, $4  }
0x54: {  	s1 =	sor.u32 s30, s1;
	_ =	swait.ge [sflag:s24], $0x4000  }
0x55: {  	s1 =	sshrl.u32 s1, $0x3;
	[sflag:s24] =	ssyncset.done $0x0  }
0x56: {  	s29 =	sadd.s32 $0x100, s29;
	s1 =	sadd.s32 s6, s1;
	[sflag:s24] =	ssyncadd.s32 $0xFFFFC000  }
0x57: {  	[tilespmem:s19], [sflag:$0x2] =	stream.linear.gather [hbm4b:s1+s3], $0x80, $0x38;
	[tilespmem:$0x1E900] =	vst v63  }
0x58: {  	[tilespmem:s20], [sflag:$0x2] =	stream.indirect.gather [hbm4b:s5+s17], $0x80, s28, s17, $0xb8;
	[tilespmem:$0x1E900] =	vst v63  }
0x59: {  	_ =	swait.ge [sflag:s21], $0x80  }
0x5a: {  	[sflag:s21] =	ssyncset.done $0x0  }
0x5b: {  	[sflag:s21] =	ssyncadd.s32 $0xFFFFFF80  }
0x5c: {  	_ =	swait.ge [sflag:s21], $0x4000  }
0x5d: {  	[sflag:s21] =	ssyncset.done $0x0  }
0x5e: {  	[sflag:s21] =	ssyncadd.s32 $0xFFFFC000  }
0x5f: {  	[spmem:s2] =	stream.indirect.scatter.add.f32 [tilespmem:s18], [sflag:$0x3], $0x80, s16, s17, $0xb8;
	[tilespmem:$0x1E900] =	vst v63  }
0x60: {  	_ =	swait.ge [sflag:s22], $0x80  }
0x61: {  	[sflag:s22] =	ssyncset.done $0x0  }
0x62: {  	[sflag:s22] =	ssyncadd.s32 $0xFFFFFF80  }
0x63: {  	_ =	swait.ge [sflag:s22], $0x4000  }
0x64: {  	[sflag:s22] =	ssyncset.done $0x0  }
0x65: {  	[sflag:s22] =	ssyncadd.s32 $0xFFFFC000  }
0x66: {  	[spmem:s2] =	stream.indirect.scatter.add.f32 [tilespmem:s20], [sflag:$0x4], $0x80, s19, s17, $0xb8;
	[tilespmem:$0x1E900] =	vst v63  }
0x67: {  	_ =	swait.ge [sflag:s23], $0x4000  }
0x68: {  	[sflag:s23] =	ssyncset.done $0x0  }
0x69: {  	[sflag:s23] =	ssyncadd.s32 $0xFFFFC000  }
0x6a: {  	_ =	swait.ge [sflag:s24], $0x4000  }
0x6b: {  	s25 =	sadd.s32 $0x1, s25;
	[sflag:s24] =	ssyncset.done $0x0  }
0x6c: {  	p0 =	sne.s32 s25, s10;
	[sflag:s24] =	ssyncadd.s32 $0xFFFFC000  }
.Ltmp1:
0x6d: {  	[bflag:$0x0] =	sbarrier.arrive $0xFFFF;
	(pc) =	sbr.rel @p0 .LBB2_1-.Ltmp1, $4  }
0x6e: {  	[hbm:s13], [sflag:s12] =	dma.local [spmem:s14], $0x2800  }
0x6f: {  	_ =	swait.ge [sflag:s15], $0x2800  }
0x70: {  	[sflag:s15] =	ssyncset.done $0x0  }
0x71: {  	[sflag:s15] =	ssyncadd.s32 $0xFFFFD800  }
0x72: {  	_ =	sfence.sel $0x180000  }
0x73: {  	[bflag:$0x0] =	sbarrier.arrive $0xFFFF  }
0x74: {  	_ =	strace $0x90000059  }
0x75: {  	[bflag:$0x2] =	sbarrier.arrive $0xFFFF  }
0x76: {  	p0 =	sne.s32 s0, $0x0;
	s0 =	rddreg [dreg:$0x2]  }
0x77: {  	s0 =	sadd.s32 @!p0 $0x100000, s0  }
0x78: {  	[sflag:s0] =	ssyncadd.tile.s32 @!p0 $0x1;
	_ =	shalt  }
.Lfunc_end2:
_tile_overlayer_lowered:
.L_overlay_start_2:
0x79: {  	(tag) =	ssettag $0x2  }
0x7a: {  	s0 =	rddreg [dreg:$0x0];
	s2 =	stileid.u32  }
0x7b: {  	s1 =	rddreg [dreg:$0x1];
	p0 =	sne.s32 s2, $0x0  }
0x7c: {  	s3 =	rddreg [dreg:$0x2];
	[bflag:$0x3] =	sbarrier.arrive $0xFFFF;
	s2 =	simm.s32 @!p0 $0x1C05  }
0x7d: {  	[timem:s3], [sflag:s2] =	dma.local @!p0 [hbm:s0], s1  }
0x7e: {  	s0 =	simm.s32 @!p0 $0x5  }
0x7f: {  	_ =	swait.ge @!p0 [sflag:s0], s1  }
0x80: {  	s1 =	ssub.s32 @!p0 $0x0, s1;
	[sflag:s0] =	ssyncset.done @!p0 $0x0  }
0x81: {  	[sflag:s0] =	ssyncadd.s32 @!p0 s1  }
0x82: {  	[bflag:$0x3] =	sbarrier.arrive $0xFFFF  }
0x83: {  	_ =	shalt  }

</sc_bundles>
